<compile_context>
chip_gen: v7x
topology: tpu7x:2x2x1
jax: 0.10.2.dev20260603
libtpu: 0.0.44.dev20260713+nightly
codegen_flags: <defaults>
</compile_context>

<pallas_src>
import functools

import jax
import jax.numpy as jnp
from jax import lax
from jax.experimental import pallas as pl
from jax.experimental.pallas import tpu as pltpu
from jax.experimental.pallas import tpu_sc as plsc

N = 10000
NP = 10240
E = 320000
D = 128
F1 = 16
F2 = 32
G = 4
W8 = 16

NC = 2
NS = 16
NW = NC * NS
EPT = E // NW
B1 = 2000
NB1 = EPT // B1
B2 = 1000
NB2 = EPT // B2
NPT = NP // NS

_mesh = plsc.VectorSubcoreMesh(
    core_axis_name="c", subcore_axis_name="s", num_cores=NC, num_subcores=NS)
_sc_params = pltpu.CompilerParams(use_tc_tiling_on_sc=False)


@functools.partial(
    pl.kernel,
    out_type=jax.ShapeDtypeStruct((NC, NP, W8), jnp.float32),
    mesh=_mesh,
    scratch_types=[
        pltpu.VMEM_SHARED((NP, W8), jnp.float32),
        pltpu.VMEM((NB1, B1), jnp.int32),
        pltpu.VMEM((B1, W8), jnp.float32),
        pltpu.SemaphoreType.DMA,
        pltpu.SemaphoreType.DMA,
        pltpu.SemaphoreType.DMA,
        pltpu.SemaphoreType.DMA,
    ],
    compiler_params=_sc_params,
)
def _deg_kernel(dst_hbm, ones_hbm, zer_hbm, out_hbm, acc, idx_d, ones_v,
                sem_z, sem_i, sem_o, sem_sc):
    c = lax.axis_index("c")
    s = lax.axis_index("s")
    w = s * NC + c
    sl = pl.ds(s * NPT, NPT)
    zd = pltpu.async_copy(zer_hbm.at[sl], acc.at[sl], sem_z)
    di = pltpu.async_copy(dst_hbm.at[w], idx_d, sem_i)
    od = pltpu.async_copy(ones_hbm, ones_v, sem_o)
    zd.wait()
    di.wait()
    od.wait()
    plsc.subcore_barrier()
    descs = []
    for j in range(NB1):
        descs.append(
            pltpu.async_copy(ones_v, acc.at[idx_d.at[j]], sem_sc, add=True))
    for d in descs:
        d.wait()
    plsc.subcore_barrier()
    pltpu.sync_copy(acc.at[sl], out_hbm.at[c, sl])


def _make_scatter(F, Bk, NBk):
    @functools.partial(
        pl.kernel,
        out_type=jax.ShapeDtypeStruct((NC, NP, F), jnp.float32),
        mesh=_mesh,
        scratch_types=[
            pltpu.VMEM_SHARED((NP, F), jnp.float32),
            pltpu.VMEM((NBk, Bk), jnp.int32),
            pltpu.VMEM((NBk, Bk), jnp.int32),
            pltpu.VMEM((Bk, F), jnp.float32),
            pltpu.VMEM((Bk, F), jnp.float32),
            pltpu.SemaphoreType.DMA,
            pltpu.SemaphoreType.DMA,
            pltpu.SemaphoreType.DMA,
            pltpu.SemaphoreType.DMA,
            pltpu.SemaphoreType.DMA,
            pltpu.SemaphoreType.DMA,
        ],
        compiler_params=_sc_params,
    )
    def _scatter(g_hbm, src_hbm, dst_hbm, zer_hbm, out_hbm, acc, idx_s, idx_d,
                 rows0, rows1, sem_z, sem_is, sem_id, sem_g, sem_sc0, sem_sc1):
        c = lax.axis_index("c")
        s = lax.axis_index("s")
        w = s * NC + c
        sl = pl.ds(s * NPT, NPT)
        zd = pltpu.async_copy(zer_hbm.at[sl], acc.at[sl], sem_z)
        sd = pltpu.async_copy(src_hbm.at[w], idx_s, sem_is)
        dd = pltpu.async_copy(dst_hbm.at[w], idx_d, sem_id)
        zd.wait()
        sd.wait()
        dd.wait()
        plsc.subcore_barrier()
        rows = (rows0, rows1)
        sem_sc = (sem_sc0, sem_sc1)
        scs = [None] * NBk
        for j in range(NBk):
            if j >= 2:
                scs[j - 2].wait()
            gd = pltpu.async_copy(g_hbm.at[idx_s.at[j]], rows[j % 2], sem_g)
            gd.wait()
            scs[j] = pltpu.async_copy(rows[j % 2], acc.at[idx_d.at[j]],
                                      sem_sc[j % 2], add=True)
        scs[NBk - 1].wait()
        scs[NBk - 2].wait()
        plsc.subcore_barrier()
        pltpu.sync_copy(acc.at[sl], out_hbm.at[c, sl])

    return _scatter


_scatter16 = _make_scatter(F1, B1, NB1)

EPS = E // NS
BP = 1000
NBP = EPS // BP


@functools.partial(
    pl.kernel,
    out_type=jax.ShapeDtypeStruct((NC, G, F1), jnp.float32),
    mesh=_mesh,
    scratch_types=[
        pltpu.VMEM_SHARED((NP, F1), jnp.float32),
        pltpu.VMEM_SHARED((NS, G + 1, F1), jnp.float32),
        pltpu.VMEM((NBP, BP), jnp.int32),
        pltpu.VMEM((NBP, BP), jnp.int32),
        pltpu.VMEM((BP, F1), jnp.float32),
        pltpu.VMEM((BP, F1), jnp.float32),
        pltpu.VMEM((NPT, F1), jnp.float32),
        pltpu.VMEM((NPT, F1), jnp.float32),
        pltpu.VMEM((NPT,), jnp.float32),
        pltpu.VMEM((NPT,), jnp.int32),
        pltpu.VMEM((F1,), jnp.float32),
        pltpu.VMEM((G + 1, F1), jnp.float32),
        pltpu.VMEM((NS, G + 1, F1), jnp.float32),
        pltpu.VMEM((F1,), jnp.float32),
        pltpu.VMEM((G, F1), jnp.float32),
        pltpu.SemaphoreType.DMA,
        pltpu.SemaphoreType.DMA,
        pltpu.SemaphoreType.DMA,
        pltpu.SemaphoreType.DMA,
        pltpu.SemaphoreType.DMA,
        pltpu.SemaphoreType.DMA,
        pltpu.SemaphoreType.DMA,
    ],
    compiler_params=_sc_params,
)
def _pool_kernel(g2f_hbm, src_hbm, dst_hbm, zer_hbm, dinv_hbm, b2_hbm,
                 bi_hbm, out_hbm, acc, pool_sh, idx_s, idx_d, rows0, rows1,
                 gst, ast, dvst, bist, b2v, poolbuf, allpool, cbuf, outbuf,
                 sem_z, sem_is, sem_id, sem_g, sem_sc0, sem_sc1, sem_m):
    c = lax.axis_index("c")
    s = lax.axis_index("s")
    sl = pl.ds(s * NPT, NPT)
    zd = pltpu.async_copy(zer_hbm.at[sl], acc.at[sl], sem_z)
    sd = pltpu.async_copy(src_hbm.at[c, s], idx_s, sem_is)
    dd = pltpu.async_copy(dst_hbm.at[s], idx_d, sem_id)
    d1 = pltpu.async_copy(g2f_hbm.at[pl.ds(c * NP + s * NPT, NPT)], gst,
                          sem_m)
    d2 = pltpu.async_copy(dinv_hbm.at[sl], dvst, sem_m)
    d3 = pltpu.async_copy(bi_hbm.at[s], bist, sem_m)
    d4 = pltpu.async_copy(b2_hbm.at[c], b2v, sem_m)
    zd.wait()
    sd.wait()
    dd.wait()
    plsc.subcore_barrier()
    rows = (rows0, rows1)
    sem_sc = (sem_sc0, sem_sc1)
    scs = [None] * NBP
    for j in range(NBP):
        if j >= 2:
            scs[j - 2].wait()
        gd = pltpu.async_copy(g2f_hbm.at[idx_s.at[j]], rows[j % 2], sem_g)
        gd.wait()
        scs[j] = pltpu.async_copy(rows[j % 2], acc.at[idx_d.at[j]],
                                  sem_sc[j % 2], add=True)
    scs[NBP - 1].wait()
    scs[NBP - 2].wait()
    plsc.subcore_barrier()
    pltpu.sync_copy(acc.at[sl], ast)
    d1.wait()
    d2.wait()
    d3.wait()
    d4.wait()

    zf = jnp.zeros((F1,), jnp.float32)
    one = jnp.ones((F1,), jnp.float32)
    lanef = lax.broadcasted_iota(jnp.int32, (F1,), 0).astype(jnp.float32)
    b2row = b2v[...]

    def group_body(i, carry):
        a0, a1, a2, a3, cnt = carry
        dv16 = dvst[pl.ds(i * 16, 16)]
        bf16 = bist[pl.ds(i * 16, 16)].astype(jnp.float32)
        for k in range(16):
            n = i * 16 + k
            dvec = zf + dv16[k]
            h2 = jnp.maximum(dvec * (ast[n, :] + gst[n, :]) + b2row, 0.0)
            bvec = zf + bf16[k]
            cnt = cnt + jnp.maximum(one - jnp.abs(lanef - bvec), 0.0)
            a0 = a0 + jnp.maximum(one - jnp.abs(bvec - 0.0), 0.0) * h2
            a1 = a1 + jnp.maximum(one - jnp.abs(bvec - 1.0), 0.0) * h2
            a2 = a2 + jnp.maximum(one - jnp.abs(bvec - 2.0), 0.0) * h2
            a3 = a3 + jnp.maximum(one - jnp.abs(bvec - 3.0), 0.0) * h2
        return (a0, a1, a2, a3, cnt)

    a0, a1, a2, a3, cnt = lax.fori_loop(0, NPT // 16, group_body,
                                        (zf, zf, zf, zf, zf))
    poolbuf[0, :] = a0
    poolbuf[1, :] = a1
    poolbuf[2, :] = a2
    poolbuf[3, :] = a3
    poolbuf[4, :] = cnt
    pltpu.sync_copy(poolbuf, pool_sh.at[s])
    plsc.subcore_barrier()

    @pl.when(s == 0)
    def _():
        pltpu.sync_copy(pool_sh, allpool)

        def tile_body(t, carry):
            s0, s1, s2, s3, sc = carry
            return (s0 + allpool[t, 0, :], s1 + allpool[t, 1, :],
                    s2 + allpool[t, 2, :], s3 + allpool[t, 3, :],
                    sc + allpool[t, 4, :])

        s0, s1, s2, s3, sc = lax.fori_loop(0, NS, tile_body,
                                           (zf, zf, zf, zf, zf))
        cbuf[...] = sc
        cv = cbuf[...]
        sums = (s0, s1, s2, s3)
        for g in range(G):
            cvec = zf + cv[g]
            outbuf[g, :] = sums[g] / jnp.maximum(cvec, 1.0)
        pltpu.sync_copy(outbuf, out_hbm.at[c])


RB = 1280
NRB = NP // RB


def _tc1_body(x_ref, w1_ref, dp_ref, g1_ref, dinv_ref):
    deg = dp_ref[0, :, 0:1] + dp_ref[1, :, 0:1] + 1.0
    dinv = lax.rsqrt(deg)
    hw = jnp.dot(x_ref[...], w1_ref[...],
                 preferred_element_type=jnp.float32,
                 precision=lax.Precision.HIGHEST)
    g1_ref[...] = hw * dinv
    dinv_ref[...] = dinv


def _tc1(xp, W1, degp):
    return pl.pallas_call(
        _tc1_body,
        grid=(NRB,),
        in_specs=[
            pl.BlockSpec((RB, D), lambda i: (i, 0)),
            pl.BlockSpec((D, F1), lambda i: (0, 0)),
            pl.BlockSpec((NC, RB, W8), lambda i: (0, i, 0)),
        ],
        out_specs=[
            pl.BlockSpec((RB, F1), lambda i: (i, 0)),
            pl.BlockSpec((RB, 1), lambda i: (i, 0)),
        ],
        out_shape=[
            jax.ShapeDtypeStruct((NP, F1), jnp.float32),
            jax.ShapeDtypeStruct((NP, 1), jnp.float32),
        ],
    )(xp, W1, degp)


def _tc2_body(sp_ref, g1_ref, dinv_ref, b1_ref, w2_ref, g2_ref):
    dv = dinv_ref[...]
    h1 = jnp.maximum(
        dv * (sp_ref[0] + sp_ref[1] + g1_ref[...]) + b1_ref[...], 0.0)
    g2 = jnp.dot(h1, w2_ref[...],
                 preferred_element_type=jnp.float32,
                 precision=lax.Precision.HIGHEST) * dv
    g2_ref[0] = g2[:, :F1]
    g2_ref[1] = g2[:, F1:]


def _tc2(sp, g1, dinv, b1r, W2):
    return pl.pallas_call(
        _tc2_body,
        grid=(NRB,),
        in_specs=[
            pl.BlockSpec((NC, RB, F1), lambda i: (0, i, 0)),
            pl.BlockSpec((RB, F1), lambda i: (i, 0)),
            pl.BlockSpec((RB, 1), lambda i: (i, 0)),
            pl.BlockSpec((1, F1), lambda i: (0, 0)),
            pl.BlockSpec((F1, F2), lambda i: (0, 0)),
        ],
        out_specs=pl.BlockSpec((NC, RB, F1), lambda i: (0, i, 0)),
        out_shape=jax.ShapeDtypeStruct((NC, NP, F1), jnp.float32),
    )(sp, g1, dinv, b1r, W2)


def kernel(x, edge_index, batch_index, W1, b1, W2, b2):
    x = x.astype(jnp.float32)
    src = edge_index[0].astype(jnp.int32)
    dst = edge_index[1].astype(jnp.int32)
    bi = batch_index.astype(jnp.int32)

    xp = jnp.pad(x, ((0, NP - N), (0, 0)))
    biR = jnp.pad(bi, (0, NP - N), constant_values=G).reshape(NS, NPT)

    src1 = src.reshape(NW, NB1, B1)
    dst1 = dst.reshape(NW, NB1, B1)
    srcO = jnp.stack([src, src + NP]).reshape(NC, NS, NBP, BP)
    dstP = dst.reshape(NS, NBP, BP)
    ones16 = jnp.ones((B1, W8), jnp.float32)
    z16 = jnp.zeros((NP, F1), jnp.float32)

    degp = _deg_kernel(dst1, ones16, z16)
    g1, dinv = _tc1(xp, W1, degp)
    sp = _scatter16(g1, src1, dst1, z16)
    g2s = _tc2(sp, g1, dinv, b1.reshape(1, F1), W2)
    g2f = g2s.reshape(NC * NP, F1)
    ph = _pool_kernel(g2f, srcO, dstP, z16, dinv.reshape(NP),
                      b2.reshape(NC, F1), biR)
    return jnp.concatenate([ph[0], ph[1]], axis=1)

# --- scband reference (transcript-rebuilt; emitter-appended) ---
"""Pipeline reference for scband-gcn-76063870812331 (READ-ONLY COPY).

The authoritative reference and input builder live on the scoring server;
editing this copy changes nothing except your own understanding.
"""

import jax, jax.numpy as jnp
import numpy as np

N_NODES = 10000
N_EDGES = 320000
D_IN = 128
N_GRAPHS = 4


def setup_inputs(seed: int = 0) -> dict:
    key = jax.random.key(seed)
    k1, k2, k3, k4, k5 = jax.random.split(key, 5)
    x = jax.random.normal(k1, (N_NODES, D_IN), dtype=jnp.float32)
    edge_index = jax.random.randint(k2, (2, N_EDGES), 0, N_NODES, dtype=jnp.int64)
    batch_index = jnp.sort(jax.random.randint(k3, (N_NODES,), 0, N_GRAPHS, dtype=jnp.int64))
    # Learned params for two GCNConv layers: 128 -> 16 -> 32 (glorot-ish scale)
    W1 = jax.random.normal(k4, (D_IN, 16), dtype=jnp.float32) * (1.0 / np.sqrt(D_IN))
    b1 = jnp.zeros((16,), dtype=jnp.float32)
    W2 = jax.random.normal(k5, (16, 32), dtype=jnp.float32) * (1.0 / np.sqrt(16))
    b2 = jnp.zeros((32,), dtype=jnp.float32)
    return {"x": x, "edge_index": edge_index, "batch_index": batch_index,
            "W1": W1, "b1": b1, "W2": W2, "b2": b2}


def _gcn_conv(h, edge_index, W, b):
    # PyG GCNConv: add self-loops, symmetric D^{-1/2} (A+I) D^{-1/2} normalization
    n = h.shape[0]
    src = edge_index[0]
    dst = edge_index[1]
    loop = jnp.arange(n, dtype=edge_index.dtype)
    src_all = jnp.concatenate([src, loop])
    dst_all = jnp.concatenate([dst, loop])
    hw = h @ W
    deg = jnp.zeros((n,), dtype=hw.dtype).at[dst_all].add(1.0)
    dinv = jnp.where(deg > 0, jax.lax.rsqrt(deg), 0.0)
    norm = dinv[src_all] * dinv[dst_all]
    msg = hw[src_all] * norm[:, None]
    out = jnp.zeros((n, W.shape[1]), dtype=hw.dtype).at[dst_all].add(msg)
    return out + b


def reference(x, edge_index, batch_index, W1, b1, W2, b2):
    # forward_graph: stacked GCNConv + ReLU, then global mean pool per graph
    h = jax.nn.relu(_gcn_conv(x.astype(jnp.float32), edge_index, W1, b1))
    h = jax.nn.relu(_gcn_conv(h, edge_index, W2, b2))
    # get_policy_features: global mean pooling by batch_index
    sums = jax.ops.segment_sum(h, batch_index, num_segments=N_GRAPHS)
    counts = jax.ops.segment_sum(jnp.ones((h.shape[0],), dtype=h.dtype), batch_index, num_segments=N_GRAPHS)
    pooled = sums / jnp.clip(counts, 1.0)[:, None]
    return pooled

if __name__ == "__main__":
    import jax
    _d = setup_inputs()
    print(jax.jit(kernel)(*tuple(_d.values())))

</pallas_src>

<mosaic_0001>
#map = affine_map<(d0, d1) -> (0, 0, 0)>
#map1 = affine_map<(d0, d1) -> (0, 0)>
module attributes {stable_mosaic.version = 14 : i64} {
  func.func @_deg_kernel(%arg0: i32, %arg1: i32, %arg2: memref<32x5x2000xi32, #tpu.memory_space<hbm>>, %arg3: memref<2000x16xf32, #tpu.memory_space<hbm>>, %arg4: memref<10240x16xf32, #tpu.memory_space<hbm>>, %arg5: memref<2x10240x16xf32, #tpu.memory_space<hbm>>, %arg6: memref<10240x16xf32, #tpu.memory_space<vmem_shared>>, %arg7: memref<5x2000xi32, #tpu.memory_space<vmem>>, %arg8: memref<2000x16xf32, #tpu.memory_space<vmem>>, %arg9: memref<!tpu.dma_semaphore, #tpu.memory_space<semaphore_mem>>, %arg10: memref<!tpu.dma_semaphore, #tpu.memory_space<semaphore_mem>>, %arg11: memref<!tpu.dma_semaphore, #tpu.memory_space<semaphore_mem>>, %arg12: memref<!tpu.dma_semaphore, #tpu.memory_space<semaphore_mem>>) attributes {dimension_semantics = [#tpu.dimension_semantics<core_parallel>, #tpu.dimension_semantics<subcore_parallel>], iteration_bounds = array<i64: 2, 16>, scalar_prefetch = 0 : i64, scratch_operands = 7 : i64, tpu.core_type = #tpu.core_type<sc_vector_subcore>, window_params = [{transform_indices = #map}, {transform_indices = #map1}, {transform_indices = #map1}, {transform_indices = #map}]} {
    %mul3A = arith.constant 2 : i32
    %mul3A_0 = arith.muli %arg1, %mul3A : i32
    %add3A = arith.addi %mul3A_0, %arg0 : i32
    %mul3A_1 = arith.constant 640 : i32
    %mul3A_2 = arith.muli %arg1, %mul3A_1 : i32
    %dma_start3A = arith.constant 0 : i32
    %dma_start3A_3 = tpu.memref_slice %arg6[%mul3A_2, %dma_start3A] : memref<10240x16xf32, #tpu.memory_space<vmem_shared>> -> memref<640x16xf32, #tpu.memory_space<vmem_shared>>
    %dma_start3A_4 = arith.constant 0 : i32
    %dma_start3A_5 = tpu.memref_slice %arg4[%mul3A_2, %dma_start3A_4] : memref<10240x16xf32, #tpu.memory_space<hbm>> -> memref<640x16xf32, #tpu.memory_space<hbm>>
    tpu.enqueue_dma source(%dma_start3A_5 : memref<640x16xf32, #tpu.memory_space<hbm>>) target(%dma_start3A_3 : memref<640x16xf32, #tpu.memory_space<vmem_shared>>) target_semaphore(%arg9 : memref<!tpu.dma_semaphore, #tpu.memory_space<semaphore_mem>>)
    %dma_start3A_6 = arith.constant 0 : i32
    %dma_start3A_7 = arith.constant 0 : i32
    %dma_start3A_8 = tpu.memref_slice %arg2[%add3A, %dma_start3A_6, %dma_start3A_7] : memref<32x5x2000xi32, #tpu.memory_space<hbm>> -> memref<1x5x2000xi32, #tpu.memory_space<hbm>>
    %dma_start3A_9 = tpu.memref_squeeze %dma_start3A_8 : memref<1x5x2000xi32, #tpu.memory_space<hbm>> -> memref<5x2000xi32, #tpu.memory_space<hbm>>
    %dma_start3A_10 = arith.constant 0 : i32
    %dma_start3A_11 = arith.constant 0 : i32
    %dma_start3A_12 = tpu.memref_slice %arg2[%add3A, %dma_start3A_10, %dma_start3A_11] : memref<32x5x2000xi32, #tpu.memory_space<hbm>> -> memref<1x5x2000xi32, #tpu.memory_space<hbm>>
    %dma_start3A_13 = tpu.memref_squeeze %dma_start3A_12 : memref<1x5x2000xi32, #tpu.memory_space<hbm>> -> memref<5x2000xi32, #tpu.memory_space<hbm>>
    tpu.enqueue_dma source(%dma_start3A_13 : memref<5x2000xi32, #tpu.memory_space<hbm>>) target(%arg7 : memref<5x2000xi32, #tpu.memory_space<vmem>>) target_semaphore(%arg10 : memref<!tpu.dma_semaphore, #tpu.memory_space<semaphore_mem>>)
    tpu.enqueue_dma source(%arg3 : memref<2000x16xf32, #tpu.memory_space<hbm>>) target(%arg8 : memref<2000x16xf32, #tpu.memory_space<vmem>>) target_semaphore(%arg11 : memref<!tpu.dma_semaphore, #tpu.memory_space<semaphore_mem>>)
    %dma_wait3A = arith.constant 0 : i32
    %dma_wait3A_14 = tpu.memref_slice %arg6[%mul3A_2, %dma_wait3A] : memref<10240x16xf32, #tpu.memory_space<vmem_shared>> -> memref<640x16xf32, #tpu.memory_space<vmem_shared>>
    %dma_wait3A_15 = arith.constant 0 : i32
    %dma_wait3A_16 = tpu.memref_slice %arg4[%mul3A_2, %dma_wait3A_15] : memref<10240x16xf32, #tpu.memory_space<hbm>> -> memref<640x16xf32, #tpu.memory_space<hbm>>
    tpu.wait_dma2 semaphore(%arg9 : memref<!tpu.dma_semaphore, #tpu.memory_space<semaphore_mem>>) src(%dma_wait3A_16 : memref<640x16xf32, #tpu.memory_space<hbm>>) dst(%dma_wait3A_14 : memref<640x16xf32, #tpu.memory_space<vmem_shared>>)
    %dma_wait3A_17 = arith.constant 0 : i32
    %dma_wait3A_18 = arith.constant 0 : i32
    %dma_wait3A_19 = tpu.memref_slice %arg2[%add3A, %dma_wait3A_17, %dma_wait3A_18] : memref<32x5x2000xi32, #tpu.memory_space<hbm>> -> memref<1x5x2000xi32, #tpu.memory_space<hbm>>
    %dma_wait3A_20 = tpu.memref_squeeze %dma_wait3A_19 : memref<1x5x2000xi32, #tpu.memory_space<hbm>> -> memref<5x2000xi32, #tpu.memory_space<hbm>>
    %dma_wait3A_21 = arith.constant 0 : i32
    %dma_wait3A_22 = arith.constant 0 : i32
    %dma_wait3A_23 = tpu.memref_slice %arg2[%add3A, %dma_wait3A_21, %dma_wait3A_22] : memref<32x5x2000xi32, #tpu.memory_space<hbm>> -> memref<1x5x2000xi32, #tpu.memory_space<hbm>>
    %dma_wait3A_24 = tpu.memref_squeeze %dma_wait3A_23 : memref<1x5x2000xi32, #tpu.memory_space<hbm>> -> memref<5x2000xi32, #tpu.memory_space<hbm>>
    tpu.wait_dma2 semaphore(%arg10 : memref<!tpu.dma_semaphore, #tpu.memory_space<semaphore_mem>>) src(%dma_wait3A_24 : memref<5x2000xi32, #tpu.memory_space<hbm>>) dst(%arg7 : memref<5x2000xi32, #tpu.memory_space<vmem>>)
    tpu.wait_dma2 semaphore(%arg11 : memref<!tpu.dma_semaphore, #tpu.memory_space<semaphore_mem>>) src(%arg3 : memref<2000x16xf32, #tpu.memory_space<hbm>>) dst(%arg8 : memref<2000x16xf32, #tpu.memory_space<vmem>>)
    %barrier3A = arith.constant 0 : index
    tpu.barrier barrier_id(%barrier3A)
    %dma_start3A_25 = arith.constant 0 : i32
    %dma_start3A_26 = arith.constant 0 : i32
    %dma_start3A_27 = tpu.memref_slice %arg7[%dma_start3A_25, %dma_start3A_26] : memref<5x2000xi32, #tpu.memory_space<vmem>> -> memref<1x2000xi32, #tpu.memory_space<vmem>>
    %dma_start3A_28 = tpu.memref_squeeze %dma_start3A_27 : memref<1x2000xi32, #tpu.memory_space<vmem>> -> memref<2000xi32, #tpu.memory_space<vmem>>
    %dma_start3A_29 = arith.constant 0 : i32
    %dma_start3A_30 = arith.constant 0 : i32
    %dma_start3A_31 = tpu.memref_slice %arg6[%dma_start3A_29, %dma_start3A_30] : memref<10240x16xf32, #tpu.memory_space<vmem_shared>> -> memref<10240x16xf32, #tpu.memory_space<vmem_shared>>
    tpu.enqueue_indirect_dma source(%arg8 : memref<2000x16xf32, #tpu.memory_space<vmem>>) target(%dma_start3A_31 : memref<10240x16xf32, #tpu.memory_space<vmem_shared>>) offsets(%dma_start3A_28 : memref<2000xi32, #tpu.memory_space<vmem>>) semaphore(%arg12 : memref<!tpu.dma_semaphore, #tpu.memory_space<semaphore_mem>>) {add = true}
    %dma_start3A_32 = arith.constant 1 : i32
    %dma_start3A_33 = arith.constant 0 : i32
    %dma_start3A_34 = tpu.memref_slice %arg7[%dma_start3A_32, %dma_start3A_33] : memref<5x2000xi32, #tpu.memory_space<vmem>> -> memref<1x2000xi32, #tpu.memory_space<vmem>>
    %dma_start3A_35 = tpu.memref_squeeze %dma_start3A_34 : memref<1x2000xi32, #tpu.memory_space<vmem>> -> memref<2000xi32, #tpu.memory_space<vmem>>
    %dma_start3A_36 = arith.constant 0 : i32
    %dma_start3A_37 = arith.constant 0 : i32
    %dma_start3A_38 = tpu.memref_slice %arg6[%dma_start3A_36, %dma_start3A_37] : memref<10240x16xf32, #tpu.memory_space<vmem_shared>> -> memref<10240x16xf32, #tpu.memory_space<vmem_shared>>
    tpu.enqueue_indirect_dma source(%arg8 : memref<2000x16xf32, #tpu.memory_space<vmem>>) target(%dma_start3A_38 : memref<10240x16xf32, #tpu.memory_space<vmem_shared>>) offsets(%dma_start3A_35 : memref<2000xi32, #tpu.memory_space<vmem>>) semaphore(%arg12 : memref<!tpu.dma_semaphore, #tpu.memory_space<semaphore_mem>>) {add = true}
    %dma_start3A_39 = arith.constant 2 : i32
    %dma_start3A_40 = arith.constant 0 : i32
    %dma_start3A_41 = tpu.memref_slice %arg7[%dma_start3A_39, %dma_start3A_40] : memref<5x2000xi32, #tpu.memory_space<vmem>> -> memref<1x2000xi32, #tpu.memory_space<vmem>>
    %dma_start3A_42 = tpu.memref_squeeze %dma_start3A_41 : memref<1x2000xi32, #tpu.memory_space<vmem>> -> memref<2000xi32, #tpu.memory_space<vmem>>
    %dma_start3A_43 = arith.constant 0 : i32
    %dma_start3A_44 = arith.constant 0 : i32
    %dma_start3A_45 = tpu.memref_slice %arg6[%dma_start3A_43, %dma_start3A_44] : memref<10240x16xf32, #tpu.memory_space<vmem_shared>> -> memref<10240x16xf32, #tpu.memory_space<vmem_shared>>
    tpu.enqueue_indirect_dma source(%arg8 : memref<2000x16xf32, #tpu.memory_space<vmem>>) target(%dma_start3A_45 : memref<10240x16xf32, #tpu.memory_space<vmem_shared>>) offsets(%dma_start3A_42 : memref<2000xi32, #tpu.memory_space<vmem>>) semaphore(%arg12 : memref<!tpu.dma_semaphore, #tpu.memory_space<semaphore_mem>>) {add = true}
    %dma_start3A_46 = arith.constant 3 : i32
    %dma_start3A_47 = arith.constant 0 : i32
    %dma_start3A_48 = tpu.memref_slice %arg7[%dma_start3A_46, %dma_start3A_47] : memref<5x2000xi32, #tpu.memory_space<vmem>> -> memref<1x2000xi32, #tpu.memory_space<vmem>>
    %dma_start3A_49 = tpu.memref_squeeze %dma_start3A_48 : memref<1x2000xi32, #tpu.memory_space<vmem>> -> memref<2000xi32, #tpu.memory_space<vmem>>
    %dma_start3A_50 = arith.constant 0 : i32
    %dma_start3A_51 = arith.constant 0 : i32
    %dma_start3A_52 = tpu.memref_slice %arg6[%dma_start3A_50, %dma_start3A_51] : memref<10240x16xf32, #tpu.memory_space<vmem_shared>> -> memref<10240x16xf32, #tpu.memory_space<vmem_shared>>
    tpu.enqueue_indirect_dma source(%arg8 : memref<2000x16xf32, #tpu.memory_space<vmem>>) target(%dma_start3A_52 : memref<10240x16xf32, #tpu.memory_space<vmem_shared>>) offsets(%dma_start3A_49 : memref<2000xi32, #tpu.memory_space<vmem>>) semaphore(%arg12 : memref<!tpu.dma_semaphore, #tpu.memory_space<semaphore_mem>>) {add = true}
    %dma_start3A_53 = arith.constant 4 : i32
    %dma_start3A_54 = arith.constant 0 : i32
    %dma_start3A_55 = tpu.memref_slice %arg7[%dma_start3A_53, %dma_start3A_54] : memref<5x2000xi32, #tpu.memory_space<vmem>> -> memref<1x2000xi32, #tpu.memory_space<vmem>>
    %dma_start3A_56 = tpu.memref_squeeze %dma_start3A_55 : memref<1x2000xi32, #tpu.memory_space<vmem>> -> memref<2000xi32, #tpu.memory_space<vmem>>
    %dma_start3A_57 = arith.constant 0 : i32
    %dma_start3A_58 = arith.constant 0 : i32
    %dma_start3A_59 = tpu.memref_slice %arg6[%dma_start3A_57, %dma_start3A_58] : memref<10240x16xf32, #tpu.memory_space<vmem_shared>> -> memref<10240x16xf32, #tpu.memory_space<vmem_shared>>
    tpu.enqueue_indirect_dma source(%arg8 : memref<2000x16xf32, #tpu.memory_space<vmem>>) target(%dma_start3A_59 : memref<10240x16xf32, #tpu.memory_space<vmem_shared>>) offsets(%dma_start3A_56 : memref<2000xi32, #tpu.memory_space<vmem>>) semaphore(%arg12 : memref<!tpu.dma_semaphore, #tpu.memory_space<semaphore_mem>>) {add = true}
    %dma_wait3A_60 = arith.constant 0 : i32
    %dma_wait3A_61 = arith.constant 0 : i32
    %dma_wait3A_62 = tpu.memref_slice %arg7[%dma_wait3A_60, %dma_wait3A_61] : memref<5x2000xi32, #tpu.memory_space<vmem>> -> memref<1x2000xi32, #tpu.memory_space<vmem>>
    %dma_wait3A_63 = tpu.memref_squeeze %dma_wait3A_62 : memref<1x2000xi32, #tpu.memory_space<vmem>> -> memref<2000xi32, #tpu.memory_space<vmem>>
    %dma_wait3A_64 = arith.constant 0 : i32
    %dma_wait3A_65 = arith.constant 0 : i32
    %dma_wait3A_66 = tpu.memref_slice %arg6[%dma_wait3A_64, %dma_wait3A_65] : memref<10240x16xf32, #tpu.memory_space<vmem_shared>> -> memref<10240x16xf32, #tpu.memory_space<vmem_shared>>
    tpu.wait_indirect_dma semaphore(%arg12 : memref<!tpu.dma_semaphore, #tpu.memory_space<semaphore_mem>>) src(%arg8 : memref<2000x16xf32, #tpu.memory_space<vmem>>) dst(%dma_wait3A_66 : memref<10240x16xf32, #tpu.memory_space<vmem_shared>>)
    %dma_wait3A_67 = arith.constant 1 : i32
    %dma_wait3A_68 = arith.constant 0 : i32
    %dma_wait3A_69 = tpu.memref_slice %arg7[%dma_wait3A_67, %dma_wait3A_68] : memref<5x2000xi32, #tpu.memory_space<vmem>> -> memref<1x2000xi32, #tpu.memory_space<vmem>>
    %dma_wait3A_70 = tpu.memref_squeeze %dma_wait3A_69 : memref<1x2000xi32, #tpu.memory_space<vmem>> -> memref<2000xi32, #tpu.memory_space<vmem>>
    %dma_wait3A_71 = arith.constant 0 : i32
    %dma_wait3A_72 = arith.constant 0 : i32
    %dma_wait3A_73 = tpu.memref_slice %arg6[%dma_wait3A_71, %dma_wait3A_72] : memref<10240x16xf32, #tpu.memory_space<vmem_shared>> -> memref<10240x16xf32, #tpu.memory_space<vmem_shared>>
    tpu.wait_indirect_dma semaphore(%arg12 : memref<!tpu.dma_semaphore, #tpu.memory_space<semaphore_mem>>) src(%arg8 : memref<2000x16xf32, #tpu.memory_space<vmem>>) dst(%dma_wait3A_73 : memref<10240x16xf32, #tpu.memory_space<vmem_shared>>)
    %dma_wait3A_74 = arith.constant 2 : i32
    %dma_wait3A_75 = arith.constant 0 : i32
    %dma_wait3A_76 = tpu.memref_slice %arg7[%dma_wait3A_74, %dma_wait3A_75] : memref<5x2000xi32, #tpu.memory_space<vmem>> -> memref<1x2000xi32, #tpu.memory_space<vmem>>
    %dma_wait3A_77 = tpu.memref_squeeze %dma_wait3A_76 : memref<1x2000xi32, #tpu.memory_space<vmem>> -> memref<2000xi32, #tpu.memory_space<vmem>>
    %dma_wait3A_78 = arith.constant 0 : i32
    %dma_wait3A_79 = arith.constant 0 : i32
    %dma_wait3A_80 = tpu.memref_slice %arg6[%dma_wait3A_78, %dma_wait3A_79] : memref<10240x16xf32, #tpu.memory_space<vmem_shared>> -> memref<10240x16xf32, #tpu.memory_space<vmem_shared>>
    tpu.wait_indirect_dma semaphore(%arg12 : memref<!tpu.dma_semaphore, #tpu.memory_space<semaphore_mem>>) src(%arg8 : memref<2000x16xf32, #tpu.memory_space<vmem>>) dst(%dma_wait3A_80 : memref<10240x16xf32, #tpu.memory_space<vmem_shared>>)
    %dma_wait3A_81 = arith.constant 3 : i32
    %dma_wait3A_82 = arith.constant 0 : i32
    %dma_wait3A_83 = tpu.memref_slice %arg7[%dma_wait3A_81, %dma_wait3A_82] : memref<5x2000xi32, #tpu.memory_space<vmem>> -> memref<1x2000xi32, #tpu.memory_space<vmem>>
    %dma_wait3A_84 = tpu.memref_squeeze %dma_wait3A_83 : memref<1x2000xi32, #tpu.memory_space<vmem>> -> memref<2000xi32, #tpu.memory_space<vmem>>
    %dma_wait3A_85 = arith.constant 0 : i32
    %dma_wait3A_86 = arith.constant 0 : i32
    %dma_wait3A_87 = tpu.memref_slice %arg6[%dma_wait3A_85, %dma_wait3A_86] : memref<10240x16xf32, #tpu.memory_space<vmem_shared>> -> memref<10240x16xf32, #tpu.memory_space<vmem_shared>>
    tpu.wait_indirect_dma semaphore(%arg12 : memref<!tpu.dma_semaphore, #tpu.memory_space<semaphore_mem>>) src(%arg8 : memref<2000x16xf32, #tpu.memory_space<vmem>>) dst(%dma_wait3A_87 : memref<10240x16xf32, #tpu.memory_space<vmem_shared>>)
    %dma_wait3A_88 = arith.constant 4 : i32
    %dma_wait3A_89 = arith.constant 0 : i32
    %dma_wait3A_90 = tpu.memref_slice %arg7[%dma_wait3A_88, %dma_wait3A_89] : memref<5x2000xi32, #tpu.memory_space<vmem>> -> memref<1x2000xi32, #tpu.memory_space<vmem>>
    %dma_wait3A_91 = tpu.memref_squeeze %dma_wait3A_90 : memref<1x2000xi32, #tpu.memory_space<vmem>> -> memref<2000xi32, #tpu.memory_space<vmem>>
    %dma_wait3A_92 = arith.constant 0 : i32
    %dma_wait3A_93 = arith.constant 0 : i32
    %dma_wait3A_94 = tpu.memref_slice %arg6[%dma_wait3A_92, %dma_wait3A_93] : memref<10240x16xf32, #tpu.memory_space<vmem_shared>> -> memref<10240x16xf32, #tpu.memory_space<vmem_shared>>
    tpu.wait_indirect_dma semaphore(%arg12 : memref<!tpu.dma_semaphore, #tpu.memory_space<semaphore_mem>>) src(%arg8 : memref<2000x16xf32, #tpu.memory_space<vmem>>) dst(%dma_wait3A_94 : memref<10240x16xf32, #tpu.memory_space<vmem_shared>>)
    %barrier3A_95 = arith.constant 0 : index
    tpu.barrier barrier_id(%barrier3A_95)
    "tpu.region"() ({
      %run_scoped3A = tpu.sem_alloc : memref<!tpu.dma_semaphore, #tpu.memory_space<semaphore_mem>>
      %dma_start3A_96 = arith.constant 0 : i32
      %dma_start3A_97 = tpu.memref_slice %arg5[%arg0, %mul3A_2, %dma_start3A_96] : memref<2x10240x16xf32, #tpu.memory_space<hbm>> -> memref<1x640x16xf32, #tpu.memory_space<hbm>>
      %dma_start3A_98 = tpu.memref_squeeze %dma_start3A_97 : memref<1x640x16xf32, #tpu.memory_space<hbm>> -> memref<640x16xf32, #tpu.memory_space<hbm>>
      %dma_start3A_99 = arith.constant 0 : i32
      %dma_start3A_100 = tpu.memref_slice %arg6[%mul3A_2, %dma_start3A_99] : memref<10240x16xf32, #tpu.memory_space<vmem_shared>> -> memref<640x16xf32, #tpu.memory_space<vmem_shared>>
      tpu.enqueue_dma source(%dma_start3A_100 : memref<640x16xf32, #tpu.memory_space<vmem_shared>>) target(%dma_start3A_98 : memref<640x16xf32, #tpu.memory_space<hbm>>) target_semaphore(%run_scoped3A : memref<!tpu.dma_semaphore, #tpu.memory_space<semaphore_mem>>)
      %dma_wait3A_101 = arith.constant 0 : i32
      %dma_wait3A_102 = tpu.memref_slice %arg5[%arg0, %mul3A_2, %dma_wait3A_101] : memref<2x10240x16xf32, #tpu.memory_space<hbm>> -> memref<1x640x16xf32, #tpu.memory_space<hbm>>
      %dma_wait3A_103 = tpu.memref_squeeze %dma_wait3A_102 : memref<1x640x16xf32, #tpu.memory_space<hbm>> -> memref<640x16xf32, #tpu.memory_space<hbm>>
      %dma_wait3A_104 = arith.constant 0 : i32
      %dma_wait3A_105 = tpu.memref_slice %arg6[%mul3A_2, %dma_wait3A_104] : memref<10240x16xf32, #tpu.memory_space<vmem_shared>> -> memref<640x16xf32, #tpu.memory_space<vmem_shared>>
      tpu.wait_dma2 semaphore(%run_scoped3A : memref<!tpu.dma_semaphore, #tpu.memory_space<semaphore_mem>>) src(%dma_wait3A_105 : memref<640x16xf32, #tpu.memory_space<vmem_shared>>) dst(%dma_wait3A_103 : memref<640x16xf32, #tpu.memory_space<hbm>>)
      tpu.yield
    }) : () -> ()
    return
  }
}

#map = affine_map<(d0, d1) -> (0, 0)>
#map1 = affine_map<(d0, d1) -> (0, 0, 0)>
module attributes {stable_mosaic.version = 14 : i64} {
  func.func @_scatter(%arg0: i32, %arg1: i32, %arg2: memref<10240x16xf32, #tpu.memory_space<hbm>>, %arg3: memref<32x5x2000xi32, #tpu.memory_space<hbm>>, %arg4: memref<32x5x2000xi32, #tpu.memory_space<hbm>>, %arg5: memref<10240x16xf32, #tpu.memory_space<hbm>>, %arg6: memref<2x10240x16xf32, #tpu.memory_space<hbm>>, %arg7: memref<10240x16xf32, #tpu.memory_space<vmem_shared>>, %arg8: memref<5x2000xi32, #tpu.memory_space<vmem>>, %arg9: memref<5x2000xi32, #tpu.memory_space<vmem>>, %arg10: memref<2000x16xf32, #tpu.memory_space<vmem>>, %arg11: memref<2000x16xf32, #tpu.memory_space<vmem>>, %arg12: memref<!tpu.dma_semaphore, #tpu.memory_space<semaphore_mem>>, %arg13: memref<!tpu.dma_semaphore, #tpu.memory_space<semaphore_mem>>, %arg14: memref<!tpu.dma_semaphore, #tpu.memory_space<semaphore_mem>>, %arg15: memref<!tpu.dma_semaphore, #tpu.memory_space<semaphore_mem>>, %arg16: memref<!tpu.dma_semaphore, #tpu.memory_space<semaphore_mem>>, %arg17: memref<!tpu.dma_semaphore, #tpu.memory_space<semaphore_mem>>) attributes {dimension_semantics = [#tpu.dimension_semantics<core_parallel>, #tpu.dimension_semantics<subcore_parallel>], iteration_bounds = array<i64: 2, 16>, scalar_prefetch = 0 : i64, scratch_operands = 11 : i64, tpu.core_type = #tpu.core_type<sc_vector_subcore>, window_params = [{transform_indices = #map}, {transform_indices = #map1}, {transform_indices = #map1}, {transform_indices = #map}, {transform_indices = #map1}]} {
    %mul3A = arith.constant 2 : i32
    %mul3A_0 = arith.muli %arg1, %mul3A : i32
    %add3A = arith.addi %mul3A_0, %arg0 : i32
    %mul3A_1 = arith.constant 640 : i32
    %mul3A_2 = arith.muli %arg1, %mul3A_1 : i32
    %dma_start3A = arith.constant 0 : i32
    %dma_start3A_3 = tpu.memref_slice %arg7[%mul3A_2, %dma_start3A] : memref<10240x16xf32, #tpu.memory_space<vmem_shared>> -> memref<640x16xf32, #tpu.memory_space<vmem_shared>>
    %dma_start3A_4 = arith.constant 0 : i32
    %dma_start3A_5 = tpu.memref_slice %arg5[%mul3A_2, %dma_start3A_4] : memref<10240x16xf32, #tpu.memory_space<hbm>> -> memref<640x16xf32, #tpu.memory_space<hbm>>
    tpu.enqueue_dma source(%dma_start3A_5 : memref<640x16xf32, #tpu.memory_space<hbm>>) target(%dma_start3A_3 : memref<640x16xf32, #tpu.memory_space<vmem_shared>>) target_semaphore(%arg12 : memref<!tpu.dma_semaphore, #tpu.memory_space<semaphore_mem>>)
    %dma_start3A_6 = arith.constant 0 : i32
    %dma_start3A_7 = arith.constant 0 : i32
    %dma_start3A_8 = tpu.memref_slice %arg3[%add3A, %dma_start3A_6, %dma_start3A_7] : memref<32x5x2000xi32, #tpu.memory_space<hbm>> -> memref<1x5x2000xi32, #tpu.memory_space<hbm>>
    %dma_start3A_9 = tpu.memref_squeeze %dma_start3A_8 : memref<1x5x2000xi32, #tpu.memory_space<hbm>> -> memref<5x2000xi32, #tpu.memory_space<hbm>>
    %dma_start3A_10 = arith.constant 0 : i32
    %dma_start3A_11 = arith.constant 0 : i32
    %dma_start3A_12 = tpu.memref_slice %arg3[%add3A, %dma_start3A_10, %dma_start3A_11] : memref<32x5x2000xi32, #tpu.memory_space<hbm>> -> memref<1x5x2000xi32, #tpu.memory_space<hbm>>
    %dma_start3A_13 = tpu.memref_squeeze %dma_start3A_12 : memref<1x5x2000xi32, #tpu.memory_space<hbm>> -> memref<5x2000xi32, #tpu.memory_space<hbm>>
    tpu.enqueue_dma source(%dma_start3A_13 : memref<5x2000xi32, #tpu.memory_space<hbm>>) target(%arg8 : memref<5x2000xi32, #tpu.memory_space<vmem>>) target_semaphore(%arg13 : memref<!tpu.dma_semaphore, #tpu.memory_space<semaphore_mem>>)
    %dma_start3A_14 = arith.constant 0 : i32
    %dma_start3A_15 = arith.constant 0 : i32
    %dma_start3A_16 = tpu.memref_slice %arg4[%add3A, %dma_start3A_14, %dma_start3A_15] : memref<32x5x2000xi32, #tpu.memory_space<hbm>> -> memref<1x5x2000xi32, #tpu.memory_space<hbm>>
    %dma_start3A_17 = tpu.memref_squeeze %dma_start3A_16 : memref<1x5x2000xi32, #tpu.memory_space<hbm>> -> memref<5x2000xi32, #tpu.memory_space<hbm>>
    %dma_start3A_18 = arith.constant 0 : i32
    %dma_start3A_19 = arith.constant 0 : i32
    %dma_start3A_20 = tpu.memref_slice %arg4[%add3A, %dma_start3A_18, %dma_start3A_19] : memref<32x5x2000xi32, #tpu.memory_space<hbm>> -> memref<1x5x2000xi32, #tpu.memory_space<hbm>>
    %dma_start3A_21 = tpu.memref_squeeze %dma_start3A_20 : memref<1x5x2000xi32, #tpu.memory_space<hbm>> -> memref<5x2000xi32, #tpu.memory_space<hbm>>
    tpu.enqueue_dma source(%dma_start3A_21 : memref<5x2000xi32, #tpu.memory_space<hbm>>) target(%arg9 : memref<5x2000xi32, #tpu.memory_space<vmem>>) target_semaphore(%arg14 : memref<!tpu.dma_semaphore, #tpu.memory_space<semaphore_mem>>)
    %dma_wait3A = arith.constant 0 : i32
    %dma_wait3A_22 = tpu.memref_slice %arg7[%mul3A_2, %dma_wait3A] : memref<10240x16xf32, #tpu.memory_space<vmem_shared>> -> memref<640x16xf32, #tpu.memory_space<vmem_shared>>
    %dma_wait3A_23 = arith.constant 0 : i32
    %dma_wait3A_24 = tpu.memref_slice %arg5[%mul3A_2, %dma_wait3A_23] : memref<10240x16xf32, #tpu.memory_space<hbm>> -> memref<640x16xf32, #tpu.memory_space<hbm>>
    tpu.wait_dma2 semaphore(%arg12 : memref<!tpu.dma_semaphore, #tpu.memory_space<semaphore_mem>>) src(%dma_wait3A_24 : memref<640x16xf32, #tpu.memory_space<hbm>>) dst(%dma_wait3A_22 : memref<640x16xf32, #tpu.memory_space<vmem_shared>>)
    %dma_wait3A_25 = arith.constant 0 : i32
    %dma_wait3A_26 = arith.constant 0 : i32
    %dma_wait3A_27 = tpu.memref_slice %arg3[%add3A, %dma_wait3A_25, %dma_wait3A_26] : memref<32x5x2000xi32, #tpu.memory_space<hbm>> -> memref<1x5x2000xi32, #tpu.memory_space<hbm>>
    %dma_wait3A_28 = tpu.memref_squeeze %dma_wait3A_27 : memref<1x5x2000xi32, #tpu.memory_space<hbm>> -> memref<5x2000xi32, #tpu.memory_space<hbm>>
    %dma_wait3A_29 = arith.constant 0 : i32
    %dma_wait3A_30 = arith.constant 0 : i32
    %dma_wait3A_31 = tpu.memref_slice %arg3[%add3A, %dma_wait3A_29, %dma_wait3A_30] : memref<32x5x2000xi32, #tpu.memory_space<hbm>> -> memref<1x5x2000xi32, #tpu.memory_space<hbm>>
    %dma_wait3A_32 = tpu.memref_squeeze %dma_wait3A_31 : memref<1x5x2000xi32, #tpu.memory_space<hbm>> -> memref<5x2000xi32, #tpu.memory_space<hbm>>
    tpu.wait_dma2 semaphore(%arg13 : memref<!tpu.dma_semaphore, #tpu.memory_space<semaphore_mem>>) src(%dma_wait3A_32 : memref<5x2000xi32, #tpu.memory_space<hbm>>) dst(%arg8 : memref<5x2000xi32, #tpu.memory_space<vmem>>)
    %dma_wait3A_33 = arith.constant 0 : i32
    %dma_wait3A_34 = arith.constant 0 : i32
    %dma_wait3A_35 = tpu.memref_slice %arg4[%add3A, %dma_wait3A_33, %dma_wait3A_34] : memref<32x5x2000xi32, #tpu.memory_space<hbm>> -> memref<1x5x2000xi32, #tpu.memory_space<hbm>>
    %dma_wait3A_36 = tpu.memref_squeeze %dma_wait3A_35 : memref<1x5x2000xi32, #tpu.memory_space<hbm>> -> memref<5x2000xi32, #tpu.memory_space<hbm>>
    %dma_wait3A_37 = arith.constant 0 : i32
    %dma_wait3A_38 = arith.constant 0 : i32
    %dma_wait3A_39 = tpu.memref_slice %arg4[%add3A, %dma_wait3A_37, %dma_wait3A_38] : memref<32x5x2000xi32, #tpu.memory_space<hbm>> -> memref<1x5x2000xi32, #tpu.memory_space<hbm>>
    %dma_wait3A_40 = tpu.memref_squeeze %dma_wait3A_39 : memref<1x5x2000xi32, #tpu.memory_space<hbm>> -> memref<5x2000xi32, #tpu.memory_space<hbm>>
    tpu.wait_dma2 semaphore(%arg14 : memref<!tpu.dma_semaphore, #tpu.memory_space<semaphore_mem>>) src(%dma_wait3A_40 : memref<5x2000xi32, #tpu.memory_space<hbm>>) dst(%arg9 : memref<5x2000xi32, #tpu.memory_space<vmem>>)
    %barrier3A = arith.constant 0 : index
    tpu.barrier barrier_id(%barrier3A)
    %dma_start3A_41 = arith.constant 0 : i32
    %dma_start3A_42 = arith.constant 0 : i32
    %dma_start3A_43 = tpu.memref_slice %arg8[%dma_start3A_41, %dma_start3A_42] : memref<5x2000xi32, #tpu.memory_space<vmem>> -> memref<1x2000xi32, #tpu.memory_space<vmem>>
    %dma_start3A_44 = tpu.memref_squeeze %dma_start3A_43 : memref<1x2000xi32, #tpu.memory_space<vmem>> -> memref<2000xi32, #tpu.memory_space<vmem>>
    %dma_start3A_45 = arith.constant 0 : i32
    %dma_start3A_46 = arith.constant 0 : i32
    %dma_start3A_47 = tpu.memref_slice %arg2[%dma_start3A_45, %dma_start3A_46] : memref<10240x16xf32, #tpu.memory_space<hbm>> -> memref<10240x16xf32, #tpu.memory_space<hbm>>
    tpu.enqueue_indirect_dma source(%dma_start3A_47 : memref<10240x16xf32, #tpu.memory_space<hbm>>) target(%arg10 : memref<2000x16xf32, #tpu.memory_space<vmem>>) offsets(%dma_start3A_44 : memref<2000xi32, #tpu.memory_space<vmem>>) semaphore(%arg15 : memref<!tpu.dma_semaphore, #tpu.memory_space<semaphore_mem>>)
    %dma_wait3A_48 = arith.constant 0 : i32
    %dma_wait3A_49 = arith.constant 0 : i32
    %dma_wait3A_50 = tpu.memref_slice %arg8[%dma_wait3A_48, %dma_wait3A_49] : memref<5x2000xi32, #tpu.memory_space<vmem>> -> memref<1x2000xi32, #tpu.memory_space<vmem>>
    %dma_wait3A_51 = tpu.memref_squeeze %dma_wait3A_50 : memref<1x2000xi32, #tpu.memory_space<vmem>> -> memref<2000xi32, #tpu.memory_space<vmem>>
    %dma_wait3A_52 = arith.constant 0 : i32
    %dma_wait3A_53 = arith.constant 0 : i32
    %dma_wait3A_54 = tpu.memref_slice %arg2[%dma_wait3A_52, %dma_wait3A_53] : memref<10240x16xf32, #tpu.memory_space<hbm>> -> memref<10240x16xf32, #tpu.memory_space<hbm>>
    tpu.wait_indirect_dma semaphore(%arg15 : memref<!tpu.dma_semaphore, #tpu.memory_space<semaphore_mem>>) src(%dma_wait3A_54 : memref<10240x16xf32, #tpu.memory_space<hbm>>) dst(%arg10 : memref<2000x16xf32, #tpu.memory_space<vmem>>)
    %dma_start3A_55 = arith.constant 0 : i32
    %dma_start3A_56 = arith.constant 0 : i32
    %dma_start3A_57 = tpu.memref_slice %arg9[%dma_start3A_55, %dma_start3A_56] : memref<5x2000xi32, #tpu.memory_space<vmem>> -> memref<1x2000xi32, #tpu.memory_space<vmem>>
    %dma_start3A_58 = tpu.memref_squeeze %dma_start3A_57 : memref<1x2000xi32, #tpu.memory_space<vmem>> -> memref<2000xi32, #tpu.memory_space<vmem>>
    %dma_start3A_59 = arith.constant 0 : i32
    %dma_start3A_60 = arith.constant 0 : i32
    %dma_start3A_61 = tpu.memref_slice %arg7[%dma_start3A_59, %dma_start3A_60] : memref<10240x16xf32, #tpu.memory_space<vmem_shared>> -> memref<10240x16xf32, #tpu.memory_space<vmem_shared>>
    tpu.enqueue_indirect_dma source(%arg10 : memref<2000x16xf32, #tpu.memory_space<vmem>>) target(%dma_start3A_61 : memref<10240x16xf32, #tpu.memory_space<vmem_shared>>) offsets(%dma_start3A_58 : memref<2000xi32, #tpu.memory_space<vmem>>) semaphore(%arg16 : memref<!tpu.dma_semaphore, #tpu.memory_space<semaphore_mem>>) {add = true}
    %dma_start3A_62 = arith.constant 1 : i32
    %dma_start3A_63 = arith.constant 0 : i32
    %dma_start3A_64 = tpu.memref_slice %arg8[%dma_start3A_62, %dma_start3A_63] : memref<5x2000xi32, #tpu.memory_space<vmem>> -> memref<1x2000xi32, #tpu.memory_space<vmem>>
    %dma_start3A_65 = tpu.memref_squeeze %dma_start3A_64 : memref<1x2000xi32, #tpu.memory_space<vmem>> -> memref<2000xi32, #tpu.memory_space<vmem>>
    %dma_start3A_66 = arith.constant 0 : i32
    %dma_start3A_67 = arith.constant 0 : i32
    %dma_start3A_68 = tpu.memref_slice %arg2[%dma_start3A_66, %dma_start3A_67] : memref<10240x16xf32, #tpu.memory_space<hbm>> -> memref<10240x16xf32, #tpu.memory_space<hbm>>
    tpu.enqueue_indirect_dma source(%dma_start3A_68 : memref<10240x16xf32, #tpu.memory_space<hbm>>) target(%arg11 : memref<2000x16xf32, #tpu.memory_space<vmem>>) offsets(%dma_start3A_65 : memref<2000xi32, #tpu.memory_space<vmem>>) semaphore(%arg15 : memref<!tpu.dma_semaphore, #tpu.memory_space<semaphore_mem>>)
    %dma_wait3A_69 = arith.constant 1 : i32
    %dma_wait3A_70 = arith.constant 0 : i32
    %dma_wait3A_71 = tpu.memref_slice %arg8[%dma_wait3A_69, %dma_wait3A_70] : memref<5x2000xi32, #tpu.memory_space<vmem>> -> memref<1x2000xi32, #tpu.memory_space<vmem>>
    %dma_wait3A_72 = tpu.memref_squeeze %dma_wait3A_71 : memref<1x2000xi32, #tpu.memory_space<vmem>> -> memref<2000xi32, #tpu.memory_space<vmem>>
    %dma_wait3A_73 = arith.constant 0 : i32
    %dma_wait3A_74 = arith.constant 0 : i32
    %dma_wait3A_75 = tpu.memref_slice %arg2[%dma_wait3A_73, %dma_wait3A_74] : memref<10240x16xf32, #tpu.memory_space<hbm>> -> memref<10240x16xf32, #tpu.memory_space<hbm>>
    tpu.wait_indirect_dma semaphore(%arg15 : memref<!tpu.dma_semaphore, #tpu.memory_space<semaphore_mem>>) src(%dma_wait3A_75 : memref<10240x16xf32, #tpu.memory_space<hbm>>) dst(%arg11 : memref<2000x16xf32, #tpu.memory_space<vmem>>)
    %dma_start3A_76 = arith.constant 1 : i32
    %dma_start3A_77 = arith.constant 0 : i32
    %dma_start3A_78 = tpu.memref_slice %arg9[%dma_start3A_76, %dma_start3A_77] : memref<5x2000xi32, #tpu.memory_space<vmem>> -> memref<1x2000xi32, #tpu.memory_space<vmem>>
    %dma_start3A_79 = tpu.memref_squeeze %dma_start3A_78 : memref<1x2000xi32, #tpu.memory_space<vmem>> -> memref<2000xi32, #tpu.memory_space<vmem>>
    %dma_start3A_80 = arith.constant 0 : i32
    %dma_start3A_81 = arith.constant 0 : i32
    %dma_start3A_82 = tpu.memref_slice %arg7[%dma_start3A_80, %dma_start3A_81] : memref<10240x16xf32, #tpu.memory_space<vmem_shared>> -> memref<10240x16xf32, #tpu.memory_space<vmem_shared>>
    tpu.enqueue_indirect_dma source(%arg11 : memref<2000x16xf32, #tpu.memory_space<vmem>>) target(%dma_start3A_82 : memref<10240x16xf32, #tpu.memory_space<vmem_shared>>) offsets(%dma_start3A_79 : memref<2000xi32, #tpu.memory_space<vmem>>) semaphore(%arg17 : memref<!tpu.dma_semaphore, #tpu.memory_space<semaphore_mem>>) {add = true}
    %dma_wait3A_83 = arith.constant 0 : i32
    %dma_wait3A_84 = arith.constant 0 : i32
    %dma_wait3A_85 = tpu.memref_slice %arg9[%dma_wait3A_83, %dma_wait3A_84] : memref<5x2000xi32, #tpu.memory_space<vmem>> -> memref<1x2000xi32, #tpu.memory_space<vmem>>
    %dma_wait3A_86 = tpu.memref_squeeze %dma_wait3A_85 : memref<1x2000xi32, #tpu.memory_space<vmem>> -> memref<2000xi32, #tpu.memory_space<vmem>>
    %dma_wait3A_87 = arith.constant 0 : i32
    %dma_wait3A_88 = arith.constant 0 : i32
    %dma_wait3A_89 = tpu.memref_slice %arg7[%dma_wait3A_87, %dma_wait3A_88] : memref<10240x16xf32, #tpu.memory_space<vmem_shared>> -> memref<10240x16xf32, #tpu.memory_space<vmem_shared>>
    tpu.wait_indirect_dma semaphore(%arg16 : memref<!tpu.dma_semaphore, #tpu.memory_space<semaphore_mem>>) src(%arg10 : memref<2000x16xf32, #tpu.memory_space<vmem>>) dst(%dma_wait3A_89 : memref<10240x16xf32, #tpu.memory_space<vmem_shared>>)
    %dma_start3A_90 = arith.constant 2 : i32
    %dma_start3A_91 = arith.constant 0 : i32
    %dma_start3A_92 = tpu.memref_slice %arg8[%dma_start3A_90, %dma_start3A_91] : memref<5x2000xi32, #tpu.memory_space<vmem>> -> memref<1x2000xi32, #tpu.memory_space<vmem>>
    %dma_start3A_93 = tpu.memref_squeeze %dma_start3A_92 : memref<1x2000xi32, #tpu.memory_space<vmem>> -> memref<2000xi32, #tpu.memory_space<vmem>>
    %dma_start3A_94 = arith.constant 0 : i32
    %dma_start3A_95 = arith.constant 0 : i32
    %dma_start3A_96 = tpu.memref_slice %arg2[%dma_start3A_94, %dma_start3A_95] : memref<10240x16xf32, #tpu.memory_space<hbm>> -> memref<10240x16xf32, #tpu.memory_space<hbm>>
    tpu.enqueue_indirect_dma source(%dma_start3A_96 : memref<10240x16xf32, #tpu.memory_space<hbm>>) target(%arg10 : memref<2000x16xf32, #tpu.memory_space<vmem>>) offsets(%dma_start3A_93 : memref<2000xi32, #tpu.memory_space<vmem>>) semaphore(%arg15 : memref<!tpu.dma_semaphore, #tpu.memory_space<semaphore_mem>>)
    %dma_wait3A_97 = arith.constant 2 : i32
    %dma_wait3A_98 = arith.constant 0 : i32
    %dma_wait3A_99 = tpu.memref_slice %arg8[%dma_wait3A_97, %dma_wait3A_98] : memref<5x2000xi32, #tpu.memory_space<vmem>> -> memref<1x2000xi32, #tpu.memory_space<vmem>>
    %dma_wait3A_100 = tpu.memref_squeeze %dma_wait3A_99 : memref<1x2000xi32, #tpu.memory_space<vmem>> -> memref<2000xi32, #tpu.memory_space<vmem>>
    %dma_wait3A_101 = arith.constant 0 : i32
    %dma_wait3A_102 = arith.constant 0 : i32
    %dma_wait3A_103 = tpu.memref_slice %arg2[%dma_wait3A_101, %dma_wait3A_102] : memref<10240x16xf32, #tpu.memory_space<hbm>> -> memref<10240x16xf32, #tpu.memory_space<hbm>>
    tpu.wait_indirect_dma semaphore(%arg15 : memref<!tpu.dma_semaphore, #tpu.memory_space<semaphore_mem>>) src(%dma_wait3A_103 : memref<10240x16xf32, #tpu.memory_space<hbm>>) dst(%arg10 : memref<2000x16xf32, #tpu.memory_space<vmem>>)
    %dma_start3A_104 = arith.constant 2 : i32
    %dma_start3A_105 = arith.constant 0 : i32
    %dma_start3A_106 = tpu.memref_slice %arg9[%dma_start3A_104, %dma_start3A_105] : memref<5x2000xi32, #tpu.memory_space<vmem>> -> memref<1x2000xi32, #tpu.memory_space<vmem>>
    %dma_start3A_107 = tpu.memref_squeeze %dma_start3A_106 : memref<1x2000xi32, #tpu.memory_space<vmem>> -> memref<2000xi32, #tpu.memory_space<vmem>>
    %dma_start3A_108 = arith.constant 0 : i32
    %dma_start3A_109 = arith.constant 0 : i32
    %dma_start3A_110 = tpu.memref_slice %arg7[%dma_start3A_108, %dma_start3A_109] : memref<10240x16xf32, #tpu.memory_space<vmem_shared>> -> memref<10240x16xf32, #tpu.memory_space<vmem_shared>>
    tpu.enqueue_indirect_dma source(%arg10 : memref<2000x16xf32, #tpu.memory_space<vmem>>) target(%dma_start3A_110 : memref<10240x16xf32, #tpu.memory_space<vmem_shared>>) offsets(%dma_start3A_107 : memref<2000xi32, #tpu.memory_space<vmem>>) semaphore(%arg16 : memref<!tpu.dma_semaphore, #tpu.memory_space<semaphore_mem>>) {add = true}
    %dma_wait3A_111 = arith.constant 1 : i32
    %dma_wait3A_112 = arith.constant 0 : i32
    %dma_wait3A_113 = tpu.memref_slice %arg9[%dma_wait3A_111, %dma_wait3A_112] : memref<5x2000xi32, #tpu.memory_space<vmem>> -> memref<1x2000xi32, #tpu.memory_space<vmem>>
    %dma_wait3A_114 = tpu.memref_squeeze %dma_wait3A_113 : memref<1x2000xi32, #tpu.memory_space<vmem>> -> memref<2000xi32, #tpu.memory_space<vmem>>
    %dma_wait3A_115 = arith.constant 0 : i32
    %dma_wait3A_116 = arith.constant 0 : i32
    %dma_wait3A_117 = tpu.memref_slice %arg7[%dma_wait3A_115, %dma_wait3A_116] : memref<10240x16xf32, #tpu.memory_space<vmem_shared>> -> memref<10240x16xf32, #tpu.memory_space<vmem_shared>>
    tpu.wait_indirect_dma semaphore(%arg17 : memref<!tpu.dma_semaphore, #tpu.memory_space<semaphore_mem>>) src(%arg11 : memref<2000x16xf32, #tpu.memory_space<vmem>>) dst(%dma_wait3A_117 : memref<10240x16xf32, #tpu.memory_space<vmem_shared>>)
    %dma_start3A_118 = arith.constant 3 : i32
    %dma_start3A_119 = arith.constant 0 : i32
    %dma_start3A_120 = tpu.memref_slice %arg8[%dma_start3A_118, %dma_start3A_119] : memref<5x2000xi32, #tpu.memory_space<vmem>> -> memref<1x2000xi32, #tpu.memory_space<vmem>>
    %dma_start3A_121 = tpu.memref_squeeze %dma_start3A_120 : memref<1x2000xi32, #tpu.memory_space<vmem>> -> memref<2000xi32, #tpu.memory_space<vmem>>
    %dma_start3A_122 = arith.constant 0 : i32
    %dma_start3A_123 = arith.constant 0 : i32
    %dma_start3A_124 = tpu.memref_slice %arg2[%dma_start3A_122, %dma_start3A_123] : memref<10240x16xf32, #tpu.memory_space<hbm>> -> memref<10240x16xf32, #tpu.memory_space<hbm>>
    tpu.enqueue_indirect_dma source(%dma_start3A_124 : memref<10240x16xf32, #tpu.memory_space<hbm>>) target(%arg11 : memref<2000x16xf32, #tpu.memory_space<vmem>>) offsets(%dma_start3A_121 : memref<2000xi32, #tpu.memory_space<vmem>>) semaphore(%arg15 : memref<!tpu.dma_semaphore, #tpu.memory_space<semaphore_mem>>)
    %dma_wait3A_125 = arith.constant 3 : i32
    %dma_wait3A_126 = arith.constant 0 : i32
    %dma_wait3A_127 = tpu.memref_slice %arg8[%dma_wait3A_125, %dma_wait3A_126] : memref<5x2000xi32, #tpu.memory_space<vmem>> -> memref<1x2000xi32, #tpu.memory_space<vmem>>
    %dma_wait3A_128 = tpu.memref_squeeze %dma_wait3A_127 : memref<1x2000xi32, #tpu.memory_space<vmem>> -> memref<2000xi32, #tpu.memory_space<vmem>>
    %dma_wait3A_129 = arith.constant 0 : i32
    %dma_wait3A_130 = arith.constant 0 : i32
    %dma_wait3A_131 = tpu.memref_slice %arg2[%dma_wait3A_129, %dma_wait3A_130] : memref<10240x16xf32, #tpu.memory_space<hbm>> -> memref<10240x16xf32, #tpu.memory_space<hbm>>
    tpu.wait_indirect_dma semaphore(%arg15 : memref<!tpu.dma_semaphore, #tpu.memory_space<semaphore_mem>>) src(%dma_wait3A_131 : memref<10240x16xf32, #tpu.memory_space<hbm>>) dst(%arg11 : memref<2000x16xf32, #tpu.memory_space<vmem>>)
    %dma_start3A_132 = arith.constant 3 : i32
    %dma_start3A_133 = arith.constant 0 : i32
    %dma_start3A_134 = tpu.memref_slice %arg9[%dma_start3A_132, %dma_start3A_133] : memref<5x2000xi32, #tpu.memory_space<vmem>> -> memref<1x2000xi32, #tpu.memory_space<vmem>>
    %dma_start3A_135 = tpu.memref_squeeze %dma_start3A_134 : memref<1x2000xi32, #tpu.memory_space<vmem>> -> memref<2000xi32, #tpu.memory_space<vmem>>
    %dma_start3A_136 = arith.constant 0 : i32
    %dma_start3A_137 = arith.constant 0 : i32
    %dma_start3A_138 = tpu.memref_slice %arg7[%dma_start3A_136, %dma_start3A_137] : memref<10240x16xf32, #tpu.memory_space<vmem_shared>> -> memref<10240x16xf32, #tpu.memory_space<vmem_shared>>
    tpu.enqueue_indirect_dma source(%arg11 : memref<2000x16xf32, #tpu.memory_space<vmem>>) target(%dma_start3A_138 : memref<10240x16xf32, #tpu.memory_space<vmem_shared>>) offsets(%dma_start3A_135 : memref<2000xi32, #tpu.memory_space<vmem>>) semaphore(%arg17 : memref<!tpu.dma_semaphore, #tpu.memory_space<semaphore_mem>>) {add = true}
    %dma_wait3A_139 = arith.constant 2 : i32
    %dma_wait3A_140 = arith.constant 0 : i32
    %dma_wait3A_141 = tpu.memref_slice %arg9[%dma_wait3A_139, %dma_wait3A_140] : memref<5x2000xi32, #tpu.memory_space<vmem>> -> memref<1x2000xi32, #tpu.memory_space<vmem>>
    %dma_wait3A_142 = tpu.memref_squeeze %dma_wait3A_141 : memref<1x2000xi32, #tpu.memory_space<vmem>> -> memref<2000xi32, #tpu.memory_space<vmem>>
    %dma_wait3A_143 = arith.constant 0 : i32
    %dma_wait3A_144 = arith.constant 0 : i32
    %dma_wait3A_145 = tpu.memref_slice %arg7[%dma_wait3A_143, %dma_wait3A_144] : memref<10240x16xf32, #tpu.memory_space<vmem_shared>> -> memref<10240x16xf32, #tpu.memory_space<vmem_shared>>
    tpu.wait_indirect_dma semaphore(%arg16 : memref<!tpu.dma_semaphore, #tpu.memory_space<semaphore_mem>>) src(%arg10 : memref<2000x16xf32, #tpu.memory_space<vmem>>) dst(%dma_wait3A_145 : memref<10240x16xf32, #tpu.memory_space<vmem_shared>>)
    %dma_start3A_146 = arith.constant 4 : i32
    %dma_start3A_147 = arith.constant 0 : i32
    %dma_start3A_148 = tpu.memref_slice %arg8[%dma_start3A_146, %dma_start3A_147] : memref<5x2000xi32, #tpu.memory_space<vmem>> -> memref<1x2000xi32, #tpu.memory_space<vmem>>
    %dma_start3A_149 = tpu.memref_squeeze %dma_start3A_148 : memref<1x2000xi32, #tpu.memory_space<vmem>> -> memref<2000xi32, #tpu.memory_space<vmem>>
    %dma_start3A_150 = arith.constant 0 : i32
    %dma_start3A_151 = arith.constant 0 : i32
    %dma_start3A_152 = tpu.memref_slice %arg2[%dma_start3A_150, %dma_start3A_151] : memref<10240x16xf32, #tpu.memory_space<hbm>> -> memref<10240x16xf32, #tpu.memory_space<hbm>>
    tpu.enqueue_indirect_dma source(%dma_start3A_152 : memref<10240x16xf32, #tpu.memory_space<hbm>>) target(%arg10 : memref<2000x16xf32, #tpu.memory_space<vmem>>) offsets(%dma_start3A_149 : memref<2000xi32, #tpu.memory_space<vmem>>) semaphore(%arg15 : memref<!tpu.dma_semaphore, #tpu.memory_space<semaphore_mem>>)
    %dma_wait3A_153 = arith.constant 4 : i32
    %dma_wait3A_154 = arith.constant 0 : i32
    %dma_wait3A_155 = tpu.memref_slice %arg8[%dma_wait3A_153, %dma_wait3A_154] : memref<5x2000xi32, #tpu.memory_space<vmem>> -> memref<1x2000xi32, #tpu.memory_space<vmem>>
    %dma_wait3A_156 = tpu.memref_squeeze %dma_wait3A_155 : memref<1x2000xi32, #tpu.memory_space<vmem>> -> memref<2000xi32, #tpu.memory_space<vmem>>
    %dma_wait3A_157 = arith.constant 0 : i32
    %dma_wait3A_158 = arith.constant 0 : i32
    %dma_wait3A_159 = tpu.memref_slice %arg2[%dma_wait3A_157, %dma_wait3A_158] : memref<10240x16xf32, #tpu.memory_space<hbm>> -> memref<10240x16xf32, #tpu.memory_space<hbm>>
    tpu.wait_indirect_dma semaphore(%arg15 : memref<!tpu.dma_semaphore, #tpu.memory_space<semaphore_mem>>) src(%dma_wait3A_159 : memref<10240x16xf32, #tpu.memory_space<hbm>>) dst(%arg10 : memref<2000x16xf32, #tpu.memory_space<vmem>>)
    %dma_start3A_160 = arith.constant 4 : i32
    %dma_start3A_161 = arith.constant 0 : i32
    %dma_start3A_162 = tpu.memref_slice %arg9[%dma_start3A_160, %dma_start3A_161] : memref<5x2000xi32, #tpu.memory_space<vmem>> -> memref<1x2000xi32, #tpu.memory_space<vmem>>
    %dma_start3A_163 = tpu.memref_squeeze %dma_start3A_162 : memref<1x2000xi32, #tpu.memory_space<vmem>> -> memref<2000xi32, #tpu.memory_space<vmem>>
    %dma_start3A_164 = arith.constant 0 : i32
    %dma_start3A_165 = arith.constant 0 : i32
    %dma_start3A_166 = tpu.memref_slice %arg7[%dma_start3A_164, %dma_start3A_165] : memref<10240x16xf32, #tpu.memory_space<vmem_shared>> -> memref<10240x16xf32, #tpu.memory_space<vmem_shared>>
    tpu.enqueue_indirect_dma source(%arg10 : memref<2000x16xf32, #tpu.memory_space<vmem>>) target(%dma_start3A_166 : memref<10240x16xf32, #tpu.memory_space<vmem_shared>>) offsets(%dma_start3A_163 : memref<2000xi32, #tpu.memory_space<vmem>>) semaphore(%arg16 : memref<!tpu.dma_semaphore, #tpu.memory_space<semaphore_mem>>) {add = true}
    %dma_wait3A_167 = arith.constant 4 : i32
    %dma_wait3A_168 = arith.constant 0 : i32
    %dma_wait3A_169 = tpu.memref_slice %arg9[%dma_wait3A_167, %dma_wait3A_168] : memref<5x2000xi32, #tpu.memory_space<vmem>> -> memref<1x2000xi32, #tpu.memory_space<vmem>>
    %dma_wait3A_170 = tpu.memref_squeeze %dma_wait3A_169 : memref<1x2000xi32, #tpu.memory_space<vmem>> -> memref<2000xi32, #tpu.memory_space<vmem>>
    %dma_wait3A_171 = arith.constant 0 : i32
    %dma_wait3A_172 = arith.constant 0 : i32
    %dma_wait3A_173 = tpu.memref_slice %arg7[%dma_wait3A_171, %dma_wait3A_172] : memref<10240x16xf32, #tpu.memory_space<vmem_shared>> -> memref<10240x16xf32, #tpu.memory_space<vmem_shared>>
    tpu.wait_indirect_dma semaphore(%arg16 : memref<!tpu.dma_semaphore, #tpu.memory_space<semaphore_mem>>) src(%arg10 : memref<2000x16xf32, #tpu.memory_space<vmem>>) dst(%dma_wait3A_173 : memref<10240x16xf32, #tpu.memory_space<vmem_shared>>)
    %dma_wait3A_174 = arith.constant 3 : i32
    %dma_wait3A_175 = arith.constant 0 : i32
    %dma_wait3A_176 = tpu.memref_slice %arg9[%dma_wait3A_174, %dma_wait3A_175] : memref<5x2000xi32, #tpu.memory_space<vmem>> -> memref<1x2000xi32, #tpu.memory_space<vmem>>
    %dma_wait3A_177 = tpu.memref_squeeze %dma_wait3A_176 : memref<1x2000xi32, #tpu.memory_space<vmem>> -> memref<2000xi32, #tpu.memory_space<vmem>>
    %dma_wait3A_178 = arith.constant 0 : i32
    %dma_wait3A_179 = arith.constant 0 : i32
    %dma_wait3A_180 = tpu.memref_slice %arg7[%dma_wait3A_178, %dma_wait3A_179] : memref<10240x16xf32, #tpu.memory_space<vmem_shared>> -> memref<10240x16xf32, #tpu.memory_space<vmem_shared>>
    tpu.wait_indirect_dma semaphore(%arg17 : memref<!tpu.dma_semaphore, #tpu.memory_space<semaphore_mem>>) src(%arg11 : memref<2000x16xf32, #tpu.memory_space<vmem>>) dst(%dma_wait3A_180 : memref<10240x16xf32, #tpu.memory_space<vmem_shared>>)
    %barrier3A_181 = arith.constant 0 : index
    tpu.barrier barrier_id(%barrier3A_181)
    "tpu.region"() ({
      %run_scoped3A = tpu.sem_alloc : memref<!tpu.dma_semaphore, #tpu.memory_space<semaphore_mem>>
      %dma_start3A_182 = arith.constant 0 : i32
      %dma_start3A_183 = tpu.memref_slice %arg6[%arg0, %mul3A_2, %dma_start3A_182] : memref<2x10240x16xf32, #tpu.memory_space<hbm>> -> memref<1x640x16xf32, #tpu.memory_space<hbm>>
      %dma_start3A_184 = tpu.memref_squeeze %dma_start3A_183 : memref<1x640x16xf32, #tpu.memory_space<hbm>> -> memref<640x16xf32, #tpu.memory_space<hbm>>
      %dma_start3A_185 = arith.constant 0 : i32
      %dma_start3A_186 = tpu.memref_slice %arg7[%mul3A_2, %dma_start3A_185] : memref<10240x16xf32, #tpu.memory_space<vmem_shared>> -> memref<640x16xf32, #tpu.memory_space<vmem_shared>>
      tpu.enqueue_dma source(%dma_start3A_186 : memref<640x16xf32, #tpu.memory_space<vmem_shared>>) target(%dma_start3A_184 : memref<640x16xf32, #tpu.memory_space<hbm>>) target_semaphore(%run_scoped3A : memref<!tpu.dma_semaphore, #tpu.memory_space<semaphore_mem>>)
      %dma_wait3A_187 = arith.constant 0 : i32
      %dma_wait3A_188 = tpu.memref_slice %arg6[%arg0, %mul3A_2, %dma_wait3A_187] : memref<2x10240x16xf32, #tpu.memory_space<hbm>> -> memref<1x640x16xf32, #tpu.memory_space<hbm>>
      %dma_wait3A_189 = tpu.memref_squeeze %dma_wait3A_188 : memref<1x640x16xf32, #tpu.memory_space<hbm>> -> memref<640x16xf32, #tpu.memory_space<hbm>>
      %dma_wait3A_190 = arith.constant 0 : i32
      %dma_wait3A_191 = tpu.memref_slice %arg7[%mul3A_2, %dma_wait3A_190] : memref<10240x16xf32, #tpu.memory_space<vmem_shared>> -> memref<640x16xf32, #tpu.memory_space<vmem_shared>>
      tpu.wait_dma2 semaphore(%run_scoped3A : memref<!tpu.dma_semaphore, #tpu.memory_space<semaphore_mem>>) src(%dma_wait3A_191 : memref<640x16xf32, #tpu.memory_space<vmem_shared>>) dst(%dma_wait3A_189 : memref<640x16xf32, #tpu.memory_space<hbm>>)
      tpu.yield
    }) : () -> ()
    return
  }
}

#map = affine_map<(d0, d1) -> (0, 0)>
#map1 = affine_map<(d0, d1) -> (0, 0, 0, 0)>
#map2 = affine_map<(d0, d1) -> (0, 0, 0)>
#map3 = affine_map<(d0, d1) -> (0)>
module attributes {stable_mosaic.version = 14 : i64} {
  func.func @_pool_kernel(%arg0: i32, %arg1: i32, %arg2: memref<20480x16xf32, #tpu.memory_space<hbm>>, %arg3: memref<2x16x20x1000xi32, #tpu.memory_space<hbm>>, %arg4: memref<16x20x1000xi32, #tpu.memory_space<hbm>>, %arg5: memref<10240x16xf32, #tpu.memory_space<hbm>>, %arg6: memref<10240xf32, #tpu.memory_space<hbm>>, %arg7: memref<2x16xf32, #tpu.memory_space<hbm>>, %arg8: memref<16x640xi32, #tpu.memory_space<hbm>>, %arg9: memref<2x4x16xf32, #tpu.memory_space<hbm>>, %arg10: memref<10240x16xf32, #tpu.memory_space<vmem_shared>>, %arg11: memref<16x5x16xf32, #tpu.memory_space<vmem_shared>>, %arg12: memref<20x1000xi32, #tpu.memory_space<vmem>>, %arg13: memref<20x1000xi32, #tpu.memory_space<vmem>>, %arg14: memref<1000x16xf32, #tpu.memory_space<vmem>>, %arg15: memref<1000x16xf32, #tpu.memory_space<vmem>>, %arg16: memref<640x16xf32, #tpu.memory_space<vmem>>, %arg17: memref<640x16xf32, #tpu.memory_space<vmem>>, %arg18: memref<640xf32, #tpu.memory_space<vmem>>, %arg19: memref<640xi32, #tpu.memory_space<vmem>>, %arg20: memref<16xf32, #tpu.memory_space<vmem>>, %arg21: memref<5x16xf32, #tpu.memory_space<vmem>>, %arg22: memref<16x5x16xf32, #tpu.memory_space<vmem>>, %arg23: memref<16xf32, #tpu.memory_space<vmem>>, %arg24: memref<4x16xf32, #tpu.memory_space<vmem>>, %arg25: memref<!tpu.dma_semaphore, #tpu.memory_space<semaphore_mem>>, %arg26: memref<!tpu.dma_semaphore, #tpu.memory_space<semaphore_mem>>, %arg27: memref<!tpu.dma_semaphore, #tpu.memory_space<semaphore_mem>>, %arg28: memref<!tpu.dma_semaphore, #tpu.memory_space<semaphore_mem>>, %arg29: memref<!tpu.dma_semaphore, #tpu.memory_space<semaphore_mem>>, %arg30: memref<!tpu.dma_semaphore, #tpu.memory_space<semaphore_mem>>, %arg31: memref<!tpu.dma_semaphore, #tpu.memory_space<semaphore_mem>>) attributes {dimension_semantics = [#tpu.dimension_semantics<core_parallel>, #tpu.dimension_semantics<subcore_parallel>], iteration_bounds = array<i64: 2, 16>, scalar_prefetch = 0 : i64, scratch_operands = 22 : i64, tpu.core_type = #tpu.core_type<sc_vector_subcore>, window_params = [{transform_indices = #map}, {transform_indices = #map1}, {transform_indices = #map2}, {transform_indices = #map}, {transform_indices = #map3}, {transform_indices = #map}, {transform_indices = #map}, {transform_indices = #map2}]} {
    %mul3A = arith.constant 640 : i32
    %mul3A_0 = arith.muli %arg1, %mul3A : i32
    %dma_start3A = arith.constant 0 : i32
    %dma_start3A_1 = tpu.memref_slice %arg10[%mul3A_0, %dma_start3A] : memref<10240x16xf32, #tpu.memory_space<vmem_shared>> -> memref<640x16xf32, #tpu.memory_space<vmem_shared>>
    %dma_start3A_2 = arith.constant 0 : i32
    %dma_start3A_3 = tpu.memref_slice %arg5[%mul3A_0, %dma_start3A_2] : memref<10240x16xf32, #tpu.memory_space<hbm>> -> memref<640x16xf32, #tpu.memory_space<hbm>>
    tpu.enqueue_dma source(%dma_start3A_3 : memref<640x16xf32, #tpu.memory_space<hbm>>) target(%dma_start3A_1 : memref<640x16xf32, #tpu.memory_space<vmem_shared>>) target_semaphore(%arg25 : memref<!tpu.dma_semaphore, #tpu.memory_space<semaphore_mem>>)
    %dma_start3A_4 = arith.constant 0 : i32
    %dma_start3A_5 = arith.constant 0 : i32
    %dma_start3A_6 = tpu.memref_slice %arg3[%arg0, %arg1, %dma_start3A_4, %dma_start3A_5] : memref<2x16x20x1000xi32, #tpu.memory_space<hbm>> -> memref<1x1x20x1000xi32, #tpu.memory_space<hbm>>
    %dma_start3A_7 = tpu.memref_squeeze %dma_start3A_6 : memref<1x1x20x1000xi32, #tpu.memory_space<hbm>> -> memref<20x1000xi32, #tpu.memory_space<hbm>>
    %dma_start3A_8 = arith.constant 0 : i32
    %dma_start3A_9 = arith.constant 0 : i32
    %dma_start3A_10 = tpu.memref_slice %arg3[%arg0, %arg1, %dma_start3A_8, %dma_start3A_9] : memref<2x16x20x1000xi32, #tpu.memory_space<hbm>> -> memref<1x1x20x1000xi32, #tpu.memory_space<hbm>>
    %dma_start3A_11 = tpu.memref_squeeze %dma_start3A_10 : memref<1x1x20x1000xi32, #tpu.memory_space<hbm>> -> memref<20x1000xi32, #tpu.memory_space<hbm>>
    tpu.enqueue_dma source(%dma_start3A_11 : memref<20x1000xi32, #tpu.memory_space<hbm>>) target(%arg12 : memref<20x1000xi32, #tpu.memory_space<vmem>>) target_semaphore(%arg26 : memref<!tpu.dma_semaphore, #tpu.memory_space<semaphore_mem>>)
    %dma_start3A_12 = arith.constant 0 : i32
    %dma_start3A_13 = arith.constant 0 : i32
    %dma_start3A_14 = tpu.memref_slice %arg4[%arg1, %dma_start3A_12, %dma_start3A_13] : memref<16x20x1000xi32, #tpu.memory_space<hbm>> -> memref<1x20x1000xi32, #tpu.memory_space<hbm>>
    %dma_start3A_15 = tpu.memref_squeeze %dma_start3A_14 : memref<1x20x1000xi32, #tpu.memory_space<hbm>> -> memref<20x1000xi32, #tpu.memory_space<hbm>>
    %dma_start3A_16 = arith.constant 0 : i32
    %dma_start3A_17 = arith.constant 0 : i32
    %dma_start3A_18 = tpu.memref_slice %arg4[%arg1, %dma_start3A_16, %dma_start3A_17] : memref<16x20x1000xi32, #tpu.memory_space<hbm>> -> memref<1x20x1000xi32, #tpu.memory_space<hbm>>
    %dma_start3A_19 = tpu.memref_squeeze %dma_start3A_18 : memref<1x20x1000xi32, #tpu.memory_space<hbm>> -> memref<20x1000xi32, #tpu.memory_space<hbm>>
    tpu.enqueue_dma source(%dma_start3A_19 : memref<20x1000xi32, #tpu.memory_space<hbm>>) target(%arg13 : memref<20x1000xi32, #tpu.memory_space<vmem>>) target_semaphore(%arg27 : memref<!tpu.dma_semaphore, #tpu.memory_space<semaphore_mem>>)
    %mul3A_20 = arith.constant 10240 : i32
    %mul3A_21 = arith.muli %arg0, %mul3A_20 : i32
    %mul3A_22 = arith.constant 640 : i32
    %mul3A_23 = arith.muli %arg1, %mul3A_22 : i32
    %add3A = arith.addi %mul3A_21, %mul3A_23 : i32
    %dma_start3A_24 = arith.constant 0 : i32
    %dma_start3A_25 = tpu.memref_slice %arg2[%add3A, %dma_start3A_24] : memref<20480x16xf32, #tpu.memory_space<hbm>> -> memref<640x16xf32, #tpu.memory_space<hbm>>
    %dma_start3A_26 = arith.constant 0 : i32
    %dma_start3A_27 = tpu.memref_slice %arg2[%add3A, %dma_start3A_26] : memref<20480x16xf32, #tpu.memory_space<hbm>> -> memref<640x16xf32, #tpu.memory_space<hbm>>
    tpu.enqueue_dma source(%dma_start3A_27 : memref<640x16xf32, #tpu.memory_space<hbm>>) target(%arg16 : memref<640x16xf32, #tpu.memory_space<vmem>>) target_semaphore(%arg31 : memref<!tpu.dma_semaphore, #tpu.memory_space<semaphore_mem>>)
    %dma_start3A_28 = tpu.memref_slice %arg6[%mul3A_0] : memref<10240xf32, #tpu.memory_space<hbm>> -> memref<640xf32, #tpu.memory_space<hbm>>
    %dma_start3A_29 = tpu.memref_slice %arg6[%mul3A_0] : memref<10240xf32, #tpu.memory_space<hbm>> -> memref<640xf32, #tpu.memory_space<hbm>>
    tpu.enqueue_dma source(%dma_start3A_29 : memref<640xf32, #tpu.memory_space<hbm>>) target(%arg18 : memref<640xf32, #tpu.memory_space<vmem>>) target_semaphore(%arg31 : memref<!tpu.dma_semaphore, #tpu.memory_space<semaphore_mem>>)
    %dma_start3A_30 = arith.constant 0 : i32
    %dma_start3A_31 = tpu.memref_slice %arg8[%arg1, %dma_start3A_30] : memref<16x640xi32, #tpu.memory_space<hbm>> -> memref<1x640xi32, #tpu.memory_space<hbm>>
    %dma_start3A_32 = tpu.memref_squeeze %dma_start3A_31 : memref<1x640xi32, #tpu.memory_space<hbm>> -> memref<640xi32, #tpu.memory_space<hbm>>
    %dma_start3A_33 = arith.constant 0 : i32
    %dma_start3A_34 = tpu.memref_slice %arg8[%arg1, %dma_start3A_33] : memref<16x640xi32, #tpu.memory_space<hbm>> -> memref<1x640xi32, #tpu.memory_space<hbm>>
    %dma_start3A_35 = tpu.memref_squeeze %dma_start3A_34 : memref<1x640xi32, #tpu.memory_space<hbm>> -> memref<640xi32, #tpu.memory_space<hbm>>
    tpu.enqueue_dma source(%dma_start3A_35 : memref<640xi32, #tpu.memory_space<hbm>>) target(%arg19 : memref<640xi32, #tpu.memory_space<vmem>>) target_semaphore(%arg31 : memref<!tpu.dma_semaphore, #tpu.memory_space<semaphore_mem>>)
    %dma_start3A_36 = arith.constant 0 : i32
    %dma_start3A_37 = tpu.memref_slice %arg7[%arg0, %dma_start3A_36] : memref<2x16xf32, #tpu.memory_space<hbm>> -> memref<1x16xf32, #tpu.memory_space<hbm>>
    %dma_start3A_38 = tpu.memref_squeeze %dma_start3A_37 : memref<1x16xf32, #tpu.memory_space<hbm>> -> memref<16xf32, #tpu.memory_space<hbm>>
    %dma_start3A_39 = arith.constant 0 : i32
    %dma_start3A_40 = tpu.memref_slice %arg7[%arg0, %dma_start3A_39] : memref<2x16xf32, #tpu.memory_space<hbm>> -> memref<1x16xf32, #tpu.memory_space<hbm>>
    %dma_start3A_41 = tpu.memref_squeeze %dma_start3A_40 : memref<1x16xf32, #tpu.memory_space<hbm>> -> memref<16xf32, #tpu.memory_space<hbm>>
    tpu.enqueue_dma source(%dma_start3A_41 : memref<16xf32, #tpu.memory_space<hbm>>) target(%arg20 : memref<16xf32, #tpu.memory_space<vmem>>) target_semaphore(%arg31 : memref<!tpu.dma_semaphore, #tpu.memory_space<semaphore_mem>>)
    %dma_wait3A = arith.constant 0 : i32
    %dma_wait3A_42 = tpu.memref_slice %arg10[%mul3A_0, %dma_wait3A] : memref<10240x16xf32, #tpu.memory_space<vmem_shared>> -> memref<640x16xf32, #tpu.memory_space<vmem_shared>>
    %dma_wait3A_43 = arith.constant 0 : i32
    %dma_wait3A_44 = tpu.memref_slice %arg5[%mul3A_0, %dma_wait3A_43] : memref<10240x16xf32, #tpu.memory_space<hbm>> -> memref<640x16xf32, #tpu.memory_space<hbm>>
    tpu.wait_dma2 semaphore(%arg25 : memref<!tpu.dma_semaphore, #tpu.memory_space<semaphore_mem>>) src(%dma_wait3A_44 : memref<640x16xf32, #tpu.memory_space<hbm>>) dst(%dma_wait3A_42 : memref<640x16xf32, #tpu.memory_space<vmem_shared>>)
    %dma_wait3A_45 = arith.constant 0 : i32
    %dma_wait3A_46 = arith.constant 0 : i32
    %dma_wait3A_47 = tpu.memref_slice %arg3[%arg0, %arg1, %dma_wait3A_45, %dma_wait3A_46] : memref<2x16x20x1000xi32, #tpu.memory_space<hbm>> -> memref<1x1x20x1000xi32, #tpu.memory_space<hbm>>
    %dma_wait3A_48 = tpu.memref_squeeze %dma_wait3A_47 : memref<1x1x20x1000xi32, #tpu.memory_space<hbm>> -> memref<20x1000xi32, #tpu.memory_space<hbm>>
    %dma_wait3A_49 = arith.constant 0 : i32
    %dma_wait3A_50 = arith.constant 0 : i32
    %dma_wait3A_51 = tpu.memref_slice %arg3[%arg0, %arg1, %dma_wait3A_49, %dma_wait3A_50] : memref<2x16x20x1000xi32, #tpu.memory_space<hbm>> -> memref<1x1x20x1000xi32, #tpu.memory_space<hbm>>
    %dma_wait3A_52 = tpu.memref_squeeze %dma_wait3A_51 : memref<1x1x20x1000xi32, #tpu.memory_space<hbm>> -> memref<20x1000xi32, #tpu.memory_space<hbm>>
    tpu.wait_dma2 semaphore(%arg26 : memref<!tpu.dma_semaphore, #tpu.memory_space<semaphore_mem>>) src(%dma_wait3A_52 : memref<20x1000xi32, #tpu.memory_space<hbm>>) dst(%arg12 : memref<20x1000xi32, #tpu.memory_space<vmem>>)
    %dma_wait3A_53 = arith.constant 0 : i32
    %dma_wait3A_54 = arith.constant 0 : i32
    %dma_wait3A_55 = tpu.memref_slice %arg4[%arg1, %dma_wait3A_53, %dma_wait3A_54] : memref<16x20x1000xi32, #tpu.memory_space<hbm>> -> memref<1x20x1000xi32, #tpu.memory_space<hbm>>
    %dma_wait3A_56 = tpu.memref_squeeze %dma_wait3A_55 : memref<1x20x1000xi32, #tpu.memory_space<hbm>> -> memref<20x1000xi32, #tpu.memory_space<hbm>>
    %dma_wait3A_57 = arith.constant 0 : i32
    %dma_wait3A_58 = arith.constant 0 : i32
    %dma_wait3A_59 = tpu.memref_slice %arg4[%arg1, %dma_wait3A_57, %dma_wait3A_58] : memref<16x20x1000xi32, #tpu.memory_space<hbm>> -> memref<1x20x1000xi32, #tpu.memory_space<hbm>>
    %dma_wait3A_60 = tpu.memref_squeeze %dma_wait3A_59 : memref<1x20x1000xi32, #tpu.memory_space<hbm>> -> memref<20x1000xi32, #tpu.memory_space<hbm>>
    tpu.wait_dma2 semaphore(%arg27 : memref<!tpu.dma_semaphore, #tpu.memory_space<semaphore_mem>>) src(%dma_wait3A_60 : memref<20x1000xi32, #tpu.memory_space<hbm>>) dst(%arg13 : memref<20x1000xi32, #tpu.memory_space<vmem>>)
    %barrier3A = arith.constant 0 : index
    tpu.barrier barrier_id(%barrier3A)
    %dma_start3A_61 = arith.constant 0 : i32
    %dma_start3A_62 = arith.constant 0 : i32
    %dma_start3A_63 = tpu.memref_slice %arg12[%dma_start3A_61, %dma_start3A_62] : memref<20x1000xi32, #tpu.memory_space<vmem>> -> memref<1x1000xi32, #tpu.memory_space<vmem>>
    %dma_start3A_64 = tpu.memref_squeeze %dma_start3A_63 : memref<1x1000xi32, #tpu.memory_space<vmem>> -> memref<1000xi32, #tpu.memory_space<vmem>>
    %dma_start3A_65 = arith.constant 0 : i32
    %dma_start3A_66 = arith.constant 0 : i32
    %dma_start3A_67 = tpu.memref_slice %arg2[%dma_start3A_65, %dma_start3A_66] : memref<20480x16xf32, #tpu.memory_space<hbm>> -> memref<20480x16xf32, #tpu.memory_space<hbm>>
    tpu.enqueue_indirect_dma source(%dma_start3A_67 : memref<20480x16xf32, #tpu.memory_space<hbm>>) target(%arg14 : memref<1000x16xf32, #tpu.memory_space<vmem>>) offsets(%dma_start3A_64 : memref<1000xi32, #tpu.memory_space<vmem>>) semaphore(%arg28 : memref<!tpu.dma_semaphore, #tpu.memory_space<semaphore_mem>>)
    %dma_wait3A_68 = arith.constant 0 : i32
    %dma_wait3A_69 = arith.constant 0 : i32
    %dma_wait3A_70 = tpu.memref_slice %arg12[%dma_wait3A_68, %dma_wait3A_69] : memref<20x1000xi32, #tpu.memory_space<vmem>> -> memref<1x1000xi32, #tpu.memory_space<vmem>>
    %dma_wait3A_71 = tpu.memref_squeeze %dma_wait3A_70 : memref<1x1000xi32, #tpu.memory_space<vmem>> -> memref<1000xi32, #tpu.memory_space<vmem>>
    %dma_wait3A_72 = arith.constant 0 : i32
    %dma_wait3A_73 = arith.constant 0 : i32
    %dma_wait3A_74 = tpu.memref_slice %arg2[%dma_wait3A_72, %dma_wait3A_73] : memref<20480x16xf32, #tpu.memory_space<hbm>> -> memref<20480x16xf32, #tpu.memory_space<hbm>>
    tpu.wait_indirect_dma semaphore(%arg28 : memref<!tpu.dma_semaphore, #tpu.memory_space<semaphore_mem>>) src(%dma_wait3A_74 : memref<20480x16xf32, #tpu.memory_space<hbm>>) dst(%arg14 : memref<1000x16xf32, #tpu.memory_space<vmem>>)
    %dma_start3A_75 = arith.constant 0 : i32
    %dma_start3A_76 = arith.constant 0 : i32
    %dma_start3A_77 = tpu.memref_slice %arg13[%dma_start3A_75, %dma_start3A_76] : memref<20x1000xi32, #tpu.memory_space<vmem>> -> memref<1x1000xi32, #tpu.memory_space<vmem>>
    %dma_start3A_78 = tpu.memref_squeeze %dma_start3A_77 : memref<1x1000xi32, #tpu.memory_space<vmem>> -> memref<1000xi32, #tpu.memory_space<vmem>>
    %dma_start3A_79 = arith.constant 0 : i32
    %dma_start3A_80 = arith.constant 0 : i32
    %dma_start3A_81 = tpu.memref_slice %arg10[%dma_start3A_79, %dma_start3A_80] : memref<10240x16xf32, #tpu.memory_space<vmem_shared>> -> memref<10240x16xf32, #tpu.memory_space<vmem_shared>>
    tpu.enqueue_indirect_dma source(%arg14 : memref<1000x16xf32, #tpu.memory_space<vmem>>) target(%dma_start3A_81 : memref<10240x16xf32, #tpu.memory_space<vmem_shared>>) offsets(%dma_start3A_78 : memref<1000xi32, #tpu.memory_space<vmem>>) semaphore(%arg29 : memref<!tpu.dma_semaphore, #tpu.memory_space<semaphore_mem>>) {add = true}
    %dma_start3A_82 = arith.constant 1 : i32
    %dma_start3A_83 = arith.constant 0 : i32
    %dma_start3A_84 = tpu.memref_slice %arg12[%dma_start3A_82, %dma_start3A_83] : memref<20x1000xi32, #tpu.memory_space<vmem>> -> memref<1x1000xi32, #tpu.memory_space<vmem>>
    %dma_start3A_85 = tpu.memref_squeeze %dma_start3A_84 : memref<1x1000xi32, #tpu.memory_space<vmem>> -> memref<1000xi32, #tpu.memory_space<vmem>>
    %dma_start3A_86 = arith.constant 0 : i32
    %dma_start3A_87 = arith.constant 0 : i32
    %dma_start3A_88 = tpu.memref_slice %arg2[%dma_start3A_86, %dma_start3A_87] : memref<20480x16xf32, #tpu.memory_space<hbm>> -> memref<20480x16xf32, #tpu.memory_space<hbm>>
    tpu.enqueue_indirect_dma source(%dma_start3A_88 : memref<20480x16xf32, #tpu.memory_space<hbm>>) target(%arg15 : memref<1000x16xf32, #tpu.memory_space<vmem>>) offsets(%dma_start3A_85 : memref<1000xi32, #tpu.memory_space<vmem>>) semaphore(%arg28 : memref<!tpu.dma_semaphore, #tpu.memory_space<semaphore_mem>>)
    %dma_wait3A_89 = arith.constant 1 : i32
    %dma_wait3A_90 = arith.constant 0 : i32
    %dma_wait3A_91 = tpu.memref_slice %arg12[%dma_wait3A_89, %dma_wait3A_90] : memref<20x1000xi32, #tpu.memory_space<vmem>> -> memref<1x1000xi32, #tpu.memory_space<vmem>>
    %dma_wait3A_92 = tpu.memref_squeeze %dma_wait3A_91 : memref<1x1000xi32, #tpu.memory_space<vmem>> -> memref<1000xi32, #tpu.memory_space<vmem>>
    %dma_wait3A_93 = arith.constant 0 : i32
    %dma_wait3A_94 = arith.constant 0 : i32
    %dma_wait3A_95 = tpu.memref_slice %arg2[%dma_wait3A_93, %dma_wait3A_94] : memref<20480x16xf32, #tpu.memory_space<hbm>> -> memref<20480x16xf32, #tpu.memory_space<hbm>>
    tpu.wait_indirect_dma semaphore(%arg28 : memref<!tpu.dma_semaphore, #tpu.memory_space<semaphore_mem>>) src(%dma_wait3A_95 : memref<20480x16xf32, #tpu.memory_space<hbm>>) dst(%arg15 : memref<1000x16xf32, #tpu.memory_space<vmem>>)
    %dma_start3A_96 = arith.constant 1 : i32
    %dma_start3A_97 = arith.constant 0 : i32
    %dma_start3A_98 = tpu.memref_slice %arg13[%dma_start3A_96, %dma_start3A_97] : memref<20x1000xi32, #tpu.memory_space<vmem>> -> memref<1x1000xi32, #tpu.memory_space<vmem>>
    %dma_start3A_99 = tpu.memref_squeeze %dma_start3A_98 : memref<1x1000xi32, #tpu.memory_space<vmem>> -> memref<1000xi32, #tpu.memory_space<vmem>>
    %dma_start3A_100 = arith.constant 0 : i32
    %dma_start3A_101 = arith.constant 0 : i32
    %dma_start3A_102 = tpu.memref_slice %arg10[%dma_start3A_100, %dma_start3A_101] : memref<10240x16xf32, #tpu.memory_space<vmem_shared>> -> memref<10240x16xf32, #tpu.memory_space<vmem_shared>>
    tpu.enqueue_indirect_dma source(%arg15 : memref<1000x16xf32, #tpu.memory_space<vmem>>) target(%dma_start3A_102 : memref<10240x16xf32, #tpu.memory_space<vmem_shared>>) offsets(%dma_start3A_99 : memref<1000xi32, #tpu.memory_space<vmem>>) semaphore(%arg30 : memref<!tpu.dma_semaphore, #tpu.memory_space<semaphore_mem>>) {add = true}
    %dma_wait3A_103 = arith.constant 0 : i32
    %dma_wait3A_104 = arith.constant 0 : i32
    %dma_wait3A_105 = tpu.memref_slice %arg13[%dma_wait3A_103, %dma_wait3A_104] : memref<20x1000xi32, #tpu.memory_space<vmem>> -> memref<1x1000xi32, #tpu.memory_space<vmem>>
    %dma_wait3A_106 = tpu.memref_squeeze %dma_wait3A_105 : memref<1x1000xi32, #tpu.memory_space<vmem>> -> memref<1000xi32, #tpu.memory_space<vmem>>
    %dma_wait3A_107 = arith.constant 0 : i32
    %dma_wait3A_108 = arith.constant 0 : i32
    %dma_wait3A_109 = tpu.memref_slice %arg10[%dma_wait3A_107, %dma_wait3A_108] : memref<10240x16xf32, #tpu.memory_space<vmem_shared>> -> memref<10240x16xf32, #tpu.memory_space<vmem_shared>>
    tpu.wait_indirect_dma semaphore(%arg29 : memref<!tpu.dma_semaphore, #tpu.memory_space<semaphore_mem>>) src(%arg14 : memref<1000x16xf32, #tpu.memory_space<vmem>>) dst(%dma_wait3A_109 : memref<10240x16xf32, #tpu.memory_space<vmem_shared>>)
    %dma_start3A_110 = arith.constant 2 : i32
    %dma_start3A_111 = arith.constant 0 : i32
    %dma_start3A_112 = tpu.memref_slice %arg12[%dma_start3A_110, %dma_start3A_111] : memref<20x1000xi32, #tpu.memory_space<vmem>> -> memref<1x1000xi32, #tpu.memory_space<vmem>>
    %dma_start3A_113 = tpu.memref_squeeze %dma_start3A_112 : memref<1x1000xi32, #tpu.memory_space<vmem>> -> memref<1000xi32, #tpu.memory_space<vmem>>
    %dma_start3A_114 = arith.constant 0 : i32
    %dma_start3A_115 = arith.constant 0 : i32
    %dma_start3A_116 = tpu.memref_slice %arg2[%dma_start3A_114, %dma_start3A_115] : memref<20480x16xf32, #tpu.memory_space<hbm>> -> memref<20480x16xf32, #tpu.memory_space<hbm>>
    tpu.enqueue_indirect_dma source(%dma_start3A_116 : memref<20480x16xf32, #tpu.memory_space<hbm>>) target(%arg14 : memref<1000x16xf32, #tpu.memory_space<vmem>>) offsets(%dma_start3A_113 : memref<1000xi32, #tpu.memory_space<vmem>>) semaphore(%arg28 : memref<!tpu.dma_semaphore, #tpu.memory_space<semaphore_mem>>)
    %dma_wait3A_117 = arith.constant 2 : i32
    %dma_wait3A_118 = arith.constant 0 : i32
    %dma_wait3A_119 = tpu.memref_slice %arg12[%dma_wait3A_117, %dma_wait3A_118] : memref<20x1000xi32, #tpu.memory_space<vmem>> -> memref<1x1000xi32, #tpu.memory_space<vmem>>
    %dma_wait3A_120 = tpu.memref_squeeze %dma_wait3A_119 : memref<1x1000xi32, #tpu.memory_space<vmem>> -> memref<1000xi32, #tpu.memory_space<vmem>>
    %dma_wait3A_121 = arith.constant 0 : i32
    %dma_wait3A_122 = arith.constant 0 : i32
    %dma_wait3A_123 = tpu.memref_slice %arg2[%dma_wait3A_121, %dma_wait3A_122] : memref<20480x16xf32, #tpu.memory_space<hbm>> -> memref<20480x16xf32, #tpu.memory_space<hbm>>
    tpu.wait_indirect_dma semaphore(%arg28 : memref<!tpu.dma_semaphore, #tpu.memory_space<semaphore_mem>>) src(%dma_wait3A_123 : memref<20480x16xf32, #tpu.memory_space<hbm>>) dst(%arg14 : memref<1000x16xf32, #tpu.memory_space<vmem>>)
    %dma_start3A_124 = arith.constant 2 : i32
    %dma_start3A_125 = arith.constant 0 : i32
    %dma_start3A_126 = tpu.memref_slice %arg13[%dma_start3A_124, %dma_start3A_125] : memref<20x1000xi32, #tpu.memory_space<vmem>> -> memref<1x1000xi32, #tpu.memory_space<vmem>>
    %dma_start3A_127 = tpu.memref_squeeze %dma_start3A_126 : memref<1x1000xi32, #tpu.memory_space<vmem>> -> memref<1000xi32, #tpu.memory_space<vmem>>
    %dma_start3A_128 = arith.constant 0 : i32
    %dma_start3A_129 = arith.constant 0 : i32
    %dma_start3A_130 = tpu.memref_slice %arg10[%dma_start3A_128, %dma_start3A_129] : memref<10240x16xf32, #tpu.memory_space<vmem_shared>> -> memref<10240x16xf32, #tpu.memory_space<vmem_shared>>
    tpu.enqueue_indirect_dma source(%arg14 : memref<1000x16xf32, #tpu.memory_space<vmem>>) target(%dma_start3A_130 : memref<10240x16xf32, #tpu.memory_space<vmem_shared>>) offsets(%dma_start3A_127 : memref<1000xi32, #tpu.memory_space<vmem>>) semaphore(%arg29 : memref<!tpu.dma_semaphore, #tpu.memory_space<semaphore_mem>>) {add = true}
    %dma_wait3A_131 = arith.constant 1 : i32
    %dma_wait3A_132 = arith.constant 0 : i32
    %dma_wait3A_133 = tpu.memref_slice %arg13[%dma_wait3A_131, %dma_wait3A_132] : memref<20x1000xi32, #tpu.memory_space<vmem>> -> memref<1x1000xi32, #tpu.memory_space<vmem>>
    %dma_wait3A_134 = tpu.memref_squeeze %dma_wait3A_133 : memref<1x1000xi32, #tpu.memory_space<vmem>> -> memref<1000xi32, #tpu.memory_space<vmem>>
    %dma_wait3A_135 = arith.constant 0 : i32
    %dma_wait3A_136 = arith.constant 0 : i32
    %dma_wait3A_137 = tpu.memref_slice %arg10[%dma_wait3A_135, %dma_wait3A_136] : memref<10240x16xf32, #tpu.memory_space<vmem_shared>> -> memref<10240x16xf32, #tpu.memory_space<vmem_shared>>
    tpu.wait_indirect_dma semaphore(%arg30 : memref<!tpu.dma_semaphore, #tpu.memory_space<semaphore_mem>>) src(%arg15 : memref<1000x16xf32, #tpu.memory_space<vmem>>) dst(%dma_wait3A_137 : memref<10240x16xf32, #tpu.memory_space<vmem_shared>>)
    %dma_start3A_138 = arith.constant 3 : i32
    %dma_start3A_139 = arith.constant 0 : i32
    %dma_start3A_140 = tpu.memref_slice %arg12[%dma_start3A_138, %dma_start3A_139] : memref<20x1000xi32, #tpu.memory_space<vmem>> -> memref<1x1000xi32, #tpu.memory_space<vmem>>
    %dma_start3A_141 = tpu.memref_squeeze %dma_start3A_140 : memref<1x1000xi32, #tpu.memory_space<vmem>> -> memref<1000xi32, #tpu.memory_space<vmem>>
    %dma_start3A_142 = arith.constant 0 : i32
    %dma_start3A_143 = arith.constant 0 : i32
    %dma_start3A_144 = tpu.memref_slice %arg2[%dma_start3A_142, %dma_start3A_143] : memref<20480x16xf32, #tpu.memory_space<hbm>> -> memref<20480x16xf32, #tpu.memory_space<hbm>>
    tpu.enqueue_indirect_dma source(%dma_start3A_144 : memref<20480x16xf32, #tpu.memory_space<hbm>>) target(%arg15 : memref<1000x16xf32, #tpu.memory_space<vmem>>) offsets(%dma_start3A_141 : memref<1000xi32, #tpu.memory_space<vmem>>) semaphore(%arg28 : memref<!tpu.dma_semaphore, #tpu.memory_space<semaphore_mem>>)
    %dma_wait3A_145 = arith.constant 3 : i32
    %dma_wait3A_146 = arith.constant 0 : i32
    %dma_wait3A_147 = tpu.memref_slice %arg12[%dma_wait3A_145, %dma_wait3A_146] : memref<20x1000xi32, #tpu.memory_space<vmem>> -> memref<1x1000xi32, #tpu.memory_space<vmem>>
    %dma_wait3A_148 = tpu.memref_squeeze %dma_wait3A_147 : memref<1x1000xi32, #tpu.memory_space<vmem>> -> memref<1000xi32, #tpu.memory_space<vmem>>
    %dma_wait3A_149 = arith.constant 0 : i32
    %dma_wait3A_150 = arith.constant 0 : i32
    %dma_wait3A_151 = tpu.memref_slice %arg2[%dma_wait3A_149, %dma_wait3A_150] : memref<20480x16xf32, #tpu.memory_space<hbm>> -> memref<20480x16xf32, #tpu.memory_space<hbm>>
    tpu.wait_indirect_dma semaphore(%arg28 : memref<!tpu.dma_semaphore, #tpu.memory_space<semaphore_mem>>) src(%dma_wait3A_151 : memref<20480x16xf32, #tpu.memory_space<hbm>>) dst(%arg15 : memref<1000x16xf32, #tpu.memory_space<vmem>>)
    %dma_start3A_152 = arith.constant 3 : i32
    %dma_start3A_153 = arith.constant 0 : i32
    %dma_start3A_154 = tpu.memref_slice %arg13[%dma_start3A_152, %dma_start3A_153] : memref<20x1000xi32, #tpu.memory_space<vmem>> -> memref<1x1000xi32, #tpu.memory_space<vmem>>
    %dma_start3A_155 = tpu.memref_squeeze %dma_start3A_154 : memref<1x1000xi32, #tpu.memory_space<vmem>> -> memref<1000xi32, #tpu.memory_space<vmem>>
    %dma_start3A_156 = arith.constant 0 : i32
    %dma_start3A_157 = arith.constant 0 : i32
    %dma_start3A_158 = tpu.memref_slice %arg10[%dma_start3A_156, %dma_start3A_157] : memref<10240x16xf32, #tpu.memory_space<vmem_shared>> -> memref<10240x16xf32, #tpu.memory_space<vmem_shared>>
    tpu.enqueue_indirect_dma source(%arg15 : memref<1000x16xf32, #tpu.memory_space<vmem>>) target(%dma_start3A_158 : memref<10240x16xf32, #tpu.memory_space<vmem_shared>>) offsets(%dma_start3A_155 : memref<1000xi32, #tpu.memory_space<vmem>>) semaphore(%arg30 : memref<!tpu.dma_semaphore, #tpu.memory_space<semaphore_mem>>) {add = true}
    %dma_wait3A_159 = arith.constant 2 : i32
    %dma_wait3A_160 = arith.constant 0 : i32
    %dma_wait3A_161 = tpu.memref_slice %arg13[%dma_wait3A_159, %dma_wait3A_160] : memref<20x1000xi32, #tpu.memory_space<vmem>> -> memref<1x1000xi32, #tpu.memory_space<vmem>>
    %dma_wait3A_162 = tpu.memref_squeeze %dma_wait3A_161 : memref<1x1000xi32, #tpu.memory_space<vmem>> -> memref<1000xi32, #tpu.memory_space<vmem>>
    %dma_wait3A_163 = arith.constant 0 : i32
    %dma_wait3A_164 = arith.constant 0 : i32
    %dma_wait3A_165 = tpu.memref_slice %arg10[%dma_wait3A_163, %dma_wait3A_164] : memref<10240x16xf32, #tpu.memory_space<vmem_shared>> -> memref<10240x16xf32, #tpu.memory_space<vmem_shared>>
    tpu.wait_indirect_dma semaphore(%arg29 : memref<!tpu.dma_semaphore, #tpu.memory_space<semaphore_mem>>) src(%arg14 : memref<1000x16xf32, #tpu.memory_space<vmem>>) dst(%dma_wait3A_165 : memref<10240x16xf32, #tpu.memory_space<vmem_shared>>)
    %dma_start3A_166 = arith.constant 4 : i32
    %dma_start3A_167 = arith.constant 0 : i32
    %dma_start3A_168 = tpu.memref_slice %arg12[%dma_start3A_166, %dma_start3A_167] : memref<20x1000xi32, #tpu.memory_space<vmem>> -> memref<1x1000xi32, #tpu.memory_space<vmem>>
    %dma_start3A_169 = tpu.memref_squeeze %dma_start3A_168 : memref<1x1000xi32, #tpu.memory_space<vmem>> -> memref<1000xi32, #tpu.memory_space<vmem>>
    %dma_start3A_170 = arith.constant 0 : i32
    %dma_start3A_171 = arith.constant 0 : i32
    %dma_start3A_172 = tpu.memref_slice %arg2[%dma_start3A_170, %dma_start3A_171] : memref<20480x16xf32, #tpu.memory_space<hbm>> -> memref<20480x16xf32, #tpu.memory_space<hbm>>
    tpu.enqueue_indirect_dma source(%dma_start3A_172 : memref<20480x16xf32, #tpu.memory_space<hbm>>) target(%arg14 : memref<1000x16xf32, #tpu.memory_space<vmem>>) offsets(%dma_start3A_169 : memref<1000xi32, #tpu.memory_space<vmem>>) semaphore(%arg28 : memref<!tpu.dma_semaphore, #tpu.memory_space<semaphore_mem>>)
    %dma_wait3A_173 = arith.constant 4 : i32
    %dma_wait3A_174 = arith.constant 0 : i32
    %dma_wait3A_175 = tpu.memref_slice %arg12[%dma_wait3A_173, %dma_wait3A_174] : memref<20x1000xi32, #tpu.memory_space<vmem>> -> memref<1x1000xi32, #tpu.memory_space<vmem>>
    %dma_wait3A_176 = tpu.memref_squeeze %dma_wait3A_175 : memref<1x1000xi32, #tpu.memory_space<vmem>> -> memref<1000xi32, #tpu.memory_space<vmem>>
    %dma_wait3A_177 = arith.constant 0 : i32
    %dma_wait3A_178 = arith.constant 0 : i32
    %dma_wait3A_179 = tpu.memref_slice %arg2[%dma_wait3A_177, %dma_wait3A_178] : memref<20480x16xf32, #tpu.memory_space<hbm>> -> memref<20480x16xf32, #tpu.memory_space<hbm>>
    tpu.wait_indirect_dma semaphore(%arg28 : memref<!tpu.dma_semaphore, #tpu.memory_space<semaphore_mem>>) src(%dma_wait3A_179 : memref<20480x16xf32, #tpu.memory_space<hbm>>) dst(%arg14 : memref<1000x16xf32, #tpu.memory_space<vmem>>)
    %dma_start3A_180 = arith.constant 4 : i32
    %dma_start3A_181 = arith.constant 0 : i32
    %dma_start3A_182 = tpu.memref_slice %arg13[%dma_start3A_180, %dma_start3A_181] : memref<20x1000xi32, #tpu.memory_space<vmem>> -> memref<1x1000xi32, #tpu.memory_space<vmem>>
    %dma_start3A_183 = tpu.memref_squeeze %dma_start3A_182 : memref<1x1000xi32, #tpu.memory_space<vmem>> -> memref<1000xi32, #tpu.memory_space<vmem>>
    %dma_start3A_184 = arith.constant 0 : i32
    %dma_start3A_185 = arith.constant 0 : i32
    %dma_start3A_186 = tpu.memref_slice %arg10[%dma_start3A_184, %dma_start3A_185] : memref<10240x16xf32, #tpu.memory_space<vmem_shared>> -> memref<10240x16xf32, #tpu.memory_space<vmem_shared>>
    tpu.enqueue_indirect_dma source(%arg14 : memref<1000x16xf32, #tpu.memory_space<vmem>>) target(%dma_start3A_186 : memref<10240x16xf32, #tpu.memory_space<vmem_shared>>) offsets(%dma_start3A_183 : memref<1000xi32, #tpu.memory_space<vmem>>) semaphore(%arg29 : memref<!tpu.dma_semaphore, #tpu.memory_space<semaphore_mem>>) {add = true}
    %dma_wait3A_187 = arith.constant 3 : i32
    %dma_wait3A_188 = arith.constant 0 : i32
    %dma_wait3A_189 = tpu.memref_slice %arg13[%dma_wait3A_187, %dma_wait3A_188] : memref<20x1000xi32, #tpu.memory_space<vmem>> -> memref<1x1000xi32, #tpu.memory_space<vmem>>
    %dma_wait3A_190 = tpu.memref_squeeze %dma_wait3A_189 : memref<1x1000xi32, #tpu.memory_space<vmem>> -> memref<1000xi32, #tpu.memory_space<vmem>>
    %dma_wait3A_191 = arith.constant 0 : i32
    %dma_wait3A_192 = arith.constant 0 : i32
    %dma_wait3A_193 = tpu.memref_slice %arg10[%dma_wait3A_191, %dma_wait3A_192] : memref<10240x16xf32, #tpu.memory_space<vmem_shared>> -> memref<10240x16xf32, #tpu.memory_space<vmem_shared>>
    tpu.wait_indirect_dma semaphore(%arg30 : memref<!tpu.dma_semaphore, #tpu.memory_space<semaphore_mem>>) src(%arg15 : memref<1000x16xf32, #tpu.memory_space<vmem>>) dst(%dma_wait3A_193 : memref<10240x16xf32, #tpu.memory_space<vmem_shared>>)
    %dma_start3A_194 = arith.constant 5 : i32
    %dma_start3A_195 = arith.constant 0 : i32
    %dma_start3A_196 = tpu.memref_slice %arg12[%dma_start3A_194, %dma_start3A_195] : memref<20x1000xi32, #tpu.memory_space<vmem>> -> memref<1x1000xi32, #tpu.memory_space<vmem>>
    %dma_start3A_197 = tpu.memref_squeeze %dma_start3A_196 : memref<1x1000xi32, #tpu.memory_space<vmem>> -> memref<1000xi32, #tpu.memory_space<vmem>>
    %dma_start3A_198 = arith.constant 0 : i32
    %dma_start3A_199 = arith.constant 0 : i32
    %dma_start3A_200 = tpu.memref_slice %arg2[%dma_start3A_198, %dma_start3A_199] : memref<20480x16xf32, #tpu.memory_space<hbm>> -> memref<20480x16xf32, #tpu.memory_space<hbm>>
    tpu.enqueue_indirect_dma source(%dma_start3A_200 : memref<20480x16xf32, #tpu.memory_space<hbm>>) target(%arg15 : memref<1000x16xf32, #tpu.memory_space<vmem>>) offsets(%dma_start3A_197 : memref<1000xi32, #tpu.memory_space<vmem>>) semaphore(%arg28 : memref<!tpu.dma_semaphore, #tpu.memory_space<semaphore_mem>>)
    %dma_wait3A_201 = arith.constant 5 : i32
    %dma_wait3A_202 = arith.constant 0 : i32
    %dma_wait3A_203 = tpu.memref_slice %arg12[%dma_wait3A_201, %dma_wait3A_202] : memref<20x1000xi32, #tpu.memory_space<vmem>> -> memref<1x1000xi32, #tpu.memory_space<vmem>>
    %dma_wait3A_204 = tpu.memref_squeeze %dma_wait3A_203 : memref<1x1000xi32, #tpu.memory_space<vmem>> -> memref<1000xi32, #tpu.memory_space<vmem>>
    %dma_wait3A_205 = arith.constant 0 : i32
    %dma_wait3A_206 = arith.constant 0 : i32
    %dma_wait3A_207 = tpu.memref_slice %arg2[%dma_wait3A_205, %dma_wait3A_206] : memref<20480x16xf32, #tpu.memory_space<hbm>> -> memref<20480x16xf32, #tpu.memory_space<hbm>>
    tpu.wait_indirect_dma semaphore(%arg28 : memref<!tpu.dma_semaphore, #tpu.memory_space<semaphore_mem>>) src(%dma_wait3A_207 : memref<20480x16xf32, #tpu.memory_space<hbm>>) dst(%arg15 : memref<1000x16xf32, #tpu.memory_space<vmem>>)
    %dma_start3A_208 = arith.constant 5 : i32
    %dma_start3A_209 = arith.constant 0 : i32
    %dma_start3A_210 = tpu.memref_slice %arg13[%dma_start3A_208, %dma_start3A_209] : memref<20x1000xi32, #tpu.memory_space<vmem>> -> memref<1x1000xi32, #tpu.memory_space<vmem>>
    %dma_start3A_211 = tpu.memref_squeeze %dma_start3A_210 : memref<1x1000xi32, #tpu.memory_space<vmem>> -> memref<1000xi32, #tpu.memory_space<vmem>>
    %dma_start3A_212 = arith.constant 0 : i32
    %dma_start3A_213 = arith.constant 0 : i32
    %dma_start3A_214 = tpu.memref_slice %arg10[%dma_start3A_212, %dma_start3A_213] : memref<10240x16xf32, #tpu.memory_space<vmem_shared>> -> memref<10240x16xf32, #tpu.memory_space<vmem_shared>>
    tpu.enqueue_indirect_dma source(%arg15 : memref<1000x16xf32, #tpu.memory_space<vmem>>) target(%dma_start3A_214 : memref<10240x16xf32, #tpu.memory_space<vmem_shared>>) offsets(%dma_start3A_211 : memref<1000xi32, #tpu.memory_space<vmem>>) semaphore(%arg30 : memref<!tpu.dma_semaphore, #tpu.memory_space<semaphore_mem>>) {add = true}
    %dma_wait3A_215 = arith.constant 4 : i32
    %dma_wait3A_216 = arith.constant 0 : i32
    %dma_wait3A_217 = tpu.memref_slice %arg13[%dma_wait3A_215, %dma_wait3A_216] : memref<20x1000xi32, #tpu.memory_space<vmem>> -> memref<1x1000xi32, #tpu.memory_space<vmem>>
    %dma_wait3A_218 = tpu.memref_squeeze %dma_wait3A_217 : memref<1x1000xi32, #tpu.memory_space<vmem>> -> memref<1000xi32, #tpu.memory_space<vmem>>
    %dma_wait3A_219 = arith.constant 0 : i32
    %dma_wait3A_220 = arith.constant 0 : i32
    %dma_wait3A_221 = tpu.memref_slice %arg10[%dma_wait3A_219, %dma_wait3A_220] : memref<10240x16xf32, #tpu.memory_space<vmem_shared>> -> memref<10240x16xf32, #tpu.memory_space<vmem_shared>>
    tpu.wait_indirect_dma semaphore(%arg29 : memref<!tpu.dma_semaphore, #tpu.memory_space<semaphore_mem>>) src(%arg14 : memref<1000x16xf32, #tpu.memory_space<vmem>>) dst(%dma_wait3A_221 : memref<10240x16xf32, #tpu.memory_space<vmem_shared>>)
    %dma_start3A_222 = arith.constant 6 : i32
    %dma_start3A_223 = arith.constant 0 : i32
    %dma_start3A_224 = tpu.memref_slice %arg12[%dma_start3A_222, %dma_start3A_223] : memref<20x1000xi32, #tpu.memory_space<vmem>> -> memref<1x1000xi32, #tpu.memory_space<vmem>>
    %dma_start3A_225 = tpu.memref_squeeze %dma_start3A_224 : memref<1x1000xi32, #tpu.memory_space<vmem>> -> memref<1000xi32, #tpu.memory_space<vmem>>
    %dma_start3A_226 = arith.constant 0 : i32
    %dma_start3A_227 = arith.constant 0 : i32
    %dma_start3A_228 = tpu.memref_slice %arg2[%dma_start3A_226, %dma_start3A_227] : memref<20480x16xf32, #tpu.memory_space<hbm>> -> memref<20480x16xf32, #tpu.memory_space<hbm>>
    tpu.enqueue_indirect_dma source(%dma_start3A_228 : memref<20480x16xf32, #tpu.memory_space<hbm>>) target(%arg14 : memref<1000x16xf32, #tpu.memory_space<vmem>>) offsets(%dma_start3A_225 : memref<1000xi32, #tpu.memory_space<vmem>>) semaphore(%arg28 : memref<!tpu.dma_semaphore, #tpu.memory_space<semaphore_mem>>)
    %dma_wait3A_229 = arith.constant 6 : i32
    %dma_wait3A_230 = arith.constant 0 : i32
    %dma_wait3A_231 = tpu.memref_slice %arg12[%dma_wait3A_229, %dma_wait3A_230] : memref<20x1000xi32, #tpu.memory_space<vmem>> -> memref<1x1000xi32, #tpu.memory_space<vmem>>
    %dma_wait3A_232 = tpu.memref_squeeze %dma_wait3A_231 : memref<1x1000xi32, #tpu.memory_space<vmem>> -> memref<1000xi32, #tpu.memory_space<vmem>>
    %dma_wait3A_233 = arith.constant 0 : i32
    %dma_wait3A_234 = arith.constant 0 : i32
    %dma_wait3A_235 = tpu.memref_slice %arg2[%dma_wait3A_233, %dma_wait3A_234] : memref<20480x16xf32, #tpu.memory_space<hbm>> -> memref<20480x16xf32, #tpu.memory_space<hbm>>
    tpu.wait_indirect_dma semaphore(%arg28 : memref<!tpu.dma_semaphore, #tpu.memory_space<semaphore_mem>>) src(%dma_wait3A_235 : memref<20480x16xf32, #tpu.memory_space<hbm>>) dst(%arg14 : memref<1000x16xf32, #tpu.memory_space<vmem>>)
    %dma_start3A_236 = arith.constant 6 : i32
    %dma_start3A_237 = arith.constant 0 : i32
    %dma_start3A_238 = tpu.memref_slice %arg13[%dma_start3A_236, %dma_start3A_237] : memref<20x1000xi32, #tpu.memory_space<vmem>> -> memref<1x1000xi32, #tpu.memory_space<vmem>>
    %dma_start3A_239 = tpu.memref_squeeze %dma_start3A_238 : memref<1x1000xi32, #tpu.memory_space<vmem>> -> memref<1000xi32, #tpu.memory_space<vmem>>
    %dma_start3A_240 = arith.constant 0 : i32
    %dma_start3A_241 = arith.constant 0 : i32
    %dma_start3A_242 = tpu.memref_slice %arg10[%dma_start3A_240, %dma_start3A_241] : memref<10240x16xf32, #tpu.memory_space<vmem_shared>> -> memref<10240x16xf32, #tpu.memory_space<vmem_shared>>
    tpu.enqueue_indirect_dma source(%arg14 : memref<1000x16xf32, #tpu.memory_space<vmem>>) target(%dma_start3A_242 : memref<10240x16xf32, #tpu.memory_space<vmem_shared>>) offsets(%dma_start3A_239 : memref<1000xi32, #tpu.memory_space<vmem>>) semaphore(%arg29 : memref<!tpu.dma_semaphore, #tpu.memory_space<semaphore_mem>>) {add = true}
    %dma_wait3A_243 = arith.constant 5 : i32
    %dma_wait3A_244 = arith.constant 0 : i32
    %dma_wait3A_245 = tpu.memref_slice %arg13[%dma_wait3A_243, %dma_wait3A_244] : memref<20x1000xi32, #tpu.memory_space<vmem>> -> memref<1x1000xi32, #tpu.memory_space<vmem>>
    %dma_wait3A_246 = tpu.memref_squeeze %dma_wait3A_245 : memref<1x1000xi32, #tpu.memory_space<vmem>> -> memref<1000xi32, #tpu.memory_space<vmem>>
    %dma_wait3A_247 = arith.constant 0 : i32
    %dma_wait3A_248 = arith.constant 0 : i32
    %dma_wait3A_249 = tpu.memref_slice %arg10[%dma_wait3A_247, %dma_wait3A_248] : memref<10240x16xf32, #tpu.memory_space<vmem_shared>> -> memref<10240x16xf32, #tpu.memory_space<vmem_shared>>
    tpu.wait_indirect_dma semaphore(%arg30 : memref<!tpu.dma_semaphore, #tpu.memory_space<semaphore_mem>>) src(%arg15 : memref<1000x16xf32, #tpu.memory_space<vmem>>) dst(%dma_wait3A_249 : memref<10240x16xf32, #tpu.memory_space<vmem_shared>>)
    %dma_start3A_250 = arith.constant 7 : i32
    %dma_start3A_251 = arith.constant 0 : i32
    %dma_start3A_252 = tpu.memref_slice %arg12[%dma_start3A_250, %dma_start3A_251] : memref<20x1000xi32, #tpu.memory_space<vmem>> -> memref<1x1000xi32, #tpu.memory_space<vmem>>
    %dma_start3A_253 = tpu.memref_squeeze %dma_start3A_252 : memref<1x1000xi32, #tpu.memory_space<vmem>> -> memref<1000xi32, #tpu.memory_space<vmem>>
    %dma_start3A_254 = arith.constant 0 : i32
    %dma_start3A_255 = arith.constant 0 : i32
    %dma_start3A_256 = tpu.memref_slice %arg2[%dma_start3A_254, %dma_start3A_255] : memref<20480x16xf32, #tpu.memory_space<hbm>> -> memref<20480x16xf32, #tpu.memory_space<hbm>>
    tpu.enqueue_indirect_dma source(%dma_start3A_256 : memref<20480x16xf32, #tpu.memory_space<hbm>>) target(%arg15 : memref<1000x16xf32, #tpu.memory_space<vmem>>) offsets(%dma_start3A_253 : memref<1000xi32, #tpu.memory_space<vmem>>) semaphore(%arg28 : memref<!tpu.dma_semaphore, #tpu.memory_space<semaphore_mem>>)
    %dma_wait3A_257 = arith.constant 7 : i32
    %dma_wait3A_258 = arith.constant 0 : i32
    %dma_wait3A_259 = tpu.memref_slice %arg12[%dma_wait3A_257, %dma_wait3A_258] : memref<20x1000xi32, #tpu.memory_space<vmem>> -> memref<1x1000xi32, #tpu.memory_space<vmem>>
    %dma_wait3A_260 = tpu.memref_squeeze %dma_wait3A_259 : memref<1x1000xi32, #tpu.memory_space<vmem>> -> memref<1000xi32, #tpu.memory_space<vmem>>
    %dma_wait3A_261 = arith.constant 0 : i32
    %dma_wait3A_262 = arith.constant 0 : i32
    %dma_wait3A_263 = tpu.memref_slice %arg2[%dma_wait3A_261, %dma_wait3A_262] : memref<20480x16xf32, #tpu.memory_space<hbm>> -> memref<20480x16xf32, #tpu.memory_space<hbm>>
    tpu.wait_indirect_dma semaphore(%arg28 : memref<!tpu.dma_semaphore, #tpu.memory_space<semaphore_mem>>) src(%dma_wait3A_263 : memref<20480x16xf32, #tpu.memory_space<hbm>>) dst(%arg15 : memref<1000x16xf32, #tpu.memory_space<vmem>>)
    %dma_start3A_264 = arith.constant 7 : i32
    %dma_start3A_265 = arith.constant 0 : i32
    %dma_start3A_266 = tpu.memref_slice %arg13[%dma_start3A_264, %dma_start3A_265] : memref<20x1000xi32, #tpu.memory_space<vmem>> -> memref<1x1000xi32, #tpu.memory_space<vmem>>
    %dma_start3A_267 = tpu.memref_squeeze %dma_start3A_266 : memref<1x1000xi32, #tpu.memory_space<vmem>> -> memref<1000xi32, #tpu.memory_space<vmem>>
    %dma_start3A_268 = arith.constant 0 : i32
    %dma_start3A_269 = arith.constant 0 : i32
    %dma_start3A_270 = tpu.memref_slice %arg10[%dma_start3A_268, %dma_start3A_269] : memref<10240x16xf32, #tpu.memory_space<vmem_shared>> -> memref<10240x16xf32, #tpu.memory_space<vmem_shared>>
    tpu.enqueue_indirect_dma source(%arg15 : memref<1000x16xf32, #tpu.memory_space<vmem>>) target(%dma_start3A_270 : memref<10240x16xf32, #tpu.memory_space<vmem_shared>>) offsets(%dma_start3A_267 : memref<1000xi32, #tpu.memory_space<vmem>>) semaphore(%arg30 : memref<!tpu.dma_semaphore, #tpu.memory_space<semaphore_mem>>) {add = true}
    %dma_wait3A_271 = arith.constant 6 : i32
    %dma_wait3A_272 = arith.constant 0 : i32
    %dma_wait3A_273 = tpu.memref_slice %arg13[%dma_wait3A_271, %dma_wait3A_272] : memref<20x1000xi32, #tpu.memory_space<vmem>> -> memref<1x1000xi32, #tpu.memory_space<vmem>>
    %dma_wait3A_274 = tpu.memref_squeeze %dma_wait3A_273 : memref<1x1000xi32, #tpu.memory_space<vmem>> -> memref<1000xi32, #tpu.memory_space<vmem>>
    %dma_wait3A_275 = arith.constant 0 : i32
    %dma_wait3A_276 = arith.constant 0 : i32
    %dma_wait3A_277 = tpu.memref_slice %arg10[%dma_wait3A_275, %dma_wait3A_276] : memref<10240x16xf32, #tpu.memory_space<vmem_shared>> -> memref<10240x16xf32, #tpu.memory_space<vmem_shared>>
    tpu.wait_indirect_dma semaphore(%arg29 : memref<!tpu.dma_semaphore, #tpu.memory_space<semaphore_mem>>) src(%arg14 : memref<1000x16xf32, #tpu.memory_space<vmem>>) dst(%dma_wait3A_277 : memref<10240x16xf32, #tpu.memory_space<vmem_shared>>)
    %dma_start3A_278 = arith.constant 8 : i32
    %dma_start3A_279 = arith.constant 0 : i32
    %dma_start3A_280 = tpu.memref_slice %arg12[%dma_start3A_278, %dma_start3A_279] : memref<20x1000xi32, #tpu.memory_space<vmem>> -> memref<1x1000xi32, #tpu.memory_space<vmem>>
    %dma_start3A_281 = tpu.memref_squeeze %dma_start3A_280 : memref<1x1000xi32, #tpu.memory_space<vmem>> -> memref<1000xi32, #tpu.memory_space<vmem>>
    %dma_start3A_282 = arith.constant 0 : i32
    %dma_start3A_283 = arith.constant 0 : i32
    %dma_start3A_284 = tpu.memref_slice %arg2[%dma_start3A_282, %dma_start3A_283] : memref<20480x16xf32, #tpu.memory_space<hbm>> -> memref<20480x16xf32, #tpu.memory_space<hbm>>
    tpu.enqueue_indirect_dma source(%dma_start3A_284 : memref<20480x16xf32, #tpu.memory_space<hbm>>) target(%arg14 : memref<1000x16xf32, #tpu.memory_space<vmem>>) offsets(%dma_start3A_281 : memref<1000xi32, #tpu.memory_space<vmem>>) semaphore(%arg28 : memref<!tpu.dma_semaphore, #tpu.memory_space<semaphore_mem>>)
    %dma_wait3A_285 = arith.constant 8 : i32
    %dma_wait3A_286 = arith.constant 0 : i32
    %dma_wait3A_287 = tpu.memref_slice %arg12[%dma_wait3A_285, %dma_wait3A_286] : memref<20x1000xi32, #tpu.memory_space<vmem>> -> memref<1x1000xi32, #tpu.memory_space<vmem>>
    %dma_wait3A_288 = tpu.memref_squeeze %dma_wait3A_287 : memref<1x1000xi32, #tpu.memory_space<vmem>> -> memref<1000xi32, #tpu.memory_space<vmem>>
    %dma_wait3A_289 = arith.constant 0 : i32
    %dma_wait3A_290 = arith.constant 0 : i32
    %dma_wait3A_291 = tpu.memref_slice %arg2[%dma_wait3A_289, %dma_wait3A_290] : memref<20480x16xf32, #tpu.memory_space<hbm>> -> memref<20480x16xf32, #tpu.memory_space<hbm>>
    tpu.wait_indirect_dma semaphore(%arg28 : memref<!tpu.dma_semaphore, #tpu.memory_space<semaphore_mem>>) src(%dma_wait3A_291 : memref<20480x16xf32, #tpu.memory_space<hbm>>) dst(%arg14 : memref<1000x16xf32, #tpu.memory_space<vmem>>)
    %dma_start3A_292 = arith.constant 8 : i32
    %dma_start3A_293 = arith.constant 0 : i32
    %dma_start3A_294 = tpu.memref_slice %arg13[%dma_start3A_292, %dma_start3A_293] : memref<20x1000xi32, #tpu.memory_space<vmem>> -> memref<1x1000xi32, #tpu.memory_space<vmem>>
    %dma_start3A_295 = tpu.memref_squeeze %dma_start3A_294 : memref<1x1000xi32, #tpu.memory_space<vmem>> -> memref<1000xi32, #tpu.memory_space<vmem>>
    %dma_start3A_296 = arith.constant 0 : i32
    %dma_start3A_297 = arith.constant 0 : i32
    %dma_start3A_298 = tpu.memref_slice %arg10[%dma_start3A_296, %dma_start3A_297] : memref<10240x16xf32, #tpu.memory_space<vmem_shared>> -> memref<10240x16xf32, #tpu.memory_space<vmem_shared>>
    tpu.enqueue_indirect_dma source(%arg14 : memref<1000x16xf32, #tpu.memory_space<vmem>>) target(%dma_start3A_298 : memref<10240x16xf32, #tpu.memory_space<vmem_shared>>) offsets(%dma_start3A_295 : memref<1000xi32, #tpu.memory_space<vmem>>) semaphore(%arg29 : memref<!tpu.dma_semaphore, #tpu.memory_space<semaphore_mem>>) {add = true}
    %dma_wait3A_299 = arith.constant 7 : i32
    %dma_wait3A_300 = arith.constant 0 : i32
    %dma_wait3A_301 = tpu.memref_slice %arg13[%dma_wait3A_299, %dma_wait3A_300] : memref<20x1000xi32, #tpu.memory_space<vmem>> -> memref<1x1000xi32, #tpu.memory_space<vmem>>
    %dma_wait3A_302 = tpu.memref_squeeze %dma_wait3A_301 : memref<1x1000xi32, #tpu.memory_space<vmem>> -> memref<1000xi32, #tpu.memory_space<vmem>>
    %dma_wait3A_303 = arith.constant 0 : i32
    %dma_wait3A_304 = arith.constant 0 : i32
    %dma_wait3A_305 = tpu.memref_slice %arg10[%dma_wait3A_303, %dma_wait3A_304] : memref<10240x16xf32, #tpu.memory_space<vmem_shared>> -> memref<10240x16xf32, #tpu.memory_space<vmem_shared>>
    tpu.wait_indirect_dma semaphore(%arg30 : memref<!tpu.dma_semaphore, #tpu.memory_space<semaphore_mem>>) src(%arg15 : memref<1000x16xf32, #tpu.memory_space<vmem>>) dst(%dma_wait3A_305 : memref<10240x16xf32, #tpu.memory_space<vmem_shared>>)
    %dma_start3A_306 = arith.constant 9 : i32
    %dma_start3A_307 = arith.constant 0 : i32
    %dma_start3A_308 = tpu.memref_slice %arg12[%dma_start3A_306, %dma_start3A_307] : memref<20x1000xi32, #tpu.memory_space<vmem>> -> memref<1x1000xi32, #tpu.memory_space<vmem>>
    %dma_start3A_309 = tpu.memref_squeeze %dma_start3A_308 : memref<1x1000xi32, #tpu.memory_space<vmem>> -> memref<1000xi32, #tpu.memory_space<vmem>>
    %dma_start3A_310 = arith.constant 0 : i32
    %dma_start3A_311 = arith.constant 0 : i32
    %dma_start3A_312 = tpu.memref_slice %arg2[%dma_start3A_310, %dma_start3A_311] : memref<20480x16xf32, #tpu.memory_space<hbm>> -> memref<20480x16xf32, #tpu.memory_space<hbm>>
    tpu.enqueue_indirect_dma source(%dma_start3A_312 : memref<20480x16xf32, #tpu.memory_space<hbm>>) target(%arg15 : memref<1000x16xf32, #tpu.memory_space<vmem>>) offsets(%dma_start3A_309 : memref<1000xi32, #tpu.memory_space<vmem>>) semaphore(%arg28 : memref<!tpu.dma_semaphore, #tpu.memory_space<semaphore_mem>>)
    %dma_wait3A_313 = arith.constant 9 : i32
    %dma_wait3A_314 = arith.constant 0 : i32
    %dma_wait3A_315 = tpu.memref_slice %arg12[%dma_wait3A_313, %dma_wait3A_314] : memref<20x1000xi32, #tpu.memory_space<vmem>> -> memref<1x1000xi32, #tpu.memory_space<vmem>>
    %dma_wait3A_316 = tpu.memref_squeeze %dma_wait3A_315 : memref<1x1000xi32, #tpu.memory_space<vmem>> -> memref<1000xi32, #tpu.memory_space<vmem>>
    %dma_wait3A_317 = arith.constant 0 : i32
    %dma_wait3A_318 = arith.constant 0 : i32
    %dma_wait3A_319 = tpu.memref_slice %arg2[%dma_wait3A_317, %dma_wait3A_318] : memref<20480x16xf32, #tpu.memory_space<hbm>> -> memref<20480x16xf32, #tpu.memory_space<hbm>>
    tpu.wait_indirect_dma semaphore(%arg28 : memref<!tpu.dma_semaphore, #tpu.memory_space<semaphore_mem>>) src(%dma_wait3A_319 : memref<20480x16xf32, #tpu.memory_space<hbm>>) dst(%arg15 : memref<1000x16xf32, #tpu.memory_space<vmem>>)
    %dma_start3A_320 = arith.constant 9 : i32
    %dma_start3A_321 = arith.constant 0 : i32
    %dma_start3A_322 = tpu.memref_slice %arg13[%dma_start3A_320, %dma_start3A_321] : memref<20x1000xi32, #tpu.memory_space<vmem>> -> memref<1x1000xi32, #tpu.memory_space<vmem>>
    %dma_start3A_323 = tpu.memref_squeeze %dma_start3A_322 : memref<1x1000xi32, #tpu.memory_space<vmem>> -> memref<1000xi32, #tpu.memory_space<vmem>>
    %dma_start3A_324 = arith.constant 0 : i32
    %dma_start3A_325 = arith.constant 0 : i32
    %dma_start3A_326 = tpu.memref_slice %arg10[%dma_start3A_324, %dma_start3A_325] : memref<10240x16xf32, #tpu.memory_space<vmem_shared>> -> memref<10240x16xf32, #tpu.memory_space<vmem_shared>>
    tpu.enqueue_indirect_dma source(%arg15 : memref<1000x16xf32, #tpu.memory_space<vmem>>) target(%dma_start3A_326 : memref<10240x16xf32, #tpu.memory_space<vmem_shared>>) offsets(%dma_start3A_323 : memref<1000xi32, #tpu.memory_space<vmem>>) semaphore(%arg30 : memref<!tpu.dma_semaphore, #tpu.memory_space<semaphore_mem>>) {add = true}
    %dma_wait3A_327 = arith.constant 8 : i32
    %dma_wait3A_328 = arith.constant 0 : i32
    %dma_wait3A_329 = tpu.memref_slice %arg13[%dma_wait3A_327, %dma_wait3A_328] : memref<20x1000xi32, #tpu.memory_space<vmem>> -> memref<1x1000xi32, #tpu.memory_space<vmem>>
    %dma_wait3A_330 = tpu.memref_squeeze %dma_wait3A_329 : memref<1x1000xi32, #tpu.memory_space<vmem>> -> memref<1000xi32, #tpu.memory_space<vmem>>
    %dma_wait3A_331 = arith.constant 0 : i32
    %dma_wait3A_332 = arith.constant 0 : i32
    %dma_wait3A_333 = tpu.memref_slice %arg10[%dma_wait3A_331, %dma_wait3A_332] : memref<10240x16xf32, #tpu.memory_space<vmem_shared>> -> memref<10240x16xf32, #tpu.memory_space<vmem_shared>>
    tpu.wait_indirect_dma semaphore(%arg29 : memref<!tpu.dma_semaphore, #tpu.memory_space<semaphore_mem>>) src(%arg14 : memref<1000x16xf32, #tpu.memory_space<vmem>>) dst(%dma_wait3A_333 : memref<10240x16xf32, #tpu.memory_space<vmem_shared>>)
    %dma_start3A_334 = arith.constant 10 : i32
    %dma_start3A_335 = arith.constant 0 : i32
    %dma_start3A_336 = tpu.memref_slice %arg12[%dma_start3A_334, %dma_start3A_335] : memref<20x1000xi32, #tpu.memory_space<vmem>> -> memref<1x1000xi32, #tpu.memory_space<vmem>>
    %dma_start3A_337 = tpu.memref_squeeze %dma_start3A_336 : memref<1x1000xi32, #tpu.memory_space<vmem>> -> memref<1000xi32, #tpu.memory_space<vmem>>
    %dma_start3A_338 = arith.constant 0 : i32
    %dma_start3A_339 = arith.constant 0 : i32
    %dma_start3A_340 = tpu.memref_slice %arg2[%dma_start3A_338, %dma_start3A_339] : memref<20480x16xf32, #tpu.memory_space<hbm>> -> memref<20480x16xf32, #tpu.memory_space<hbm>>
    tpu.enqueue_indirect_dma source(%dma_start3A_340 : memref<20480x16xf32, #tpu.memory_space<hbm>>) target(%arg14 : memref<1000x16xf32, #tpu.memory_space<vmem>>) offsets(%dma_start3A_337 : memref<1000xi32, #tpu.memory_space<vmem>>) semaphore(%arg28 : memref<!tpu.dma_semaphore, #tpu.memory_space<semaphore_mem>>)
    %dma_wait3A_341 = arith.constant 10 : i32
    %dma_wait3A_342 = arith.constant 0 : i32
    %dma_wait3A_343 = tpu.memref_slice %arg12[%dma_wait3A_341, %dma_wait3A_342] : memref<20x1000xi32, #tpu.memory_space<vmem>> -> memref<1x1000xi32, #tpu.memory_space<vmem>>
    %dma_wait3A_344 = tpu.memref_squeeze %dma_wait3A_343 : memref<1x1000xi32, #tpu.memory_space<vmem>> -> memref<1000xi32, #tpu.memory_space<vmem>>
    %dma_wait3A_345 = arith.constant 0 : i32
    %dma_wait3A_346 = arith.constant 0 : i32
    %dma_wait3A_347 = tpu.memref_slice %arg2[%dma_wait3A_345, %dma_wait3A_346] : memref<20480x16xf32, #tpu.memory_space<hbm>> -> memref<20480x16xf32, #tpu.memory_space<hbm>>
    tpu.wait_indirect_dma semaphore(%arg28 : memref<!tpu.dma_semaphore, #tpu.memory_space<semaphore_mem>>) src(%dma_wait3A_347 : memref<20480x16xf32, #tpu.memory_space<hbm>>) dst(%arg14 : memref<1000x16xf32, #tpu.memory_space<vmem>>)
    %dma_start3A_348 = arith.constant 10 : i32
    %dma_start3A_349 = arith.constant 0 : i32
    %dma_start3A_350 = tpu.memref_slice %arg13[%dma_start3A_348, %dma_start3A_349] : memref<20x1000xi32, #tpu.memory_space<vmem>> -> memref<1x1000xi32, #tpu.memory_space<vmem>>
    %dma_start3A_351 = tpu.memref_squeeze %dma_start3A_350 : memref<1x1000xi32, #tpu.memory_space<vmem>> -> memref<1000xi32, #tpu.memory_space<vmem>>
    %dma_start3A_352 = arith.constant 0 : i32
    %dma_start3A_353 = arith.constant 0 : i32
    %dma_start3A_354 = tpu.memref_slice %arg10[%dma_start3A_352, %dma_start3A_353] : memref<10240x16xf32, #tpu.memory_space<vmem_shared>> -> memref<10240x16xf32, #tpu.memory_space<vmem_shared>>
    tpu.enqueue_indirect_dma source(%arg14 : memref<1000x16xf32, #tpu.memory_space<vmem>>) target(%dma_start3A_354 : memref<10240x16xf32, #tpu.memory_space<vmem_shared>>) offsets(%dma_start3A_351 : memref<1000xi32, #tpu.memory_space<vmem>>) semaphore(%arg29 : memref<!tpu.dma_semaphore, #tpu.memory_space<semaphore_mem>>) {add = true}
    %dma_wait3A_355 = arith.constant 9 : i32
    %dma_wait3A_356 = arith.constant 0 : i32
    %dma_wait3A_357 = tpu.memref_slice %arg13[%dma_wait3A_355, %dma_wait3A_356] : memref<20x1000xi32, #tpu.memory_space<vmem>> -> memref<1x1000xi32, #tpu.memory_space<vmem>>
    %dma_wait3A_358 = tpu.memref_squeeze %dma_wait3A_357 : memref<1x1000xi32, #tpu.memory_space<vmem>> -> memref<1000xi32, #tpu.memory_space<vmem>>
    %dma_wait3A_359 = arith.constant 0 : i32
    %dma_wait3A_360 = arith.constant 0 : i32
    %dma_wait3A_361 = tpu.memref_slice %arg10[%dma_wait3A_359, %dma_wait3A_360] : memref<10240x16xf32, #tpu.memory_space<vmem_shared>> -> memref<10240x16xf32, #tpu.memory_space<vmem_shared>>
    tpu.wait_indirect_dma semaphore(%arg30 : memref<!tpu.dma_semaphore, #tpu.memory_space<semaphore_mem>>) src(%arg15 : memref<1000x16xf32, #tpu.memory_space<vmem>>) dst(%dma_wait3A_361 : memref<10240x16xf32, #tpu.memory_space<vmem_shared>>)
    %dma_start3A_362 = arith.constant 11 : i32
    %dma_start3A_363 = arith.constant 0 : i32
    %dma_start3A_364 = tpu.memref_slice %arg12[%dma_start3A_362, %dma_start3A_363] : memref<20x1000xi32, #tpu.memory_space<vmem>> -> memref<1x1000xi32, #tpu.memory_space<vmem>>
    %dma_start3A_365 = tpu.memref_squeeze %dma_start3A_364 : memref<1x1000xi32, #tpu.memory_space<vmem>> -> memref<1000xi32, #tpu.memory_space<vmem>>
    %dma_start3A_366 = arith.constant 0 : i32
    %dma_start3A_367 = arith.constant 0 : i32
    %dma_start3A_368 = tpu.memref_slice %arg2[%dma_start3A_366, %dma_start3A_367] : memref<20480x16xf32, #tpu.memory_space<hbm>> -> memref<20480x16xf32, #tpu.memory_space<hbm>>
    tpu.enqueue_indirect_dma source(%dma_start3A_368 : memref<20480x16xf32, #tpu.memory_space<hbm>>) target(%arg15 : memref<1000x16xf32, #tpu.memory_space<vmem>>) offsets(%dma_start3A_365 : memref<1000xi32, #tpu.memory_space<vmem>>) semaphore(%arg28 : memref<!tpu.dma_semaphore, #tpu.memory_space<semaphore_mem>>)
    %dma_wait3A_369 = arith.constant 11 : i32
    %dma_wait3A_370 = arith.constant 0 : i32
    %dma_wait3A_371 = tpu.memref_slice %arg12[%dma_wait3A_369, %dma_wait3A_370] : memref<20x1000xi32, #tpu.memory_space<vmem>> -> memref<1x1000xi32, #tpu.memory_space<vmem>>
    %dma_wait3A_372 = tpu.memref_squeeze %dma_wait3A_371 : memref<1x1000xi32, #tpu.memory_space<vmem>> -> memref<1000xi32, #tpu.memory_space<vmem>>
    %dma_wait3A_373 = arith.constant 0 : i32
    %dma_wait3A_374 = arith.constant 0 : i32
    %dma_wait3A_375 = tpu.memref_slice %arg2[%dma_wait3A_373, %dma_wait3A_374] : memref<20480x16xf32, #tpu.memory_space<hbm>> -> memref<20480x16xf32, #tpu.memory_space<hbm>>
    tpu.wait_indirect_dma semaphore(%arg28 : memref<!tpu.dma_semaphore, #tpu.memory_space<semaphore_mem>>) src(%dma_wait3A_375 : memref<20480x16xf32, #tpu.memory_space<hbm>>) dst(%arg15 : memref<1000x16xf32, #tpu.memory_space<vmem>>)
    %dma_start3A_376 = arith.constant 11 : i32
    %dma_start3A_377 = arith.constant 0 : i32
    %dma_start3A_378 = tpu.memref_slice %arg13[%dma_start3A_376, %dma_start3A_377] : memref<20x1000xi32, #tpu.memory_space<vmem>> -> memref<1x1000xi32, #tpu.memory_space<vmem>>
    %dma_start3A_379 = tpu.memref_squeeze %dma_start3A_378 : memref<1x1000xi32, #tpu.memory_space<vmem>> -> memref<1000xi32, #tpu.memory_space<vmem>>
    %dma_start3A_380 = arith.constant 0 : i32
    %dma_start3A_381 = arith.constant 0 : i32
    %dma_start3A_382 = tpu.memref_slice %arg10[%dma_start3A_380, %dma_start3A_381] : memref<10240x16xf32, #tpu.memory_space<vmem_shared>> -> memref<10240x16xf32, #tpu.memory_space<vmem_shared>>
    tpu.enqueue_indirect_dma source(%arg15 : memref<1000x16xf32, #tpu.memory_space<vmem>>) target(%dma_start3A_382 : memref<10240x16xf32, #tpu.memory_space<vmem_shared>>) offsets(%dma_start3A_379 : memref<1000xi32, #tpu.memory_space<vmem>>) semaphore(%arg30 : memref<!tpu.dma_semaphore, #tpu.memory_space<semaphore_mem>>) {add = true}
    %dma_wait3A_383 = arith.constant 10 : i32
    %dma_wait3A_384 = arith.constant 0 : i32
    %dma_wait3A_385 = tpu.memref_slice %arg13[%dma_wait3A_383, %dma_wait3A_384] : memref<20x1000xi32, #tpu.memory_space<vmem>> -> memref<1x1000xi32, #tpu.memory_space<vmem>>
    %dma_wait3A_386 = tpu.memref_squeeze %dma_wait3A_385 : memref<1x1000xi32, #tpu.memory_space<vmem>> -> memref<1000xi32, #tpu.memory_space<vmem>>
    %dma_wait3A_387 = arith.constant 0 : i32
    %dma_wait3A_388 = arith.constant 0 : i32
    %dma_wait3A_389 = tpu.memref_slice %arg10[%dma_wait3A_387, %dma_wait3A_388] : memref<10240x16xf32, #tpu.memory_space<vmem_shared>> -> memref<10240x16xf32, #tpu.memory_space<vmem_shared>>
    tpu.wait_indirect_dma semaphore(%arg29 : memref<!tpu.dma_semaphore, #tpu.memory_space<semaphore_mem>>) src(%arg14 : memref<1000x16xf32, #tpu.memory_space<vmem>>) dst(%dma_wait3A_389 : memref<10240x16xf32, #tpu.memory_space<vmem_shared>>)
    %dma_start3A_390 = arith.constant 12 : i32
    %dma_start3A_391 = arith.constant 0 : i32
    %dma_start3A_392 = tpu.memref_slice %arg12[%dma_start3A_390, %dma_start3A_391] : memref<20x1000xi32, #tpu.memory_space<vmem>> -> memref<1x1000xi32, #tpu.memory_space<vmem>>
    %dma_start3A_393 = tpu.memref_squeeze %dma_start3A_392 : memref<1x1000xi32, #tpu.memory_space<vmem>> -> memref<1000xi32, #tpu.memory_space<vmem>>
    %dma_start3A_394 = arith.constant 0 : i32
    %dma_start3A_395 = arith.constant 0 : i32
    %dma_start3A_396 = tpu.memref_slice %arg2[%dma_start3A_394, %dma_start3A_395] : memref<20480x16xf32, #tpu.memory_space<hbm>> -> memref<20480x16xf32, #tpu.memory_space<hbm>>
    tpu.enqueue_indirect_dma source(%dma_start3A_396 : memref<20480x16xf32, #tpu.memory_space<hbm>>) target(%arg14 : memref<1000x16xf32, #tpu.memory_space<vmem>>) offsets(%dma_start3A_393 : memref<1000xi32, #tpu.memory_space<vmem>>) semaphore(%arg28 : memref<!tpu.dma_semaphore, #tpu.memory_space<semaphore_mem>>)
    %dma_wait3A_397 = arith.constant 12 : i32
    %dma_wait3A_398 = arith.constant 0 : i32
    %dma_wait3A_399 = tpu.memref_slice %arg12[%dma_wait3A_397, %dma_wait3A_398] : memref<20x1000xi32, #tpu.memory_space<vmem>> -> memref<1x1000xi32, #tpu.memory_space<vmem>>
    %dma_wait3A_400 = tpu.memref_squeeze %dma_wait3A_399 : memref<1x1000xi32, #tpu.memory_space<vmem>> -> memref<1000xi32, #tpu.memory_space<vmem>>
    %dma_wait3A_401 = arith.constant 0 : i32
    %dma_wait3A_402 = arith.constant 0 : i32
    %dma_wait3A_403 = tpu.memref_slice %arg2[%dma_wait3A_401, %dma_wait3A_402] : memref<20480x16xf32, #tpu.memory_space<hbm>> -> memref<20480x16xf32, #tpu.memory_space<hbm>>
    tpu.wait_indirect_dma semaphore(%arg28 : memref<!tpu.dma_semaphore, #tpu.memory_space<semaphore_mem>>) src(%dma_wait3A_403 : memref<20480x16xf32, #tpu.memory_space<hbm>>) dst(%arg14 : memref<1000x16xf32, #tpu.memory_space<vmem>>)
    %dma_start3A_404 = arith.constant 12 : i32
    %dma_start3A_405 = arith.constant 0 : i32
    %dma_start3A_406 = tpu.memref_slice %arg13[%dma_start3A_404, %dma_start3A_405] : memref<20x1000xi32, #tpu.memory_space<vmem>> -> memref<1x1000xi32, #tpu.memory_space<vmem>>
    %dma_start3A_407 = tpu.memref_squeeze %dma_start3A_406 : memref<1x1000xi32, #tpu.memory_space<vmem>> -> memref<1000xi32, #tpu.memory_space<vmem>>
    %dma_start3A_408 = arith.constant 0 : i32
    %dma_start3A_409 = arith.constant 0 : i32
    %dma_start3A_410 = tpu.memref_slice %arg10[%dma_start3A_408, %dma_start3A_409] : memref<10240x16xf32, #tpu.memory_space<vmem_shared>> -> memref<10240x16xf32, #tpu.memory_space<vmem_shared>>
    tpu.enqueue_indirect_dma source(%arg14 : memref<1000x16xf32, #tpu.memory_space<vmem>>) target(%dma_start3A_410 : memref<10240x16xf32, #tpu.memory_space<vmem_shared>>) offsets(%dma_start3A_407 : memref<1000xi32, #tpu.memory_space<vmem>>) semaphore(%arg29 : memref<!tpu.dma_semaphore, #tpu.memory_space<semaphore_mem>>) {add = true}
    %dma_wait3A_411 = arith.constant 11 : i32
    %dma_wait3A_412 = arith.constant 0 : i32
    %dma_wait3A_413 = tpu.memref_slice %arg13[%dma_wait3A_411, %dma_wait3A_412] : memref<20x1000xi32, #tpu.memory_space<vmem>> -> memref<1x1000xi32, #tpu.memory_space<vmem>>
    %dma_wait3A_414 = tpu.memref_squeeze %dma_wait3A_413 : memref<1x1000xi32, #tpu.memory_space<vmem>> -> memref<1000xi32, #tpu.memory_space<vmem>>
    %dma_wait3A_415 = arith.constant 0 : i32
    %dma_wait3A_416 = arith.constant 0 : i32
    %dma_wait3A_417 = tpu.memref_slice %arg10[%dma_wait3A_415, %dma_wait3A_416] : memref<10240x16xf32, #tpu.memory_space<vmem_shared>> -> memref<10240x16xf32, #tpu.memory_space<vmem_shared>>
    tpu.wait_indirect_dma semaphore(%arg30 : memref<!tpu.dma_semaphore, #tpu.memory_space<semaphore_mem>>) src(%arg15 : memref<1000x16xf32, #tpu.memory_space<vmem>>) dst(%dma_wait3A_417 : memref<10240x16xf32, #tpu.memory_space<vmem_shared>>)
    %dma_start3A_418 = arith.constant 13 : i32
    %dma_start3A_419 = arith.constant 0 : i32
    %dma_start3A_420 = tpu.memref_slice %arg12[%dma_start3A_418, %dma_start3A_419] : memref<20x1000xi32, #tpu.memory_space<vmem>> -> memref<1x1000xi32, #tpu.memory_space<vmem>>
    %dma_start3A_421 = tpu.memref_squeeze %dma_start3A_420 : memref<1x1000xi32, #tpu.memory_space<vmem>> -> memref<1000xi32, #tpu.memory_space<vmem>>
    %dma_start3A_422 = arith.constant 0 : i32
    %dma_start3A_423 = arith.constant 0 : i32
    %dma_start3A_424 = tpu.memref_slice %arg2[%dma_start3A_422, %dma_start3A_423] : memref<20480x16xf32, #tpu.memory_space<hbm>> -> memref<20480x16xf32, #tpu.memory_space<hbm>>
    tpu.enqueue_indirect_dma source(%dma_start3A_424 : memref<20480x16xf32, #tpu.memory_space<hbm>>) target(%arg15 : memref<1000x16xf32, #tpu.memory_space<vmem>>) offsets(%dma_start3A_421 : memref<1000xi32, #tpu.memory_space<vmem>>) semaphore(%arg28 : memref<!tpu.dma_semaphore, #tpu.memory_space<semaphore_mem>>)
    %dma_wait3A_425 = arith.constant 13 : i32
    %dma_wait3A_426 = arith.constant 0 : i32
    %dma_wait3A_427 = tpu.memref_slice %arg12[%dma_wait3A_425, %dma_wait3A_426] : memref<20x1000xi32, #tpu.memory_space<vmem>> -> memref<1x1000xi32, #tpu.memory_space<vmem>>
    %dma_wait3A_428 = tpu.memref_squeeze %dma_wait3A_427 : memref<1x1000xi32, #tpu.memory_space<vmem>> -> memref<1000xi32, #tpu.memory_space<vmem>>
    %dma_wait3A_429 = arith.constant 0 : i32
    %dma_wait3A_430 = arith.constant 0 : i32
    %dma_wait3A_431 = tpu.memref_slice %arg2[%dma_wait3A_429, %dma_wait3A_430] : memref<20480x16xf32, #tpu.memory_space<hbm>> -> memref<20480x16xf32, #tpu.memory_space<hbm>>
    tpu.wait_indirect_dma semaphore(%arg28 : memref<!tpu.dma_semaphore, #tpu.memory_space<semaphore_mem>>) src(%dma_wait3A_431 : memref<20480x16xf32, #tpu.memory_space<hbm>>) dst(%arg15 : memref<1000x16xf32, #tpu.memory_space<vmem>>)
    %dma_start3A_432 = arith.constant 13 : i32
    %dma_start3A_433 = arith.constant 0 : i32
    %dma_start3A_434 = tpu.memref_slice %arg13[%dma_start3A_432, %dma_start3A_433] : memref<20x1000xi32, #tpu.memory_space<vmem>> -> memref<1x1000xi32, #tpu.memory_space<vmem>>
    %dma_start3A_435 = tpu.memref_squeeze %dma_start3A_434 : memref<1x1000xi32, #tpu.memory_space<vmem>> -> memref<1000xi32, #tpu.memory_space<vmem>>
    %dma_start3A_436 = arith.constant 0 : i32
    %dma_start3A_437 = arith.constant 0 : i32
    %dma_start3A_438 = tpu.memref_slice %arg10[%dma_start3A_436, %dma_start3A_437] : memref<10240x16xf32, #tpu.memory_space<vmem_shared>> -> memref<10240x16xf32, #tpu.memory_space<vmem_shared>>
    tpu.enqueue_indirect_dma source(%arg15 : memref<1000x16xf32, #tpu.memory_space<vmem>>) target(%dma_start3A_438 : memref<10240x16xf32, #tpu.memory_space<vmem_shared>>) offsets(%dma_start3A_435 : memref<1000xi32, #tpu.memory_space<vmem>>) semaphore(%arg30 : memref<!tpu.dma_semaphore, #tpu.memory_space<semaphore_mem>>) {add = true}
    %dma_wait3A_439 = arith.constant 12 : i32
    %dma_wait3A_440 = arith.constant 0 : i32
    %dma_wait3A_441 = tpu.memref_slice %arg13[%dma_wait3A_439, %dma_wait3A_440] : memref<20x1000xi32, #tpu.memory_space<vmem>> -> memref<1x1000xi32, #tpu.memory_space<vmem>>
    %dma_wait3A_442 = tpu.memref_squeeze %dma_wait3A_441 : memref<1x1000xi32, #tpu.memory_space<vmem>> -> memref<1000xi32, #tpu.memory_space<vmem>>
    %dma_wait3A_443 = arith.constant 0 : i32
    %dma_wait3A_444 = arith.constant 0 : i32
    %dma_wait3A_445 = tpu.memref_slice %arg10[%dma_wait3A_443, %dma_wait3A_444] : memref<10240x16xf32, #tpu.memory_space<vmem_shared>> -> memref<10240x16xf32, #tpu.memory_space<vmem_shared>>
    tpu.wait_indirect_dma semaphore(%arg29 : memref<!tpu.dma_semaphore, #tpu.memory_space<semaphore_mem>>) src(%arg14 : memref<1000x16xf32, #tpu.memory_space<vmem>>) dst(%dma_wait3A_445 : memref<10240x16xf32, #tpu.memory_space<vmem_shared>>)
    %dma_start3A_446 = arith.constant 14 : i32
    %dma_start3A_447 = arith.constant 0 : i32
    %dma_start3A_448 = tpu.memref_slice %arg12[%dma_start3A_446, %dma_start3A_447] : memref<20x1000xi32, #tpu.memory_space<vmem>> -> memref<1x1000xi32, #tpu.memory_space<vmem>>
    %dma_start3A_449 = tpu.memref_squeeze %dma_start3A_448 : memref<1x1000xi32, #tpu.memory_space<vmem>> -> memref<1000xi32, #tpu.memory_space<vmem>>
    %dma_start3A_450 = arith.constant 0 : i32
    %dma_start3A_451 = arith.constant 0 : i32
    %dma_start3A_452 = tpu.memref_slice %arg2[%dma_start3A_450, %dma_start3A_451] : memref<20480x16xf32, #tpu.memory_space<hbm>> -> memref<20480x16xf32, #tpu.memory_space<hbm>>
    tpu.enqueue_indirect_dma source(%dma_start3A_452 : memref<20480x16xf32, #tpu.memory_space<hbm>>) target(%arg14 : memref<1000x16xf32, #tpu.memory_space<vmem>>) offsets(%dma_start3A_449 : memref<1000xi32, #tpu.memory_space<vmem>>) semaphore(%arg28 : memref<!tpu.dma_semaphore, #tpu.memory_space<semaphore_mem>>)
    %dma_wait3A_453 = arith.constant 14 : i32
    %dma_wait3A_454 = arith.constant 0 : i32
    %dma_wait3A_455 = tpu.memref_slice %arg12[%dma_wait3A_453, %dma_wait3A_454] : memref<20x1000xi32, #tpu.memory_space<vmem>> -> memref<1x1000xi32, #tpu.memory_space<vmem>>
    %dma_wait3A_456 = tpu.memref_squeeze %dma_wait3A_455 : memref<1x1000xi32, #tpu.memory_space<vmem>> -> memref<1000xi32, #tpu.memory_space<vmem>>
    %dma_wait3A_457 = arith.constant 0 : i32
    %dma_wait3A_458 = arith.constant 0 : i32
    %dma_wait3A_459 = tpu.memref_slice %arg2[%dma_wait3A_457, %dma_wait3A_458] : memref<20480x16xf32, #tpu.memory_space<hbm>> -> memref<20480x16xf32, #tpu.memory_space<hbm>>
    tpu.wait_indirect_dma semaphore(%arg28 : memref<!tpu.dma_semaphore, #tpu.memory_space<semaphore_mem>>) src(%dma_wait3A_459 : memref<20480x16xf32, #tpu.memory_space<hbm>>) dst(%arg14 : memref<1000x16xf32, #tpu.memory_space<vmem>>)
    %dma_start3A_460 = arith.constant 14 : i32
    %dma_start3A_461 = arith.constant 0 : i32
    %dma_start3A_462 = tpu.memref_slice %arg13[%dma_start3A_460, %dma_start3A_461] : memref<20x1000xi32, #tpu.memory_space<vmem>> -> memref<1x1000xi32, #tpu.memory_space<vmem>>
    %dma_start3A_463 = tpu.memref_squeeze %dma_start3A_462 : memref<1x1000xi32, #tpu.memory_space<vmem>> -> memref<1000xi32, #tpu.memory_space<vmem>>
    %dma_start3A_464 = arith.constant 0 : i32
    %dma_start3A_465 = arith.constant 0 : i32
    %dma_start3A_466 = tpu.memref_slice %arg10[%dma_start3A_464, %dma_start3A_465] : memref<10240x16xf32, #tpu.memory_space<vmem_shared>> -> memref<10240x16xf32, #tpu.memory_space<vmem_shared>>
    tpu.enqueue_indirect_dma source(%arg14 : memref<1000x16xf32, #tpu.memory_space<vmem>>) target(%dma_start3A_466 : memref<10240x16xf32, #tpu.memory_space<vmem_shared>>) offsets(%dma_start3A_463 : memref<1000xi32, #tpu.memory_space<vmem>>) semaphore(%arg29 : memref<!tpu.dma_semaphore, #tpu.memory_space<semaphore_mem>>) {add = true}
    %dma_wait3A_467 = arith.constant 13 : i32
    %dma_wait3A_468 = arith.constant 0 : i32
    %dma_wait3A_469 = tpu.memref_slice %arg13[%dma_wait3A_467, %dma_wait3A_468] : memref<20x1000xi32, #tpu.memory_space<vmem>> -> memref<1x1000xi32, #tpu.memory_space<vmem>>
    %dma_wait3A_470 = tpu.memref_squeeze %dma_wait3A_469 : memref<1x1000xi32, #tpu.memory_space<vmem>> -> memref<1000xi32, #tpu.memory_space<vmem>>
    %dma_wait3A_471 = arith.constant 0 : i32
    %dma_wait3A_472 = arith.constant 0 : i32
    %dma_wait3A_473 = tpu.memref_slice %arg10[%dma_wait3A_471, %dma_wait3A_472] : memref<10240x16xf32, #tpu.memory_space<vmem_shared>> -> memref<10240x16xf32, #tpu.memory_space<vmem_shared>>
    tpu.wait_indirect_dma semaphore(%arg30 : memref<!tpu.dma_semaphore, #tpu.memory_space<semaphore_mem>>) src(%arg15 : memref<1000x16xf32, #tpu.memory_space<vmem>>) dst(%dma_wait3A_473 : memref<10240x16xf32, #tpu.memory_space<vmem_shared>>)
    %dma_start3A_474 = arith.constant 15 : i32
    %dma_start3A_475 = arith.constant 0 : i32
    %dma_start3A_476 = tpu.memref_slice %arg12[%dma_start3A_474, %dma_start3A_475] : memref<20x1000xi32, #tpu.memory_space<vmem>> -> memref<1x1000xi32, #tpu.memory_space<vmem>>
    %dma_start3A_477 = tpu.memref_squeeze %dma_start3A_476 : memref<1x1000xi32, #tpu.memory_space<vmem>> -> memref<1000xi32, #tpu.memory_space<vmem>>
    %dma_start3A_478 = arith.constant 0 : i32
    %dma_start3A_479 = arith.constant 0 : i32
    %dma_start3A_480 = tpu.memref_slice %arg2[%dma_start3A_478, %dma_start3A_479] : memref<20480x16xf32, #tpu.memory_space<hbm>> -> memref<20480x16xf32, #tpu.memory_space<hbm>>
    tpu.enqueue_indirect_dma source(%dma_start3A_480 : memref<20480x16xf32, #tpu.memory_space<hbm>>) target(%arg15 : memref<1000x16xf32, #tpu.memory_space<vmem>>) offsets(%dma_start3A_477 : memref<1000xi32, #tpu.memory_space<vmem>>) semaphore(%arg28 : memref<!tpu.dma_semaphore, #tpu.memory_space<semaphore_mem>>)
    %dma_wait3A_481 = arith.constant 15 : i32
    %dma_wait3A_482 = arith.constant 0 : i32
    %dma_wait3A_483 = tpu.memref_slice %arg12[%dma_wait3A_481, %dma_wait3A_482] : memref<20x1000xi32, #tpu.memory_space<vmem>> -> memref<1x1000xi32, #tpu.memory_space<vmem>>
    %dma_wait3A_484 = tpu.memref_squeeze %dma_wait3A_483 : memref<1x1000xi32, #tpu.memory_space<vmem>> -> memref<1000xi32, #tpu.memory_space<vmem>>
    %dma_wait3A_485 = arith.constant 0 : i32
    %dma_wait3A_486 = arith.constant 0 : i32
    %dma_wait3A_487 = tpu.memref_slice %arg2[%dma_wait3A_485, %dma_wait3A_486] : memref<20480x16xf32, #tpu.memory_space<hbm>> -> memref<20480x16xf32, #tpu.memory_space<hbm>>
    tpu.wait_indirect_dma semaphore(%arg28 : memref<!tpu.dma_semaphore, #tpu.memory_space<semaphore_mem>>) src(%dma_wait3A_487 : memref<20480x16xf32, #tpu.memory_space<hbm>>) dst(%arg15 : memref<1000x16xf32, #tpu.memory_space<vmem>>)
    %dma_start3A_488 = arith.constant 15 : i32
    %dma_start3A_489 = arith.constant 0 : i32
    %dma_start3A_490 = tpu.memref_slice %arg13[%dma_start3A_488, %dma_start3A_489] : memref<20x1000xi32, #tpu.memory_space<vmem>> -> memref<1x1000xi32, #tpu.memory_space<vmem>>
    %dma_start3A_491 = tpu.memref_squeeze %dma_start3A_490 : memref<1x1000xi32, #tpu.memory_space<vmem>> -> memref<1000xi32, #tpu.memory_space<vmem>>
    %dma_start3A_492 = arith.constant 0 : i32
    %dma_start3A_493 = arith.constant 0 : i32
    %dma_start3A_494 = tpu.memref_slice %arg10[%dma_start3A_492, %dma_start3A_493] : memref<10240x16xf32, #tpu.memory_space<vmem_shared>> -> memref<10240x16xf32, #tpu.memory_space<vmem_shared>>
    tpu.enqueue_indirect_dma source(%arg15 : memref<1000x16xf32, #tpu.memory_space<vmem>>) target(%dma_start3A_494 : memref<10240x16xf32, #tpu.memory_space<vmem_shared>>) offsets(%dma_start3A_491 : memref<1000xi32, #tpu.memory_space<vmem>>) semaphore(%arg30 : memref<!tpu.dma_semaphore, #tpu.memory_space<semaphore_mem>>) {add = true}
    %dma_wait3A_495 = arith.constant 14 : i32
    %dma_wait3A_496 = arith.constant 0 : i32
    %dma_wait3A_497 = tpu.memref_slice %arg13[%dma_wait3A_495, %dma_wait3A_496] : memref<20x1000xi32, #tpu.memory_space<vmem>> -> memref<1x1000xi32, #tpu.memory_space<vmem>>
    %dma_wait3A_498 = tpu.memref_squeeze %dma_wait3A_497 : memref<1x1000xi32, #tpu.memory_space<vmem>> -> memref<1000xi32, #tpu.memory_space<vmem>>
    %dma_wait3A_499 = arith.constant 0 : i32
    %dma_wait3A_500 = arith.constant 0 : i32
    %dma_wait3A_501 = tpu.memref_slice %arg10[%dma_wait3A_499, %dma_wait3A_500] : memref<10240x16xf32, #tpu.memory_space<vmem_shared>> -> memref<10240x16xf32, #tpu.memory_space<vmem_shared>>
    tpu.wait_indirect_dma semaphore(%arg29 : memref<!tpu.dma_semaphore, #tpu.memory_space<semaphore_mem>>) src(%arg14 : memref<1000x16xf32, #tpu.memory_space<vmem>>) dst(%dma_wait3A_501 : memref<10240x16xf32, #tpu.memory_space<vmem_shared>>)
    %dma_start3A_502 = arith.constant 16 : i32
    %dma_start3A_503 = arith.constant 0 : i32
    %dma_start3A_504 = tpu.memref_slice %arg12[%dma_start3A_502, %dma_start3A_503] : memref<20x1000xi32, #tpu.memory_space<vmem>> -> memref<1x1000xi32, #tpu.memory_space<vmem>>
    %dma_start3A_505 = tpu.memref_squeeze %dma_start3A_504 : memref<1x1000xi32, #tpu.memory_space<vmem>> -> memref<1000xi32, #tpu.memory_space<vmem>>
    %dma_start3A_506 = arith.constant 0 : i32
    %dma_start3A_507 = arith.constant 0 : i32
    %dma_start3A_508 = tpu.memref_slice %arg2[%dma_start3A_506, %dma_start3A_507] : memref<20480x16xf32, #tpu.memory_space<hbm>> -> memref<20480x16xf32, #tpu.memory_space<hbm>>
    tpu.enqueue_indirect_dma source(%dma_start3A_508 : memref<20480x16xf32, #tpu.memory_space<hbm>>) target(%arg14 : memref<1000x16xf32, #tpu.memory_space<vmem>>) offsets(%dma_start3A_505 : memref<1000xi32, #tpu.memory_space<vmem>>) semaphore(%arg28 : memref<!tpu.dma_semaphore, #tpu.memory_space<semaphore_mem>>)
    %dma_wait3A_509 = arith.constant 16 : i32
    %dma_wait3A_510 = arith.constant 0 : i32
    %dma_wait3A_511 = tpu.memref_slice %arg12[%dma_wait3A_509, %dma_wait3A_510] : memref<20x1000xi32, #tpu.memory_space<vmem>> -> memref<1x1000xi32, #tpu.memory_space<vmem>>
    %dma_wait3A_512 = tpu.memref_squeeze %dma_wait3A_511 : memref<1x1000xi32, #tpu.memory_space<vmem>> -> memref<1000xi32, #tpu.memory_space<vmem>>
    %dma_wait3A_513 = arith.constant 0 : i32
    %dma_wait3A_514 = arith.constant 0 : i32
    %dma_wait3A_515 = tpu.memref_slice %arg2[%dma_wait3A_513, %dma_wait3A_514] : memref<20480x16xf32, #tpu.memory_space<hbm>> -> memref<20480x16xf32, #tpu.memory_space<hbm>>
    tpu.wait_indirect_dma semaphore(%arg28 : memref<!tpu.dma_semaphore, #tpu.memory_space<semaphore_mem>>) src(%dma_wait3A_515 : memref<20480x16xf32, #tpu.memory_space<hbm>>) dst(%arg14 : memref<1000x16xf32, #tpu.memory_space<vmem>>)
    %dma_start3A_516 = arith.constant 16 : i32
    %dma_start3A_517 = arith.constant 0 : i32
    %dma_start3A_518 = tpu.memref_slice %arg13[%dma_start3A_516, %dma_start3A_517] : memref<20x1000xi32, #tpu.memory_space<vmem>> -> memref<1x1000xi32, #tpu.memory_space<vmem>>
    %dma_start3A_519 = tpu.memref_squeeze %dma_start3A_518 : memref<1x1000xi32, #tpu.memory_space<vmem>> -> memref<1000xi32, #tpu.memory_space<vmem>>
    %dma_start3A_520 = arith.constant 0 : i32
    %dma_start3A_521 = arith.constant 0 : i32
    %dma_start3A_522 = tpu.memref_slice %arg10[%dma_start3A_520, %dma_start3A_521] : memref<10240x16xf32, #tpu.memory_space<vmem_shared>> -> memref<10240x16xf32, #tpu.memory_space<vmem_shared>>
    tpu.enqueue_indirect_dma source(%arg14 : memref<1000x16xf32, #tpu.memory_space<vmem>>) target(%dma_start3A_522 : memref<10240x16xf32, #tpu.memory_space<vmem_shared>>) offsets(%dma_start3A_519 : memref<1000xi32, #tpu.memory_space<vmem>>) semaphore(%arg29 : memref<!tpu.dma_semaphore, #tpu.memory_space<semaphore_mem>>) {add = true}
    %dma_wait3A_523 = arith.constant 15 : i32
    %dma_wait3A_524 = arith.constant 0 : i32
    %dma_wait3A_525 = tpu.memref_slice %arg13[%dma_wait3A_523, %dma_wait3A_524] : memref<20x1000xi32, #tpu.memory_space<vmem>> -> memref<1x1000xi32, #tpu.memory_space<vmem>>
    %dma_wait3A_526 = tpu.memref_squeeze %dma_wait3A_525 : memref<1x1000xi32, #tpu.memory_space<vmem>> -> memref<1000xi32, #tpu.memory_space<vmem>>
    %dma_wait3A_527 = arith.constant 0 : i32
    %dma_wait3A_528 = arith.constant 0 : i32
    %dma_wait3A_529 = tpu.memref_slice %arg10[%dma_wait3A_527, %dma_wait3A_528] : memref<10240x16xf32, #tpu.memory_space<vmem_shared>> -> memref<10240x16xf32, #tpu.memory_space<vmem_shared>>
    tpu.wait_indirect_dma semaphore(%arg30 : memref<!tpu.dma_semaphore, #tpu.memory_space<semaphore_mem>>) src(%arg15 : memref<1000x16xf32, #tpu.memory_space<vmem>>) dst(%dma_wait3A_529 : memref<10240x16xf32, #tpu.memory_space<vmem_shared>>)
    %dma_start3A_530 = arith.constant 17 : i32
    %dma_start3A_531 = arith.constant 0 : i32
    %dma_start3A_532 = tpu.memref_slice %arg12[%dma_start3A_530, %dma_start3A_531] : memref<20x1000xi32, #tpu.memory_space<vmem>> -> memref<1x1000xi32, #tpu.memory_space<vmem>>
    %dma_start3A_533 = tpu.memref_squeeze %dma_start3A_532 : memref<1x1000xi32, #tpu.memory_space<vmem>> -> memref<1000xi32, #tpu.memory_space<vmem>>
    %dma_start3A_534 = arith.constant 0 : i32
    %dma_start3A_535 = arith.constant 0 : i32
    %dma_start3A_536 = tpu.memref_slice %arg2[%dma_start3A_534, %dma_start3A_535] : memref<20480x16xf32, #tpu.memory_space<hbm>> -> memref<20480x16xf32, #tpu.memory_space<hbm>>
    tpu.enqueue_indirect_dma source(%dma_start3A_536 : memref<20480x16xf32, #tpu.memory_space<hbm>>) target(%arg15 : memref<1000x16xf32, #tpu.memory_space<vmem>>) offsets(%dma_start3A_533 : memref<1000xi32, #tpu.memory_space<vmem>>) semaphore(%arg28 : memref<!tpu.dma_semaphore, #tpu.memory_space<semaphore_mem>>)
    %dma_wait3A_537 = arith.constant 17 : i32
    %dma_wait3A_538 = arith.constant 0 : i32
    %dma_wait3A_539 = tpu.memref_slice %arg12[%dma_wait3A_537, %dma_wait3A_538] : memref<20x1000xi32, #tpu.memory_space<vmem>> -> memref<1x1000xi32, #tpu.memory_space<vmem>>
    %dma_wait3A_540 = tpu.memref_squeeze %dma_wait3A_539 : memref<1x1000xi32, #tpu.memory_space<vmem>> -> memref<1000xi32, #tpu.memory_space<vmem>>
    %dma_wait3A_541 = arith.constant 0 : i32
    %dma_wait3A_542 = arith.constant 0 : i32
    %dma_wait3A_543 = tpu.memref_slice %arg2[%dma_wait3A_541, %dma_wait3A_542] : memref<20480x16xf32, #tpu.memory_space<hbm>> -> memref<20480x16xf32, #tpu.memory_space<hbm>>
    tpu.wait_indirect_dma semaphore(%arg28 : memref<!tpu.dma_semaphore, #tpu.memory_space<semaphore_mem>>) src(%dma_wait3A_543 : memref<20480x16xf32, #tpu.memory_space<hbm>>) dst(%arg15 : memref<1000x16xf32, #tpu.memory_space<vmem>>)
    %dma_start3A_544 = arith.constant 17 : i32
    %dma_start3A_545 = arith.constant 0 : i32
    %dma_start3A_546 = tpu.memref_slice %arg13[%dma_start3A_544, %dma_start3A_545] : memref<20x1000xi32, #tpu.memory_space<vmem>> -> memref<1x1000xi32, #tpu.memory_space<vmem>>
    %dma_start3A_547 = tpu.memref_squeeze %dma_start3A_546 : memref<1x1000xi32, #tpu.memory_space<vmem>> -> memref<1000xi32, #tpu.memory_space<vmem>>
    %dma_start3A_548 = arith.constant 0 : i32
    %dma_start3A_549 = arith.constant 0 : i32
    %dma_start3A_550 = tpu.memref_slice %arg10[%dma_start3A_548, %dma_start3A_549] : memref<10240x16xf32, #tpu.memory_space<vmem_shared>> -> memref<10240x16xf32, #tpu.memory_space<vmem_shared>>
    tpu.enqueue_indirect_dma source(%arg15 : memref<1000x16xf32, #tpu.memory_space<vmem>>) target(%dma_start3A_550 : memref<10240x16xf32, #tpu.memory_space<vmem_shared>>) offsets(%dma_start3A_547 : memref<1000xi32, #tpu.memory_space<vmem>>) semaphore(%arg30 : memref<!tpu.dma_semaphore, #tpu.memory_space<semaphore_mem>>) {add = true}
    %dma_wait3A_551 = arith.constant 16 : i32
    %dma_wait3A_552 = arith.constant 0 : i32
    %dma_wait3A_553 = tpu.memref_slice %arg13[%dma_wait3A_551, %dma_wait3A_552] : memref<20x1000xi32, #tpu.memory_space<vmem>> -> memref<1x1000xi32, #tpu.memory_space<vmem>>
    %dma_wait3A_554 = tpu.memref_squeeze %dma_wait3A_553 : memref<1x1000xi32, #tpu.memory_space<vmem>> -> memref<1000xi32, #tpu.memory_space<vmem>>
    %dma_wait3A_555 = arith.constant 0 : i32
    %dma_wait3A_556 = arith.constant 0 : i32
    %dma_wait3A_557 = tpu.memref_slice %arg10[%dma_wait3A_555, %dma_wait3A_556] : memref<10240x16xf32, #tpu.memory_space<vmem_shared>> -> memref<10240x16xf32, #tpu.memory_space<vmem_shared>>
    tpu.wait_indirect_dma semaphore(%arg29 : memref<!tpu.dma_semaphore, #tpu.memory_space<semaphore_mem>>) src(%arg14 : memref<1000x16xf32, #tpu.memory_space<vmem>>) dst(%dma_wait3A_557 : memref<10240x16xf32, #tpu.memory_space<vmem_shared>>)
    %dma_start3A_558 = arith.constant 18 : i32
    %dma_start3A_559 = arith.constant 0 : i32
    %dma_start3A_560 = tpu.memref_slice %arg12[%dma_start3A_558, %dma_start3A_559] : memref<20x1000xi32, #tpu.memory_space<vmem>> -> memref<1x1000xi32, #tpu.memory_space<vmem>>
    %dma_start3A_561 = tpu.memref_squeeze %dma_start3A_560 : memref<1x1000xi32, #tpu.memory_space<vmem>> -> memref<1000xi32, #tpu.memory_space<vmem>>
    %dma_start3A_562 = arith.constant 0 : i32
    %dma_start3A_563 = arith.constant 0 : i32
    %dma_start3A_564 = tpu.memref_slice %arg2[%dma_start3A_562, %dma_start3A_563] : memref<20480x16xf32, #tpu.memory_space<hbm>> -> memref<20480x16xf32, #tpu.memory_space<hbm>>
    tpu.enqueue_indirect_dma source(%dma_start3A_564 : memref<20480x16xf32, #tpu.memory_space<hbm>>) target(%arg14 : memref<1000x16xf32, #tpu.memory_space<vmem>>) offsets(%dma_start3A_561 : memref<1000xi32, #tpu.memory_space<vmem>>) semaphore(%arg28 : memref<!tpu.dma_semaphore, #tpu.memory_space<semaphore_mem>>)
    %dma_wait3A_565 = arith.constant 18 : i32
    %dma_wait3A_566 = arith.constant 0 : i32
    %dma_wait3A_567 = tpu.memref_slice %arg12[%dma_wait3A_565, %dma_wait3A_566] : memref<20x1000xi32, #tpu.memory_space<vmem>> -> memref<1x1000xi32, #tpu.memory_space<vmem>>
    %dma_wait3A_568 = tpu.memref_squeeze %dma_wait3A_567 : memref<1x1000xi32, #tpu.memory_space<vmem>> -> memref<1000xi32, #tpu.memory_space<vmem>>
    %dma_wait3A_569 = arith.constant 0 : i32
    %dma_wait3A_570 = arith.constant 0 : i32
    %dma_wait3A_571 = tpu.memref_slice %arg2[%dma_wait3A_569, %dma_wait3A_570] : memref<20480x16xf32, #tpu.memory_space<hbm>> -> memref<20480x16xf32, #tpu.memory_space<hbm>>
    tpu.wait_indirect_dma semaphore(%arg28 : memref<!tpu.dma_semaphore, #tpu.memory_space<semaphore_mem>>) src(%dma_wait3A_571 : memref<20480x16xf32, #tpu.memory_space<hbm>>) dst(%arg14 : memref<1000x16xf32, #tpu.memory_space<vmem>>)
    %dma_start3A_572 = arith.constant 18 : i32
    %dma_start3A_573 = arith.constant 0 : i32
    %dma_start3A_574 = tpu.memref_slice %arg13[%dma_start3A_572, %dma_start3A_573] : memref<20x1000xi32, #tpu.memory_space<vmem>> -> memref<1x1000xi32, #tpu.memory_space<vmem>>
    %dma_start3A_575 = tpu.memref_squeeze %dma_start3A_574 : memref<1x1000xi32, #tpu.memory_space<vmem>> -> memref<1000xi32, #tpu.memory_space<vmem>>
    %dma_start3A_576 = arith.constant 0 : i32
    %dma_start3A_577 = arith.constant 0 : i32
    %dma_start3A_578 = tpu.memref_slice %arg10[%dma_start3A_576, %dma_start3A_577] : memref<10240x16xf32, #tpu.memory_space<vmem_shared>> -> memref<10240x16xf32, #tpu.memory_space<vmem_shared>>
    tpu.enqueue_indirect_dma source(%arg14 : memref<1000x16xf32, #tpu.memory_space<vmem>>) target(%dma_start3A_578 : memref<10240x16xf32, #tpu.memory_space<vmem_shared>>) offsets(%dma_start3A_575 : memref<1000xi32, #tpu.memory_space<vmem>>) semaphore(%arg29 : memref<!tpu.dma_semaphore, #tpu.memory_space<semaphore_mem>>) {add = true}
    %dma_wait3A_579 = arith.constant 17 : i32
    %dma_wait3A_580 = arith.constant 0 : i32
    %dma_wait3A_581 = tpu.memref_slice %arg13[%dma_wait3A_579, %dma_wait3A_580] : memref<20x1000xi32, #tpu.memory_space<vmem>> -> memref<1x1000xi32, #tpu.memory_space<vmem>>
    %dma_wait3A_582 = tpu.memref_squeeze %dma_wait3A_581 : memref<1x1000xi32, #tpu.memory_space<vmem>> -> memref<1000xi32, #tpu.memory_space<vmem>>
    %dma_wait3A_583 = arith.constant 0 : i32
    %dma_wait3A_584 = arith.constant 0 : i32
    %dma_wait3A_585 = tpu.memref_slice %arg10[%dma_wait3A_583, %dma_wait3A_584] : memref<10240x16xf32, #tpu.memory_space<vmem_shared>> -> memref<10240x16xf32, #tpu.memory_space<vmem_shared>>
    tpu.wait_indirect_dma semaphore(%arg30 : memref<!tpu.dma_semaphore, #tpu.memory_space<semaphore_mem>>) src(%arg15 : memref<1000x16xf32, #tpu.memory_space<vmem>>) dst(%dma_wait3A_585 : memref<10240x16xf32, #tpu.memory_space<vmem_shared>>)
    %dma_start3A_586 = arith.constant 19 : i32
    %dma_start3A_587 = arith.constant 0 : i32
    %dma_start3A_588 = tpu.memref_slice %arg12[%dma_start3A_586, %dma_start3A_587] : memref<20x1000xi32, #tpu.memory_space<vmem>> -> memref<1x1000xi32, #tpu.memory_space<vmem>>
    %dma_start3A_589 = tpu.memref_squeeze %dma_start3A_588 : memref<1x1000xi32, #tpu.memory_space<vmem>> -> memref<1000xi32, #tpu.memory_space<vmem>>
    %dma_start3A_590 = arith.constant 0 : i32
    %dma_start3A_591 = arith.constant 0 : i32
    %dma_start3A_592 = tpu.memref_slice %arg2[%dma_start3A_590, %dma_start3A_591] : memref<20480x16xf32, #tpu.memory_space<hbm>> -> memref<20480x16xf32, #tpu.memory_space<hbm>>
    tpu.enqueue_indirect_dma source(%dma_start3A_592 : memref<20480x16xf32, #tpu.memory_space<hbm>>) target(%arg15 : memref<1000x16xf32, #tpu.memory_space<vmem>>) offsets(%dma_start3A_589 : memref<1000xi32, #tpu.memory_space<vmem>>) semaphore(%arg28 : memref<!tpu.dma_semaphore, #tpu.memory_space<semaphore_mem>>)
    %dma_wait3A_593 = arith.constant 19 : i32
    %dma_wait3A_594 = arith.constant 0 : i32
    %dma_wait3A_595 = tpu.memref_slice %arg12[%dma_wait3A_593, %dma_wait3A_594] : memref<20x1000xi32, #tpu.memory_space<vmem>> -> memref<1x1000xi32, #tpu.memory_space<vmem>>
    %dma_wait3A_596 = tpu.memref_squeeze %dma_wait3A_595 : memref<1x1000xi32, #tpu.memory_space<vmem>> -> memref<1000xi32, #tpu.memory_space<vmem>>
    %dma_wait3A_597 = arith.constant 0 : i32
    %dma_wait3A_598 = arith.constant 0 : i32
    %dma_wait3A_599 = tpu.memref_slice %arg2[%dma_wait3A_597, %dma_wait3A_598] : memref<20480x16xf32, #tpu.memory_space<hbm>> -> memref<20480x16xf32, #tpu.memory_space<hbm>>
    tpu.wait_indirect_dma semaphore(%arg28 : memref<!tpu.dma_semaphore, #tpu.memory_space<semaphore_mem>>) src(%dma_wait3A_599 : memref<20480x16xf32, #tpu.memory_space<hbm>>) dst(%arg15 : memref<1000x16xf32, #tpu.memory_space<vmem>>)
    %dma_start3A_600 = arith.constant 19 : i32
    %dma_start3A_601 = arith.constant 0 : i32
    %dma_start3A_602 = tpu.memref_slice %arg13[%dma_start3A_600, %dma_start3A_601] : memref<20x1000xi32, #tpu.memory_space<vmem>> -> memref<1x1000xi32, #tpu.memory_space<vmem>>
    %dma_start3A_603 = tpu.memref_squeeze %dma_start3A_602 : memref<1x1000xi32, #tpu.memory_space<vmem>> -> memref<1000xi32, #tpu.memory_space<vmem>>
    %dma_start3A_604 = arith.constant 0 : i32
    %dma_start3A_605 = arith.constant 0 : i32
    %dma_start3A_606 = tpu.memref_slice %arg10[%dma_start3A_604, %dma_start3A_605] : memref<10240x16xf32, #tpu.memory_space<vmem_shared>> -> memref<10240x16xf32, #tpu.memory_space<vmem_shared>>
    tpu.enqueue_indirect_dma source(%arg15 : memref<1000x16xf32, #tpu.memory_space<vmem>>) target(%dma_start3A_606 : memref<10240x16xf32, #tpu.memory_space<vmem_shared>>) offsets(%dma_start3A_603 : memref<1000xi32, #tpu.memory_space<vmem>>) semaphore(%arg30 : memref<!tpu.dma_semaphore, #tpu.memory_space<semaphore_mem>>) {add = true}
    %dma_wait3A_607 = arith.constant 19 : i32
    %dma_wait3A_608 = arith.constant 0 : i32
    %dma_wait3A_609 = tpu.memref_slice %arg13[%dma_wait3A_607, %dma_wait3A_608] : memref<20x1000xi32, #tpu.memory_space<vmem>> -> memref<1x1000xi32, #tpu.memory_space<vmem>>
    %dma_wait3A_610 = tpu.memref_squeeze %dma_wait3A_609 : memref<1x1000xi32, #tpu.memory_space<vmem>> -> memref<1000xi32, #tpu.memory_space<vmem>>
    %dma_wait3A_611 = arith.constant 0 : i32
    %dma_wait3A_612 = arith.constant 0 : i32
    %dma_wait3A_613 = tpu.memref_slice %arg10[%dma_wait3A_611, %dma_wait3A_612] : memref<10240x16xf32, #tpu.memory_space<vmem_shared>> -> memref<10240x16xf32, #tpu.memory_space<vmem_shared>>
    tpu.wait_indirect_dma semaphore(%arg30 : memref<!tpu.dma_semaphore, #tpu.memory_space<semaphore_mem>>) src(%arg15 : memref<1000x16xf32, #tpu.memory_space<vmem>>) dst(%dma_wait3A_613 : memref<10240x16xf32, #tpu.memory_space<vmem_shared>>)
    %dma_wait3A_614 = arith.constant 18 : i32
    %dma_wait3A_615 = arith.constant 0 : i32
    %dma_wait3A_616 = tpu.memref_slice %arg13[%dma_wait3A_614, %dma_wait3A_615] : memref<20x1000xi32, #tpu.memory_space<vmem>> -> memref<1x1000xi32, #tpu.memory_space<vmem>>
    %dma_wait3A_617 = tpu.memref_squeeze %dma_wait3A_616 : memref<1x1000xi32, #tpu.memory_space<vmem>> -> memref<1000xi32, #tpu.memory_space<vmem>>
    %dma_wait3A_618 = arith.constant 0 : i32
    %dma_wait3A_619 = arith.constant 0 : i32
    %dma_wait3A_620 = tpu.memref_slice %arg10[%dma_wait3A_618, %dma_wait3A_619] : memref<10240x16xf32, #tpu.memory_space<vmem_shared>> -> memref<10240x16xf32, #tpu.memory_space<vmem_shared>>
    tpu.wait_indirect_dma semaphore(%arg29 : memref<!tpu.dma_semaphore, #tpu.memory_space<semaphore_mem>>) src(%arg14 : memref<1000x16xf32, #tpu.memory_space<vmem>>) dst(%dma_wait3A_620 : memref<10240x16xf32, #tpu.memory_space<vmem_shared>>)
    %barrier3A_621 = arith.constant 0 : index
    tpu.barrier barrier_id(%barrier3A_621)
    "tpu.region"() ({
      %run_scoped3A = tpu.sem_alloc : memref<!tpu.dma_semaphore, #tpu.memory_space<semaphore_mem>>
      %dma_start3A_683 = arith.constant 0 : i32
      %dma_start3A_684 = tpu.memref_slice %arg10[%mul3A_0, %dma_start3A_683] : memref<10240x16xf32, #tpu.memory_space<vmem_shared>> -> memref<640x16xf32, #tpu.memory_space<vmem_shared>>
      %dma_start3A_685 = arith.constant 0 : i32
      %dma_start3A_686 = tpu.memref_slice %arg10[%mul3A_0, %dma_start3A_685] : memref<10240x16xf32, #tpu.memory_space<vmem_shared>> -> memref<640x16xf32, #tpu.memory_space<vmem_shared>>
      tpu.enqueue_dma source(%dma_start3A_686 : memref<640x16xf32, #tpu.memory_space<vmem_shared>>) target(%arg17 : memref<640x16xf32, #tpu.memory_space<vmem>>) target_semaphore(%run_scoped3A : memref<!tpu.dma_semaphore, #tpu.memory_space<semaphore_mem>>)
      %dma_wait3A_687 = arith.constant 0 : i32
      %dma_wait3A_688 = tpu.memref_slice %arg10[%mul3A_0, %dma_wait3A_687] : memref<10240x16xf32, #tpu.memory_space<vmem_shared>> -> memref<640x16xf32, #tpu.memory_space<vmem_shared>>
      %dma_wait3A_689 = arith.constant 0 : i32
      %dma_wait3A_690 = tpu.memref_slice %arg10[%mul3A_0, %dma_wait3A_689] : memref<10240x16xf32, #tpu.memory_space<vmem_shared>> -> memref<640x16xf32, #tpu.memory_space<vmem_shared>>
      tpu.wait_dma2 semaphore(%run_scoped3A : memref<!tpu.dma_semaphore, #tpu.memory_space<semaphore_mem>>) src(%dma_wait3A_690 : memref<640x16xf32, #tpu.memory_space<vmem_shared>>) dst(%arg17 : memref<640x16xf32, #tpu.memory_space<vmem>>)
      tpu.yield
    }) : () -> ()
    %dma_wait3A_622 = arith.constant 0 : i32
    %dma_wait3A_623 = tpu.memref_slice %arg2[%add3A, %dma_wait3A_622] : memref<20480x16xf32, #tpu.memory_space<hbm>> -> memref<640x16xf32, #tpu.memory_space<hbm>>
    %dma_wait3A_624 = arith.constant 0 : i32
    %dma_wait3A_625 = tpu.memref_slice %arg2[%add3A, %dma_wait3A_624] : memref<20480x16xf32, #tpu.memory_space<hbm>> -> memref<640x16xf32, #tpu.memory_space<hbm>>
    tpu.wait_dma2 semaphore(%arg31 : memref<!tpu.dma_semaphore, #tpu.memory_space<semaphore_mem>>) src(%dma_wait3A_625 : memref<640x16xf32, #tpu.memory_space<hbm>>) dst(%arg16 : memref<640x16xf32, #tpu.memory_space<vmem>>)
    %dma_wait3A_626 = tpu.memref_slice %arg6[%mul3A_0] : memref<10240xf32, #tpu.memory_space<hbm>> -> memref<640xf32, #tpu.memory_space<hbm>>
    %dma_wait3A_627 = tpu.memref_slice %arg6[%mul3A_0] : memref<10240xf32, #tpu.memory_space<hbm>> -> memref<640xf32, #tpu.memory_space<hbm>>
    tpu.wait_dma2 semaphore(%arg31 : memref<!tpu.dma_semaphore, #tpu.memory_space<semaphore_mem>>) src(%dma_wait3A_627 : memref<640xf32, #tpu.memory_space<hbm>>) dst(%arg18 : memref<640xf32, #tpu.memory_space<vmem>>)
    %dma_wait3A_628 = arith.constant 0 : i32
    %dma_wait3A_629 = tpu.memref_slice %arg8[%arg1, %dma_wait3A_628] : memref<16x640xi32, #tpu.memory_space<hbm>> -> memref<1x640xi32, #tpu.memory_space<hbm>>
    %dma_wait3A_630 = tpu.memref_squeeze %dma_wait3A_629 : memref<1x640xi32, #tpu.memory_space<hbm>> -> memref<640xi32, #tpu.memory_space<hbm>>
    %dma_wait3A_631 = arith.constant 0 : i32
    %dma_wait3A_632 = tpu.memref_slice %arg8[%arg1, %dma_wait3A_631] : memref<16x640xi32, #tpu.memory_space<hbm>> -> memref<1x640xi32, #tpu.memory_space<hbm>>
    %dma_wait3A_633 = tpu.memref_squeeze %dma_wait3A_632 : memref<1x640xi32, #tpu.memory_space<hbm>> -> memref<640xi32, #tpu.memory_space<hbm>>
    tpu.wait_dma2 semaphore(%arg31 : memref<!tpu.dma_semaphore, #tpu.memory_space<semaphore_mem>>) src(%dma_wait3A_633 : memref<640xi32, #tpu.memory_space<hbm>>) dst(%arg19 : memref<640xi32, #tpu.memory_space<vmem>>)
    %dma_wait3A_634 = arith.constant 0 : i32
    %dma_wait3A_635 = tpu.memref_slice %arg7[%arg0, %dma_wait3A_634] : memref<2x16xf32, #tpu.memory_space<hbm>> -> memref<1x16xf32, #tpu.memory_space<hbm>>
    %dma_wait3A_636 = tpu.memref_squeeze %dma_wait3A_635 : memref<1x16xf32, #tpu.memory_space<hbm>> -> memref<16xf32, #tpu.memory_space<hbm>>
    %dma_wait3A_637 = arith.constant 0 : i32
    %dma_wait3A_638 = tpu.memref_slice %arg7[%arg0, %dma_wait3A_637] : memref<2x16xf32, #tpu.memory_space<hbm>> -> memref<1x16xf32, #tpu.memory_space<hbm>>
    %dma_wait3A_639 = tpu.memref_squeeze %dma_wait3A_638 : memref<1x16xf32, #tpu.memory_space<hbm>> -> memref<16xf32, #tpu.memory_space<hbm>>
    tpu.wait_dma2 semaphore(%arg31 : memref<!tpu.dma_semaphore, #tpu.memory_space<semaphore_mem>>) src(%dma_wait3A_639 : memref<16xf32, #tpu.memory_space<hbm>>) dst(%arg20 : memref<16xf32, #tpu.memory_space<vmem>>)
    %broadcast_in_dim3A = arith.constant 0.000000e+00 : f32
    %broadcast_in_dim3A_640 = vector.broadcast %broadcast_in_dim3A : f32 to vector<16xf32>
    %broadcast_in_dim3A_641 = arith.constant 1.000000e+00 : f32
    %broadcast_in_dim3A_642 = vector.broadcast %broadcast_in_dim3A_641 : f32 to vector<16xf32>
    %iota3A = tpu.iota {dimensions = array<i32: 0>} : vector<16xi32>
    %convert_element_type3A = arith.sitofp %iota3A : vector<16xi32> to vector<16xf32>
    %get3A = arith.constant 0 : index
    %get3A_643 = tpu.vector_load %arg20[%get3A] {strides = array<i32>} : memref<16xf32, #tpu.memory_space<vmem>>, vector<16xf32>,
    %get3A_644 = vector.shape_cast %get3A_643 : vector<16xf32> to vector<16xf32>
    %scan3A = arith.constant 0 : i32
    %scan3A_645 = arith.constant 40 : i32
    %scan3A_646 = arith.addi %scan3A, %scan3A_645 : i32
    %scan3A_647 = arith.constant 1 : i32
    %scan3A_648:5 = scf.for %scan3A_683 = %scan3A to %scan3A_646 step %scan3A_647 iter_args(%scan3A_684 = %broadcast_in_dim3A_640, %scan3A_685 = %broadcast_in_dim3A_640, %scan3A_686 = %broadcast_in_dim3A_640, %scan3A_687 = %broadcast_in_dim3A_640, %scan3A_688 = %broadcast_in_dim3A_640) -> (vector<16xf32>, vector<16xf32>, vector<16xf32>, vector<16xf32>, vector<16xf32>)  : i32 {
      %mul3A_689 = arith.constant 16 : i32
      %mul3A_690 = arith.muli %scan3A_683, %mul3A_689 : i32
      %get3A_691 = arith.index_cast %mul3A_690 : i32 to index
      %get3A_692 = tpu.vector_load %arg18[%get3A_691] {strides = array<i32>} : memref<640xf32, #tpu.memory_space<vmem>>, vector<16xf32>,
      %get3A_693 = vector.shape_cast %get3A_692 : vector<16xf32> to vector<16xf32>
      %mul3A_694 = arith.constant 16 : i32
      %mul3A_695 = arith.muli %scan3A_683, %mul3A_694 : i32
      %get3A_696 = arith.index_cast %mul3A_695 : i32 to index
      %get3A_697 = tpu.vector_load %arg19[%get3A_696] {strides = array<i32>} : memref<640xi32, #tpu.memory_space<vmem>>, vector<16xi32>,
      %get3A_698 = vector.shape_cast %get3A_697 : vector<16xi32> to vector<16xi32>
      %convert_element_type3A_699 = arith.sitofp %get3A_698 : vector<16xi32> to vector<16xf32>
      %mul3A_700 = arith.constant 16 : i32
      %mul3A_701 = arith.muli %scan3A_683, %mul3A_700 : i32
      %add3A_702 = arith.constant 0 : i32
      %add3A_703 = arith.addi %mul3A_701, %add3A_702 : i32
      %slice3A = vector.extract_strided_slice %get3A_693 {offsets = [0], sizes = [1], strides = [1]} : vector<16xf32> to vector<1xf32>
      %squeeze3A = vector.extract %slice3A[0] : f32 from vector<1xf32>
      %add3A_704 = vector.broadcast %squeeze3A : f32 to vector<16xf32>
      %add3A_705 = arith.addf %broadcast_in_dim3A_640, %add3A_704 : vector<16xf32>
      %get3A_706 = arith.index_cast %add3A_703 : i32 to index
      %get3A_707 = arith.constant 0 : index
      %get3A_708 = tpu.vector_load %arg17[%get3A_706, %get3A_707] {strides = array<i32>} : memref<640x16xf32, #tpu.memory_space<vmem>>, vector<1x16xf32>,
      %get3A_709 = vector.shape_cast %get3A_708 : vector<1x16xf32> to vector<16xf32>
      %get3A_710 = arith.index_cast %add3A_703 : i32 to index
      %get3A_711 = arith.constant 0 : index
      %get3A_712 = tpu.vector_load %arg16[%get3A_710, %get3A_711] {strides = array<i32>} : memref<640x16xf32, #tpu.memory_space<vmem>>, vector<1x16xf32>,
      %get3A_713 = vector.shape_cast %get3A_712 : vector<1x16xf32> to vector<16xf32>
      %add3A_714 = arith.addf %get3A_709, %get3A_713 : vector<16xf32>
      %mul3A_715 = arith.mulf %add3A_705, %add3A_714 : vector<16xf32>
      %add3A_716 = arith.addf %mul3A_715, %get3A_644 : vector<16xf32>
      %max3A = arith.constant 0.000000e+00 : f32
      %max3A_717 = vector.broadcast %max3A : f32 to vector<16xf32>
      %max3A_718 = arith.maximumf %add3A_716, %max3A_717 : vector<16xf32>
      %slice3A_719 = vector.extract_strided_slice %convert_element_type3A_699 {offsets = [0], sizes = [1], strides = [1]} : vector<16xf32> to vector<1xf32>
      %squeeze3A_720 = vector.extract %slice3A_719[0] : f32 from vector<1xf32>
      %add3A_721 = vector.broadcast %squeeze3A_720 : f32 to vector<16xf32>
      %add3A_722 = arith.addf %broadcast_in_dim3A_640, %add3A_721 : vector<16xf32>
      %sub3A = arith.subf %convert_element_type3A, %add3A_722 : vector<16xf32>
      %abs3A = math.absf %sub3A : vector<16xf32>
      %sub3A_723 = arith.subf %broadcast_in_dim3A_642, %abs3A : vector<16xf32>
      %max3A_724 = arith.constant 0.000000e+00 : f32
      %max3A_725 = vector.broadcast %max3A_724 : f32 to vector<16xf32>
      %max3A_726 = arith.maximumf %sub3A_723, %max3A_725 : vector<16xf32>
      %add3A_727 = arith.addf %scan3A_688, %max3A_726 : vector<16xf32>
      %sub3A_728 = arith.constant 0.000000e+00 : f32
      %sub3A_729 = vector.broadcast %sub3A_728 : f32 to vector<16xf32>
      %sub3A_730 = arith.subf %add3A_722, %sub3A_729 : vector<16xf32>
      %abs3A_731 = math.absf %sub3A_730 : vector<16xf32>
      %sub3A_732 = arith.subf %broadcast_in_dim3A_642, %abs3A_731 : vector<16xf32>
      %max3A_733 = arith.constant 0.000000e+00 : f32
      %max3A_734 = vector.broadcast %max3A_733 : f32 to vector<16xf32>
      %max3A_735 = arith.maximumf %sub3A_732, %max3A_734 : vector<16xf32>
      %mul3A_736 = arith.mulf %max3A_735, %max3A_718 : vector<16xf32>
      %add3A_737 = arith.addf %scan3A_684, %mul3A_736 : vector<16xf32>
      %sub3A_738 = arith.constant 1.000000e+00 : f32
      %sub3A_739 = vector.broadcast %sub3A_738 : f32 to vector<16xf32>
      %sub3A_740 = arith.subf %add3A_722, %sub3A_739 : vector<16xf32>
      %abs3A_741 = math.absf %sub3A_740 : vector<16xf32>
      %sub3A_742 = arith.subf %broadcast_in_dim3A_642, %abs3A_741 : vector<16xf32>
      %max3A_743 = arith.constant 0.000000e+00 : f32
      %max3A_744 = vector.broadcast %max3A_743 : f32 to vector<16xf32>
      %max3A_745 = arith.maximumf %sub3A_742, %max3A_744 : vector<16xf32>
      %mul3A_746 = arith.mulf %max3A_745, %max3A_718 : vector<16xf32>
      %add3A_747 = arith.addf %scan3A_685, %mul3A_746 : vector<16xf32>
      %sub3A_748 = arith.constant 2.000000e+00 : f32
      %sub3A_749 = vector.broadcast %sub3A_748 : f32 to vector<16xf32>
      %sub3A_750 = arith.subf %add3A_722, %sub3A_749 : vector<16xf32>
      %abs3A_751 = math.absf %sub3A_750 : vector<16xf32>
      %sub3A_752 = arith.subf %broadcast_in_dim3A_642, %abs3A_751 : vector<16xf32>
      %max3A_753 = arith.constant 0.000000e+00 : f32
      %max3A_754 = vector.broadcast %max3A_753 : f32 to vector<16xf32>
      %max3A_755 = arith.maximumf %sub3A_752, %max3A_754 : vector<16xf32>
      %mul3A_756 = arith.mulf %max3A_755, %max3A_718 : vector<16xf32>
      %add3A_757 = arith.addf %scan3A_686, %mul3A_756 : vector<16xf32>
      %sub3A_758 = arith.constant 3.000000e+00 : f32
      %sub3A_759 = vector.broadcast %sub3A_758 : f32 to vector<16xf32>
      %sub3A_760 = arith.subf %add3A_722, %sub3A_759 : vector<16xf32>
      %abs3A_761 = math.absf %sub3A_760 : vector<16xf32>
      %sub3A_762 = arith.subf %broadcast_in_dim3A_642, %abs3A_761 : vector<16xf32>
      %max3A_763 = arith.constant 0.000000e+00 : f32
      %max3A_764 = vector.broadcast %max3A_763 : f32 to vector<16xf32>
      %max3A_765 = arith.maximumf %sub3A_762, %max3A_764 : vector<16xf32>
      %mul3A_766 = arith.mulf %max3A_765, %max3A_718 : vector<16xf32>
      %add3A_767 = arith.addf %scan3A_687, %mul3A_766 : vector<16xf32>
      %mul3A_768 = arith.constant 16 : i32
      %mul3A_769 = arith.muli %scan3A_683, %mul3A_768 : i32
      %add3A_770 = arith.constant 1 : i32
      %add3A_771 = arith.addi %mul3A_769, %add3A_770 : i32
      %slice3A_772 = vector.extract_strided_slice %get3A_693 {offsets = [1], sizes = [1], strides = [1]} : vector<16xf32> to vector<1xf32>
      %squeeze3A_773 = vector.extract %slice3A_772[0] : f32 from vector<1xf32>
      %add3A_774 = vector.broadcast %squeeze3A_773 : f32 to vector<16xf32>
      %add3A_775 = arith.addf %broadcast_in_dim3A_640, %add3A_774 : vector<16xf32>
      %get3A_776 = arith.index_cast %add3A_771 : i32 to index
      %get3A_777 = arith.constant 0 : index
      %get3A_778 = tpu.vector_load %arg17[%get3A_776, %get3A_777] {strides = array<i32>} : memref<640x16xf32, #tpu.memory_space<vmem>>, vector<1x16xf32>,
      %get3A_779 = vector.shape_cast %get3A_778 : vector<1x16xf32> to vector<16xf32>
      %get3A_780 = arith.index_cast %add3A_771 : i32 to index
      %get3A_781 = arith.constant 0 : index
      %get3A_782 = tpu.vector_load %arg16[%get3A_780, %get3A_781] {strides = array<i32>} : memref<640x16xf32, #tpu.memory_space<vmem>>, vector<1x16xf32>,
      %get3A_783 = vector.shape_cast %get3A_782 : vector<1x16xf32> to vector<16xf32>
      %add3A_784 = arith.addf %get3A_779, %get3A_783 : vector<16xf32>
      %mul3A_785 = arith.mulf %add3A_775, %add3A_784 : vector<16xf32>
      %add3A_786 = arith.addf %mul3A_785, %get3A_644 : vector<16xf32>
      %max3A_787 = arith.constant 0.000000e+00 : f32
      %max3A_788 = vector.broadcast %max3A_787 : f32 to vector<16xf32>
      %max3A_789 = arith.maximumf %add3A_786, %max3A_788 : vector<16xf32>
      %slice3A_790 = vector.extract_strided_slice %convert_element_type3A_699 {offsets = [1], sizes = [1], strides = [1]} : vector<16xf32> to vector<1xf32>
      %squeeze3A_791 = vector.extract %slice3A_790[0] : f32 from vector<1xf32>
      %add3A_792 = vector.broadcast %squeeze3A_791 : f32 to vector<16xf32>
      %add3A_793 = arith.addf %broadcast_in_dim3A_640, %add3A_792 : vector<16xf32>
      %sub3A_794 = arith.subf %convert_element_type3A, %add3A_793 : vector<16xf32>
      %abs3A_795 = math.absf %sub3A_794 : vector<16xf32>
      %sub3A_796 = arith.subf %broadcast_in_dim3A_642, %abs3A_795 : vector<16xf32>
      %max3A_797 = arith.constant 0.000000e+00 : f32
      %max3A_798 = vector.broadcast %max3A_797 : f32 to vector<16xf32>
      %max3A_799 = arith.maximumf %sub3A_796, %max3A_798 : vector<16xf32>
      %add3A_800 = arith.addf %add3A_727, %max3A_799 : vector<16xf32>
      %sub3A_801 = arith.constant 0.000000e+00 : f32
      %sub3A_802 = vector.broadcast %sub3A_801 : f32 to vector<16xf32>
      %sub3A_803 = arith.subf %add3A_793, %sub3A_802 : vector<16xf32>
      %abs3A_804 = math.absf %sub3A_803 : vector<16xf32>
      %sub3A_805 = arith.subf %broadcast_in_dim3A_642, %abs3A_804 : vector<16xf32>
      %max3A_806 = arith.constant 0.000000e+00 : f32
      %max3A_807 = vector.broadcast %max3A_806 : f32 to vector<16xf32>
      %max3A_808 = arith.maximumf %sub3A_805, %max3A_807 : vector<16xf32>
      %mul3A_809 = arith.mulf %max3A_808, %max3A_789 : vector<16xf32>
      %add3A_810 = arith.addf %add3A_737, %mul3A_809 : vector<16xf32>
      %sub3A_811 = arith.constant 1.000000e+00 : f32
      %sub3A_812 = vector.broadcast %sub3A_811 : f32 to vector<16xf32>
      %sub3A_813 = arith.subf %add3A_793, %sub3A_812 : vector<16xf32>
      %abs3A_814 = math.absf %sub3A_813 : vector<16xf32>
      %sub3A_815 = arith.subf %broadcast_in_dim3A_642, %abs3A_814 : vector<16xf32>
      %max3A_816 = arith.constant 0.000000e+00 : f32
      %max3A_817 = vector.broadcast %max3A_816 : f32 to vector<16xf32>
      %max3A_818 = arith.maximumf %sub3A_815, %max3A_817 : vector<16xf32>
      %mul3A_819 = arith.mulf %max3A_818, %max3A_789 : vector<16xf32>
      %add3A_820 = arith.addf %add3A_747, %mul3A_819 : vector<16xf32>
      %sub3A_821 = arith.constant 2.000000e+00 : f32
      %sub3A_822 = vector.broadcast %sub3A_821 : f32 to vector<16xf32>
      %sub3A_823 = arith.subf %add3A_793, %sub3A_822 : vector<16xf32>
      %abs3A_824 = math.absf %sub3A_823 : vector<16xf32>
      %sub3A_825 = arith.subf %broadcast_in_dim3A_642, %abs3A_824 : vector<16xf32>
      %max3A_826 = arith.constant 0.000000e+00 : f32
      %max3A_827 = vector.broadcast %max3A_826 : f32 to vector<16xf32>
      %max3A_828 = arith.maximumf %sub3A_825, %max3A_827 : vector<16xf32>
      %mul3A_829 = arith.mulf %max3A_828, %max3A_789 : vector<16xf32>
      %add3A_830 = arith.addf %add3A_757, %mul3A_829 : vector<16xf32>
      %sub3A_831 = arith.constant 3.000000e+00 : f32
      %sub3A_832 = vector.broadcast %sub3A_831 : f32 to vector<16xf32>
      %sub3A_833 = arith.subf %add3A_793, %sub3A_832 : vector<16xf32>
      %abs3A_834 = math.absf %sub3A_833 : vector<16xf32>
      %sub3A_835 = arith.subf %broadcast_in_dim3A_642, %abs3A_834 : vector<16xf32>
      %max3A_836 = arith.constant 0.000000e+00 : f32
      %max3A_837 = vector.broadcast %max3A_836 : f32 to vector<16xf32>
      %max3A_838 = arith.maximumf %sub3A_835, %max3A_837 : vector<16xf32>
      %mul3A_839 = arith.mulf %max3A_838, %max3A_789 : vector<16xf32>
      %add3A_840 = arith.addf %add3A_767, %mul3A_839 : vector<16xf32>
      %mul3A_841 = arith.constant 16 : i32
      %mul3A_842 = arith.muli %scan3A_683, %mul3A_841 : i32
      %add3A_843 = arith.constant 2 : i32
      %add3A_844 = arith.addi %mul3A_842, %add3A_843 : i32
      %slice3A_845 = vector.extract_strided_slice %get3A_693 {offsets = [2], sizes = [1], strides = [1]} : vector<16xf32> to vector<1xf32>
      %squeeze3A_846 = vector.extract %slice3A_845[0] : f32 from vector<1xf32>
      %add3A_847 = vector.broadcast %squeeze3A_846 : f32 to vector<16xf32>
      %add3A_848 = arith.addf %broadcast_in_dim3A_640, %add3A_847 : vector<16xf32>
      %get3A_849 = arith.index_cast %add3A_844 : i32 to index
      %get3A_850 = arith.constant 0 : index
      %get3A_851 = tpu.vector_load %arg17[%get3A_849, %get3A_850] {strides = array<i32>} : memref<640x16xf32, #tpu.memory_space<vmem>>, vector<1x16xf32>,
      %get3A_852 = vector.shape_cast %get3A_851 : vector<1x16xf32> to vector<16xf32>
      %get3A_853 = arith.index_cast %add3A_844 : i32 to index
      %get3A_854 = arith.constant 0 : index
      %get3A_855 = tpu.vector_load %arg16[%get3A_853, %get3A_854] {strides = array<i32>} : memref<640x16xf32, #tpu.memory_space<vmem>>, vector<1x16xf32>,
      %get3A_856 = vector.shape_cast %get3A_855 : vector<1x16xf32> to vector<16xf32>
      %add3A_857 = arith.addf %get3A_852, %get3A_856 : vector<16xf32>
      %mul3A_858 = arith.mulf %add3A_848, %add3A_857 : vector<16xf32>
      %add3A_859 = arith.addf %mul3A_858, %get3A_644 : vector<16xf32>
      %max3A_860 = arith.constant 0.000000e+00 : f32
      %max3A_861 = vector.broadcast %max3A_860 : f32 to vector<16xf32>
      %max3A_862 = arith.maximumf %add3A_859, %max3A_861 : vector<16xf32>
      %slice3A_863 = vector.extract_strided_slice %convert_element_type3A_699 {offsets = [2], sizes = [1], strides = [1]} : vector<16xf32> to vector<1xf32>
      %squeeze3A_864 = vector.extract %slice3A_863[0] : f32 from vector<1xf32>
      %add3A_865 = vector.broadcast %squeeze3A_864 : f32 to vector<16xf32>
      %add3A_866 = arith.addf %broadcast_in_dim3A_640, %add3A_865 : vector<16xf32>
      %sub3A_867 = arith.subf %convert_element_type3A, %add3A_866 : vector<16xf32>
      %abs3A_868 = math.absf %sub3A_867 : vector<16xf32>
      %sub3A_869 = arith.subf %broadcast_in_dim3A_642, %abs3A_868 : vector<16xf32>
      %max3A_870 = arith.constant 0.000000e+00 : f32
      %max3A_871 = vector.broadcast %max3A_870 : f32 to vector<16xf32>
      %max3A_872 = arith.maximumf %sub3A_869, %max3A_871 : vector<16xf32>
      %add3A_873 = arith.addf %add3A_800, %max3A_872 : vector<16xf32>
      %sub3A_874 = arith.constant 0.000000e+00 : f32
      %sub3A_875 = vector.broadcast %sub3A_874 : f32 to vector<16xf32>
      %sub3A_876 = arith.subf %add3A_866, %sub3A_875 : vector<16xf32>
      %abs3A_877 = math.absf %sub3A_876 : vector<16xf32>
      %sub3A_878 = arith.subf %broadcast_in_dim3A_642, %abs3A_877 : vector<16xf32>
      %max3A_879 = arith.constant 0.000000e+00 : f32
      %max3A_880 = vector.broadcast %max3A_879 : f32 to vector<16xf32>
      %max3A_881 = arith.maximumf %sub3A_878, %max3A_880 : vector<16xf32>
      %mul3A_882 = arith.mulf %max3A_881, %max3A_862 : vector<16xf32>
      %add3A_883 = arith.addf %add3A_810, %mul3A_882 : vector<16xf32>
      %sub3A_884 = arith.constant 1.000000e+00 : f32
      %sub3A_885 = vector.broadcast %sub3A_884 : f32 to vector<16xf32>
      %sub3A_886 = arith.subf %add3A_866, %sub3A_885 : vector<16xf32>
      %abs3A_887 = math.absf %sub3A_886 : vector<16xf32>
      %sub3A_888 = arith.subf %broadcast_in_dim3A_642, %abs3A_887 : vector<16xf32>
      %max3A_889 = arith.constant 0.000000e+00 : f32
      %max3A_890 = vector.broadcast %max3A_889 : f32 to vector<16xf32>
      %max3A_891 = arith.maximumf %sub3A_888, %max3A_890 : vector<16xf32>
      %mul3A_892 = arith.mulf %max3A_891, %max3A_862 : vector<16xf32>
      %add3A_893 = arith.addf %add3A_820, %mul3A_892 : vector<16xf32>
      %sub3A_894 = arith.constant 2.000000e+00 : f32
      %sub3A_895 = vector.broadcast %sub3A_894 : f32 to vector<16xf32>
      %sub3A_896 = arith.subf %add3A_866, %sub3A_895 : vector<16xf32>
      %abs3A_897 = math.absf %sub3A_896 : vector<16xf32>
      %sub3A_898 = arith.subf %broadcast_in_dim3A_642, %abs3A_897 : vector<16xf32>
      %max3A_899 = arith.constant 0.000000e+00 : f32
      %max3A_900 = vector.broadcast %max3A_899 : f32 to vector<16xf32>
      %max3A_901 = arith.maximumf %sub3A_898, %max3A_900 : vector<16xf32>
      %mul3A_902 = arith.mulf %max3A_901, %max3A_862 : vector<16xf32>
      %add3A_903 = arith.addf %add3A_830, %mul3A_902 : vector<16xf32>
      %sub3A_904 = arith.constant 3.000000e+00 : f32
      %sub3A_905 = vector.broadcast %sub3A_904 : f32 to vector<16xf32>
      %sub3A_906 = arith.subf %add3A_866, %sub3A_905 : vector<16xf32>
      %abs3A_907 = math.absf %sub3A_906 : vector<16xf32>
      %sub3A_908 = arith.subf %broadcast_in_dim3A_642, %abs3A_907 : vector<16xf32>
      %max3A_909 = arith.constant 0.000000e+00 : f32
      %max3A_910 = vector.broadcast %max3A_909 : f32 to vector<16xf32>
      %max3A_911 = arith.maximumf %sub3A_908, %max3A_910 : vector<16xf32>
      %mul3A_912 = arith.mulf %max3A_911, %max3A_862 : vector<16xf32>
      %add3A_913 = arith.addf %add3A_840, %mul3A_912 : vector<16xf32>
      %mul3A_914 = arith.constant 16 : i32
      %mul3A_915 = arith.muli %scan3A_683, %mul3A_914 : i32
      %add3A_916 = arith.constant 3 : i32
      %add3A_917 = arith.addi %mul3A_915, %add3A_916 : i32
      %slice3A_918 = vector.extract_strided_slice %get3A_693 {offsets = [3], sizes = [1], strides = [1]} : vector<16xf32> to vector<1xf32>
      %squeeze3A_919 = vector.extract %slice3A_918[0] : f32 from vector<1xf32>
      %add3A_920 = vector.broadcast %squeeze3A_919 : f32 to vector<16xf32>
      %add3A_921 = arith.addf %broadcast_in_dim3A_640, %add3A_920 : vector<16xf32>
      %get3A_922 = arith.index_cast %add3A_917 : i32 to index
      %get3A_923 = arith.constant 0 : index
      %get3A_924 = tpu.vector_load %arg17[%get3A_922, %get3A_923] {strides = array<i32>} : memref<640x16xf32, #tpu.memory_space<vmem>>, vector<1x16xf32>,
      %get3A_925 = vector.shape_cast %get3A_924 : vector<1x16xf32> to vector<16xf32>
      %get3A_926 = arith.index_cast %add3A_917 : i32 to index
      %get3A_927 = arith.constant 0 : index
      %get3A_928 = tpu.vector_load %arg16[%get3A_926, %get3A_927] {strides = array<i32>} : memref<640x16xf32, #tpu.memory_space<vmem>>, vector<1x16xf32>,
      %get3A_929 = vector.shape_cast %get3A_928 : vector<1x16xf32> to vector<16xf32>
      %add3A_930 = arith.addf %get3A_925, %get3A_929 : vector<16xf32>
      %mul3A_931 = arith.mulf %add3A_921, %add3A_930 : vector<16xf32>
      %add3A_932 = arith.addf %mul3A_931, %get3A_644 : vector<16xf32>
      %max3A_933 = arith.constant 0.000000e+00 : f32
      %max3A_934 = vector.broadcast %max3A_933 : f32 to vector<16xf32>
      %max3A_935 = arith.maximumf %add3A_932, %max3A_934 : vector<16xf32>
      %slice3A_936 = vector.extract_strided_slice %convert_element_type3A_699 {offsets = [3], sizes = [1], strides = [1]} : vector<16xf32> to vector<1xf32>
      %squeeze3A_937 = vector.extract %slice3A_936[0] : f32 from vector<1xf32>
      %add3A_938 = vector.broadcast %squeeze3A_937 : f32 to vector<16xf32>
      %add3A_939 = arith.addf %broadcast_in_dim3A_640, %add3A_938 : vector<16xf32>
      %sub3A_940 = arith.subf %convert_element_type3A, %add3A_939 : vector<16xf32>
      %abs3A_941 = math.absf %sub3A_940 : vector<16xf32>
      %sub3A_942 = arith.subf %broadcast_in_dim3A_642, %abs3A_941 : vector<16xf32>
      %max3A_943 = arith.constant 0.000000e+00 : f32
      %max3A_944 = vector.broadcast %max3A_943 : f32 to vector<16xf32>
      %max3A_945 = arith.maximumf %sub3A_942, %max3A_944 : vector<16xf32>
      %add3A_946 = arith.addf %add3A_873, %max3A_945 : vector<16xf32>
      %sub3A_947 = arith.constant 0.000000e+00 : f32
      %sub3A_948 = vector.broadcast %sub3A_947 : f32 to vector<16xf32>
      %sub3A_949 = arith.subf %add3A_939, %sub3A_948 : vector<16xf32>
      %abs3A_950 = math.absf %sub3A_949 : vector<16xf32>
      %sub3A_951 = arith.subf %broadcast_in_dim3A_642, %abs3A_950 : vector<16xf32>
      %max3A_952 = arith.constant 0.000000e+00 : f32
      %max3A_953 = vector.broadcast %max3A_952 : f32 to vector<16xf32>
      %max3A_954 = arith.maximumf %sub3A_951, %max3A_953 : vector<16xf32>
      %mul3A_955 = arith.mulf %max3A_954, %max3A_935 : vector<16xf32>
      %add3A_956 = arith.addf %add3A_883, %mul3A_955 : vector<16xf32>
      %sub3A_957 = arith.constant 1.000000e+00 : f32
      %sub3A_958 = vector.broadcast %sub3A_957 : f32 to vector<16xf32>
      %sub3A_959 = arith.subf %add3A_939, %sub3A_958 : vector<16xf32>
      %abs3A_960 = math.absf %sub3A_959 : vector<16xf32>
      %sub3A_961 = arith.subf %broadcast_in_dim3A_642, %abs3A_960 : vector<16xf32>
      %max3A_962 = arith.constant 0.000000e+00 : f32
      %max3A_963 = vector.broadcast %max3A_962 : f32 to vector<16xf32>
      %max3A_964 = arith.maximumf %sub3A_961, %max3A_963 : vector<16xf32>
      %mul3A_965 = arith.mulf %max3A_964, %max3A_935 : vector<16xf32>
      %add3A_966 = arith.addf %add3A_893, %mul3A_965 : vector<16xf32>
      %sub3A_967 = arith.constant 2.000000e+00 : f32
      %sub3A_968 = vector.broadcast %sub3A_967 : f32 to vector<16xf32>
      %sub3A_969 = arith.subf %add3A_939, %sub3A_968 : vector<16xf32>
      %abs3A_970 = math.absf %sub3A_969 : vector<16xf32>
      %sub3A_971 = arith.subf %broadcast_in_dim3A_642, %abs3A_970 : vector<16xf32>
      %max3A_972 = arith.constant 0.000000e+00 : f32
      %max3A_973 = vector.broadcast %max3A_972 : f32 to vector<16xf32>
      %max3A_974 = arith.maximumf %sub3A_971, %max3A_973 : vector<16xf32>
      %mul3A_975 = arith.mulf %max3A_974, %max3A_935 : vector<16xf32>
      %add3A_976 = arith.addf %add3A_903, %mul3A_975 : vector<16xf32>
      %sub3A_977 = arith.constant 3.000000e+00 : f32
      %sub3A_978 = vector.broadcast %sub3A_977 : f32 to vector<16xf32>
      %sub3A_979 = arith.subf %add3A_939, %sub3A_978 : vector<16xf32>
      %abs3A_980 = math.absf %sub3A_979 : vector<16xf32>
      %sub3A_981 = arith.subf %broadcast_in_dim3A_642, %abs3A_980 : vector<16xf32>
      %max3A_982 = arith.constant 0.000000e+00 : f32
      %max3A_983 = vector.broadcast %max3A_982 : f32 to vector<16xf32>
      %max3A_984 = arith.maximumf %sub3A_981, %max3A_983 : vector<16xf32>
      %mul3A_985 = arith.mulf %max3A_984, %max3A_935 : vector<16xf32>
      %add3A_986 = arith.addf %add3A_913, %mul3A_985 : vector<16xf32>
      %mul3A_987 = arith.constant 16 : i32
      %mul3A_988 = arith.muli %scan3A_683, %mul3A_987 : i32
      %add3A_989 = arith.constant 4 : i32
      %add3A_990 = arith.addi %mul3A_988, %add3A_989 : i32
      %slice3A_991 = vector.extract_strided_slice %get3A_693 {offsets = [4], sizes = [1], strides = [1]} : vector<16xf32> to vector<1xf32>
      %squeeze3A_992 = vector.extract %slice3A_991[0] : f32 from vector<1xf32>
      %add3A_993 = vector.broadcast %squeeze3A_992 : f32 to vector<16xf32>
      %add3A_994 = arith.addf %broadcast_in_dim3A_640, %add3A_993 : vector<16xf32>
      %get3A_995 = arith.index_cast %add3A_990 : i32 to index
      %get3A_996 = arith.constant 0 : index
      %get3A_997 = tpu.vector_load %arg17[%get3A_995, %get3A_996] {strides = array<i32>} : memref<640x16xf32, #tpu.memory_space<vmem>>, vector<1x16xf32>,
      %get3A_998 = vector.shape_cast %get3A_997 : vector<1x16xf32> to vector<16xf32>
      %get3A_999 = arith.index_cast %add3A_990 : i32 to index
      %get3A_1000 = arith.constant 0 : index
      %get3A_1001 = tpu.vector_load %arg16[%get3A_999, %get3A_1000] {strides = array<i32>} : memref<640x16xf32, #tpu.memory_space<vmem>>, vector<1x16xf32>,
      %get3A_1002 = vector.shape_cast %get3A_1001 : vector<1x16xf32> to vector<16xf32>
      %add3A_1003 = arith.addf %get3A_998, %get3A_1002 : vector<16xf32>
      %mul3A_1004 = arith.mulf %add3A_994, %add3A_1003 : vector<16xf32>
      %add3A_1005 = arith.addf %mul3A_1004, %get3A_644 : vector<16xf32>
      %max3A_1006 = arith.constant 0.000000e+00 : f32
      %max3A_1007 = vector.broadcast %max3A_1006 : f32 to vector<16xf32>
      %max3A_1008 = arith.maximumf %add3A_1005, %max3A_1007 : vector<16xf32>
      %slice3A_1009 = vector.extract_strided_slice %convert_element_type3A_699 {offsets = [4], sizes = [1], strides = [1]} : vector<16xf32> to vector<1xf32>
      %squeeze3A_1010 = vector.extract %slice3A_1009[0] : f32 from vector<1xf32>
      %add3A_1011 = vector.broadcast %squeeze3A_1010 : f32 to vector<16xf32>
      %add3A_1012 = arith.addf %broadcast_in_dim3A_640, %add3A_1011 : vector<16xf32>
      %sub3A_1013 = arith.subf %convert_element_type3A, %add3A_1012 : vector<16xf32>
      %abs3A_1014 = math.absf %sub3A_1013 : vector<16xf32>
      %sub3A_1015 = arith.subf %broadcast_in_dim3A_642, %abs3A_1014 : vector<16xf32>
      %max3A_1016 = arith.constant 0.000000e+00 : f32
      %max3A_1017 = vector.broadcast %max3A_1016 : f32 to vector<16xf32>
      %max3A_1018 = arith.maximumf %sub3A_1015, %max3A_1017 : vector<16xf32>
      %add3A_1019 = arith.addf %add3A_946, %max3A_1018 : vector<16xf32>
      %sub3A_1020 = arith.constant 0.000000e+00 : f32
      %sub3A_1021 = vector.broadcast %sub3A_1020 : f32 to vector<16xf32>
      %sub3A_1022 = arith.subf %add3A_1012, %sub3A_1021 : vector<16xf32>
      %abs3A_1023 = math.absf %sub3A_1022 : vector<16xf32>
      %sub3A_1024 = arith.subf %broadcast_in_dim3A_642, %abs3A_1023 : vector<16xf32>
      %max3A_1025 = arith.constant 0.000000e+00 : f32
      %max3A_1026 = vector.broadcast %max3A_1025 : f32 to vector<16xf32>
      %max3A_1027 = arith.maximumf %sub3A_1024, %max3A_1026 : vector<16xf32>
      %mul3A_1028 = arith.mulf %max3A_1027, %max3A_1008 : vector<16xf32>
      %add3A_1029 = arith.addf %add3A_956, %mul3A_1028 : vector<16xf32>
      %sub3A_1030 = arith.constant 1.000000e+00 : f32
      %sub3A_1031 = vector.broadcast %sub3A_1030 : f32 to vector<16xf32>
      %sub3A_1032 = arith.subf %add3A_1012, %sub3A_1031 : vector<16xf32>
      %abs3A_1033 = math.absf %sub3A_1032 : vector<16xf32>
      %sub3A_1034 = arith.subf %broadcast_in_dim3A_642, %abs3A_1033 : vector<16xf32>
      %max3A_1035 = arith.constant 0.000000e+00 : f32
      %max3A_1036 = vector.broadcast %max3A_1035 : f32 to vector<16xf32>
      %max3A_1037 = arith.maximumf %sub3A_1034, %max3A_1036 : vector<16xf32>
      %mul3A_1038 = arith.mulf %max3A_1037, %max3A_1008 : vector<16xf32>
      %add3A_1039 = arith.addf %add3A_966, %mul3A_1038 : vector<16xf32>
      %sub3A_1040 = arith.constant 2.000000e+00 : f32
      %sub3A_1041 = vector.broadcast %sub3A_1040 : f32 to vector<16xf32>
      %sub3A_1042 = arith.subf %add3A_1012, %sub3A_1041 : vector<16xf32>
      %abs3A_1043 = math.absf %sub3A_1042 : vector<16xf32>
      %sub3A_1044 = arith.subf %broadcast_in_dim3A_642, %abs3A_1043 : vector<16xf32>
      %max3A_1045 = arith.constant 0.000000e+00 : f32
      %max3A_1046 = vector.broadcast %max3A_1045 : f32 to vector<16xf32>
      %max3A_1047 = arith.maximumf %sub3A_1044, %max3A_1046 : vector<16xf32>
      %mul3A_1048 = arith.mulf %max3A_1047, %max3A_1008 : vector<16xf32>
      %add3A_1049 = arith.addf %add3A_976, %mul3A_1048 : vector<16xf32>
      %sub3A_1050 = arith.constant 3.000000e+00 : f32
      %sub3A_1051 = vector.broadcast %sub3A_1050 : f32 to vector<16xf32>
      %sub3A_1052 = arith.subf %add3A_1012, %sub3A_1051 : vector<16xf32>
      %abs3A_1053 = math.absf %sub3A_1052 : vector<16xf32>
      %sub3A_1054 = arith.subf %broadcast_in_dim3A_642, %abs3A_1053 : vector<16xf32>
      %max3A_1055 = arith.constant 0.000000e+00 : f32
      %max3A_1056 = vector.broadcast %max3A_1055 : f32 to vector<16xf32>
      %max3A_1057 = arith.maximumf %sub3A_1054, %max3A_1056 : vector<16xf32>
      %mul3A_1058 = arith.mulf %max3A_1057, %max3A_1008 : vector<16xf32>
      %add3A_1059 = arith.addf %add3A_986, %mul3A_1058 : vector<16xf32>
      %mul3A_1060 = arith.constant 16 : i32
      %mul3A_1061 = arith.muli %scan3A_683, %mul3A_1060 : i32
      %add3A_1062 = arith.constant 5 : i32
      %add3A_1063 = arith.addi %mul3A_1061, %add3A_1062 : i32
      %slice3A_1064 = vector.extract_strided_slice %get3A_693 {offsets = [5], sizes = [1], strides = [1]} : vector<16xf32> to vector<1xf32>
      %squeeze3A_1065 = vector.extract %slice3A_1064[0] : f32 from vector<1xf32>
      %add3A_1066 = vector.broadcast %squeeze3A_1065 : f32 to vector<16xf32>
      %add3A_1067 = arith.addf %broadcast_in_dim3A_640, %add3A_1066 : vector<16xf32>
      %get3A_1068 = arith.index_cast %add3A_1063 : i32 to index
      %get3A_1069 = arith.constant 0 : index
      %get3A_1070 = tpu.vector_load %arg17[%get3A_1068, %get3A_1069] {strides = array<i32>} : memref<640x16xf32, #tpu.memory_space<vmem>>, vector<1x16xf32>,
      %get3A_1071 = vector.shape_cast %get3A_1070 : vector<1x16xf32> to vector<16xf32>
      %get3A_1072 = arith.index_cast %add3A_1063 : i32 to index
      %get3A_1073 = arith.constant 0 : index
      %get3A_1074 = tpu.vector_load %arg16[%get3A_1072, %get3A_1073] {strides = array<i32>} : memref<640x16xf32, #tpu.memory_space<vmem>>, vector<1x16xf32>,
      %get3A_1075 = vector.shape_cast %get3A_1074 : vector<1x16xf32> to vector<16xf32>
      %add3A_1076 = arith.addf %get3A_1071, %get3A_1075 : vector<16xf32>
      %mul3A_1077 = arith.mulf %add3A_1067, %add3A_1076 : vector<16xf32>
      %add3A_1078 = arith.addf %mul3A_1077, %get3A_644 : vector<16xf32>
      %max3A_1079 = arith.constant 0.000000e+00 : f32
      %max3A_1080 = vector.broadcast %max3A_1079 : f32 to vector<16xf32>
      %max3A_1081 = arith.maximumf %add3A_1078, %max3A_1080 : vector<16xf32>
      %slice3A_1082 = vector.extract_strided_slice %convert_element_type3A_699 {offsets = [5], sizes = [1], strides = [1]} : vector<16xf32> to vector<1xf32>
      %squeeze3A_1083 = vector.extract %slice3A_1082[0] : f32 from vector<1xf32>
      %add3A_1084 = vector.broadcast %squeeze3A_1083 : f32 to vector<16xf32>
      %add3A_1085 = arith.addf %broadcast_in_dim3A_640, %add3A_1084 : vector<16xf32>
      %sub3A_1086 = arith.subf %convert_element_type3A, %add3A_1085 : vector<16xf32>
      %abs3A_1087 = math.absf %sub3A_1086 : vector<16xf32>
      %sub3A_1088 = arith.subf %broadcast_in_dim3A_642, %abs3A_1087 : vector<16xf32>
      %max3A_1089 = arith.constant 0.000000e+00 : f32
      %max3A_1090 = vector.broadcast %max3A_1089 : f32 to vector<16xf32>
      %max3A_1091 = arith.maximumf %sub3A_1088, %max3A_1090 : vector<16xf32>
      %add3A_1092 = arith.addf %add3A_1019, %max3A_1091 : vector<16xf32>
      %sub3A_1093 = arith.constant 0.000000e+00 : f32
      %sub3A_1094 = vector.broadcast %sub3A_1093 : f32 to vector<16xf32>
      %sub3A_1095 = arith.subf %add3A_1085, %sub3A_1094 : vector<16xf32>
      %abs3A_1096 = math.absf %sub3A_1095 : vector<16xf32>
      %sub3A_1097 = arith.subf %broadcast_in_dim3A_642, %abs3A_1096 : vector<16xf32>
      %max3A_1098 = arith.constant 0.000000e+00 : f32
      %max3A_1099 = vector.broadcast %max3A_1098 : f32 to vector<16xf32>
      %max3A_1100 = arith.maximumf %sub3A_1097, %max3A_1099 : vector<16xf32>
      %mul3A_1101 = arith.mulf %max3A_1100, %max3A_1081 : vector<16xf32>
      %add3A_1102 = arith.addf %add3A_1029, %mul3A_1101 : vector<16xf32>
      %sub3A_1103 = arith.constant 1.000000e+00 : f32
      %sub3A_1104 = vector.broadcast %sub3A_1103 : f32 to vector<16xf32>
      %sub3A_1105 = arith.subf %add3A_1085, %sub3A_1104 : vector<16xf32>
      %abs3A_1106 = math.absf %sub3A_1105 : vector<16xf32>
      %sub3A_1107 = arith.subf %broadcast_in_dim3A_642, %abs3A_1106 : vector<16xf32>
      %max3A_1108 = arith.constant 0.000000e+00 : f32
      %max3A_1109 = vector.broadcast %max3A_1108 : f32 to vector<16xf32>
      %max3A_1110 = arith.maximumf %sub3A_1107, %max3A_1109 : vector<16xf32>
      %mul3A_1111 = arith.mulf %max3A_1110, %max3A_1081 : vector<16xf32>
      %add3A_1112 = arith.addf %add3A_1039, %mul3A_1111 : vector<16xf32>
      %sub3A_1113 = arith.constant 2.000000e+00 : f32
      %sub3A_1114 = vector.broadcast %sub3A_1113 : f32 to vector<16xf32>
      %sub3A_1115 = arith.subf %add3A_1085, %sub3A_1114 : vector<16xf32>
      %abs3A_1116 = math.absf %sub3A_1115 : vector<16xf32>
      %sub3A_1117 = arith.subf %broadcast_in_dim3A_642, %abs3A_1116 : vector<16xf32>
      %max3A_1118 = arith.constant 0.000000e+00 : f32
      %max3A_1119 = vector.broadcast %max3A_1118 : f32 to vector<16xf32>
      %max3A_1120 = arith.maximumf %sub3A_1117, %max3A_1119 : vector<16xf32>
      %mul3A_1121 = arith.mulf %max3A_1120, %max3A_1081 : vector<16xf32>
      %add3A_1122 = arith.addf %add3A_1049, %mul3A_1121 : vector<16xf32>
      %sub3A_1123 = arith.constant 3.000000e+00 : f32
      %sub3A_1124 = vector.broadcast %sub3A_1123 : f32 to vector<16xf32>
      %sub3A_1125 = arith.subf %add3A_1085, %sub3A_1124 : vector<16xf32>
      %abs3A_1126 = math.absf %sub3A_1125 : vector<16xf32>
      %sub3A_1127 = arith.subf %broadcast_in_dim3A_642, %abs3A_1126 : vector<16xf32>
      %max3A_1128 = arith.constant 0.000000e+00 : f32
      %max3A_1129 = vector.broadcast %max3A_1128 : f32 to vector<16xf32>
      %max3A_1130 = arith.maximumf %sub3A_1127, %max3A_1129 : vector<16xf32>
      %mul3A_1131 = arith.mulf %max3A_1130, %max3A_1081 : vector<16xf32>
      %add3A_1132 = arith.addf %add3A_1059, %mul3A_1131 : vector<16xf32>
      %mul3A_1133 = arith.constant 16 : i32
      %mul3A_1134 = arith.muli %scan3A_683, %mul3A_1133 : i32
      %add3A_1135 = arith.constant 6 : i32
      %add3A_1136 = arith.addi %mul3A_1134, %add3A_1135 : i32
      %slice3A_1137 = vector.extract_strided_slice %get3A_693 {offsets = [6], sizes = [1], strides = [1]} : vector<16xf32> to vector<1xf32>
      %squeeze3A_1138 = vector.extract %slice3A_1137[0] : f32 from vector<1xf32>
      %add3A_1139 = vector.broadcast %squeeze3A_1138 : f32 to vector<16xf32>
      %add3A_1140 = arith.addf %broadcast_in_dim3A_640, %add3A_1139 : vector<16xf32>
      %get3A_1141 = arith.index_cast %add3A_1136 : i32 to index
      %get3A_1142 = arith.constant 0 : index
      %get3A_1143 = tpu.vector_load %arg17[%get3A_1141, %get3A_1142] {strides = array<i32>} : memref<640x16xf32, #tpu.memory_space<vmem>>, vector<1x16xf32>,
      %get3A_1144 = vector.shape_cast %get3A_1143 : vector<1x16xf32> to vector<16xf32>
      %get3A_1145 = arith.index_cast %add3A_1136 : i32 to index
      %get3A_1146 = arith.constant 0 : index
      %get3A_1147 = tpu.vector_load %arg16[%get3A_1145, %get3A_1146] {strides = array<i32>} : memref<640x16xf32, #tpu.memory_space<vmem>>, vector<1x16xf32>,
      %get3A_1148 = vector.shape_cast %get3A_1147 : vector<1x16xf32> to vector<16xf32>
      %add3A_1149 = arith.addf %get3A_1144, %get3A_1148 : vector<16xf32>
      %mul3A_1150 = arith.mulf %add3A_1140, %add3A_1149 : vector<16xf32>
      %add3A_1151 = arith.addf %mul3A_1150, %get3A_644 : vector<16xf32>
      %max3A_1152 = arith.constant 0.000000e+00 : f32
      %max3A_1153 = vector.broadcast %max3A_1152 : f32 to vector<16xf32>
      %max3A_1154 = arith.maximumf %add3A_1151, %max3A_1153 : vector<16xf32>
      %slice3A_1155 = vector.extract_strided_slice %convert_element_type3A_699 {offsets = [6], sizes = [1], strides = [1]} : vector<16xf32> to vector<1xf32>
      %squeeze3A_1156 = vector.extract %slice3A_1155[0] : f32 from vector<1xf32>
      %add3A_1157 = vector.broadcast %squeeze3A_1156 : f32 to vector<16xf32>
      %add3A_1158 = arith.addf %broadcast_in_dim3A_640, %add3A_1157 : vector<16xf32>
      %sub3A_1159 = arith.subf %convert_element_type3A, %add3A_1158 : vector<16xf32>
      %abs3A_1160 = math.absf %sub3A_1159 : vector<16xf32>
      %sub3A_1161 = arith.subf %broadcast_in_dim3A_642, %abs3A_1160 : vector<16xf32>
      %max3A_1162 = arith.constant 0.000000e+00 : f32
      %max3A_1163 = vector.broadcast %max3A_1162 : f32 to vector<16xf32>
      %max3A_1164 = arith.maximumf %sub3A_1161, %max3A_1163 : vector<16xf32>
      %add3A_1165 = arith.addf %add3A_1092, %max3A_1164 : vector<16xf32>
      %sub3A_1166 = arith.constant 0.000000e+00 : f32
      %sub3A_1167 = vector.broadcast %sub3A_1166 : f32 to vector<16xf32>
      %sub3A_1168 = arith.subf %add3A_1158, %sub3A_1167 : vector<16xf32>
      %abs3A_1169 = math.absf %sub3A_1168 : vector<16xf32>
      %sub3A_1170 = arith.subf %broadcast_in_dim3A_642, %abs3A_1169 : vector<16xf32>
      %max3A_1171 = arith.constant 0.000000e+00 : f32
      %max3A_1172 = vector.broadcast %max3A_1171 : f32 to vector<16xf32>
      %max3A_1173 = arith.maximumf %sub3A_1170, %max3A_1172 : vector<16xf32>
      %mul3A_1174 = arith.mulf %max3A_1173, %max3A_1154 : vector<16xf32>
      %add3A_1175 = arith.addf %add3A_1102, %mul3A_1174 : vector<16xf32>
      %sub3A_1176 = arith.constant 1.000000e+00 : f32
      %sub3A_1177 = vector.broadcast %sub3A_1176 : f32 to vector<16xf32>
      %sub3A_1178 = arith.subf %add3A_1158, %sub3A_1177 : vector<16xf32>
      %abs3A_1179 = math.absf %sub3A_1178 : vector<16xf32>
      %sub3A_1180 = arith.subf %broadcast_in_dim3A_642, %abs3A_1179 : vector<16xf32>
      %max3A_1181 = arith.constant 0.000000e+00 : f32
      %max3A_1182 = vector.broadcast %max3A_1181 : f32 to vector<16xf32>
      %max3A_1183 = arith.maximumf %sub3A_1180, %max3A_1182 : vector<16xf32>
      %mul3A_1184 = arith.mulf %max3A_1183, %max3A_1154 : vector<16xf32>
      %add3A_1185 = arith.addf %add3A_1112, %mul3A_1184 : vector<16xf32>
      %sub3A_1186 = arith.constant 2.000000e+00 : f32
      %sub3A_1187 = vector.broadcast %sub3A_1186 : f32 to vector<16xf32>
      %sub3A_1188 = arith.subf %add3A_1158, %sub3A_1187 : vector<16xf32>
      %abs3A_1189 = math.absf %sub3A_1188 : vector<16xf32>
      %sub3A_1190 = arith.subf %broadcast_in_dim3A_642, %abs3A_1189 : vector<16xf32>
      %max3A_1191 = arith.constant 0.000000e+00 : f32
      %max3A_1192 = vector.broadcast %max3A_1191 : f32 to vector<16xf32>
      %max3A_1193 = arith.maximumf %sub3A_1190, %max3A_1192 : vector<16xf32>
      %mul3A_1194 = arith.mulf %max3A_1193, %max3A_1154 : vector<16xf32>
      %add3A_1195 = arith.addf %add3A_1122, %mul3A_1194 : vector<16xf32>
      %sub3A_1196 = arith.constant 3.000000e+00 : f32
      %sub3A_1197 = vector.broadcast %sub3A_1196 : f32 to vector<16xf32>
      %sub3A_1198 = arith.subf %add3A_1158, %sub3A_1197 : vector<16xf32>
      %abs3A_1199 = math.absf %sub3A_1198 : vector<16xf32>
      %sub3A_1200 = arith.subf %broadcast_in_dim3A_642, %abs3A_1199 : vector<16xf32>
      %max3A_1201 = arith.constant 0.000000e+00 : f32
      %max3A_1202 = vector.broadcast %max3A_1201 : f32 to vector<16xf32>
      %max3A_1203 = arith.maximumf %sub3A_1200, %max3A_1202 : vector<16xf32>
      %mul3A_1204 = arith.mulf %max3A_1203, %max3A_1154 : vector<16xf32>
      %add3A_1205 = arith.addf %add3A_1132, %mul3A_1204 : vector<16xf32>
      %mul3A_1206 = arith.constant 16 : i32
      %mul3A_1207 = arith.muli %scan3A_683, %mul3A_1206 : i32
      %add3A_1208 = arith.constant 7 : i32
      %add3A_1209 = arith.addi %mul3A_1207, %add3A_1208 : i32
      %slice3A_1210 = vector.extract_strided_slice %get3A_693 {offsets = [7], sizes = [1], strides = [1]} : vector<16xf32> to vector<1xf32>
      %squeeze3A_1211 = vector.extract %slice3A_1210[0] : f32 from vector<1xf32>
      %add3A_1212 = vector.broadcast %squeeze3A_1211 : f32 to vector<16xf32>
      %add3A_1213 = arith.addf %broadcast_in_dim3A_640, %add3A_1212 : vector<16xf32>
      %get3A_1214 = arith.index_cast %add3A_1209 : i32 to index
      %get3A_1215 = arith.constant 0 : index
      %get3A_1216 = tpu.vector_load %arg17[%get3A_1214, %get3A_1215] {strides = array<i32>} : memref<640x16xf32, #tpu.memory_space<vmem>>, vector<1x16xf32>,
      %get3A_1217 = vector.shape_cast %get3A_1216 : vector<1x16xf32> to vector<16xf32>
      %get3A_1218 = arith.index_cast %add3A_1209 : i32 to index
      %get3A_1219 = arith.constant 0 : index
      %get3A_1220 = tpu.vector_load %arg16[%get3A_1218, %get3A_1219] {strides = array<i32>} : memref<640x16xf32, #tpu.memory_space<vmem>>, vector<1x16xf32>,
      %get3A_1221 = vector.shape_cast %get3A_1220 : vector<1x16xf32> to vector<16xf32>
      %add3A_1222 = arith.addf %get3A_1217, %get3A_1221 : vector<16xf32>
      %mul3A_1223 = arith.mulf %add3A_1213, %add3A_1222 : vector<16xf32>
      %add3A_1224 = arith.addf %mul3A_1223, %get3A_644 : vector<16xf32>
      %max3A_1225 = arith.constant 0.000000e+00 : f32
      %max3A_1226 = vector.broadcast %max3A_1225 : f32 to vector<16xf32>
      %max3A_1227 = arith.maximumf %add3A_1224, %max3A_1226 : vector<16xf32>
      %slice3A_1228 = vector.extract_strided_slice %convert_element_type3A_699 {offsets = [7], sizes = [1], strides = [1]} : vector<16xf32> to vector<1xf32>
      %squeeze3A_1229 = vector.extract %slice3A_1228[0] : f32 from vector<1xf32>
      %add3A_1230 = vector.broadcast %squeeze3A_1229 : f32 to vector<16xf32>
      %add3A_1231 = arith.addf %broadcast_in_dim3A_640, %add3A_1230 : vector<16xf32>
      %sub3A_1232 = arith.subf %convert_element_type3A, %add3A_1231 : vector<16xf32>
      %abs3A_1233 = math.absf %sub3A_1232 : vector<16xf32>
      %sub3A_1234 = arith.subf %broadcast_in_dim3A_642, %abs3A_1233 : vector<16xf32>
      %max3A_1235 = arith.constant 0.000000e+00 : f32
      %max3A_1236 = vector.broadcast %max3A_1235 : f32 to vector<16xf32>
      %max3A_1237 = arith.maximumf %sub3A_1234, %max3A_1236 : vector<16xf32>
      %add3A_1238 = arith.addf %add3A_1165, %max3A_1237 : vector<16xf32>
      %sub3A_1239 = arith.constant 0.000000e+00 : f32
      %sub3A_1240 = vector.broadcast %sub3A_1239 : f32 to vector<16xf32>
      %sub3A_1241 = arith.subf %add3A_1231, %sub3A_1240 : vector<16xf32>
      %abs3A_1242 = math.absf %sub3A_1241 : vector<16xf32>
      %sub3A_1243 = arith.subf %broadcast_in_dim3A_642, %abs3A_1242 : vector<16xf32>
      %max3A_1244 = arith.constant 0.000000e+00 : f32
      %max3A_1245 = vector.broadcast %max3A_1244 : f32 to vector<16xf32>
      %max3A_1246 = arith.maximumf %sub3A_1243, %max3A_1245 : vector<16xf32>
      %mul3A_1247 = arith.mulf %max3A_1246, %max3A_1227 : vector<16xf32>
      %add3A_1248 = arith.addf %add3A_1175, %mul3A_1247 : vector<16xf32>
      %sub3A_1249 = arith.constant 1.000000e+00 : f32
      %sub3A_1250 = vector.broadcast %sub3A_1249 : f32 to vector<16xf32>
      %sub3A_1251 = arith.subf %add3A_1231, %sub3A_1250 : vector<16xf32>
      %abs3A_1252 = math.absf %sub3A_1251 : vector<16xf32>
      %sub3A_1253 = arith.subf %broadcast_in_dim3A_642, %abs3A_1252 : vector<16xf32>
      %max3A_1254 = arith.constant 0.000000e+00 : f32
      %max3A_1255 = vector.broadcast %max3A_1254 : f32 to vector<16xf32>
      %max3A_1256 = arith.maximumf %sub3A_1253, %max3A_1255 : vector<16xf32>
      %mul3A_1257 = arith.mulf %max3A_1256, %max3A_1227 : vector<16xf32>
      %add3A_1258 = arith.addf %add3A_1185, %mul3A_1257 : vector<16xf32>
      %sub3A_1259 = arith.constant 2.000000e+00 : f32
      %sub3A_1260 = vector.broadcast %sub3A_1259 : f32 to vector<16xf32>
      %sub3A_1261 = arith.subf %add3A_1231, %sub3A_1260 : vector<16xf32>
      %abs3A_1262 = math.absf %sub3A_1261 : vector<16xf32>
      %sub3A_1263 = arith.subf %broadcast_in_dim3A_642, %abs3A_1262 : vector<16xf32>
      %max3A_1264 = arith.constant 0.000000e+00 : f32
      %max3A_1265 = vector.broadcast %max3A_1264 : f32 to vector<16xf32>
      %max3A_1266 = arith.maximumf %sub3A_1263, %max3A_1265 : vector<16xf32>
      %mul3A_1267 = arith.mulf %max3A_1266, %max3A_1227 : vector<16xf32>
      %add3A_1268 = arith.addf %add3A_1195, %mul3A_1267 : vector<16xf32>
      %sub3A_1269 = arith.constant 3.000000e+00 : f32
      %sub3A_1270 = vector.broadcast %sub3A_1269 : f32 to vector<16xf32>
      %sub3A_1271 = arith.subf %add3A_1231, %sub3A_1270 : vector<16xf32>
      %abs3A_1272 = math.absf %sub3A_1271 : vector<16xf32>
      %sub3A_1273 = arith.subf %broadcast_in_dim3A_642, %abs3A_1272 : vector<16xf32>
      %max3A_1274 = arith.constant 0.000000e+00 : f32
      %max3A_1275 = vector.broadcast %max3A_1274 : f32 to vector<16xf32>
      %max3A_1276 = arith.maximumf %sub3A_1273, %max3A_1275 : vector<16xf32>
      %mul3A_1277 = arith.mulf %max3A_1276, %max3A_1227 : vector<16xf32>
      %add3A_1278 = arith.addf %add3A_1205, %mul3A_1277 : vector<16xf32>
      %mul3A_1279 = arith.constant 16 : i32
      %mul3A_1280 = arith.muli %scan3A_683, %mul3A_1279 : i32
      %add3A_1281 = arith.constant 8 : i32
      %add3A_1282 = arith.addi %mul3A_1280, %add3A_1281 : i32
      %slice3A_1283 = vector.extract_strided_slice %get3A_693 {offsets = [8], sizes = [1], strides = [1]} : vector<16xf32> to vector<1xf32>
      %squeeze3A_1284 = vector.extract %slice3A_1283[0] : f32 from vector<1xf32>
      %add3A_1285 = vector.broadcast %squeeze3A_1284 : f32 to vector<16xf32>
      %add3A_1286 = arith.addf %broadcast_in_dim3A_640, %add3A_1285 : vector<16xf32>
      %get3A_1287 = arith.index_cast %add3A_1282 : i32 to index
      %get3A_1288 = arith.constant 0 : index
      %get3A_1289 = tpu.vector_load %arg17[%get3A_1287, %get3A_1288] {strides = array<i32>} : memref<640x16xf32, #tpu.memory_space<vmem>>, vector<1x16xf32>,
      %get3A_1290 = vector.shape_cast %get3A_1289 : vector<1x16xf32> to vector<16xf32>
      %get3A_1291 = arith.index_cast %add3A_1282 : i32 to index
      %get3A_1292 = arith.constant 0 : index
      %get3A_1293 = tpu.vector_load %arg16[%get3A_1291, %get3A_1292] {strides = array<i32>} : memref<640x16xf32, #tpu.memory_space<vmem>>, vector<1x16xf32>,
      %get3A_1294 = vector.shape_cast %get3A_1293 : vector<1x16xf32> to vector<16xf32>
      %add3A_1295 = arith.addf %get3A_1290, %get3A_1294 : vector<16xf32>
      %mul3A_1296 = arith.mulf %add3A_1286, %add3A_1295 : vector<16xf32>
      %add3A_1297 = arith.addf %mul3A_1296, %get3A_644 : vector<16xf32>
      %max3A_1298 = arith.constant 0.000000e+00 : f32
      %max3A_1299 = vector.broadcast %max3A_1298 : f32 to vector<16xf32>
      %max3A_1300 = arith.maximumf %add3A_1297, %max3A_1299 : vector<16xf32>
      %slice3A_1301 = vector.extract_strided_slice %convert_element_type3A_699 {offsets = [8], sizes = [1], strides = [1]} : vector<16xf32> to vector<1xf32>
      %squeeze3A_1302 = vector.extract %slice3A_1301[0] : f32 from vector<1xf32>
      %add3A_1303 = vector.broadcast %squeeze3A_1302 : f32 to vector<16xf32>
      %add3A_1304 = arith.addf %broadcast_in_dim3A_640, %add3A_1303 : vector<16xf32>
      %sub3A_1305 = arith.subf %convert_element_type3A, %add3A_1304 : vector<16xf32>
      %abs3A_1306 = math.absf %sub3A_1305 : vector<16xf32>
      %sub3A_1307 = arith.subf %broadcast_in_dim3A_642, %abs3A_1306 : vector<16xf32>
      %max3A_1308 = arith.constant 0.000000e+00 : f32
      %max3A_1309 = vector.broadcast %max3A_1308 : f32 to vector<16xf32>
      %max3A_1310 = arith.maximumf %sub3A_1307, %max3A_1309 : vector<16xf32>
      %add3A_1311 = arith.addf %add3A_1238, %max3A_1310 : vector<16xf32>
      %sub3A_1312 = arith.constant 0.000000e+00 : f32
      %sub3A_1313 = vector.broadcast %sub3A_1312 : f32 to vector<16xf32>
      %sub3A_1314 = arith.subf %add3A_1304, %sub3A_1313 : vector<16xf32>
      %abs3A_1315 = math.absf %sub3A_1314 : vector<16xf32>
      %sub3A_1316 = arith.subf %broadcast_in_dim3A_642, %abs3A_1315 : vector<16xf32>
      %max3A_1317 = arith.constant 0.000000e+00 : f32
      %max3A_1318 = vector.broadcast %max3A_1317 : f32 to vector<16xf32>
      %max3A_1319 = arith.maximumf %sub3A_1316, %max3A_1318 : vector<16xf32>
      %mul3A_1320 = arith.mulf %max3A_1319, %max3A_1300 : vector<16xf32>
      %add3A_1321 = arith.addf %add3A_1248, %mul3A_1320 : vector<16xf32>
      %sub3A_1322 = arith.constant 1.000000e+00 : f32
      %sub3A_1323 = vector.broadcast %sub3A_1322 : f32 to vector<16xf32>
      %sub3A_1324 = arith.subf %add3A_1304, %sub3A_1323 : vector<16xf32>
      %abs3A_1325 = math.absf %sub3A_1324 : vector<16xf32>
      %sub3A_1326 = arith.subf %broadcast_in_dim3A_642, %abs3A_1325 : vector<16xf32>
      %max3A_1327 = arith.constant 0.000000e+00 : f32
      %max3A_1328 = vector.broadcast %max3A_1327 : f32 to vector<16xf32>
      %max3A_1329 = arith.maximumf %sub3A_1326, %max3A_1328 : vector<16xf32>
      %mul3A_1330 = arith.mulf %max3A_1329, %max3A_1300 : vector<16xf32>
      %add3A_1331 = arith.addf %add3A_1258, %mul3A_1330 : vector<16xf32>
      %sub3A_1332 = arith.constant 2.000000e+00 : f32
      %sub3A_1333 = vector.broadcast %sub3A_1332 : f32 to vector<16xf32>
      %sub3A_1334 = arith.subf %add3A_1304, %sub3A_1333 : vector<16xf32>
      %abs3A_1335 = math.absf %sub3A_1334 : vector<16xf32>
      %sub3A_1336 = arith.subf %broadcast_in_dim3A_642, %abs3A_1335 : vector<16xf32>
      %max3A_1337 = arith.constant 0.000000e+00 : f32
      %max3A_1338 = vector.broadcast %max3A_1337 : f32 to vector<16xf32>
      %max3A_1339 = arith.maximumf %sub3A_1336, %max3A_1338 : vector<16xf32>
      %mul3A_1340 = arith.mulf %max3A_1339, %max3A_1300 : vector<16xf32>
      %add3A_1341 = arith.addf %add3A_1268, %mul3A_1340 : vector<16xf32>
      %sub3A_1342 = arith.constant 3.000000e+00 : f32
      %sub3A_1343 = vector.broadcast %sub3A_1342 : f32 to vector<16xf32>
      %sub3A_1344 = arith.subf %add3A_1304, %sub3A_1343 : vector<16xf32>
      %abs3A_1345 = math.absf %sub3A_1344 : vector<16xf32>
      %sub3A_1346 = arith.subf %broadcast_in_dim3A_642, %abs3A_1345 : vector<16xf32>
      %max3A_1347 = arith.constant 0.000000e+00 : f32
      %max3A_1348 = vector.broadcast %max3A_1347 : f32 to vector<16xf32>
      %max3A_1349 = arith.maximumf %sub3A_1346, %max3A_1348 : vector<16xf32>
      %mul3A_1350 = arith.mulf %max3A_1349, %max3A_1300 : vector<16xf32>
      %add3A_1351 = arith.addf %add3A_1278, %mul3A_1350 : vector<16xf32>
      %mul3A_1352 = arith.constant 16 : i32
      %mul3A_1353 = arith.muli %scan3A_683, %mul3A_1352 : i32
      %add3A_1354 = arith.constant 9 : i32
      %add3A_1355 = arith.addi %mul3A_1353, %add3A_1354 : i32
      %slice3A_1356 = vector.extract_strided_slice %get3A_693 {offsets = [9], sizes = [1], strides = [1]} : vector<16xf32> to vector<1xf32>
      %squeeze3A_1357 = vector.extract %slice3A_1356[0] : f32 from vector<1xf32>
      %add3A_1358 = vector.broadcast %squeeze3A_1357 : f32 to vector<16xf32>
      %add3A_1359 = arith.addf %broadcast_in_dim3A_640, %add3A_1358 : vector<16xf32>
      %get3A_1360 = arith.index_cast %add3A_1355 : i32 to index
      %get3A_1361 = arith.constant 0 : index
      %get3A_1362 = tpu.vector_load %arg17[%get3A_1360, %get3A_1361] {strides = array<i32>} : memref<640x16xf32, #tpu.memory_space<vmem>>, vector<1x16xf32>,
      %get3A_1363 = vector.shape_cast %get3A_1362 : vector<1x16xf32> to vector<16xf32>
      %get3A_1364 = arith.index_cast %add3A_1355 : i32 to index
      %get3A_1365 = arith.constant 0 : index
      %get3A_1366 = tpu.vector_load %arg16[%get3A_1364, %get3A_1365] {strides = array<i32>} : memref<640x16xf32, #tpu.memory_space<vmem>>, vector<1x16xf32>,
      %get3A_1367 = vector.shape_cast %get3A_1366 : vector<1x16xf32> to vector<16xf32>
      %add3A_1368 = arith.addf %get3A_1363, %get3A_1367 : vector<16xf32>
      %mul3A_1369 = arith.mulf %add3A_1359, %add3A_1368 : vector<16xf32>
      %add3A_1370 = arith.addf %mul3A_1369, %get3A_644 : vector<16xf32>
      %max3A_1371 = arith.constant 0.000000e+00 : f32
      %max3A_1372 = vector.broadcast %max3A_1371 : f32 to vector<16xf32>
      %max3A_1373 = arith.maximumf %add3A_1370, %max3A_1372 : vector<16xf32>
      %slice3A_1374 = vector.extract_strided_slice %convert_element_type3A_699 {offsets = [9], sizes = [1], strides = [1]} : vector<16xf32> to vector<1xf32>
      %squeeze3A_1375 = vector.extract %slice3A_1374[0] : f32 from vector<1xf32>
      %add3A_1376 = vector.broadcast %squeeze3A_1375 : f32 to vector<16xf32>
      %add3A_1377 = arith.addf %broadcast_in_dim3A_640, %add3A_1376 : vector<16xf32>
      %sub3A_1378 = arith.subf %convert_element_type3A, %add3A_1377 : vector<16xf32>
      %abs3A_1379 = math.absf %sub3A_1378 : vector<16xf32>
      %sub3A_1380 = arith.subf %broadcast_in_dim3A_642, %abs3A_1379 : vector<16xf32>
      %max3A_1381 = arith.constant 0.000000e+00 : f32
      %max3A_1382 = vector.broadcast %max3A_1381 : f32 to vector<16xf32>
      %max3A_1383 = arith.maximumf %sub3A_1380, %max3A_1382 : vector<16xf32>
      %add3A_1384 = arith.addf %add3A_1311, %max3A_1383 : vector<16xf32>
      %sub3A_1385 = arith.constant 0.000000e+00 : f32
      %sub3A_1386 = vector.broadcast %sub3A_1385 : f32 to vector<16xf32>
      %sub3A_1387 = arith.subf %add3A_1377, %sub3A_1386 : vector<16xf32>
      %abs3A_1388 = math.absf %sub3A_1387 : vector<16xf32>
      %sub3A_1389 = arith.subf %broadcast_in_dim3A_642, %abs3A_1388 : vector<16xf32>
      %max3A_1390 = arith.constant 0.000000e+00 : f32
      %max3A_1391 = vector.broadcast %max3A_1390 : f32 to vector<16xf32>
      %max3A_1392 = arith.maximumf %sub3A_1389, %max3A_1391 : vector<16xf32>
      %mul3A_1393 = arith.mulf %max3A_1392, %max3A_1373 : vector<16xf32>
      %add3A_1394 = arith.addf %add3A_1321, %mul3A_1393 : vector<16xf32>
      %sub3A_1395 = arith.constant 1.000000e+00 : f32
      %sub3A_1396 = vector.broadcast %sub3A_1395 : f32 to vector<16xf32>
      %sub3A_1397 = arith.subf %add3A_1377, %sub3A_1396 : vector<16xf32>
      %abs3A_1398 = math.absf %sub3A_1397 : vector<16xf32>
      %sub3A_1399 = arith.subf %broadcast_in_dim3A_642, %abs3A_1398 : vector<16xf32>
      %max3A_1400 = arith.constant 0.000000e+00 : f32
      %max3A_1401 = vector.broadcast %max3A_1400 : f32 to vector<16xf32>
      %max3A_1402 = arith.maximumf %sub3A_1399, %max3A_1401 : vector<16xf32>
      %mul3A_1403 = arith.mulf %max3A_1402, %max3A_1373 : vector<16xf32>
      %add3A_1404 = arith.addf %add3A_1331, %mul3A_1403 : vector<16xf32>
      %sub3A_1405 = arith.constant 2.000000e+00 : f32
      %sub3A_1406 = vector.broadcast %sub3A_1405 : f32 to vector<16xf32>
      %sub3A_1407 = arith.subf %add3A_1377, %sub3A_1406 : vector<16xf32>
      %abs3A_1408 = math.absf %sub3A_1407 : vector<16xf32>
      %sub3A_1409 = arith.subf %broadcast_in_dim3A_642, %abs3A_1408 : vector<16xf32>
      %max3A_1410 = arith.constant 0.000000e+00 : f32
      %max3A_1411 = vector.broadcast %max3A_1410 : f32 to vector<16xf32>
      %max3A_1412 = arith.maximumf %sub3A_1409, %max3A_1411 : vector<16xf32>
      %mul3A_1413 = arith.mulf %max3A_1412, %max3A_1373 : vector<16xf32>
      %add3A_1414 = arith.addf %add3A_1341, %mul3A_1413 : vector<16xf32>
      %sub3A_1415 = arith.constant 3.000000e+00 : f32
      %sub3A_1416 = vector.broadcast %sub3A_1415 : f32 to vector<16xf32>
      %sub3A_1417 = arith.subf %add3A_1377, %sub3A_1416 : vector<16xf32>
      %abs3A_1418 = math.absf %sub3A_1417 : vector<16xf32>
      %sub3A_1419 = arith.subf %broadcast_in_dim3A_642, %abs3A_1418 : vector<16xf32>
      %max3A_1420 = arith.constant 0.000000e+00 : f32
      %max3A_1421 = vector.broadcast %max3A_1420 : f32 to vector<16xf32>
      %max3A_1422 = arith.maximumf %sub3A_1419, %max3A_1421 : vector<16xf32>
      %mul3A_1423 = arith.mulf %max3A_1422, %max3A_1373 : vector<16xf32>
      %add3A_1424 = arith.addf %add3A_1351, %mul3A_1423 : vector<16xf32>
      %mul3A_1425 = arith.constant 16 : i32
      %mul3A_1426 = arith.muli %scan3A_683, %mul3A_1425 : i32
      %add3A_1427 = arith.constant 10 : i32
      %add3A_1428 = arith.addi %mul3A_1426, %add3A_1427 : i32
      %slice3A_1429 = vector.extract_strided_slice %get3A_693 {offsets = [10], sizes = [1], strides = [1]} : vector<16xf32> to vector<1xf32>
      %squeeze3A_1430 = vector.extract %slice3A_1429[0] : f32 from vector<1xf32>
      %add3A_1431 = vector.broadcast %squeeze3A_1430 : f32 to vector<16xf32>
      %add3A_1432 = arith.addf %broadcast_in_dim3A_640, %add3A_1431 : vector<16xf32>
      %get3A_1433 = arith.index_cast %add3A_1428 : i32 to index
      %get3A_1434 = arith.constant 0 : index
      %get3A_1435 = tpu.vector_load %arg17[%get3A_1433, %get3A_1434] {strides = array<i32>} : memref<640x16xf32, #tpu.memory_space<vmem>>, vector<1x16xf32>,
      %get3A_1436 = vector.shape_cast %get3A_1435 : vector<1x16xf32> to vector<16xf32>
      %get3A_1437 = arith.index_cast %add3A_1428 : i32 to index
      %get3A_1438 = arith.constant 0 : index
      %get3A_1439 = tpu.vector_load %arg16[%get3A_1437, %get3A_1438] {strides = array<i32>} : memref<640x16xf32, #tpu.memory_space<vmem>>, vector<1x16xf32>,
      %get3A_1440 = vector.shape_cast %get3A_1439 : vector<1x16xf32> to vector<16xf32>
      %add3A_1441 = arith.addf %get3A_1436, %get3A_1440 : vector<16xf32>
      %mul3A_1442 = arith.mulf %add3A_1432, %add3A_1441 : vector<16xf32>
      %add3A_1443 = arith.addf %mul3A_1442, %get3A_644 : vector<16xf32>
      %max3A_1444 = arith.constant 0.000000e+00 : f32
      %max3A_1445 = vector.broadcast %max3A_1444 : f32 to vector<16xf32>
      %max3A_1446 = arith.maximumf %add3A_1443, %max3A_1445 : vector<16xf32>
      %slice3A_1447 = vector.extract_strided_slice %convert_element_type3A_699 {offsets = [10], sizes = [1], strides = [1]} : vector<16xf32> to vector<1xf32>
      %squeeze3A_1448 = vector.extract %slice3A_1447[0] : f32 from vector<1xf32>
      %add3A_1449 = vector.broadcast %squeeze3A_1448 : f32 to vector<16xf32>
      %add3A_1450 = arith.addf %broadcast_in_dim3A_640, %add3A_1449 : vector<16xf32>
      %sub3A_1451 = arith.subf %convert_element_type3A, %add3A_1450 : vector<16xf32>
      %abs3A_1452 = math.absf %sub3A_1451 : vector<16xf32>
      %sub3A_1453 = arith.subf %broadcast_in_dim3A_642, %abs3A_1452 : vector<16xf32>
      %max3A_1454 = arith.constant 0.000000e+00 : f32
      %max3A_1455 = vector.broadcast %max3A_1454 : f32 to vector<16xf32>
      %max3A_1456 = arith.maximumf %sub3A_1453, %max3A_1455 : vector<16xf32>
      %add3A_1457 = arith.addf %add3A_1384, %max3A_1456 : vector<16xf32>
      %sub3A_1458 = arith.constant 0.000000e+00 : f32
      %sub3A_1459 = vector.broadcast %sub3A_1458 : f32 to vector<16xf32>
      %sub3A_1460 = arith.subf %add3A_1450, %sub3A_1459 : vector<16xf32>
      %abs3A_1461 = math.absf %sub3A_1460 : vector<16xf32>
      %sub3A_1462 = arith.subf %broadcast_in_dim3A_642, %abs3A_1461 : vector<16xf32>
      %max3A_1463 = arith.constant 0.000000e+00 : f32
      %max3A_1464 = vector.broadcast %max3A_1463 : f32 to vector<16xf32>
      %max3A_1465 = arith.maximumf %sub3A_1462, %max3A_1464 : vector<16xf32>
      %mul3A_1466 = arith.mulf %max3A_1465, %max3A_1446 : vector<16xf32>
      %add3A_1467 = arith.addf %add3A_1394, %mul3A_1466 : vector<16xf32>
      %sub3A_1468 = arith.constant 1.000000e+00 : f32
      %sub3A_1469 = vector.broadcast %sub3A_1468 : f32 to vector<16xf32>
      %sub3A_1470 = arith.subf %add3A_1450, %sub3A_1469 : vector<16xf32>
      %abs3A_1471 = math.absf %sub3A_1470 : vector<16xf32>
      %sub3A_1472 = arith.subf %broadcast_in_dim3A_642, %abs3A_1471 : vector<16xf32>
      %max3A_1473 = arith.constant 0.000000e+00 : f32
      %max3A_1474 = vector.broadcast %max3A_1473 : f32 to vector<16xf32>
      %max3A_1475 = arith.maximumf %sub3A_1472, %max3A_1474 : vector<16xf32>
      %mul3A_1476 = arith.mulf %max3A_1475, %max3A_1446 : vector<16xf32>
      %add3A_1477 = arith.addf %add3A_1404, %mul3A_1476 : vector<16xf32>
      %sub3A_1478 = arith.constant 2.000000e+00 : f32
      %sub3A_1479 = vector.broadcast %sub3A_1478 : f32 to vector<16xf32>
      %sub3A_1480 = arith.subf %add3A_1450, %sub3A_1479 : vector<16xf32>
      %abs3A_1481 = math.absf %sub3A_1480 : vector<16xf32>
      %sub3A_1482 = arith.subf %broadcast_in_dim3A_642, %abs3A_1481 : vector<16xf32>
      %max3A_1483 = arith.constant 0.000000e+00 : f32
      %max3A_1484 = vector.broadcast %max3A_1483 : f32 to vector<16xf32>
      %max3A_1485 = arith.maximumf %sub3A_1482, %max3A_1484 : vector<16xf32>
      %mul3A_1486 = arith.mulf %max3A_1485, %max3A_1446 : vector<16xf32>
      %add3A_1487 = arith.addf %add3A_1414, %mul3A_1486 : vector<16xf32>
      %sub3A_1488 = arith.constant 3.000000e+00 : f32
      %sub3A_1489 = vector.broadcast %sub3A_1488 : f32 to vector<16xf32>
      %sub3A_1490 = arith.subf %add3A_1450, %sub3A_1489 : vector<16xf32>
      %abs3A_1491 = math.absf %sub3A_1490 : vector<16xf32>
      %sub3A_1492 = arith.subf %broadcast_in_dim3A_642, %abs3A_1491 : vector<16xf32>
      %max3A_1493 = arith.constant 0.000000e+00 : f32
      %max3A_1494 = vector.broadcast %max3A_1493 : f32 to vector<16xf32>
      %max3A_1495 = arith.maximumf %sub3A_1492, %max3A_1494 : vector<16xf32>
      %mul3A_1496 = arith.mulf %max3A_1495, %max3A_1446 : vector<16xf32>
      %add3A_1497 = arith.addf %add3A_1424, %mul3A_1496 : vector<16xf32>
      %mul3A_1498 = arith.constant 16 : i32
      %mul3A_1499 = arith.muli %scan3A_683, %mul3A_1498 : i32
      %add3A_1500 = arith.constant 11 : i32
      %add3A_1501 = arith.addi %mul3A_1499, %add3A_1500 : i32
      %slice3A_1502 = vector.extract_strided_slice %get3A_693 {offsets = [11], sizes = [1], strides = [1]} : vector<16xf32> to vector<1xf32>
      %squeeze3A_1503 = vector.extract %slice3A_1502[0] : f32 from vector<1xf32>
      %add3A_1504 = vector.broadcast %squeeze3A_1503 : f32 to vector<16xf32>
      %add3A_1505 = arith.addf %broadcast_in_dim3A_640, %add3A_1504 : vector<16xf32>
      %get3A_1506 = arith.index_cast %add3A_1501 : i32 to index
      %get3A_1507 = arith.constant 0 : index
      %get3A_1508 = tpu.vector_load %arg17[%get3A_1506, %get3A_1507] {strides = array<i32>} : memref<640x16xf32, #tpu.memory_space<vmem>>, vector<1x16xf32>,
      %get3A_1509 = vector.shape_cast %get3A_1508 : vector<1x16xf32> to vector<16xf32>
      %get3A_1510 = arith.index_cast %add3A_1501 : i32 to index
      %get3A_1511 = arith.constant 0 : index
      %get3A_1512 = tpu.vector_load %arg16[%get3A_1510, %get3A_1511] {strides = array<i32>} : memref<640x16xf32, #tpu.memory_space<vmem>>, vector<1x16xf32>,
      %get3A_1513 = vector.shape_cast %get3A_1512 : vector<1x16xf32> to vector<16xf32>
      %add3A_1514 = arith.addf %get3A_1509, %get3A_1513 : vector<16xf32>
      %mul3A_1515 = arith.mulf %add3A_1505, %add3A_1514 : vector<16xf32>
      %add3A_1516 = arith.addf %mul3A_1515, %get3A_644 : vector<16xf32>
      %max3A_1517 = arith.constant 0.000000e+00 : f32
      %max3A_1518 = vector.broadcast %max3A_1517 : f32 to vector<16xf32>
      %max3A_1519 = arith.maximumf %add3A_1516, %max3A_1518 : vector<16xf32>
      %slice3A_1520 = vector.extract_strided_slice %convert_element_type3A_699 {offsets = [11], sizes = [1], strides = [1]} : vector<16xf32> to vector<1xf32>
      %squeeze3A_1521 = vector.extract %slice3A_1520[0] : f32 from vector<1xf32>
      %add3A_1522 = vector.broadcast %squeeze3A_1521 : f32 to vector<16xf32>
      %add3A_1523 = arith.addf %broadcast_in_dim3A_640, %add3A_1522 : vector<16xf32>
      %sub3A_1524 = arith.subf %convert_element_type3A, %add3A_1523 : vector<16xf32>
      %abs3A_1525 = math.absf %sub3A_1524 : vector<16xf32>
      %sub3A_1526 = arith.subf %broadcast_in_dim3A_642, %abs3A_1525 : vector<16xf32>
      %max3A_1527 = arith.constant 0.000000e+00 : f32
      %max3A_1528 = vector.broadcast %max3A_1527 : f32 to vector<16xf32>
      %max3A_1529 = arith.maximumf %sub3A_1526, %max3A_1528 : vector<16xf32>
      %add3A_1530 = arith.addf %add3A_1457, %max3A_1529 : vector<16xf32>
      %sub3A_1531 = arith.constant 0.000000e+00 : f32
      %sub3A_1532 = vector.broadcast %sub3A_1531 : f32 to vector<16xf32>
      %sub3A_1533 = arith.subf %add3A_1523, %sub3A_1532 : vector<16xf32>
      %abs3A_1534 = math.absf %sub3A_1533 : vector<16xf32>
      %sub3A_1535 = arith.subf %broadcast_in_dim3A_642, %abs3A_1534 : vector<16xf32>
      %max3A_1536 = arith.constant 0.000000e+00 : f32
      %max3A_1537 = vector.broadcast %max3A_1536 : f32 to vector<16xf32>
      %max3A_1538 = arith.maximumf %sub3A_1535, %max3A_1537 : vector<16xf32>
      %mul3A_1539 = arith.mulf %max3A_1538, %max3A_1519 : vector<16xf32>
      %add3A_1540 = arith.addf %add3A_1467, %mul3A_1539 : vector<16xf32>
      %sub3A_1541 = arith.constant 1.000000e+00 : f32
      %sub3A_1542 = vector.broadcast %sub3A_1541 : f32 to vector<16xf32>
      %sub3A_1543 = arith.subf %add3A_1523, %sub3A_1542 : vector<16xf32>
      %abs3A_1544 = math.absf %sub3A_1543 : vector<16xf32>
      %sub3A_1545 = arith.subf %broadcast_in_dim3A_642, %abs3A_1544 : vector<16xf32>
      %max3A_1546 = arith.constant 0.000000e+00 : f32
      %max3A_1547 = vector.broadcast %max3A_1546 : f32 to vector<16xf32>
      %max3A_1548 = arith.maximumf %sub3A_1545, %max3A_1547 : vector<16xf32>
      %mul3A_1549 = arith.mulf %max3A_1548, %max3A_1519 : vector<16xf32>
      %add3A_1550 = arith.addf %add3A_1477, %mul3A_1549 : vector<16xf32>
      %sub3A_1551 = arith.constant 2.000000e+00 : f32
      %sub3A_1552 = vector.broadcast %sub3A_1551 : f32 to vector<16xf32>
      %sub3A_1553 = arith.subf %add3A_1523, %sub3A_1552 : vector<16xf32>
      %abs3A_1554 = math.absf %sub3A_1553 : vector<16xf32>
      %sub3A_1555 = arith.subf %broadcast_in_dim3A_642, %abs3A_1554 : vector<16xf32>
      %max3A_1556 = arith.constant 0.000000e+00 : f32
      %max3A_1557 = vector.broadcast %max3A_1556 : f32 to vector<16xf32>
      %max3A_1558 = arith.maximumf %sub3A_1555, %max3A_1557 : vector<16xf32>
      %mul3A_1559 = arith.mulf %max3A_1558, %max3A_1519 : vector<16xf32>
      %add3A_1560 = arith.addf %add3A_1487, %mul3A_1559 : vector<16xf32>
      %sub3A_1561 = arith.constant 3.000000e+00 : f32
      %sub3A_1562 = vector.broadcast %sub3A_1561 : f32 to vector<16xf32>
      %sub3A_1563 = arith.subf %add3A_1523, %sub3A_1562 : vector<16xf32>
      %abs3A_1564 = math.absf %sub3A_1563 : vector<16xf32>
      %sub3A_1565 = arith.subf %broadcast_in_dim3A_642, %abs3A_1564 : vector<16xf32>
      %max3A_1566 = arith.constant 0.000000e+00 : f32
      %max3A_1567 = vector.broadcast %max3A_1566 : f32 to vector<16xf32>
      %max3A_1568 = arith.maximumf %sub3A_1565, %max3A_1567 : vector<16xf32>
      %mul3A_1569 = arith.mulf %max3A_1568, %max3A_1519 : vector<16xf32>
      %add3A_1570 = arith.addf %add3A_1497, %mul3A_1569 : vector<16xf32>
      %mul3A_1571 = arith.constant 16 : i32
      %mul3A_1572 = arith.muli %scan3A_683, %mul3A_1571 : i32
      %add3A_1573 = arith.constant 12 : i32
      %add3A_1574 = arith.addi %mul3A_1572, %add3A_1573 : i32
      %slice3A_1575 = vector.extract_strided_slice %get3A_693 {offsets = [12], sizes = [1], strides = [1]} : vector<16xf32> to vector<1xf32>
      %squeeze3A_1576 = vector.extract %slice3A_1575[0] : f32 from vector<1xf32>
      %add3A_1577 = vector.broadcast %squeeze3A_1576 : f32 to vector<16xf32>
      %add3A_1578 = arith.addf %broadcast_in_dim3A_640, %add3A_1577 : vector<16xf32>
      %get3A_1579 = arith.index_cast %add3A_1574 : i32 to index
      %get3A_1580 = arith.constant 0 : index
      %get3A_1581 = tpu.vector_load %arg17[%get3A_1579, %get3A_1580] {strides = array<i32>} : memref<640x16xf32, #tpu.memory_space<vmem>>, vector<1x16xf32>,
      %get3A_1582 = vector.shape_cast %get3A_1581 : vector<1x16xf32> to vector<16xf32>
      %get3A_1583 = arith.index_cast %add3A_1574 : i32 to index
      %get3A_1584 = arith.constant 0 : index
      %get3A_1585 = tpu.vector_load %arg16[%get3A_1583, %get3A_1584] {strides = array<i32>} : memref<640x16xf32, #tpu.memory_space<vmem>>, vector<1x16xf32>,
      %get3A_1586 = vector.shape_cast %get3A_1585 : vector<1x16xf32> to vector<16xf32>
      %add3A_1587 = arith.addf %get3A_1582, %get3A_1586 : vector<16xf32>
      %mul3A_1588 = arith.mulf %add3A_1578, %add3A_1587 : vector<16xf32>
      %add3A_1589 = arith.addf %mul3A_1588, %get3A_644 : vector<16xf32>
      %max3A_1590 = arith.constant 0.000000e+00 : f32
      %max3A_1591 = vector.broadcast %max3A_1590 : f32 to vector<16xf32>
      %max3A_1592 = arith.maximumf %add3A_1589, %max3A_1591 : vector<16xf32>
      %slice3A_1593 = vector.extract_strided_slice %convert_element_type3A_699 {offsets = [12], sizes = [1], strides = [1]} : vector<16xf32> to vector<1xf32>
      %squeeze3A_1594 = vector.extract %slice3A_1593[0] : f32 from vector<1xf32>
      %add3A_1595 = vector.broadcast %squeeze3A_1594 : f32 to vector<16xf32>
      %add3A_1596 = arith.addf %broadcast_in_dim3A_640, %add3A_1595 : vector<16xf32>
      %sub3A_1597 = arith.subf %convert_element_type3A, %add3A_1596 : vector<16xf32>
      %abs3A_1598 = math.absf %sub3A_1597 : vector<16xf32>
      %sub3A_1599 = arith.subf %broadcast_in_dim3A_642, %abs3A_1598 : vector<16xf32>
      %max3A_1600 = arith.constant 0.000000e+00 : f32
      %max3A_1601 = vector.broadcast %max3A_1600 : f32 to vector<16xf32>
      %max3A_1602 = arith.maximumf %sub3A_1599, %max3A_1601 : vector<16xf32>
      %add3A_1603 = arith.addf %add3A_1530, %max3A_1602 : vector<16xf32>
      %sub3A_1604 = arith.constant 0.000000e+00 : f32
      %sub3A_1605 = vector.broadcast %sub3A_1604 : f32 to vector<16xf32>
      %sub3A_1606 = arith.subf %add3A_1596, %sub3A_1605 : vector<16xf32>
      %abs3A_1607 = math.absf %sub3A_1606 : vector<16xf32>
      %sub3A_1608 = arith.subf %broadcast_in_dim3A_642, %abs3A_1607 : vector<16xf32>
      %max3A_1609 = arith.constant 0.000000e+00 : f32
      %max3A_1610 = vector.broadcast %max3A_1609 : f32 to vector<16xf32>
      %max3A_1611 = arith.maximumf %sub3A_1608, %max3A_1610 : vector<16xf32>
      %mul3A_1612 = arith.mulf %max3A_1611, %max3A_1592 : vector<16xf32>
      %add3A_1613 = arith.addf %add3A_1540, %mul3A_1612 : vector<16xf32>
      %sub3A_1614 = arith.constant 1.000000e+00 : f32
      %sub3A_1615 = vector.broadcast %sub3A_1614 : f32 to vector<16xf32>
      %sub3A_1616 = arith.subf %add3A_1596, %sub3A_1615 : vector<16xf32>
      %abs3A_1617 = math.absf %sub3A_1616 : vector<16xf32>
      %sub3A_1618 = arith.subf %broadcast_in_dim3A_642, %abs3A_1617 : vector<16xf32>
      %max3A_1619 = arith.constant 0.000000e+00 : f32
      %max3A_1620 = vector.broadcast %max3A_1619 : f32 to vector<16xf32>
      %max3A_1621 = arith.maximumf %sub3A_1618, %max3A_1620 : vector<16xf32>
      %mul3A_1622 = arith.mulf %max3A_1621, %max3A_1592 : vector<16xf32>
      %add3A_1623 = arith.addf %add3A_1550, %mul3A_1622 : vector<16xf32>
      %sub3A_1624 = arith.constant 2.000000e+00 : f32
      %sub3A_1625 = vector.broadcast %sub3A_1624 : f32 to vector<16xf32>
      %sub3A_1626 = arith.subf %add3A_1596, %sub3A_1625 : vector<16xf32>
      %abs3A_1627 = math.absf %sub3A_1626 : vector<16xf32>
      %sub3A_1628 = arith.subf %broadcast_in_dim3A_642, %abs3A_1627 : vector<16xf32>
      %max3A_1629 = arith.constant 0.000000e+00 : f32
      %max3A_1630 = vector.broadcast %max3A_1629 : f32 to vector<16xf32>
      %max3A_1631 = arith.maximumf %sub3A_1628, %max3A_1630 : vector<16xf32>
      %mul3A_1632 = arith.mulf %max3A_1631, %max3A_1592 : vector<16xf32>
      %add3A_1633 = arith.addf %add3A_1560, %mul3A_1632 : vector<16xf32>
      %sub3A_1634 = arith.constant 3.000000e+00 : f32
      %sub3A_1635 = vector.broadcast %sub3A_1634 : f32 to vector<16xf32>
      %sub3A_1636 = arith.subf %add3A_1596, %sub3A_1635 : vector<16xf32>
      %abs3A_1637 = math.absf %sub3A_1636 : vector<16xf32>
      %sub3A_1638 = arith.subf %broadcast_in_dim3A_642, %abs3A_1637 : vector<16xf32>
      %max3A_1639 = arith.constant 0.000000e+00 : f32
      %max3A_1640 = vector.broadcast %max3A_1639 : f32 to vector<16xf32>
      %max3A_1641 = arith.maximumf %sub3A_1638, %max3A_1640 : vector<16xf32>
      %mul3A_1642 = arith.mulf %max3A_1641, %max3A_1592 : vector<16xf32>
      %add3A_1643 = arith.addf %add3A_1570, %mul3A_1642 : vector<16xf32>
      %mul3A_1644 = arith.constant 16 : i32
      %mul3A_1645 = arith.muli %scan3A_683, %mul3A_1644 : i32
      %add3A_1646 = arith.constant 13 : i32
      %add3A_1647 = arith.addi %mul3A_1645, %add3A_1646 : i32
      %slice3A_1648 = vector.extract_strided_slice %get3A_693 {offsets = [13], sizes = [1], strides = [1]} : vector<16xf32> to vector<1xf32>
      %squeeze3A_1649 = vector.extract %slice3A_1648[0] : f32 from vector<1xf32>
      %add3A_1650 = vector.broadcast %squeeze3A_1649 : f32 to vector<16xf32>
      %add3A_1651 = arith.addf %broadcast_in_dim3A_640, %add3A_1650 : vector<16xf32>
      %get3A_1652 = arith.index_cast %add3A_1647 : i32 to index
      %get3A_1653 = arith.constant 0 : index
      %get3A_1654 = tpu.vector_load %arg17[%get3A_1652, %get3A_1653] {strides = array<i32>} : memref<640x16xf32, #tpu.memory_space<vmem>>, vector<1x16xf32>,
      %get3A_1655 = vector.shape_cast %get3A_1654 : vector<1x16xf32> to vector<16xf32>
      %get3A_1656 = arith.index_cast %add3A_1647 : i32 to index
      %get3A_1657 = arith.constant 0 : index
      %get3A_1658 = tpu.vector_load %arg16[%get3A_1656, %get3A_1657] {strides = array<i32>} : memref<640x16xf32, #tpu.memory_space<vmem>>, vector<1x16xf32>,
      %get3A_1659 = vector.shape_cast %get3A_1658 : vector<1x16xf32> to vector<16xf32>
      %add3A_1660 = arith.addf %get3A_1655, %get3A_1659 : vector<16xf32>
      %mul3A_1661 = arith.mulf %add3A_1651, %add3A_1660 : vector<16xf32>
      %add3A_1662 = arith.addf %mul3A_1661, %get3A_644 : vector<16xf32>
      %max3A_1663 = arith.constant 0.000000e+00 : f32
      %max3A_1664 = vector.broadcast %max3A_1663 : f32 to vector<16xf32>
      %max3A_1665 = arith.maximumf %add3A_1662, %max3A_1664 : vector<16xf32>
      %slice3A_1666 = vector.extract_strided_slice %convert_element_type3A_699 {offsets = [13], sizes = [1], strides = [1]} : vector<16xf32> to vector<1xf32>
      %squeeze3A_1667 = vector.extract %slice3A_1666[0] : f32 from vector<1xf32>
      %add3A_1668 = vector.broadcast %squeeze3A_1667 : f32 to vector<16xf32>
      %add3A_1669 = arith.addf %broadcast_in_dim3A_640, %add3A_1668 : vector<16xf32>
      %sub3A_1670 = arith.subf %convert_element_type3A, %add3A_1669 : vector<16xf32>
      %abs3A_1671 = math.absf %sub3A_1670 : vector<16xf32>
      %sub3A_1672 = arith.subf %broadcast_in_dim3A_642, %abs3A_1671 : vector<16xf32>
      %max3A_1673 = arith.constant 0.000000e+00 : f32
      %max3A_1674 = vector.broadcast %max3A_1673 : f32 to vector<16xf32>
      %max3A_1675 = arith.maximumf %sub3A_1672, %max3A_1674 : vector<16xf32>
      %add3A_1676 = arith.addf %add3A_1603, %max3A_1675 : vector<16xf32>
      %sub3A_1677 = arith.constant 0.000000e+00 : f32
      %sub3A_1678 = vector.broadcast %sub3A_1677 : f32 to vector<16xf32>
      %sub3A_1679 = arith.subf %add3A_1669, %sub3A_1678 : vector<16xf32>
      %abs3A_1680 = math.absf %sub3A_1679 : vector<16xf32>
      %sub3A_1681 = arith.subf %broadcast_in_dim3A_642, %abs3A_1680 : vector<16xf32>
      %max3A_1682 = arith.constant 0.000000e+00 : f32
      %max3A_1683 = vector.broadcast %max3A_1682 : f32 to vector<16xf32>
      %max3A_1684 = arith.maximumf %sub3A_1681, %max3A_1683 : vector<16xf32>
      %mul3A_1685 = arith.mulf %max3A_1684, %max3A_1665 : vector<16xf32>
      %add3A_1686 = arith.addf %add3A_1613, %mul3A_1685 : vector<16xf32>
      %sub3A_1687 = arith.constant 1.000000e+00 : f32
      %sub3A_1688 = vector.broadcast %sub3A_1687 : f32 to vector<16xf32>
      %sub3A_1689 = arith.subf %add3A_1669, %sub3A_1688 : vector<16xf32>
      %abs3A_1690 = math.absf %sub3A_1689 : vector<16xf32>
      %sub3A_1691 = arith.subf %broadcast_in_dim3A_642, %abs3A_1690 : vector<16xf32>
      %max3A_1692 = arith.constant 0.000000e+00 : f32
      %max3A_1693 = vector.broadcast %max3A_1692 : f32 to vector<16xf32>
      %max3A_1694 = arith.maximumf %sub3A_1691, %max3A_1693 : vector<16xf32>
      %mul3A_1695 = arith.mulf %max3A_1694, %max3A_1665 : vector<16xf32>
      %add3A_1696 = arith.addf %add3A_1623, %mul3A_1695 : vector<16xf32>
      %sub3A_1697 = arith.constant 2.000000e+00 : f32
      %sub3A_1698 = vector.broadcast %sub3A_1697 : f32 to vector<16xf32>
      %sub3A_1699 = arith.subf %add3A_1669, %sub3A_1698 : vector<16xf32>
      %abs3A_1700 = math.absf %sub3A_1699 : vector<16xf32>
      %sub3A_1701 = arith.subf %broadcast_in_dim3A_642, %abs3A_1700 : vector<16xf32>
      %max3A_1702 = arith.constant 0.000000e+00 : f32
      %max3A_1703 = vector.broadcast %max3A_1702 : f32 to vector<16xf32>
      %max3A_1704 = arith.maximumf %sub3A_1701, %max3A_1703 : vector<16xf32>
      %mul3A_1705 = arith.mulf %max3A_1704, %max3A_1665 : vector<16xf32>
      %add3A_1706 = arith.addf %add3A_1633, %mul3A_1705 : vector<16xf32>
      %sub3A_1707 = arith.constant 3.000000e+00 : f32
      %sub3A_1708 = vector.broadcast %sub3A_1707 : f32 to vector<16xf32>
      %sub3A_1709 = arith.subf %add3A_1669, %sub3A_1708 : vector<16xf32>
      %abs3A_1710 = math.absf %sub3A_1709 : vector<16xf32>
      %sub3A_1711 = arith.subf %broadcast_in_dim3A_642, %abs3A_1710 : vector<16xf32>
      %max3A_1712 = arith.constant 0.000000e+00 : f32
      %max3A_1713 = vector.broadcast %max3A_1712 : f32 to vector<16xf32>
      %max3A_1714 = arith.maximumf %sub3A_1711, %max3A_1713 : vector<16xf32>
      %mul3A_1715 = arith.mulf %max3A_1714, %max3A_1665 : vector<16xf32>
      %add3A_1716 = arith.addf %add3A_1643, %mul3A_1715 : vector<16xf32>
      %mul3A_1717 = arith.constant 16 : i32
      %mul3A_1718 = arith.muli %scan3A_683, %mul3A_1717 : i32
      %add3A_1719 = arith.constant 14 : i32
      %add3A_1720 = arith.addi %mul3A_1718, %add3A_1719 : i32
      %slice3A_1721 = vector.extract_strided_slice %get3A_693 {offsets = [14], sizes = [1], strides = [1]} : vector<16xf32> to vector<1xf32>
      %squeeze3A_1722 = vector.extract %slice3A_1721[0] : f32 from vector<1xf32>
      %add3A_1723 = vector.broadcast %squeeze3A_1722 : f32 to vector<16xf32>
      %add3A_1724 = arith.addf %broadcast_in_dim3A_640, %add3A_1723 : vector<16xf32>
      %get3A_1725 = arith.index_cast %add3A_1720 : i32 to index
      %get3A_1726 = arith.constant 0 : index
      %get3A_1727 = tpu.vector_load %arg17[%get3A_1725, %get3A_1726] {strides = array<i32>} : memref<640x16xf32, #tpu.memory_space<vmem>>, vector<1x16xf32>,
      %get3A_1728 = vector.shape_cast %get3A_1727 : vector<1x16xf32> to vector<16xf32>
      %get3A_1729 = arith.index_cast %add3A_1720 : i32 to index
      %get3A_1730 = arith.constant 0 : index
      %get3A_1731 = tpu.vector_load %arg16[%get3A_1729, %get3A_1730] {strides = array<i32>} : memref<640x16xf32, #tpu.memory_space<vmem>>, vector<1x16xf32>,
      %get3A_1732 = vector.shape_cast %get3A_1731 : vector<1x16xf32> to vector<16xf32>
      %add3A_1733 = arith.addf %get3A_1728, %get3A_1732 : vector<16xf32>
      %mul3A_1734 = arith.mulf %add3A_1724, %add3A_1733 : vector<16xf32>
      %add3A_1735 = arith.addf %mul3A_1734, %get3A_644 : vector<16xf32>
      %max3A_1736 = arith.constant 0.000000e+00 : f32
      %max3A_1737 = vector.broadcast %max3A_1736 : f32 to vector<16xf32>
      %max3A_1738 = arith.maximumf %add3A_1735, %max3A_1737 : vector<16xf32>
      %slice3A_1739 = vector.extract_strided_slice %convert_element_type3A_699 {offsets = [14], sizes = [1], strides = [1]} : vector<16xf32> to vector<1xf32>
      %squeeze3A_1740 = vector.extract %slice3A_1739[0] : f32 from vector<1xf32>
      %add3A_1741 = vector.broadcast %squeeze3A_1740 : f32 to vector<16xf32>
      %add3A_1742 = arith.addf %broadcast_in_dim3A_640, %add3A_1741 : vector<16xf32>
      %sub3A_1743 = arith.subf %convert_element_type3A, %add3A_1742 : vector<16xf32>
      %abs3A_1744 = math.absf %sub3A_1743 : vector<16xf32>
      %sub3A_1745 = arith.subf %broadcast_in_dim3A_642, %abs3A_1744 : vector<16xf32>
      %max3A_1746 = arith.constant 0.000000e+00 : f32
      %max3A_1747 = vector.broadcast %max3A_1746 : f32 to vector<16xf32>
      %max3A_1748 = arith.maximumf %sub3A_1745, %max3A_1747 : vector<16xf32>
      %add3A_1749 = arith.addf %add3A_1676, %max3A_1748 : vector<16xf32>
      %sub3A_1750 = arith.constant 0.000000e+00 : f32
      %sub3A_1751 = vector.broadcast %sub3A_1750 : f32 to vector<16xf32>
      %sub3A_1752 = arith.subf %add3A_1742, %sub3A_1751 : vector<16xf32>
      %abs3A_1753 = math.absf %sub3A_1752 : vector<16xf32>
      %sub3A_1754 = arith.subf %broadcast_in_dim3A_642, %abs3A_1753 : vector<16xf32>
      %max3A_1755 = arith.constant 0.000000e+00 : f32
      %max3A_1756 = vector.broadcast %max3A_1755 : f32 to vector<16xf32>
      %max3A_1757 = arith.maximumf %sub3A_1754, %max3A_1756 : vector<16xf32>
      %mul3A_1758 = arith.mulf %max3A_1757, %max3A_1738 : vector<16xf32>
      %add3A_1759 = arith.addf %add3A_1686, %mul3A_1758 : vector<16xf32>
      %sub3A_1760 = arith.constant 1.000000e+00 : f32
      %sub3A_1761 = vector.broadcast %sub3A_1760 : f32 to vector<16xf32>
      %sub3A_1762 = arith.subf %add3A_1742, %sub3A_1761 : vector<16xf32>
      %abs3A_1763 = math.absf %sub3A_1762 : vector<16xf32>
      %sub3A_1764 = arith.subf %broadcast_in_dim3A_642, %abs3A_1763 : vector<16xf32>
      %max3A_1765 = arith.constant 0.000000e+00 : f32
      %max3A_1766 = vector.broadcast %max3A_1765 : f32 to vector<16xf32>
      %max3A_1767 = arith.maximumf %sub3A_1764, %max3A_1766 : vector<16xf32>
      %mul3A_1768 = arith.mulf %max3A_1767, %max3A_1738 : vector<16xf32>
      %add3A_1769 = arith.addf %add3A_1696, %mul3A_1768 : vector<16xf32>
      %sub3A_1770 = arith.constant 2.000000e+00 : f32
      %sub3A_1771 = vector.broadcast %sub3A_1770 : f32 to vector<16xf32>
      %sub3A_1772 = arith.subf %add3A_1742, %sub3A_1771 : vector<16xf32>
      %abs3A_1773 = math.absf %sub3A_1772 : vector<16xf32>
      %sub3A_1774 = arith.subf %broadcast_in_dim3A_642, %abs3A_1773 : vector<16xf32>
      %max3A_1775 = arith.constant 0.000000e+00 : f32
      %max3A_1776 = vector.broadcast %max3A_1775 : f32 to vector<16xf32>
      %max3A_1777 = arith.maximumf %sub3A_1774, %max3A_1776 : vector<16xf32>
      %mul3A_1778 = arith.mulf %max3A_1777, %max3A_1738 : vector<16xf32>
      %add3A_1779 = arith.addf %add3A_1706, %mul3A_1778 : vector<16xf32>
      %sub3A_1780 = arith.constant 3.000000e+00 : f32
      %sub3A_1781 = vector.broadcast %sub3A_1780 : f32 to vector<16xf32>
      %sub3A_1782 = arith.subf %add3A_1742, %sub3A_1781 : vector<16xf32>
      %abs3A_1783 = math.absf %sub3A_1782 : vector<16xf32>
      %sub3A_1784 = arith.subf %broadcast_in_dim3A_642, %abs3A_1783 : vector<16xf32>
      %max3A_1785 = arith.constant 0.000000e+00 : f32
      %max3A_1786 = vector.broadcast %max3A_1785 : f32 to vector<16xf32>
      %max3A_1787 = arith.maximumf %sub3A_1784, %max3A_1786 : vector<16xf32>
      %mul3A_1788 = arith.mulf %max3A_1787, %max3A_1738 : vector<16xf32>
      %add3A_1789 = arith.addf %add3A_1716, %mul3A_1788 : vector<16xf32>
      %mul3A_1790 = arith.constant 16 : i32
      %mul3A_1791 = arith.muli %scan3A_683, %mul3A_1790 : i32
      %add3A_1792 = arith.constant 15 : i32
      %add3A_1793 = arith.addi %mul3A_1791, %add3A_1792 : i32
      %slice3A_1794 = vector.extract_strided_slice %get3A_693 {offsets = [15], sizes = [1], strides = [1]} : vector<16xf32> to vector<1xf32>
      %squeeze3A_1795 = vector.extract %slice3A_1794[0] : f32 from vector<1xf32>
      %add3A_1796 = vector.broadcast %squeeze3A_1795 : f32 to vector<16xf32>
      %add3A_1797 = arith.addf %broadcast_in_dim3A_640, %add3A_1796 : vector<16xf32>
      %get3A_1798 = arith.index_cast %add3A_1793 : i32 to index
      %get3A_1799 = arith.constant 0 : index
      %get3A_1800 = tpu.vector_load %arg17[%get3A_1798, %get3A_1799] {strides = array<i32>} : memref<640x16xf32, #tpu.memory_space<vmem>>, vector<1x16xf32>,
      %get3A_1801 = vector.shape_cast %get3A_1800 : vector<1x16xf32> to vector<16xf32>
      %get3A_1802 = arith.index_cast %add3A_1793 : i32 to index
      %get3A_1803 = arith.constant 0 : index
      %get3A_1804 = tpu.vector_load %arg16[%get3A_1802, %get3A_1803] {strides = array<i32>} : memref<640x16xf32, #tpu.memory_space<vmem>>, vector<1x16xf32>,
      %get3A_1805 = vector.shape_cast %get3A_1804 : vector<1x16xf32> to vector<16xf32>
      %add3A_1806 = arith.addf %get3A_1801, %get3A_1805 : vector<16xf32>
      %mul3A_1807 = arith.mulf %add3A_1797, %add3A_1806 : vector<16xf32>
      %add3A_1808 = arith.addf %mul3A_1807, %get3A_644 : vector<16xf32>
      %max3A_1809 = arith.constant 0.000000e+00 : f32
      %max3A_1810 = vector.broadcast %max3A_1809 : f32 to vector<16xf32>
      %max3A_1811 = arith.maximumf %add3A_1808, %max3A_1810 : vector<16xf32>
      %slice3A_1812 = vector.extract_strided_slice %convert_element_type3A_699 {offsets = [15], sizes = [1], strides = [1]} : vector<16xf32> to vector<1xf32>
      %squeeze3A_1813 = vector.extract %slice3A_1812[0] : f32 from vector<1xf32>
      %add3A_1814 = vector.broadcast %squeeze3A_1813 : f32 to vector<16xf32>
      %add3A_1815 = arith.addf %broadcast_in_dim3A_640, %add3A_1814 : vector<16xf32>
      %sub3A_1816 = arith.subf %convert_element_type3A, %add3A_1815 : vector<16xf32>
      %abs3A_1817 = math.absf %sub3A_1816 : vector<16xf32>
      %sub3A_1818 = arith.subf %broadcast_in_dim3A_642, %abs3A_1817 : vector<16xf32>
      %max3A_1819 = arith.constant 0.000000e+00 : f32
      %max3A_1820 = vector.broadcast %max3A_1819 : f32 to vector<16xf32>
      %max3A_1821 = arith.maximumf %sub3A_1818, %max3A_1820 : vector<16xf32>
      %add3A_1822 = arith.addf %add3A_1749, %max3A_1821 : vector<16xf32>
      %sub3A_1823 = arith.constant 0.000000e+00 : f32
      %sub3A_1824 = vector.broadcast %sub3A_1823 : f32 to vector<16xf32>
      %sub3A_1825 = arith.subf %add3A_1815, %sub3A_1824 : vector<16xf32>
      %abs3A_1826 = math.absf %sub3A_1825 : vector<16xf32>
      %sub3A_1827 = arith.subf %broadcast_in_dim3A_642, %abs3A_1826 : vector<16xf32>
      %max3A_1828 = arith.constant 0.000000e+00 : f32
      %max3A_1829 = vector.broadcast %max3A_1828 : f32 to vector<16xf32>
      %max3A_1830 = arith.maximumf %sub3A_1827, %max3A_1829 : vector<16xf32>
      %mul3A_1831 = arith.mulf %max3A_1830, %max3A_1811 : vector<16xf32>
      %add3A_1832 = arith.addf %add3A_1759, %mul3A_1831 : vector<16xf32>
      %sub3A_1833 = arith.constant 1.000000e+00 : f32
      %sub3A_1834 = vector.broadcast %sub3A_1833 : f32 to vector<16xf32>
      %sub3A_1835 = arith.subf %add3A_1815, %sub3A_1834 : vector<16xf32>
      %abs3A_1836 = math.absf %sub3A_1835 : vector<16xf32>
      %sub3A_1837 = arith.subf %broadcast_in_dim3A_642, %abs3A_1836 : vector<16xf32>
      %max3A_1838 = arith.constant 0.000000e+00 : f32
      %max3A_1839 = vector.broadcast %max3A_1838 : f32 to vector<16xf32>
      %max3A_1840 = arith.maximumf %sub3A_1837, %max3A_1839 : vector<16xf32>
      %mul3A_1841 = arith.mulf %max3A_1840, %max3A_1811 : vector<16xf32>
      %add3A_1842 = arith.addf %add3A_1769, %mul3A_1841 : vector<16xf32>
      %sub3A_1843 = arith.constant 2.000000e+00 : f32
      %sub3A_1844 = vector.broadcast %sub3A_1843 : f32 to vector<16xf32>
      %sub3A_1845 = arith.subf %add3A_1815, %sub3A_1844 : vector<16xf32>
      %abs3A_1846 = math.absf %sub3A_1845 : vector<16xf32>
      %sub3A_1847 = arith.subf %broadcast_in_dim3A_642, %abs3A_1846 : vector<16xf32>
      %max3A_1848 = arith.constant 0.000000e+00 : f32
      %max3A_1849 = vector.broadcast %max3A_1848 : f32 to vector<16xf32>
      %max3A_1850 = arith.maximumf %sub3A_1847, %max3A_1849 : vector<16xf32>
      %mul3A_1851 = arith.mulf %max3A_1850, %max3A_1811 : vector<16xf32>
      %add3A_1852 = arith.addf %add3A_1779, %mul3A_1851 : vector<16xf32>
      %sub3A_1853 = arith.constant 3.000000e+00 : f32
      %sub3A_1854 = vector.broadcast %sub3A_1853 : f32 to vector<16xf32>
      %sub3A_1855 = arith.subf %add3A_1815, %sub3A_1854 : vector<16xf32>
      %abs3A_1856 = math.absf %sub3A_1855 : vector<16xf32>
      %sub3A_1857 = arith.subf %broadcast_in_dim3A_642, %abs3A_1856 : vector<16xf32>
      %max3A_1858 = arith.constant 0.000000e+00 : f32
      %max3A_1859 = vector.broadcast %max3A_1858 : f32 to vector<16xf32>
      %max3A_1860 = arith.maximumf %sub3A_1857, %max3A_1859 : vector<16xf32>
      %mul3A_1861 = arith.mulf %max3A_1860, %max3A_1811 : vector<16xf32>
      %add3A_1862 = arith.addf %add3A_1789, %mul3A_1861 : vector<16xf32>
      scf.yield %add3A_1832, %add3A_1842, %add3A_1852, %add3A_1862, %add3A_1822 : vector<16xf32>, vector<16xf32>, vector<16xf32>, vector<16xf32>, vector<16xf32>
    }
    %scan3A_649 = arith.constant 40 : i32
    %swap3A = arith.constant 0 : i32
    %swap3A_650 = arith.index_cast %swap3A : i32 to index
    %swap3A_651 = arith.constant 0 : index
    %swap3A_652 = tpu.vector_load %arg21[%swap3A_650, %swap3A_651] {strides = array<i32>} : memref<5x16xf32, #tpu.memory_space<vmem>>, vector<1x16xf32>,
    %swap3A_653 = vector.shape_cast %swap3A_652 : vector<1x16xf32> to vector<16xf32>
    %swap3A_654 = vector.shape_cast %scan3A_648#0 : vector<16xf32> to vector<1x16xf32>
    tpu.vector_store %arg21[%swap3A_650, %swap3A_651], %swap3A_654 {strides = array<i32>} : memref<5x16xf32, #tpu.memory_space<vmem>>, vector<1x16xf32>,
    %swap3A_655 = arith.constant 1 : i32
    %swap3A_656 = arith.index_cast %swap3A_655 : i32 to index
    %swap3A_657 = arith.constant 0 : index
    %swap3A_658 = tpu.vector_load %arg21[%swap3A_656, %swap3A_657] {strides = array<i32>} : memref<5x16xf32, #tpu.memory_space<vmem>>, vector<1x16xf32>,
    %swap3A_659 = vector.shape_cast %swap3A_658 : vector<1x16xf32> to vector<16xf32>
    %swap3A_660 = vector.shape_cast %scan3A_648#1 : vector<16xf32> to vector<1x16xf32>
    tpu.vector_store %arg21[%swap3A_656, %swap3A_657], %swap3A_660 {strides = array<i32>} : memref<5x16xf32, #tpu.memory_space<vmem>>, vector<1x16xf32>,
    %swap3A_661 = arith.constant 2 : i32
    %swap3A_662 = arith.index_cast %swap3A_661 : i32 to index
    %swap3A_663 = arith.constant 0 : index
    %swap3A_664 = tpu.vector_load %arg21[%swap3A_662, %swap3A_663] {strides = array<i32>} : memref<5x16xf32, #tpu.memory_space<vmem>>, vector<1x16xf32>,
    %swap3A_665 = vector.shape_cast %swap3A_664 : vector<1x16xf32> to vector<16xf32>
    %swap3A_666 = vector.shape_cast %scan3A_648#2 : vector<16xf32> to vector<1x16xf32>
    tpu.vector_store %arg21[%swap3A_662, %swap3A_663], %swap3A_666 {strides = array<i32>} : memref<5x16xf32, #tpu.memory_space<vmem>>, vector<1x16xf32>,
    %swap3A_667 = arith.constant 3 : i32
    %swap3A_668 = arith.index_cast %swap3A_667 : i32 to index
    %swap3A_669 = arith.constant 0 : index
    %swap3A_670 = tpu.vector_load %arg21[%swap3A_668, %swap3A_669] {strides = array<i32>} : memref<5x16xf32, #tpu.memory_space<vmem>>, vector<1x16xf32>,
    %swap3A_671 = vector.shape_cast %swap3A_670 : vector<1x16xf32> to vector<16xf32>
    %swap3A_672 = vector.shape_cast %scan3A_648#3 : vector<16xf32> to vector<1x16xf32>
    tpu.vector_store %arg21[%swap3A_668, %swap3A_669], %swap3A_672 {strides = array<i32>} : memref<5x16xf32, #tpu.memory_space<vmem>>, vector<1x16xf32>,
    %swap3A_673 = arith.constant 4 : i32
    %swap3A_674 = arith.index_cast %swap3A_673 : i32 to index
    %swap3A_675 = arith.constant 0 : index
    %swap3A_676 = tpu.vector_load %arg21[%swap3A_674, %swap3A_675] {strides = array<i32>} : memref<5x16xf32, #tpu.memory_space<vmem>>, vector<1x16xf32>,
    %swap3A_677 = vector.shape_cast %swap3A_676 : vector<1x16xf32> to vector<16xf32>
    %swap3A_678 = vector.shape_cast %scan3A_648#4 : vector<16xf32> to vector<1x16xf32>
    tpu.vector_store %arg21[%swap3A_674, %swap3A_675], %swap3A_678 {strides = array<i32>} : memref<5x16xf32, #tpu.memory_space<vmem>>, vector<1x16xf32>,
    "tpu.region"() ({
      %run_scoped3A = tpu.sem_alloc : memref<!tpu.dma_semaphore, #tpu.memory_space<semaphore_mem>>
      %dma_start3A_683 = arith.constant 0 : i32
      %dma_start3A_684 = arith.constant 0 : i32
      %dma_start3A_685 = tpu.memref_slice %arg11[%arg1, %dma_start3A_683, %dma_start3A_684] : memref<16x5x16xf32, #tpu.memory_space<vmem_shared>> -> memref<1x5x16xf32, #tpu.memory_space<vmem_shared>>
      %dma_start3A_686 = tpu.memref_squeeze %dma_start3A_685 : memref<1x5x16xf32, #tpu.memory_space<vmem_shared>> -> memref<5x16xf32, #tpu.memory_space<vmem_shared>>
      %dma_start3A_687 = arith.constant 0 : i32
      %dma_start3A_688 = arith.constant 0 : i32
      %dma_start3A_689 = tpu.memref_slice %arg11[%arg1, %dma_start3A_687, %dma_start3A_688] : memref<16x5x16xf32, #tpu.memory_space<vmem_shared>> -> memref<1x5x16xf32, #tpu.memory_space<vmem_shared>>
      %dma_start3A_690 = tpu.memref_squeeze %dma_start3A_689 : memref<1x5x16xf32, #tpu.memory_space<vmem_shared>> -> memref<5x16xf32, #tpu.memory_space<vmem_shared>>
      tpu.enqueue_dma source(%arg21 : memref<5x16xf32, #tpu.memory_space<vmem>>) target(%dma_start3A_690 : memref<5x16xf32, #tpu.memory_space<vmem_shared>>) target_semaphore(%run_scoped3A : memref<!tpu.dma_semaphore, #tpu.memory_space<semaphore_mem>>)
      %dma_wait3A_691 = arith.constant 0 : i32
      %dma_wait3A_692 = arith.constant 0 : i32
      %dma_wait3A_693 = tpu.memref_slice %arg11[%arg1, %dma_wait3A_691, %dma_wait3A_692] : memref<16x5x16xf32, #tpu.memory_space<vmem_shared>> -> memref<1x5x16xf32, #tpu.memory_space<vmem_shared>>
      %dma_wait3A_694 = tpu.memref_squeeze %dma_wait3A_693 : memref<1x5x16xf32, #tpu.memory_space<vmem_shared>> -> memref<5x16xf32, #tpu.memory_space<vmem_shared>>
      %dma_wait3A_695 = arith.constant 0 : i32
      %dma_wait3A_696 = arith.constant 0 : i32
      %dma_wait3A_697 = tpu.memref_slice %arg11[%arg1, %dma_wait3A_695, %dma_wait3A_696] : memref<16x5x16xf32, #tpu.memory_space<vmem_shared>> -> memref<1x5x16xf32, #tpu.memory_space<vmem_shared>>
      %dma_wait3A_698 = tpu.memref_squeeze %dma_wait3A_697 : memref<1x5x16xf32, #tpu.memory_space<vmem_shared>> -> memref<5x16xf32, #tpu.memory_space<vmem_shared>>
      tpu.wait_dma2 semaphore(%run_scoped3A : memref<!tpu.dma_semaphore, #tpu.memory_space<semaphore_mem>>) src(%arg21 : memref<5x16xf32, #tpu.memory_space<vmem>>) dst(%dma_wait3A_698 : memref<5x16xf32, #tpu.memory_space<vmem_shared>>)
      tpu.yield
    }) : () -> ()
    %barrier3A_679 = arith.constant 0 : index
    tpu.barrier barrier_id(%barrier3A_679)
    %eq3A = arith.constant 0 : i32
    %eq3A_680 = arith.cmpi eq, %arg1, %eq3A : i32
    %convert_element_type3A_681 = arith.extui %eq3A_680 : i1 to i32
    %cond3A = arith.constant 0 : i32
    %cond3A_682 = arith.cmpi ne, %convert_element_type3A_681, %cond3A : i32
    scf.if %cond3A_682 {
      "tpu.region"() ({
        %run_scoped3A = tpu.sem_alloc : memref<!tpu.dma_semaphore, #tpu.memory_space<semaphore_mem>>
        tpu.enqueue_dma source(%arg11 : memref<16x5x16xf32, #tpu.memory_space<vmem_shared>>) target(%arg22 : memref<16x5x16xf32, #tpu.memory_space<vmem>>) target_semaphore(%run_scoped3A : memref<!tpu.dma_semaphore, #tpu.memory_space<semaphore_mem>>)
        tpu.wait_dma2 semaphore(%run_scoped3A : memref<!tpu.dma_semaphore, #tpu.memory_space<semaphore_mem>>) src(%arg11 : memref<16x5x16xf32, #tpu.memory_space<vmem_shared>>) dst(%arg22 : memref<16x5x16xf32, #tpu.memory_space<vmem>>)
        tpu.yield
      }) : () -> ()
      %scan3A_683 = arith.constant 0 : i32
      %scan3A_684 = arith.constant 16 : i32
      %scan3A_685 = arith.addi %scan3A_683, %scan3A_684 : i32
      %scan3A_686 = arith.constant 1 : i32
      %scan3A_687:5 = scf.for %scan3A_748 = %scan3A_683 to %scan3A_685 step %scan3A_686 iter_args(%scan3A_749 = %broadcast_in_dim3A_640, %scan3A_750 = %broadcast_in_dim3A_640, %scan3A_751 = %broadcast_in_dim3A_640, %scan3A_752 = %broadcast_in_dim3A_640, %scan3A_753 = %broadcast_in_dim3A_640) -> (vector<16xf32>, vector<16xf32>, vector<16xf32>, vector<16xf32>, vector<16xf32>)  : i32 {
        %get3A_754 = arith.constant 0 : i32
        %get3A_755 = arith.index_cast %scan3A_748 : i32 to index
        %get3A_756 = arith.index_cast %get3A_754 : i32 to index
        %get3A_757 = arith.constant 0 : index
        %get3A_758 = tpu.vector_load %arg22[%get3A_755, %get3A_756, %get3A_757] {strides = array<i32>} : memref<16x5x16xf32, #tpu.memory_space<vmem>>, vector<1x1x16xf32>,
        %get3A_759 = vector.shape_cast %get3A_758 : vector<1x1x16xf32> to vector<16xf32>
        %add3A_760 = arith.addf %scan3A_749, %get3A_759 : vector<16xf32>
        %get3A_761 = arith.constant 1 : i32
        %get3A_762 = arith.index_cast %scan3A_748 : i32 to index
        %get3A_763 = arith.index_cast %get3A_761 : i32 to index
        %get3A_764 = arith.constant 0 : index
        %get3A_765 = tpu.vector_load %arg22[%get3A_762, %get3A_763, %get3A_764] {strides = array<i32>} : memref<16x5x16xf32, #tpu.memory_space<vmem>>, vector<1x1x16xf32>,
        %get3A_766 = vector.shape_cast %get3A_765 : vector<1x1x16xf32> to vector<16xf32>
        %add3A_767 = arith.addf %scan3A_750, %get3A_766 : vector<16xf32>
        %get3A_768 = arith.constant 2 : i32
        %get3A_769 = arith.index_cast %scan3A_748 : i32 to index
        %get3A_770 = arith.index_cast %get3A_768 : i32 to index
        %get3A_771 = arith.constant 0 : index
        %get3A_772 = tpu.vector_load %arg22[%get3A_769, %get3A_770, %get3A_771] {strides = array<i32>} : memref<16x5x16xf32, #tpu.memory_space<vmem>>, vector<1x1x16xf32>,
        %get3A_773 = vector.shape_cast %get3A_772 : vector<1x1x16xf32> to vector<16xf32>
        %add3A_774 = arith.addf %scan3A_751, %get3A_773 : vector<16xf32>
        %get3A_775 = arith.constant 3 : i32
        %get3A_776 = arith.index_cast %scan3A_748 : i32 to index
        %get3A_777 = arith.index_cast %get3A_775 : i32 to index
        %get3A_778 = arith.constant 0 : index
        %get3A_779 = tpu.vector_load %arg22[%get3A_776, %get3A_777, %get3A_778] {strides = array<i32>} : memref<16x5x16xf32, #tpu.memory_space<vmem>>, vector<1x1x16xf32>,
        %get3A_780 = vector.shape_cast %get3A_779 : vector<1x1x16xf32> to vector<16xf32>
        %add3A_781 = arith.addf %scan3A_752, %get3A_780 : vector<16xf32>
        %get3A_782 = arith.constant 4 : i32
        %get3A_783 = arith.index_cast %scan3A_748 : i32 to index
        %get3A_784 = arith.index_cast %get3A_782 : i32 to index
        %get3A_785 = arith.constant 0 : index
        %get3A_786 = tpu.vector_load %arg22[%get3A_783, %get3A_784, %get3A_785] {strides = array<i32>} : memref<16x5x16xf32, #tpu.memory_space<vmem>>, vector<1x1x16xf32>,
        %get3A_787 = vector.shape_cast %get3A_786 : vector<1x1x16xf32> to vector<16xf32>
        %add3A_788 = arith.addf %scan3A_753, %get3A_787 : vector<16xf32>
        scf.yield %add3A_760, %add3A_767, %add3A_774, %add3A_781, %add3A_788 : vector<16xf32>, vector<16xf32>, vector<16xf32>, vector<16xf32>, vector<16xf32>
      }
      %scan3A_688 = arith.constant 16 : i32
      %swap3A_689 = arith.constant 0 : index
      %swap3A_690 = tpu.vector_load %arg23[%swap3A_689] {strides = array<i32>} : memref<16xf32, #tpu.memory_space<vmem>>, vector<16xf32>,
      %swap3A_691 = vector.shape_cast %swap3A_690 : vector<16xf32> to vector<16xf32>
      %swap3A_692 = vector.shape_cast %scan3A_687#4 : vector<16xf32> to vector<16xf32>
      tpu.vector_store %arg23[%swap3A_689], %swap3A_692 {strides = array<i32>} : memref<16xf32, #tpu.memory_space<vmem>>, vector<16xf32>,
      %get3A_693 = arith.constant 0 : index
      %get3A_694 = tpu.vector_load %arg23[%get3A_693] {strides = array<i32>} : memref<16xf32, #tpu.memory_space<vmem>>, vector<16xf32>,
      %get3A_695 = vector.shape_cast %get3A_694 : vector<16xf32> to vector<16xf32>
      %slice3A = vector.extract_strided_slice %get3A_695 {offsets = [0], sizes = [1], strides = [1]} : vector<16xf32> to vector<1xf32>
      %squeeze3A = vector.extract %slice3A[0] : f32 from vector<1xf32>
      %add3A_696 = vector.broadcast %squeeze3A : f32 to vector<16xf32>
      %add3A_697 = arith.addf %broadcast_in_dim3A_640, %add3A_696 : vector<16xf32>
      %max3A = arith.constant 1.000000e+00 : f32
      %max3A_698 = vector.broadcast %max3A : f32 to vector<16xf32>
      %max3A_699 = arith.maximumf %add3A_697, %max3A_698 : vector<16xf32>
      %div3A = arith.divf %scan3A_687#0, %max3A_699 : vector<16xf32>
      %swap3A_700 = arith.constant 0 : i32
      %swap3A_701 = arith.index_cast %swap3A_700 : i32 to index
      %swap3A_702 = arith.constant 0 : index
      %swap3A_703 = tpu.vector_load %arg24[%swap3A_701, %swap3A_702] {strides = array<i32>} : memref<4x16xf32, #tpu.memory_space<vmem>>, vector<1x16xf32>,
      %swap3A_704 = vector.shape_cast %swap3A_703 : vector<1x16xf32> to vector<16xf32>
      %swap3A_705 = vector.shape_cast %div3A : vector<16xf32> to vector<1x16xf32>
      tpu.vector_store %arg24[%swap3A_701, %swap3A_702], %swap3A_705 {strides = array<i32>} : memref<4x16xf32, #tpu.memory_space<vmem>>, vector<1x16xf32>,
      %slice3A_706 = vector.extract_strided_slice %get3A_695 {offsets = [1], sizes = [1], strides = [1]} : vector<16xf32> to vector<1xf32>
      %squeeze3A_707 = vector.extract %slice3A_706[0] : f32 from vector<1xf32>
      %add3A_708 = vector.broadcast %squeeze3A_707 : f32 to vector<16xf32>
      %add3A_709 = arith.addf %broadcast_in_dim3A_640, %add3A_708 : vector<16xf32>
      %max3A_710 = arith.constant 1.000000e+00 : f32
      %max3A_711 = vector.broadcast %max3A_710 : f32 to vector<16xf32>
      %max3A_712 = arith.maximumf %add3A_709, %max3A_711 : vector<16xf32>
      %div3A_713 = arith.divf %scan3A_687#1, %max3A_712 : vector<16xf32>
      %swap3A_714 = arith.constant 1 : i32
      %swap3A_715 = arith.index_cast %swap3A_714 : i32 to index
      %swap3A_716 = arith.constant 0 : index
      %swap3A_717 = tpu.vector_load %arg24[%swap3A_715, %swap3A_716] {strides = array<i32>} : memref<4x16xf32, #tpu.memory_space<vmem>>, vector<1x16xf32>,
      %swap3A_718 = vector.shape_cast %swap3A_717 : vector<1x16xf32> to vector<16xf32>
      %swap3A_719 = vector.shape_cast %div3A_713 : vector<16xf32> to vector<1x16xf32>
      tpu.vector_store %arg24[%swap3A_715, %swap3A_716], %swap3A_719 {strides = array<i32>} : memref<4x16xf32, #tpu.memory_space<vmem>>, vector<1x16xf32>,
      %slice3A_720 = vector.extract_strided_slice %get3A_695 {offsets = [2], sizes = [1], strides = [1]} : vector<16xf32> to vector<1xf32>
      %squeeze3A_721 = vector.extract %slice3A_720[0] : f32 from vector<1xf32>
      %add3A_722 = vector.broadcast %squeeze3A_721 : f32 to vector<16xf32>
      %add3A_723 = arith.addf %broadcast_in_dim3A_640, %add3A_722 : vector<16xf32>
      %max3A_724 = arith.constant 1.000000e+00 : f32
      %max3A_725 = vector.broadcast %max3A_724 : f32 to vector<16xf32>
      %max3A_726 = arith.maximumf %add3A_723, %max3A_725 : vector<16xf32>
      %div3A_727 = arith.divf %scan3A_687#2, %max3A_726 : vector<16xf32>
      %swap3A_728 = arith.constant 2 : i32
      %swap3A_729 = arith.index_cast %swap3A_728 : i32 to index
      %swap3A_730 = arith.constant 0 : index
      %swap3A_731 = tpu.vector_load %arg24[%swap3A_729, %swap3A_730] {strides = array<i32>} : memref<4x16xf32, #tpu.memory_space<vmem>>, vector<1x16xf32>,
      %swap3A_732 = vector.shape_cast %swap3A_731 : vector<1x16xf32> to vector<16xf32>
      %swap3A_733 = vector.shape_cast %div3A_727 : vector<16xf32> to vector<1x16xf32>
      tpu.vector_store %arg24[%swap3A_729, %swap3A_730], %swap3A_733 {strides = array<i32>} : memref<4x16xf32, #tpu.memory_space<vmem>>, vector<1x16xf32>,
      %slice3A_734 = vector.extract_strided_slice %get3A_695 {offsets = [3], sizes = [1], strides = [1]} : vector<16xf32> to vector<1xf32>
      %squeeze3A_735 = vector.extract %slice3A_734[0] : f32 from vector<1xf32>
      %add3A_736 = vector.broadcast %squeeze3A_735 : f32 to vector<16xf32>
      %add3A_737 = arith.addf %broadcast_in_dim3A_640, %add3A_736 : vector<16xf32>
      %max3A_738 = arith.constant 1.000000e+00 : f32
      %max3A_739 = vector.broadcast %max3A_738 : f32 to vector<16xf32>
      %max3A_740 = arith.maximumf %add3A_737, %max3A_739 : vector<16xf32>
      %div3A_741 = arith.divf %scan3A_687#3, %max3A_740 : vector<16xf32>
      %swap3A_742 = arith.constant 3 : i32
      %swap3A_743 = arith.index_cast %swap3A_742 : i32 to index
      %swap3A_744 = arith.constant 0 : index
      %swap3A_745 = tpu.vector_load %arg24[%swap3A_743, %swap3A_744] {strides = array<i32>} : memref<4x16xf32, #tpu.memory_space<vmem>>, vector<1x16xf32>,
      %swap3A_746 = vector.shape_cast %swap3A_745 : vector<1x16xf32> to vector<16xf32>
      %swap3A_747 = vector.shape_cast %div3A_741 : vector<16xf32> to vector<1x16xf32>
      tpu.vector_store %arg24[%swap3A_743, %swap3A_744], %swap3A_747 {strides = array<i32>} : memref<4x16xf32, #tpu.memory_space<vmem>>, vector<1x16xf32>,
      "tpu.region"() ({
        %run_scoped3A = tpu.sem_alloc : memref<!tpu.dma_semaphore, #tpu.memory_space<semaphore_mem>>
        %dma_start3A_748 = arith.constant 0 : i32
        %dma_start3A_749 = arith.constant 0 : i32
        %dma_start3A_750 = tpu.memref_slice %arg9[%arg0, %dma_start3A_748, %dma_start3A_749] : memref<2x4x16xf32, #tpu.memory_space<hbm>> -> memref<1x4x16xf32, #tpu.memory_space<hbm>>
        %dma_start3A_751 = tpu.memref_squeeze %dma_start3A_750 : memref<1x4x16xf32, #tpu.memory_space<hbm>> -> memref<4x16xf32, #tpu.memory_space<hbm>>
        %dma_start3A_752 = arith.constant 0 : i32
        %dma_start3A_753 = arith.constant 0 : i32
        %dma_start3A_754 = tpu.memref_slice %arg9[%arg0, %dma_start3A_752, %dma_start3A_753] : memref<2x4x16xf32, #tpu.memory_space<hbm>> -> memref<1x4x16xf32, #tpu.memory_space<hbm>>
        %dma_start3A_755 = tpu.memref_squeeze %dma_start3A_754 : memref<1x4x16xf32, #tpu.memory_space<hbm>> -> memref<4x16xf32, #tpu.memory_space<hbm>>
        tpu.enqueue_dma source(%arg24 : memref<4x16xf32, #tpu.memory_space<vmem>>) target(%dma_start3A_755 : memref<4x16xf32, #tpu.memory_space<hbm>>) target_semaphore(%run_scoped3A : memref<!tpu.dma_semaphore, #tpu.memory_space<semaphore_mem>>)
        %dma_wait3A_756 = arith.constant 0 : i32
        %dma_wait3A_757 = arith.constant 0 : i32
        %dma_wait3A_758 = tpu.memref_slice %arg9[%arg0, %dma_wait3A_756, %dma_wait3A_757] : memref<2x4x16xf32, #tpu.memory_space<hbm>> -> memref<1x4x16xf32, #tpu.memory_space<hbm>>
        %dma_wait3A_759 = tpu.memref_squeeze %dma_wait3A_758 : memref<1x4x16xf32, #tpu.memory_space<hbm>> -> memref<4x16xf32, #tpu.memory_space<hbm>>
        %dma_wait3A_760 = arith.constant 0 : i32
        %dma_wait3A_761 = arith.constant 0 : i32
        %dma_wait3A_762 = tpu.memref_slice %arg9[%arg0, %dma_wait3A_760, %dma_wait3A_761] : memref<2x4x16xf32, #tpu.memory_space<hbm>> -> memref<1x4x16xf32, #tpu.memory_space<hbm>>
        %dma_wait3A_763 = tpu.memref_squeeze %dma_wait3A_762 : memref<1x4x16xf32, #tpu.memory_space<hbm>> -> memref<4x16xf32, #tpu.memory_space<hbm>>
        tpu.wait_dma2 semaphore(%run_scoped3A : memref<!tpu.dma_semaphore, #tpu.memory_space<semaphore_mem>>) src(%arg24 : memref<4x16xf32, #tpu.memory_space<vmem>>) dst(%dma_wait3A_763 : memref<4x16xf32, #tpu.memory_space<hbm>>)
        tpu.yield
      }) : () -> ()
    } else {
    }
    return
  }
}

module attributes {stable_mosaic.version = 14 : i64} {
  func.func @_tc1_body(%arg0: i32, %arg1: memref<1280x128xf32, #tpu.memory_space<vmem>>, %arg2: memref<128x16xf32, #tpu.memory_space<vmem>>, %arg3: memref<2x1280x16xf32, #tpu.memory_space<vmem>>, %arg4: memref<1280x16xf32, #tpu.memory_space<vmem>>, %arg5: memref<1280x1xf32, #tpu.memory_space<vmem>>) attributes {dimension_semantics = [#tpu.dimension_semantics<arbitrary>], iteration_bounds = array<i64: 8>, scalar_prefetch = 0 : i64, scratch_operands = 0 : i64, tpu.core_type = #tpu.core_type<tc>, window_params = [{transform_indices = @transform_0, window_bounds = array<i64: 1280, 128>}, {pipeline_mode = #tpu.pipeline_mode<synchronous>, transform_indices = @transform_1, window_bounds = array<i64: 128, 16>}, {transform_indices = @transform_2, window_bounds = array<i64: 2, 1280, 16>}, {transform_indices = @transform_3, window_bounds = array<i64: 1280, 16>}, {transform_indices = @transform_4, window_bounds = array<i64: 1280, 1>}]} {
    %get3A = arith.constant 0 : index
    %get3A_0 = arith.constant 0 : index
    %get3A_1 = arith.constant 0 : index
    %get3A_2 = vector.load %arg3[%get3A, %get3A_0, %get3A_1] : memref<2x1280x16xf32, #tpu.memory_space<vmem>>, vector<1x1280x1xf32>
    %get3A_3 = vector.shape_cast %get3A_2 : vector<1x1280x1xf32> to vector<1280x1xf32>
    %get3A_4 = arith.constant 1 : index
    %get3A_5 = arith.constant 0 : index
    %get3A_6 = arith.constant 0 : index
    %get3A_7 = vector.load %arg3[%get3A_4, %get3A_5, %get3A_6] : memref<2x1280x16xf32, #tpu.memory_space<vmem>>, vector<1x1280x1xf32>
    %get3A_8 = vector.shape_cast %get3A_7 : vector<1x1280x1xf32> to vector<1280x1xf32>
    %add3A = arith.addf %get3A_3, %get3A_8 : vector<1280x1xf32>
    %add3A_9 = arith.constant 1.000000e+00 : f32
    %add3A_10 = vector.broadcast %add3A_9 : f32 to vector<1280x1xf32>
    %add3A_11 = arith.addf %add3A, %add3A_10 : vector<1280x1xf32>
    %rsqrt3A = math.rsqrt %add3A_11 : vector<1280x1xf32>
    %get3A_12 = arith.constant 0 : index
    %get3A_13 = arith.constant 0 : index
    %get3A_14 = vector.load %arg1[%get3A_12, %get3A_13] : memref<1280x128xf32, #tpu.memory_space<vmem>>, vector<1280x128xf32>
    %get3A_15 = arith.constant 0 : index
    %get3A_16 = arith.constant 0 : index
    %get3A_17 = vector.load %arg2[%get3A_15, %get3A_16] : memref<128x16xf32, #tpu.memory_space<vmem>>, vector<128x16xf32>
    %dot_general3A = arith.constant dense<0.000000e+00> : vector<1280x16xf32>
    %dot_general3A_18 = tpu.matmul %get3A_14, %get3A_17, %dot_general3A {dimension_numbers = #tpu.dot_dimension_numbers<[1], [0], [0], [1], [0, 0, 1, 1], [], []>, precision = #tpu.contract_precision<fp32>, transpose_lhs_hint = false} : vector<1280x128xf32>, vector<128x16xf32>, vector<1280x16xf32> -> vector<1280x16xf32>
    %mul3A = vector.broadcast %rsqrt3A : vector<1280x1xf32> to vector<1280x16xf32>
    %mul3A_19 = arith.mulf %dot_general3A_18, %mul3A : vector<1280x16xf32>
    %swap3A = arith.constant 0 : index
    %swap3A_20 = arith.constant 0 : index
    %swap3A_21 = vector.load %arg4[%swap3A, %swap3A_20] : memref<1280x16xf32, #tpu.memory_space<vmem>>, vector<1280x16xf32>
    tpu.vector_store %arg4[%swap3A, %swap3A_20], %mul3A_19 {strides = array<i32>} : memref<1280x16xf32, #tpu.memory_space<vmem>>, vector<1280x16xf32>,
    %swap3A_22 = arith.constant 0 : index
    %swap3A_23 = arith.constant 0 : index
    %swap3A_24 = vector.load %arg5[%swap3A_22, %swap3A_23] : memref<1280x1xf32, #tpu.memory_space<vmem>>, vector<1280x1xf32>
    tpu.vector_store %arg5[%swap3A_22, %swap3A_23], %rsqrt3A {strides = array<i32>} : memref<1280x1xf32, #tpu.memory_space<vmem>>, vector<1280x1xf32>,
    return
  }
  func.func @transform_0(%arg0: i32) -> (i32, i32) {
    %c0_i32 = arith.constant 0 : i32
    %c0_i32_0 = arith.constant 0 : i32
    return %arg0, %c0_i32 : i32, i32
  }
  func.func @transform_1(%arg0: i32) -> (i32, i32) {
    %c0_i32 = arith.constant 0 : i32
    %c0_i32_0 = arith.constant 0 : i32
    %c0_i32_1 = arith.constant 0 : i32
    return %c0_i32, %c0_i32_0 : i32, i32
  }
  func.func @transform_2(%arg0: i32) -> (i32, i32, i32) {
    %c0_i32 = arith.constant 0 : i32
    %c0_i32_0 = arith.constant 0 : i32
    %c0_i32_1 = arith.constant 0 : i32
    return %c0_i32, %arg0, %c0_i32_0 : i32, i32, i32
  }
  func.func @transform_3(%arg0: i32) -> (i32, i32) {
    %c0_i32 = arith.constant 0 : i32
    %c0_i32_0 = arith.constant 0 : i32
    return %arg0, %c0_i32 : i32, i32
  }
  func.func @transform_4(%arg0: i32) -> (i32, i32) {
    %c0_i32 = arith.constant 0 : i32
    %c0_i32_0 = arith.constant 0 : i32
    return %arg0, %c0_i32 : i32, i32
  }
}

module attributes {stable_mosaic.version = 14 : i64} {
  func.func @_tc2_body(%arg0: i32, %arg1: memref<2x1280x16xf32, #tpu.memory_space<vmem>>, %arg2: memref<1280x16xf32, #tpu.memory_space<vmem>>, %arg3: memref<1280x1xf32, #tpu.memory_space<vmem>>, %arg4: memref<1x16xf32, #tpu.memory_space<vmem>>, %arg5: memref<16x32xf32, #tpu.memory_space<vmem>>, %arg6: memref<2x1280x16xf32, #tpu.memory_space<vmem>>) attributes {dimension_semantics = [#tpu.dimension_semantics<arbitrary>], iteration_bounds = array<i64: 8>, scalar_prefetch = 0 : i64, scratch_operands = 0 : i64, tpu.core_type = #tpu.core_type<tc>, window_params = [{transform_indices = @transform_0, window_bounds = array<i64: 2, 1280, 16>}, {transform_indices = @transform_1, window_bounds = array<i64: 1280, 16>}, {transform_indices = @transform_2, window_bounds = array<i64: 1280, 1>}, {pipeline_mode = #tpu.pipeline_mode<synchronous>, transform_indices = @transform_3, window_bounds = array<i64: 1, 16>}, {pipeline_mode = #tpu.pipeline_mode<synchronous>, transform_indices = @transform_4, window_bounds = array<i64: 16, 32>}, {transform_indices = @transform_5, window_bounds = array<i64: 2, 1280, 16>}]} {
    %get3A = arith.constant 0 : index
    %get3A_0 = arith.constant 0 : index
    %get3A_1 = vector.load %arg3[%get3A, %get3A_0] : memref<1280x1xf32, #tpu.memory_space<vmem>>, vector<1280x1xf32>
    %get3A_2 = arith.constant 0 : index
    %get3A_3 = arith.constant 0 : index
    %get3A_4 = arith.constant 0 : index
    %get3A_5 = vector.load %arg1[%get3A_2, %get3A_3, %get3A_4] : memref<2x1280x16xf32, #tpu.memory_space<vmem>>, vector<1x1280x16xf32>
    %get3A_6 = vector.shape_cast %get3A_5 : vector<1x1280x16xf32> to vector<1280x16xf32>
    %get3A_7 = arith.constant 1 : index
    %get3A_8 = arith.constant 0 : index
    %get3A_9 = arith.constant 0 : index
    %get3A_10 = vector.load %arg1[%get3A_7, %get3A_8, %get3A_9] : memref<2x1280x16xf32, #tpu.memory_space<vmem>>, vector<1x1280x16xf32>
    %get3A_11 = vector.shape_cast %get3A_10 : vector<1x1280x16xf32> to vector<1280x16xf32>
    %add3A = arith.addf %get3A_6, %get3A_11 : vector<1280x16xf32>
    %get3A_12 = arith.constant 0 : index
    %get3A_13 = arith.constant 0 : index
    %get3A_14 = vector.load %arg2[%get3A_12, %get3A_13] : memref<1280x16xf32, #tpu.memory_space<vmem>>, vector<1280x16xf32>
    %add3A_15 = arith.addf %add3A, %get3A_14 : vector<1280x16xf32>
    %mul3A = vector.broadcast %get3A_1 : vector<1280x1xf32> to vector<1280x16xf32>
    %mul3A_16 = arith.mulf %mul3A, %add3A_15 : vector<1280x16xf32>
    %get3A_17 = arith.constant 0 : index
    %get3A_18 = arith.constant 0 : index
    %get3A_19 = vector.load %arg4[%get3A_17, %get3A_18] : memref<1x16xf32, #tpu.memory_space<vmem>>, vector<1x16xf32>
    %add3A_20 = vector.broadcast %get3A_19 : vector<1x16xf32> to vector<1280x16xf32>
    %add3A_21 = arith.addf %mul3A_16, %add3A_20 : vector<1280x16xf32>
    %max3A = arith.constant 0.000000e+00 : f32
    %max3A_22 = vector.broadcast %max3A : f32 to vector<1280x16xf32>
    %max3A_23 = arith.maximumf %add3A_21, %max3A_22 : vector<1280x16xf32>
    %get3A_24 = arith.constant 0 : index
    %get3A_25 = arith.constant 0 : index
    %get3A_26 = vector.load %arg5[%get3A_24, %get3A_25] : memref<16x32xf32, #tpu.memory_space<vmem>>, vector<16x32xf32>
    %dot_general3A = arith.constant dense<0.000000e+00> : vector<1280x32xf32>
    %dot_general3A_27 = tpu.matmul %max3A_23, %get3A_26, %dot_general3A {dimension_numbers = #tpu.dot_dimension_numbers<[1], [0], [0], [1], [0, 0, 1, 1], [], []>, precision = #tpu.contract_precision<fp32>, transpose_lhs_hint = false} : vector<1280x16xf32>, vector<16x32xf32>, vector<1280x32xf32> -> vector<1280x32xf32>
    %mul3A_28 = vector.broadcast %get3A_1 : vector<1280x1xf32> to vector<1280x32xf32>
    %mul3A_29 = arith.mulf %dot_general3A_27, %mul3A_28 : vector<1280x32xf32>
    %slice3A = vector.extract_strided_slice %mul3A_29 {offsets = [0, 0], sizes = [1280, 16], strides = [1, 1]} : vector<1280x32xf32> to vector<1280x16xf32>
    %swap3A = arith.constant 0 : index
    %swap3A_30 = arith.constant 0 : index
    %swap3A_31 = arith.constant 0 : index
    %swap3A_32 = vector.load %arg6[%swap3A, %swap3A_30, %swap3A_31] : memref<2x1280x16xf32, #tpu.memory_space<vmem>>, vector<1x1280x16xf32>
    %swap3A_33 = vector.shape_cast %swap3A_32 : vector<1x1280x16xf32> to vector<1280x16xf32>
    %swap3A_34 = vector.shape_cast %slice3A : vector<1280x16xf32> to vector<1x1280x16xf32>
    tpu.vector_store %arg6[%swap3A, %swap3A_30, %swap3A_31], %swap3A_34 {strides = array<i32>} : memref<2x1280x16xf32, #tpu.memory_space<vmem>>, vector<1x1280x16xf32>,
    %slice3A_35 = vector.extract_strided_slice %mul3A_29 {offsets = [0, 16], sizes = [1280, 16], strides = [1, 1]} : vector<1280x32xf32> to vector<1280x16xf32>
    %swap3A_36 = arith.constant 1 : index
    %swap3A_37 = arith.constant 0 : index
    %swap3A_38 = arith.constant 0 : index
    %swap3A_39 = vector.load %arg6[%swap3A_36, %swap3A_37, %swap3A_38] : memref<2x1280x16xf32, #tpu.memory_space<vmem>>, vector<1x1280x16xf32>
    %swap3A_40 = vector.shape_cast %swap3A_39 : vector<1x1280x16xf32> to vector<1280x16xf32>
    %swap3A_41 = vector.shape_cast %slice3A_35 : vector<1280x16xf32> to vector<1x1280x16xf32>
    tpu.vector_store %arg6[%swap3A_36, %swap3A_37, %swap3A_38], %swap3A_41 {strides = array<i32>} : memref<2x1280x16xf32, #tpu.memory_space<vmem>>, vector<1x1280x16xf32>,
    return
  }
  func.func @transform_0(%arg0: i32) -> (i32, i32, i32) {
    %c0_i32 = arith.constant 0 : i32
    %c0_i32_0 = arith.constant 0 : i32
    %c0_i32_1 = arith.constant 0 : i32
    return %c0_i32, %arg0, %c0_i32_0 : i32, i32, i32
  }
  func.func @transform_1(%arg0: i32) -> (i32, i32) {
    %c0_i32 = arith.constant 0 : i32
    %c0_i32_0 = arith.constant 0 : i32
    return %arg0, %c0_i32 : i32, i32
  }
  func.func @transform_2(%arg0: i32) -> (i32, i32) {
    %c0_i32 = arith.constant 0 : i32
    %c0_i32_0 = arith.constant 0 : i32
    return %arg0, %c0_i32 : i32, i32
  }
  func.func @transform_3(%arg0: i32) -> (i32, i32) {
    %c0_i32 = arith.constant 0 : i32
    %c0_i32_0 = arith.constant 0 : i32
    %c0_i32_1 = arith.constant 0 : i32
    return %c0_i32, %c0_i32_0 : i32, i32
  }
  func.func @transform_4(%arg0: i32) -> (i32, i32) {
    %c0_i32 = arith.constant 0 : i32
    %c0_i32_0 = arith.constant 0 : i32
    %c0_i32_1 = arith.constant 0 : i32
    return %c0_i32, %c0_i32_0 : i32, i32
  }
  func.func @transform_5(%arg0: i32) -> (i32, i32, i32) {
    %c0_i32 = arith.constant 0 : i32
    %c0_i32_0 = arith.constant 0 : i32
    %c0_i32_1 = arith.constant 0 : i32
    return %c0_i32, %arg0, %c0_i32_0 : i32, i32, i32
  }
}

</mosaic_0001>

<sc_bundles>
// kernel: kernel.10.cloned.1.call-start
scs
__scs_entry_jumppad:
0x0: {  	(pc) =	sbr.rel $0x88, $3  }
0x1: {  	(tag) =	ssettag $0x0;
	lr =	simm.s32 $0x1  }
0x2: {  	[smem:$0x3F9A] =	sst lr;
	_ =	strace $0xD0000000  }
0x3: {  	_ = 	snop  }
0x4: {  	_ = 	snop  }
0x5: {  	_ = 	snop  }
0x6: {  	_ = 	snop  }
0x7: {  	_ = 	snop  }
__scs_overlays_trampoline_lowered:
0x8: {  	[smem:$0x3FA9] =	sst s0  }
0x9: {  	[smem:$0x3FAA] =	sst s1  }
0xa: {  	[smem:$0x3FAB] =	sst s2  }
0xb: {  	[smem:$0x3FAC] =	sst s3  }
0xc: {  	[smem:$0x3FAD] =	sst s4  }
0xd: {  	[smem:$0x3FAE] =	sst s5  }
0xe: {  	[smem:$0x3FAF] =	sst s6  }
0xf: {  	[smem:$0x3FB0] =	sst s7  }
0x10: {  	[smem:$0x3FB1] =	sst s8  }
0x11: {  	[smem:$0x3FB2] =	sst s9;
	s0 =	simm.s32 @!p0 $0x0  }
0x12: {  	s1 =	sld [smem:$0x3F98];
	s0 =	simm.s32 @p0 $0x1  }
0x13: {  	[smem:$0x3FB3] =	sst s0;
	s0 =	simm.s32 @!p1 $0x0  }
0x14: {  	s2 =	sld [smem:$0x3F97];
	s0 =	simm.s32 @p1 $0x1  }
0x15: {  	[smem:$0x3FB4] =	sst s0;
	s0 =	simm.s32 @!p2 $0x0  }
0x16: {  	s3 =	sld [smem:$0x3FDB];
	s0 =	simm.s32 @p2 $0x1  }
0x17: {  	s4 =	simm.s32 $0x1BF5;
	[smem:$0x3FB6] =	sst s0  }
0x18: {  	s0 =	sld [smem:$0x3F99];
	_ =	swait.ge [sflag:s4], $0x0  }
0x19: {  	s7 =	sld [smem:$0x3F9A]  }
0x1a: {  	s8 =	sadd.s32 $0xFFFFE003, lr  }
0x1b: {  	s9 =	sadd.s32 $0xFFFFFEF7, lr;
	s5 =	simm.s32 $0xFFFFFFFF;
	p2 =	slt.u32 s8, $0xFFFFF086  }
0x1c: {  	p1 =	slt.u32 s9, $0xF7A;
	s5 =	simm.s32 @!p2 $0x0  }
0x1d: {  	s5 =	simm.s32 @p1 $0x1;
	p0 =	seq.s32 s7, s2  }
0x1e: {  	s7 =	smul.u32 @!p0 $0xF7A, s2;
	p2 =	seq.s32 @!p0 s5, $0x0  }
0x1f: {  	s9 =	smul.u32 $0xF7A, s1;
	s8 =	simm.s32 @!p0 $0x1BF5;
	p2 =	por !p2, p0  }
0x20: {  	[sflag:s8] =	ssyncset.s32 @!p0 $0xFFFFF086;
	s6 =	sadd.s32 @!p0 s3, s7;
	s7 =	simm.s32 @!p0 $0x108  }
0x21: {  	s3 =	sadd.s32 s3, s9;
	s6 =	sadd.s32 @!p0 $0x88, s6;
	s7 =	simm.s32 @p2 $0x1082  }
0x22: {  	[simem:s7], [sflag:s8] =	dma.local @!p0 [hbm:s6], $0xF7A  }
0x23: {  	s9 =	sor.u32 $0xD0000000, s2;
	s6 =	simm.s32 $0x108;
	_ =	swait.ge @!p0 [sflag:s8], $0x0  }
0x24: {  	s3 =	sadd.s32 $0x88, s3;
	s6 =	simm.s32 @!p1 $0x1082;
	[sflag:s4] =	ssyncset.s32 $0xFFFFF086  }
0x25: {  	[simem:s6], [sflag:s4] =	dma.local [hbm:s3], $0xF7A  }
0x26: {  	[smem:$0x3F9A] =	sst s1;
	(tag) =	ssettag s2;
	_ =	strace s9  }
0x27: {  	s1 =	sld [smem:$0x3FAA]  }
0x28: {  	s2 =	sld [smem:$0x3FAB]  }
0x29: {  	s4 =	sld [smem:$0x3FAD]  }
0x2a: {  	p0 =	seq.s32 s5, $0x0;
	s5 =	sld [smem:$0x3FAE]  }
0x2b: {  	s6 =	sld [smem:$0x3FAF]  }
0x2c: {  	s7 =	sld [smem:$0x3FB0]  }
0x2d: {  	s3 =	simm.s32 $0x108;
	s8 =	sld [smem:$0x3FB1]  }
0x2e: {  	s3 =	simm.s32 @!p0 $0x1082;
	s9 =	sld [smem:$0x3FB2]  }
0x2f: {  	lr =	sadd.s32 s0, s3;
	s0 =	sld [smem:$0x3FA9]  }
0x30: {  	s3 =	sld [smem:$0x3FAC]  }
0x31: {  	[smem:$0x3FB5] =	sst s10  }
0x32: {  	s10 =	sld [smem:$0x3FB3];
	_ =	sdelay $0x3  }
0x33: {  	p0 =	seq.s32 s10, $0x1;
	s10 =	sld [smem:$0x3FB5];
	_ =	sdelay $0x3  }
0x34: {  	[smem:$0x3FB5] =	sst s10  }
0x35: {  	s10 =	sld [smem:$0x3FB4];
	_ =	sdelay $0x3  }
0x36: {  	p1 =	seq.s32 s10, $0x1;
	s10 =	sld [smem:$0x3FB5];
	_ =	sdelay $0x3  }
0x37: {  	[smem:$0x3FB5] =	sst s10  }
0x38: {  	s10 =	sld [smem:$0x3FB6]  }
0x39: {  	_ = 	snop;
	(pc) =	sbr.ind lr, $3  }
0x3a: {  	_ = 	snop  }
0x3b: {  	_ = 	snop  }
0x3c: {  	p2 =	seq.s32 s10, $0x1;
	s10 =	sld [smem:$0x3FB5]  }
0x3d: {  	_ =	shalt  }
0x3e: {  	_ =	shalt  }
0x3f: {  	_ =	shalt  }
0x40: {  	_ =	shalt  }
0x41: {  	_ =	shalt  }
0x42: {  	_ =	shalt  }
0x43: {  	_ =	shalt  }
0x44: {  	_ =	shalt  }
0x45: {  	_ =	shalt  }
0x46: {  	_ =	shalt  }
0x47: {  	_ =	shalt  }
0x48: {  	_ =	shalt  }
0x49: {  	_ =	shalt  }
0x4a: {  	_ =	shalt  }
0x4b: {  	_ =	shalt  }
0x4c: {  	_ =	shalt  }
0x4d: {  	_ =	shalt  }
0x4e: {  	_ =	shalt  }
0x4f: {  	_ =	shalt  }
0x50: {  	_ =	shalt  }
0x51: {  	_ =	shalt  }
0x52: {  	_ =	shalt  }
0x53: {  	_ =	shalt  }
0x54: {  	_ =	shalt  }
0x55: {  	_ =	shalt  }
0x56: {  	_ =	shalt  }
0x57: {  	_ =	shalt  }
0x58: {  	_ =	shalt  }
0x59: {  	_ =	shalt  }
0x5a: {  	_ =	shalt  }
0x5b: {  	_ =	shalt  }
0x5c: {  	_ =	shalt  }
0x5d: {  	_ =	shalt  }
0x5e: {  	_ =	shalt  }
0x5f: {  	_ =	shalt  }
0x60: {  	_ =	shalt  }
0x61: {  	_ =	shalt  }
0x62: {  	_ =	shalt  }
0x63: {  	_ =	shalt  }
0x64: {  	_ =	shalt  }
0x65: {  	_ =	shalt  }
0x66: {  	_ =	shalt  }
0x67: {  	_ =	shalt  }
0x68: {  	_ =	shalt  }
0x69: {  	_ =	shalt  }
0x6a: {  	_ =	shalt  }
0x6b: {  	_ =	shalt  }
0x6c: {  	_ =	shalt  }
0x6d: {  	_ =	shalt  }
0x6e: {  	_ =	shalt  }
0x6f: {  	_ =	shalt  }
0x70: {  	_ =	shalt  }
0x71: {  	_ =	shalt  }
0x72: {  	_ =	shalt  }
0x73: {  	_ =	shalt  }
0x74: {  	_ =	shalt  }
0x75: {  	_ =	shalt  }
0x76: {  	_ =	shalt  }
0x77: {  	_ =	shalt  }
0x78: {  	_ =	shalt  }
0x79: {  	_ =	shalt  }
0x7a: {  	_ =	shalt  }
0x7b: {  	_ =	shalt  }
0x7c: {  	_ =	shalt  }
0x7d: {  	_ =	shalt  }
0x7e: {  	_ =	shalt  }
0x7f: {  	_ =	shalt  }
0x80: {  	_ =	shalt  }
0x81: {  	_ =	shalt  }
0x82: {  	_ =	shalt  }
0x83: {  	_ =	shalt  }
0x84: {  	_ =	shalt  }
0x85: {  	_ =	shalt  }
0x86: {  	_ =	shalt  }
0x87: {  	_ =	shalt  }
.Lfunc_end0:
.L_simem_size_0:
called_computation.1_lowered:
.L_overlay_start_0:
0x88: {  	s2 =	sld [smem:$0x3FD9]  }
0x89: {  	s3 =	sld [smem:$0x3FFE];
	_ =	sdelay $0x1  }
0x8a: {  	s1 =	srdreg.scid  }
0x8b: {  	s0 =	sand.u32 $0x1, s1  }
0x8c: {  	s16 =	sshll.u32 s0, $0xA;
	s2 =	sadd.s32 s3, s2  }
0x8d: {  	s2 =	sadd.s32 s2, s16  }
0x8e: {  	[smem:$0x3FC1] =	sst s2  }
0x8f: {  	_ = 	snop  }
0x90: {  	(tm) =	ssettm $0x1  }
0x91: {  	s17 =	sld [smem:$0x3FFB];
	_ =	sdelay $0x3  }
0x92: {  	_ =	strace s17  }
0x93: {  	s2 =	sld [smem:$0x3FFC];
	_ =	sdelay $0x3  }
0x94: {  	_ =	strace s2  }
0x95: {  	s2 =	sld [smem:$0x3FFD];
	_ =	sdelay $0x3  }
0x96: {  	_ =	strace s2  }
0x97: {  	_ =	strace $0x8FFFFFFF  }
0x98: {  	s18 =	sld [smem:$0x3FDB];
	_ =	sdelay $0x1  }
0x99: {  	s19 =	simm.s32 $_scs_section_size  }
0x9a: {  	s4 =	simm.s32 $_size__tile_overlayer_lowered;
	s5 =	simm.s32 $_tile_overlayer_lowered  }
0x9b: {  	s22 =	simm.s32 $0x1BFF;
	s21 =	sshll.u32 s5, $0x1;
	s2 =	sadd.s32 s19, s18  }
0x9c: {  	s6 =	simm.s32 $0x0;
	s20 =	sshll.u32 s4, $0x1;
	s4 =	sadd.s32 s21, s2  }
0x9d: {  	[timem:s6], [sflag:s22] =	dma.local [hbm:s4], s20  }
0x9e: {  	_ =	swait.ge [sflag:s22], s20  }
0x9f: {  	s3 =	ssub.s32 $0x0, s20;
	[sflag:s22] =	ssyncset.done $0x0  }
0xa0: {  	[sflag:s22] =	ssyncadd.s32 s3;
	_ =	sdelay $0x1  }
0xa1: {  	s23 =	simm.s32 $0x1B8B  }
0xa2: {  	_ =	swait.ge [sflag:s23], $0x1  }
0xa3: {  	[sflag:s23] =	ssyncset.done $0x0  }
0xa4: {  	s25 =	simm.s32 $0x1B8E;
	s24 =	sld [smem:$0x3FFE];
	[sflag:s23] =	ssyncadd.s32 $0xFFFFFFFF  }
0xa5: {  	s26 =	simm.s32 $execute0_lowered;
	[smem:$0x3FD2] =	sst s25  }
0xa6: {  	s4 =	sshll.u32 s26, $0x1;
	_ =	strace $0x80000049;
	[dreg:$0x1] =	wrdreg $0xFFFFFFFF  }
0xa7: {  	s28 =	simm.s32 $_size_execute0_lowered;
	s2 =	sadd.s32 s2, s4;
	[dreg:$0x0] =	wrdreg $0x0  }
0xa8: {  	s4 =	sshll.u32 s28, $0x1;
	[dreg:$0x2] =	wrdreg s2  }
0xa9: {  	[dreg:$0x3] =	wrdreg s4  }
0xaa: {  	[dreg:$0x4] =	wrdreg $0xC0  }
0xab: {  	_ =	task [dreg:s6], $0x5FFFF  }
0xac: {  	[dreg:$0x1] =	wrdreg $0xFFFFFFFF  }
0xad: {  	[dreg:$0x0] =	wrdreg $0x60  }
0xae: {  	[dreg:$0x2] =	wrdreg s24  }
0xaf: {  	[dreg:$0x3] =	wrdreg $0x0  }
0xb0: {  	[dreg:$0x4] =	wrdreg $0x9  }
0xb1: {  	_ =	task.clear_ibuf [dreg:s6], $0x5FFFF;
	_ =	strace $0x90000049  }
0xb2: {  	s29 =	simm.s32 $0x9;
	_ =	strace $0x8000004B  }
0xb3: {  	_ =	swait.ge [sflag:s29], $0x1  }
0xb4: {  	[sflag:s29] =	ssyncadd.s32 $0xFFFFFFFF  }
0xb5: {  	_ =	strace $0x9000004B  }
0xb6: {  	_ =	sfence  }
0xb7: {  	s30 =	sld [smem:$0x0];
	_ =	sdelay $0x2  }
0xb8: {  	s31 =	sshll.u32 s1, $0xD;
	s1 =	sshrl.u32 s1, $0x2  }
0xb9: {  	s3 =	sand.u32 $0x4000, s31;
	s1 =	sadd.s32 s1, s30  }
0xba: {  	s0 =	sor.u32 s3, s0;
	s1 =	sshll.u32 s1, $0x11  }
0xbb: {  	s0 =	sor.u32 s1, s0  }
0xbc: {  	s0 =	sadd.s32 $0x8F2B, s0  }
0xbd: {  	[sflag:s0] =	ssyncadd.remote.s32 $0x1  }
0xbe: {  	_ =	sfence.sel $0xFFFF  }
0xbf: {  	[dreg:$0x0] =	wrdreg $0xFFFFFFFF;
	(pc) =	sbr.abs _section_cstart, $3  }
0xc0: {  	[dreg:$0x1] =	wrdreg $0xFFFFFFFF  }
0xc1: {  	_ =	task.clear_ibuf [dreg:s6], $0x2FFFF;
	_ =	strace $0x9FFFFFFF  }
0xc2: {  	(tm) =	ssettm $0x7FFFFFFF  }
0xc3: {  	_ =	shalt  }
tec
execute0_lowered:
.L_overlay_start_1:
0x0: {  	(tag) =	ssettag $0x1  }
0x1: {  	s28 =	rddreg [dreg:$0x0];
	s0 =	stileid.u32  }
0x2: {  	s2 =	rddreg [dreg:$0x1];
	s3 =	simm.s32 $0x0;
	s5 =	srdreg.scid  }
0x3: {  	s30 =	smul.u32 $0x2800, s0;
	[smem:$0x7FF] =	sst s3;
	s31 =	sand.u32 $0x1, s5  }
0x4: {  	s29 =	sshll.u32 s0, $0x6;
	s23 =	sshll.u32 s0, $0x1;
	_ =	strace $0x8000004A  }
0x5: {  	s24 =	sor.u32 $0x1C01, s29;
	s5 =	sor.u32 s31, s23;
	s4 =	sshrl.u32 s30, $0x3  }
0x6: {  	[dreg:$0x4] =	wrdreg s24;
	s25 =	smul.u32 $0x4E2, s5;
	s4 =	sadd.s32 s4, s28  }
0x7: {  	s6 =	simm.s32 $0x2800;
	s8 =	rddreg [dreg:$0x4];
	s4 =	sadd.s32 $0x14A00, s4  }
0x8: {  	s26 =	sadd.s32 s30, s2;
	s9 =	sadd.s32 s25, s28;
	[dreg:$0x3] =	wrdreg s4  }
0x9: {  	s5 =	sshrl.u32 s26, $0x3;
	s4 =	sadd.s32 $0xE00, s9;
	s7 =	rddreg [dreg:$0x3]  }
0xa: {  	[spmem:s5], [sflag:s8] =	dma.local [hbm:s7], $0x500  }
0xb: {  	[tilespmem:s6], [sflag:$0x2] =	stream.linear.gather [hbm4b:s4+s3], $0x2710, $0x38;
	[tilespmem:$0x17020] =	vst v63  }
0xc: {  	s7 =	sadd.s32 $0xAC00, s9;
	s8 =	simm.s32 $0x4F10;
	s9 =	simm.s32 $0x1  }
0xd: {  	[tilespmem:s8], [sflag:$0x3] =	stream.linear.gather [hbm4b:s7+s3], $0x2710, $0x38;
	[tilespmem:$0x17020] =	vst v63  }
0xe: {  	_ =	swait.ge [sflag:s9], $0x500  }
0xf: {  	[sflag:s9] =	ssyncset.done $0x0  }
0x10: {  	s10 =	simm.s32 $0x2;
	[sflag:s9] =	ssyncadd.s32 $0xFFFFFB00  }
0x11: {  	_ =	swait.ge [sflag:s10], $0x2710  }
0x12: {  	[sflag:s10] =	ssyncset.done $0x0  }
0x13: {  	s11 =	simm.s32 $0x3;
	[sflag:s10] =	ssyncadd.s32 $0xFFFFD8F0  }
0x14: {  	_ =	swait.ge [sflag:s11], $0x2710  }
0x15: {  	[sflag:s11] =	ssyncset.done $0x0  }
0x16: {  	s13 =	simm.s32 $0x7D0;
	s14 =	simm.s32 $0x7620;
	[sflag:s11] =	ssyncadd.s32 $0xFFFFD8F0  }
0x17: {  	s15 =	simm.s32 $0x4;
	s12 =	sadd.s32 $0x19A00, s28;
	[bflag:$0x0] =	sbarrier.arrive $0xFFFF  }
0x18: {  	[tilespmem:s14], [sflag:$0x4] =	stream.indirect.gather [hbm4b:s12+s13], $0x10, s6, s13, $0xb8;
	[tilespmem:$0x17020] =	vst v63  }
0x19: {  	_ =	swait.ge [sflag:s15], $0x7D00  }
0x1a: {  	[sflag:s15] =	ssyncset.done $0x0  }
0x1b: {  	[sflag:s15] =	ssyncadd.s32 $0xFFFF8300  }
0x1c: {  	[spmem:s2] =	stream.indirect.scatter.add.f32 [tilespmem:s14], [sflag:$0x5], $0x10, s8, s13, $0xb8;
	[tilespmem:$0x17020] =	vst v63  }
0x1d: {  	s16 =	simm.s32 $0x2FD0;
	s17 =	simm.s32 $0xF320  }
0x1e: {  	[tilespmem:s17], [sflag:$0x4] =	stream.indirect.gather [hbm4b:s12+s13], $0x10, s16, s13, $0xb8;
	[tilespmem:$0x17020] =	vst v63  }
0x1f: {  	_ =	swait.ge [sflag:s15], $0x7D00  }
0x20: {  	[sflag:s15] =	ssyncset.done $0x0  }
0x21: {  	s18 =	simm.s32 $0x56E0;
	s19 =	simm.s32 $0x5;
	[sflag:s15] =	ssyncadd.s32 $0xFFFF8300  }
0x22: {  	[spmem:s2] =	stream.indirect.scatter.add.f32 [tilespmem:s17], [sflag:$0x6], $0x10, s18, s13, $0xb8;
	[tilespmem:$0x17020] =	vst v63  }
0x23: {  	_ =	swait.ge [sflag:s19], $0x7D00  }
0x24: {  	[sflag:s19] =	ssyncset.done $0x0  }
0x25: {  	s20 =	simm.s32 $0x37A0;
	[sflag:s19] =	ssyncadd.s32 $0xFFFF8300  }
0x26: {  	[tilespmem:s14], [sflag:$0x4] =	stream.indirect.gather [hbm4b:s12+s13], $0x10, s20, s13, $0xb8;
	[tilespmem:$0x17020] =	vst v63  }
0x27: {  	_ =	swait.ge [sflag:s15], $0x7D00  }
0x28: {  	[sflag:s15] =	ssyncset.done $0x0  }
0x29: {  	s21 =	simm.s32 $0x5EB0;
	s22 =	simm.s32 $0x6;
	[sflag:s15] =	ssyncadd.s32 $0xFFFF8300  }
0x2a: {  	[spmem:s2] =	stream.indirect.scatter.add.f32 [tilespmem:s14], [sflag:$0x5], $0x10, s21, s13, $0xb8;
	[tilespmem:$0x17020] =	vst v63  }
0x2b: {  	_ =	swait.ge [sflag:s22], $0x7D00  }
0x2c: {  	[sflag:s22] =	ssyncset.done $0x0  }
0x2d: {  	s23 =	simm.s32 $0x3F70;
	[sflag:s22] =	ssyncadd.s32 $0xFFFF8300  }
0x2e: {  	[tilespmem:s17], [sflag:$0x4] =	stream.indirect.gather [hbm4b:s12+s13], $0x10, s23, s13, $0xb8;
	[tilespmem:$0x17020] =	vst v63  }
0x2f: {  	_ =	swait.ge [sflag:s15], $0x7D00  }
0x30: {  	[sflag:s15] =	ssyncset.done $0x0  }
0x31: {  	s24 =	simm.s32 $0x6680;
	[sflag:s15] =	ssyncadd.s32 $0xFFFF8300  }
0x32: {  	[spmem:s2] =	stream.indirect.scatter.add.f32 [tilespmem:s17], [sflag:$0x6], $0x10, s24, s13, $0xb8;
	[tilespmem:$0x17020] =	vst v63  }
0x33: {  	_ =	swait.ge [sflag:s19], $0x7D00  }
0x34: {  	[sflag:s19] =	ssyncset.done $0x0  }
0x35: {  	s1 =	smul.u32 $0x28000, s31;
	s25 =	simm.s32 $0x4740;
	[sflag:s19] =	ssyncadd.s32 $0xFFFF8300  }
0x36: {  	[tilespmem:s14], [sflag:$0x4] =	stream.indirect.gather [hbm4b:s12+s13], $0x10, s25, s13, $0xb8;
	[tilespmem:$0x17020] =	vst v63  }
0x37: {  	_ =	swait.ge [sflag:s15], $0x7D00  }
0x38: {  	s26 =	simm.s32 $0x6E50;
	s1 =	sadd.s32 s30, s1;
	[sflag:s15] =	ssyncset.done $0x0  }
0x39: {  	s30 =	ssub.s32 $0x2, s31;
	s1 =	sshrl.u32 s1, $0x3;
	[sflag:s15] =	ssyncadd.s32 $0xFFFF8300  }
0x3a: {  	[spmem:s2] =	stream.indirect.scatter.add.f32 [tilespmem:s14], [sflag:$0x5], $0x10, s26, s13, $0xb8;
	[tilespmem:$0x17020] =	vst v63  }
0x3b: {  	s1 =	sadd.s32 s1, s28;
	s28 =	sshrl.u32 s30, $0x1;
	_ =	swait.ge [sflag:s19], $0x7D00  }
0x3c: {  	s30 =	ssub.s32 s30, s28;
	[sflag:s19] =	ssyncset.done $0x0  }
0x3d: {  	s0 =	smax.u32 s30, $0x1;
	[sflag:s19] =	ssyncadd.s32 $0xFFFF8300  }
0x3e: {  	p0 =	sne.s32 s0, $0x1;
	_ =	swait.ge [sflag:s22], $0x7D00  }
.Ltmp0:
0x3f: {  	[sflag:s22] =	ssyncset.done $0x0;
	(pc) =	sbr.rel @!p0 .LBB2_2-.Ltmp0, $4  }
0x40: {  	s29 =	sor.u32 $0x1C07, s29;
	[sflag:s22] =	ssyncadd.s32 $0xFFFF8300  }
0x41: {  	s28 =	sadd.s32 $0x1EA00, s1;
	s30 =	simm.s32 $0x7;
	[bflag:$0x0] =	sbarrier.arrive $0xFFFF  }
0x42: {  	[hbm:s28], [sflag:s29] =	dma.local [spmem:s5], $0x500  }
0x43: {  	s31 =	sadd.s32 $0xFFFFFFFF, s0;
	_ =	swait.ge [sflag:s30], $0x500  }
.LBB2_1:
0x44: {  	s1 =	rddreg [dreg:$0x3];
	[sflag:s30] =	ssyncset.done $0x0  }
0x45: {  	s0 =	rddreg [dreg:$0x4];
	[sflag:s30] =	ssyncadd.s32 $0xFFFFFB00  }
0x46: {  	[spmem:s5], [sflag:s0] =	dma.local [hbm:s1], $0x500  }
0x47: {  	[tilespmem:s6], [sflag:$0x2] =	stream.linear.gather [hbm4b:s4+s3], $0x2710, $0x38;
	[tilespmem:$0x17020] =	vst v63  }
0x48: {  	_ = 	snop  }
0x49: {  	[tilespmem:s8], [sflag:$0x3] =	stream.linear.gather [hbm4b:s7+s3], $0x2710, $0x38;
	[tilespmem:$0x17020] =	vst v63  }
0x4a: {  	_ =	swait.ge [sflag:s9], $0x500  }
0x4b: {  	[sflag:s9] =	ssyncset.done $0x0  }
0x4c: {  	[sflag:s9] =	ssyncadd.s32 $0xFFFFFB00  }
0x4d: {  	_ =	swait.ge [sflag:s10], $0x2710  }
0x4e: {  	[sflag:s10] =	ssyncset.done $0x0  }
0x4f: {  	[sflag:s10] =	ssyncadd.s32 $0xFFFFD8F0  }
0x50: {  	_ =	swait.ge [sflag:s11], $0x2710  }
0x51: {  	[sflag:s11] =	ssyncset.done $0x0  }
0x52: {  	[sflag:s11] =	ssyncadd.s32 $0xFFFFD8F0  }
0x53: {  	[bflag:$0x0] =	sbarrier.arrive $0xFFFF  }
0x54: {  	[tilespmem:s14], [sflag:$0x4] =	stream.indirect.gather [hbm4b:s12+s13], $0x10, s6, s13, $0xb8;
	[tilespmem:$0x17020] =	vst v63  }
0x55: {  	_ =	swait.ge [sflag:s15], $0x7D00  }
0x56: {  	[sflag:s15] =	ssyncset.done $0x0  }
0x57: {  	[sflag:s15] =	ssyncadd.s32 $0xFFFF8300  }
0x58: {  	[spmem:s2] =	stream.indirect.scatter.add.f32 [tilespmem:s14], [sflag:$0x5], $0x10, s8, s13, $0xb8;
	[tilespmem:$0x17020] =	vst v63  }
0x59: {  	_ = 	snop  }
0x5a: {  	[tilespmem:s17], [sflag:$0x4] =	stream.indirect.gather [hbm4b:s12+s13], $0x10, s16, s13, $0xb8;
	[tilespmem:$0x17020] =	vst v63  }
0x5b: {  	_ =	swait.ge [sflag:s15], $0x7D00  }
0x5c: {  	[sflag:s15] =	ssyncset.done $0x0  }
0x5d: {  	[sflag:s15] =	ssyncadd.s32 $0xFFFF8300  }
0x5e: {  	[spmem:s2] =	stream.indirect.scatter.add.f32 [tilespmem:s17], [sflag:$0x6], $0x10, s18, s13, $0xb8;
	[tilespmem:$0x17020] =	vst v63  }
0x5f: {  	_ =	swait.ge [sflag:s19], $0x7D00  }
0x60: {  	[sflag:s19] =	ssyncset.done $0x0  }
0x61: {  	[sflag:s19] =	ssyncadd.s32 $0xFFFF8300  }
0x62: {  	[tilespmem:s14], [sflag:$0x4] =	stream.indirect.gather [hbm4b:s12+s13], $0x10, s20, s13, $0xb8;
	[tilespmem:$0x17020] =	vst v63  }
0x63: {  	_ =	swait.ge [sflag:s15], $0x7D00  }
0x64: {  	[sflag:s15] =	ssyncset.done $0x0  }
0x65: {  	[sflag:s15] =	ssyncadd.s32 $0xFFFF8300  }
0x66: {  	[spmem:s2] =	stream.indirect.scatter.add.f32 [tilespmem:s14], [sflag:$0x5], $0x10, s21, s13, $0xb8;
	[tilespmem:$0x17020] =	vst v63  }
0x67: {  	_ =	swait.ge [sflag:s22], $0x7D00  }
0x68: {  	[sflag:s22] =	ssyncset.done $0x0  }
0x69: {  	[sflag:s22] =	ssyncadd.s32 $0xFFFF8300  }
0x6a: {  	[tilespmem:s17], [sflag:$0x4] =	stream.indirect.gather [hbm4b:s12+s13], $0x10, s23, s13, $0xb8;
	[tilespmem:$0x17020] =	vst v63  }
0x6b: {  	_ =	swait.ge [sflag:s15], $0x7D00  }
0x6c: {  	[sflag:s15] =	ssyncset.done $0x0  }
0x6d: {  	[sflag:s15] =	ssyncadd.s32 $0xFFFF8300  }
0x6e: {  	[spmem:s2] =	stream.indirect.scatter.add.f32 [tilespmem:s17], [sflag:$0x6], $0x10, s24, s13, $0xb8;
	[tilespmem:$0x17020] =	vst v63  }
0x6f: {  	_ =	swait.ge [sflag:s19], $0x7D00  }
0x70: {  	[sflag:s19] =	ssyncset.done $0x0  }
0x71: {  	[sflag:s19] =	ssyncadd.s32 $0xFFFF8300  }
0x72: {  	[tilespmem:s14], [sflag:$0x4] =	stream.indirect.gather [hbm4b:s12+s13], $0x10, s25, s13, $0xb8;
	[tilespmem:$0x17020] =	vst v63  }
0x73: {  	_ =	swait.ge [sflag:s15], $0x7D00  }
0x74: {  	[sflag:s15] =	ssyncset.done $0x0  }
0x75: {  	[sflag:s15] =	ssyncadd.s32 $0xFFFF8300  }
0x76: {  	[spmem:s2] =	stream.indirect.scatter.add.f32 [tilespmem:s14], [sflag:$0x5], $0x10, s26, s13, $0xb8;
	[tilespmem:$0x17020] =	vst v63  }
0x77: {  	_ =	swait.ge [sflag:s19], $0x7D00  }
0x78: {  	[sflag:s19] =	ssyncset.done $0x0  }
0x79: {  	[sflag:s19] =	ssyncadd.s32 $0xFFFF8300  }
0x7a: {  	p0 =	sne.s32 s31, $0x1;
	_ =	swait.ge [sflag:s22], $0x7D00  }
.Ltmp1:
0x7b: {  	[sflag:s22] =	ssyncset.done $0x0;
	(pc) =	sbr.rel @p0 .LBB2_1-.Ltmp1, $4  }
0x7c: {  	[sflag:s22] =	ssyncadd.s32 $0xFFFF8300  }
0x7d: {  	[bflag:$0x0] =	sbarrier.arrive $0xFFFF  }
0x7e: {  	[hbm:s28], [sflag:s29] =	dma.local [spmem:s5], $0x500  }
0x7f: {  	s31 =	sadd.s32 $0xFFFFFFFF, s31;
	_ =	swait.ge [sflag:s30], $0x500  }
.LBB2_2:
0x80: {  	[sflag:s30] =	ssyncset.done $0x0  }
0x81: {  	[sflag:s30] =	ssyncadd.s32 $0xFFFFFB00  }
0x82: {  	_ =	sfence.sel $0x180000  }
0x83: {  	[bflag:$0x0] =	sbarrier.arrive $0xFFFF  }
0x84: {  	_ =	strace $0x9000004A  }
0x85: {  	s0 =	stileid.u32;
	[bflag:$0x2] =	sbarrier.arrive $0xFFFF  }
0x86: {  	p0 =	sne.s32 s0, $0x0;
	s0 =	rddreg [dreg:$0x2]  }
0x87: {  	s0 =	sadd.s32 @!p0 $0x100000, s0  }
0x88: {  	[sflag:s0] =	ssyncadd.tile.s32 @!p0 $0x1;
	_ =	shalt  }
.Lfunc_end2:
_tile_overlayer_lowered:
.L_overlay_start_2:
0x89: {  	(tag) =	ssettag $0x2  }
0x8a: {  	s0 =	rddreg [dreg:$0x0];
	s2 =	stileid.u32  }
0x8b: {  	s1 =	rddreg [dreg:$0x1];
	p0 =	sne.s32 s2, $0x0  }
0x8c: {  	s3 =	rddreg [dreg:$0x2];
	[bflag:$0x3] =	sbarrier.arrive $0xFFFF;
	s2 =	simm.s32 @!p0 $0x1C07  }
0x8d: {  	[timem:s3], [sflag:s2] =	dma.local @!p0 [hbm:s0], s1  }
0x8e: {  	s0 =	simm.s32 @!p0 $0x7  }
0x8f: {  	_ =	swait.ge @!p0 [sflag:s0], s1  }
0x90: {  	s1 =	ssub.s32 @!p0 $0x0, s1;
	[sflag:s0] =	ssyncset.done @!p0 $0x0  }
0x91: {  	[sflag:s0] =	ssyncadd.s32 @!p0 s1  }
0x92: {  	[bflag:$0x3] =	sbarrier.arrive $0xFFFF  }
0x93: {  	_ =	shalt  }

// kernel: kernel.13.cloned.1.call-start
scs
__scs_entry_jumppad:
0x0: {  	(pc) =	sbr.rel $0x88, $3  }
0x1: {  	(tag) =	ssettag $0x0;
	lr =	simm.s32 $0x1  }
0x2: {  	[smem:$0x3F9A] =	sst lr;
	_ =	strace $0xD0000000  }
0x3: {  	_ = 	snop  }
0x4: {  	_ = 	snop  }
0x5: {  	_ = 	snop  }
0x6: {  	_ = 	snop  }
0x7: {  	_ = 	snop  }
__scs_overlays_trampoline_lowered:
0x8: {  	[smem:$0x3FA9] =	sst s0  }
0x9: {  	[smem:$0x3FAA] =	sst s1  }
0xa: {  	[smem:$0x3FAB] =	sst s2  }
0xb: {  	[smem:$0x3FAC] =	sst s3  }
0xc: {  	[smem:$0x3FAD] =	sst s4  }
0xd: {  	[smem:$0x3FAE] =	sst s5  }
0xe: {  	[smem:$0x3FAF] =	sst s6  }
0xf: {  	[smem:$0x3FB0] =	sst s7  }
0x10: {  	[smem:$0x3FB1] =	sst s8  }
0x11: {  	[smem:$0x3FB2] =	sst s9;
	s0 =	simm.s32 @!p0 $0x0  }
0x12: {  	s1 =	sld [smem:$0x3F98];
	s0 =	simm.s32 @p0 $0x1  }
0x13: {  	[smem:$0x3FB3] =	sst s0;
	s0 =	simm.s32 @!p1 $0x0  }
0x14: {  	s2 =	sld [smem:$0x3F97];
	s0 =	simm.s32 @p1 $0x1  }
0x15: {  	[smem:$0x3FB4] =	sst s0;
	s0 =	simm.s32 @!p2 $0x0  }
0x16: {  	s3 =	sld [smem:$0x3FDB];
	s0 =	simm.s32 @p2 $0x1  }
0x17: {  	s4 =	simm.s32 $0x1BF5;
	[smem:$0x3FB6] =	sst s0  }
0x18: {  	s0 =	sld [smem:$0x3F99];
	_ =	swait.ge [sflag:s4], $0x0  }
0x19: {  	s7 =	sld [smem:$0x3F9A]  }
0x1a: {  	s8 =	sadd.s32 $0xFFFFE003, lr  }
0x1b: {  	s9 =	sadd.s32 $0xFFFFFEF7, lr;
	s5 =	simm.s32 $0xFFFFFFFF;
	p2 =	slt.u32 s8, $0xFFFFF086  }
0x1c: {  	p1 =	slt.u32 s9, $0xF7A;
	s5 =	simm.s32 @!p2 $0x0  }
0x1d: {  	s5 =	simm.s32 @p1 $0x1;
	p0 =	seq.s32 s7, s2  }
0x1e: {  	s7 =	smul.u32 @!p0 $0xF7A, s2;
	p2 =	seq.s32 @!p0 s5, $0x0  }
0x1f: {  	s9 =	smul.u32 $0xF7A, s1;
	s8 =	simm.s32 @!p0 $0x1BF5;
	p2 =	por !p2, p0  }
0x20: {  	[sflag:s8] =	ssyncset.s32 @!p0 $0xFFFFF086;
	s6 =	sadd.s32 @!p0 s3, s7;
	s7 =	simm.s32 @!p0 $0x108  }
0x21: {  	s3 =	sadd.s32 s3, s9;
	s6 =	sadd.s32 @!p0 $0x88, s6;
	s7 =	simm.s32 @p2 $0x1082  }
0x22: {  	[simem:s7], [sflag:s8] =	dma.local @!p0 [hbm:s6], $0xF7A  }
0x23: {  	s9 =	sor.u32 $0xD0000000, s2;
	s6 =	simm.s32 $0x108;
	_ =	swait.ge @!p0 [sflag:s8], $0x0  }
0x24: {  	s3 =	sadd.s32 $0x88, s3;
	s6 =	simm.s32 @!p1 $0x1082;
	[sflag:s4] =	ssyncset.s32 $0xFFFFF086  }
0x25: {  	[simem:s6], [sflag:s4] =	dma.local [hbm:s3], $0xF7A  }
0x26: {  	[smem:$0x3F9A] =	sst s1;
	(tag) =	ssettag s2;
	_ =	strace s9  }
0x27: {  	s1 =	sld [smem:$0x3FAA]  }
0x28: {  	s2 =	sld [smem:$0x3FAB]  }
0x29: {  	s4 =	sld [smem:$0x3FAD]  }
0x2a: {  	p0 =	seq.s32 s5, $0x0;
	s5 =	sld [smem:$0x3FAE]  }
0x2b: {  	s6 =	sld [smem:$0x3FAF]  }
0x2c: {  	s7 =	sld [smem:$0x3FB0]  }
0x2d: {  	s3 =	simm.s32 $0x108;
	s8 =	sld [smem:$0x3FB1]  }
0x2e: {  	s3 =	simm.s32 @!p0 $0x1082;
	s9 =	sld [smem:$0x3FB2]  }
0x2f: {  	lr =	sadd.s32 s0, s3;
	s0 =	sld [smem:$0x3FA9]  }
0x30: {  	s3 =	sld [smem:$0x3FAC]  }
0x31: {  	[smem:$0x3FB5] =	sst s10  }
0x32: {  	s10 =	sld [smem:$0x3FB3];
	_ =	sdelay $0x3  }
0x33: {  	p0 =	seq.s32 s10, $0x1;
	s10 =	sld [smem:$0x3FB5];
	_ =	sdelay $0x3  }
0x34: {  	[smem:$0x3FB5] =	sst s10  }
0x35: {  	s10 =	sld [smem:$0x3FB4];
	_ =	sdelay $0x3  }
0x36: {  	p1 =	seq.s32 s10, $0x1;
	s10 =	sld [smem:$0x3FB5];
	_ =	sdelay $0x3  }
0x37: {  	[smem:$0x3FB5] =	sst s10  }
0x38: {  	s10 =	sld [smem:$0x3FB6]  }
0x39: {  	_ = 	snop;
	(pc) =	sbr.ind lr, $3  }
0x3a: {  	_ = 	snop  }
0x3b: {  	_ = 	snop  }
0x3c: {  	p2 =	seq.s32 s10, $0x1;
	s10 =	sld [smem:$0x3FB5]  }
0x3d: {  	_ =	shalt  }
0x3e: {  	_ =	shalt  }
0x3f: {  	_ =	shalt  }
0x40: {  	_ =	shalt  }
0x41: {  	_ =	shalt  }
0x42: {  	_ =	shalt  }
0x43: {  	_ =	shalt  }
0x44: {  	_ =	shalt  }
0x45: {  	_ =	shalt  }
0x46: {  	_ =	shalt  }
0x47: {  	_ =	shalt  }
0x48: {  	_ =	shalt  }
0x49: {  	_ =	shalt  }
0x4a: {  	_ =	shalt  }
0x4b: {  	_ =	shalt  }
0x4c: {  	_ =	shalt  }
0x4d: {  	_ =	shalt  }
0x4e: {  	_ =	shalt  }
0x4f: {  	_ =	shalt  }
0x50: {  	_ =	shalt  }
0x51: {  	_ =	shalt  }
0x52: {  	_ =	shalt  }
0x53: {  	_ =	shalt  }
0x54: {  	_ =	shalt  }
0x55: {  	_ =	shalt  }
0x56: {  	_ =	shalt  }
0x57: {  	_ =	shalt  }
0x58: {  	_ =	shalt  }
0x59: {  	_ =	shalt  }
0x5a: {  	_ =	shalt  }
0x5b: {  	_ =	shalt  }
0x5c: {  	_ =	shalt  }
0x5d: {  	_ =	shalt  }
0x5e: {  	_ =	shalt  }
0x5f: {  	_ =	shalt  }
0x60: {  	_ =	shalt  }
0x61: {  	_ =	shalt  }
0x62: {  	_ =	shalt  }
0x63: {  	_ =	shalt  }
0x64: {  	_ =	shalt  }
0x65: {  	_ =	shalt  }
0x66: {  	_ =	shalt  }
0x67: {  	_ =	shalt  }
0x68: {  	_ =	shalt  }
0x69: {  	_ =	shalt  }
0x6a: {  	_ =	shalt  }
0x6b: {  	_ =	shalt  }
0x6c: {  	_ =	shalt  }
0x6d: {  	_ =	shalt  }
0x6e: {  	_ =	shalt  }
0x6f: {  	_ =	shalt  }
0x70: {  	_ =	shalt  }
0x71: {  	_ =	shalt  }
0x72: {  	_ =	shalt  }
0x73: {  	_ =	shalt  }
0x74: {  	_ =	shalt  }
0x75: {  	_ =	shalt  }
0x76: {  	_ =	shalt  }
0x77: {  	_ =	shalt  }
0x78: {  	_ =	shalt  }
0x79: {  	_ =	shalt  }
0x7a: {  	_ =	shalt  }
0x7b: {  	_ =	shalt  }
0x7c: {  	_ =	shalt  }
0x7d: {  	_ =	shalt  }
0x7e: {  	_ =	shalt  }
0x7f: {  	_ =	shalt  }
0x80: {  	_ =	shalt  }
0x81: {  	_ =	shalt  }
0x82: {  	_ =	shalt  }
0x83: {  	_ =	shalt  }
0x84: {  	_ =	shalt  }
0x85: {  	_ =	shalt  }
0x86: {  	_ =	shalt  }
0x87: {  	_ =	shalt  }
.Lfunc_end0:
.L_simem_size_0:
called_computation.2_lowered:
.L_overlay_start_0:
0x88: {  	s2 =	sld [smem:$0x3FD9]  }
0x89: {  	s3 =	sld [smem:$0x3FFE];
	_ =	sdelay $0x1  }
0x8a: {  	s1 =	srdreg.scid  }
0x8b: {  	s0 =	sand.u32 $0x1, s1  }
0x8c: {  	s17 =	sshll.u32 s0, $0xA;
	s2 =	sadd.s32 s3, s2  }
0x8d: {  	s2 =	sadd.s32 s2, s17  }
0x8e: {  	[smem:$0x3FC1] =	sst s2  }
0x8f: {  	_ = 	snop  }
0x90: {  	s2 =	sld [smem:$0x3FC3]  }
0x91: {  	s18 =	sld [smem:$0x3FD0];
	(tm) =	ssettm $0x1  }
0x92: {  	s4 =	sld [smem:$0x3FFB];
	_ =	sdelay $0x3  }
0x93: {  	_ =	strace s4  }
0x94: {  	s4 =	sld [smem:$0x3FFC];
	_ =	sdelay $0x3  }
0x95: {  	_ =	strace s4  }
0x96: {  	s4 =	sld [smem:$0x3FFD];
	_ =	sdelay $0x3  }
0x97: {  	_ =	strace s4  }
0x98: {  	_ =	strace $0x8FFFFFFF  }
0x99: {  	s19 =	sld [smem:$0x3FDB];
	_ =	sdelay $0x1  }
0x9a: {  	s5 =	simm.s32 $_scs_section_size  }
0x9b: {  	s6 =	simm.s32 $_size__tile_overlayer_lowered;
	s7 =	simm.s32 $_tile_overlayer_lowered  }
0x9c: {  	s22 =	simm.s32 $0x1BFF;
	s21 =	sshll.u32 s7, $0x1;
	s4 =	sadd.s32 s5, s19  }
0x9d: {  	s8 =	simm.s32 $0x0;
	s20 =	sshll.u32 s6, $0x1;
	s6 =	sadd.s32 s21, s4  }
0x9e: {  	[timem:s8], [sflag:s22] =	dma.local [hbm:s6], s20  }
0x9f: {  	_ =	swait.ge [sflag:s22], s20  }
0xa0: {  	s5 =	ssub.s32 $0x0, s20;
	[sflag:s22] =	ssyncset.done $0x0  }
0xa1: {  	[sflag:s22] =	ssyncadd.s32 s5;
	_ =	sdelay $0x1  }
0xa2: {  	s23 =	simm.s32 $0x1B8B  }
0xa3: {  	_ =	swait.ge [sflag:s23], $0x1  }
0xa4: {  	[sflag:s23] =	ssyncset.done $0x0  }
0xa5: {  	s25 =	simm.s32 $0x1B8E;
	s24 =	sld [smem:$0x3FFE];
	[sflag:s23] =	ssyncadd.s32 $0xFFFFFFFF  }
0xa6: {  	s26 =	simm.s32 $execute0_lowered;
	[smem:$0x3FD2] =	sst s25  }
0xa7: {  	s6 =	sshll.u32 s26, $0x1;
	_ =	strace $0x8000004C;
	[dreg:$0x1] =	wrdreg $0xFFFFFFFF  }
0xa8: {  	s28 =	simm.s32 $_size_execute0_lowered;
	s4 =	sadd.s32 s4, s6;
	[dreg:$0x0] =	wrdreg $0x0  }
0xa9: {  	s6 =	sshll.u32 s28, $0x1;
	[dreg:$0x2] =	wrdreg s4  }
0xaa: {  	[dreg:$0x3] =	wrdreg s6  }
0xab: {  	[dreg:$0x4] =	wrdreg $0xC0  }
0xac: {  	_ =	task [dreg:s8], $0x5FFFF  }
0xad: {  	[dreg:$0x1] =	wrdreg $0xFFFFFFFF  }
0xae: {  	[dreg:$0x0] =	wrdreg $0x60  }
0xaf: {  	[dreg:$0x2] =	wrdreg s24  }
0xb0: {  	[dreg:$0x3] =	wrdreg s2  }
0xb1: {  	[dreg:$0x4] =	wrdreg s18  }
0xb2: {  	[dreg:$0x5] =	wrdreg $0x0  }
0xb3: {  	[dreg:$0x6] =	wrdreg $0x28000  }
0xb4: {  	[dreg:$0x7] =	wrdreg $0x9  }
0xb5: {  	_ =	task.clear_ibuf [dreg:s8], $0x8FFFF;
	_ =	strace $0x9000004C  }
0xb6: {  	s29 =	simm.s32 $0x9;
	_ =	strace $0x8000004E  }
0xb7: {  	_ =	swait.ge [sflag:s29], $0x1  }
0xb8: {  	[sflag:s29] =	ssyncadd.s32 $0xFFFFFFFF  }
0xb9: {  	_ =	strace $0x9000004E  }
0xba: {  	_ =	sfence  }
0xbb: {  	s30 =	sld [smem:$0x0];
	_ =	sdelay $0x2  }
0xbc: {  	s31 =	sshll.u32 s1, $0xD;
	s1 =	sshrl.u32 s1, $0x2  }
0xbd: {  	s3 =	sand.u32 $0x4000, s31;
	s1 =	sadd.s32 s1, s30  }
0xbe: {  	s0 =	sor.u32 s3, s0;
	s1 =	sshll.u32 s1, $0x11  }
0xbf: {  	s0 =	sor.u32 s1, s0  }
0xc0: {  	s0 =	sadd.s32 $0x8F2B, s0  }
0xc1: {  	[sflag:s0] =	ssyncadd.remote.s32 $0x1  }
0xc2: {  	_ =	sfence.sel $0xFFFF  }
0xc3: {  	[dreg:$0x0] =	wrdreg $0xFFFFFFFF;
	(pc) =	sbr.abs _section_cstart, $3  }
0xc4: {  	[dreg:$0x1] =	wrdreg $0xFFFFFFFF  }
0xc5: {  	_ =	task.clear_ibuf [dreg:s8], $0x2FFFF;
	_ =	strace $0x9FFFFFFF  }
0xc6: {  	(tm) =	ssettm $0x7FFFFFFF  }
0xc7: {  	_ =	shalt  }
tec
execute0_lowered:
.L_overlay_start_1:
0x0: {  	(tag) =	ssettag $0x1  }
0x1: {  	s1 =	rddreg [dreg:$0x0]  }
0x2: {  	s2 =	rddreg [dreg:$0x1]  }
0x3: {  	s15 =	rddreg [dreg:$0x2]  }
0x4: {  	s0 =	rddreg [dreg:$0x3];
	s3 =	srdreg.scid  }
0x5: {  	s18 =	stileid.u32;
	s19 =	rddreg [dreg:$0x4]  }
0x6: {  	s28 =	simm.s32 $0x3E8;
	s29 =	simm.s32 $0xC490;
	s5 =	smul.u32 $0x4E20, s18  }
0x7: {  	s30 =	simm.s32 $0x4;
	s31 =	simm.s32 $0x7;
	s7 =	smul.u32 $0x2800, s18  }
0x8: {  	v0 =	vimm.f32 $1.500000000e+01;
	vm0 =	vcmask $0x300;
	s13 =	sand.u32 $0x1, s3;
	s3 =	simm.s32 $0x0;
	s9 =	smul.u32 $0x280, s18  }
0x9: {  	vm14 =	vcmask $0x704;
	s22 =	sshll.u32 s18, $0x6;
	s14 =	smul.u32 $0x140, s18;
	p0 =	sne.s32 s18, $0x0;
	v0 =	vsel vm0, $0x0, v0  }
0xa: {  	vm15 =	vcmask $0xB08;
	s4 =	smul.u32 $0x4E200, s13;
	[smem:$0x7FF] =	sst s3;
	s17 =	ssub.s32 $0x2, s13;
	v0 =	vsel vm14, $0x3F800000, v0  }
0xb: {  	vm4 =	vcmask $0xF0C;
	s21 =	smul.u32 $0x2800, s13;
	s25 =	sshll.u32 s13, $0x1;
	_ =	strace $0x8000004D;
	v0 =	vsel vm15, $0x40000000, v0  }
0xc: {  	vm5 =	vcmask $0x1310;
	s16 =	sshrl.u32 s7, $0x3;
	s20 =	sshrl.u32 s9, $0x3;
	s12 =	sshrl.u32 s17, $0x1;
	v0 =	vsel vm4, $0x40400000, v0  }
0xd: {  	vm6 =	vcmask $0x1714;
	s14 =	sshrl.u32 s14, $0x2;
	s6 =	sadd.s32 s5, s4;
	s4 =	sadd.s32 $0x19A00, s1;
	v0 =	vsel vm5, $0x40800000, v0  }
0xe: {  	vm7 =	vcmask $0x1B18;
	s5 =	sshrl.u32 s5, $0x3;
	s11 =	sadd.s32 s16, s1;
	s16 =	ssub.s32 s17, s12;
	v0 =	vsel vm6, $0x40A00000, v0  }
0xf: {  	vm8 =	vcmask $0x1F1C;
	s23 =	sadd.s32 s9, s21;
	s17 =	sshll.u32 s13, $0x3;
	s13 =	sadd.s32 s2, s25;
	v0 =	vsel vm7, $0x40C00000, v0  }
0x10: {  	vm9 =	vcmask $0x2320;
	s14 =	sadd.s32 s14, s19;
	s25 =	simm.s32 $0x2;
	s6 =	sshrl.u32 s6, $0x3;
	v0 =	vsel vm8, $0x40E00000, v0  }
0x11: {  	vm10 =	vcmask $0x2724;
	s10 =	sadd.s32 s5, s1;
	s5 =	sadd.s32 s7, s0;
	s7 =	sor.u32 $0x1C01, s22;
	v0 =	vsel vm9, $0x41000000, v0  }
0x12: {  	vm11 =	vcmask $0x2B28;
	s24 =	sshll.u32 s23, $0x1;
	s26 =	sadd.s32 s15, s17;
	s16 =	smax.u32 s16, $0x1;
	v0 =	vsel vm10, $0x41100000, v0  }
0x13: {  	vm12 =	vcmask $0x2F2C;
	s15 =	simm.s32 $0x5;
	s22 =	simm.s32 $0x6;
	s23 =	simm.s32 $0x8;
	v0 =	vsel vm11, $0x41200000, v0  }
.Ltmp0:
0x14: {  	vm13 =	vcmask $0x3330;
	s8 =	sadd.s32 s6, s1;
	s1 =	sadd.s32 s20, s1;
	v0 =	vsel vm12, $0x41300000, v0;
	(pc) =	sbr.rel .LBB2_1-.Ltmp0, $4  }
0x15: {  	vm14 =	vcmask $0x3734;
	s6 =	sadd.s32 $0x14A00, s11;
	s9 =	sadd.s32 $0xAC00, s10;
	s10 =	sadd.s32 s4, s24;
	v0 =	vsel vm13, $0x41400000, v0  }
0x16: {  	vm15 =	vcmask $0x3B38;
	[dreg:$0x6] =	wrdreg s26;
	s17 =	sshrl.u32 s5, $0x3;
	s24 =	simm.s32 $0x1;
	v0 =	vsel vm14, $0x41500000, v0  }
0x17: {  	s26 =	simm.s32 $0x3;
	s20 =	simm.s32 $0x0;
	s8 =	sadd.s32 $0x28A00, s8;
	v26 =	vsel vm15, $0x41600000, v0  }
0x18: {  	s11 =	sadd.s32 $0x3CA00, s1;
	s12 =	sadd.s32 $0x3C400, s1;
	s1 =	simm.s32 $0x10310;
	[tilespmem:$0x1FFF0] =	vst v26  }
.LBB2_6:
0x19: {  	v8 =	vadd.f32 v8, v9;
	_ =	sdelay $0x1  }
0x1a: {  	v9 =	vadd.f32 $0.0e+00, v8;
	_ =	sdelay $0x1  }
0x1b: {  	v9 =	vmax.f32 v9, $1.000000000e+00  }
0x1c: {  	v10 =	vbroadcast v9, $0x0  }
0x1d: {  	v11 =	vbroadcast v9, $0x1  }
0x1e: {  	v58 =	vbroadcast v9, $0x2;
	(erf) = vrcp.f32 v10  }
0x1f: {  	v9 =	vbroadcast v9, $0x3;
	(erf) = vrcp.f32 v11  }
0x20: {  	(erf) = vrcp.f32 v58  }
0x21: {  	(erf) = vrcp.f32 v9;
	_ =	sdelay $0x4  }
0x22: {  	v3 =	vadd.f32 v3, v5  }
0x23: {  	v0 =	vadd.f32 v0, v7;
	v59 =	vpop (erf)  }
0x24: {  	v1 =	vadd.f32 v1, v6;
	v60 =	vpop (erf);
	v3 =	vmul.f32 v59, v3  }
0x25: {  	v2 =	vadd.f32 v2, v4;
	[tilespmem:$0x19BF0] =	vst v8;
	v61 =	vpop (erf);
	v0 =	vmul.f32 v60, v0  }
0x26: {  	[tilespmem:$0x19C00] =	vst v3;
	v1 =	vmul.f32 v61, v1;
	v62 =	vpop (erf)  }
0x27: {  	[tilespmem:$0x19C10] =	vst v0;
	v63 =	vmul.f32 v62, v2  }
0x28: {  	[tilespmem:$0x19C20] =	vst v1  }
0x29: {  	s2 =	rddreg [dreg:$0x6];
	s18 =	simm.s32 $0x19C00;
	[tilespmem:$0x19C30] =	vst v63  }
0x2a: {  	[hbm4b:s2+s3] =	stream.linear.scatter [tilespmem:s18], [sflag:$0x8], $0x40, $0x38;
	[tilespmem:$0x19C40] =	vst v63  }
0x2b: {  	_ =	swait.ge [sflag:s23], $0x40  }
0x2c: {  	[sflag:s23] =	ssyncset.done $0x0  }
0x2d: {  	[sflag:s23] =	ssyncadd.s32 $0xFFFFFFC0  }
.LBB2_7:
0x2e: {  	s20 =	sadd.s32 $0x1, s20  }
0x2f: {  	p1 =	sne.s32 s20, s16  }
.Ltmp1:
0x30: {  	_ = 	snop;
	(pc) =	sbr.rel @!p1 .LBB2_8-.Ltmp1, $1  }
0x31: {  	_ =	sdelay $0x3  }
.LBB2_1:
0x32: {  	[spmem:s17], [sflag:s7] =	dma.local [hbm:s6], $0x500  }
0x33: {  	s2 =	simm.s32 $0x2850  }
0x34: {  	[tilespmem:s2], [sflag:$0x2] =	stream.linear.gather [hbm4b:s8+s3], $0x4E20, $0x38;
	[tilespmem:$0x19C40] =	vst v63  }
0x35: {  	s18 =	simm.s32 $0x7670  }
0x36: {  	[tilespmem:s18], [sflag:$0x3] =	stream.linear.gather [hbm4b:s9+s3], $0x4E20, $0x38;
	[tilespmem:$0x19C40] =	vst v63  }
0x37: {  	s19 =	simm.s32 $0x14190  }
0x38: {  	[tilespmem:s19], [sflag:$0x7] =	stream.linear.gather [hbm4b:s10+s3], $0x2800, $0x38;
	[tilespmem:$0x19C40] =	vst v63  }
0x39: {  	s21 =	simm.s32 $0x19190  }
0x3a: {  	[tilespmem:s21], [sflag:$0x7] =	stream.linear.gather [hbm4b:s11+s3], $0x280, $0x38;
	[tilespmem:$0x19C40] =	vst v63  }
0x3b: {  	s21 =	simm.s32 $0x19410  }
0x3c: {  	[tilespmem:s21], [sflag:$0x7] =	stream.linear.gather [hbm4b:s12+s3], $0x280, $0x38;
	[tilespmem:$0x19C40] =	vst v63  }
0x3d: {  	s21 =	simm.s32 $0x19690  }
0x3e: {  	[tilespmem:s21], [sflag:$0x7] =	stream.linear.gather [hbm4b:s13+s3], $0x10, $0x38;
	[tilespmem:$0x19C40] =	vst v63  }
0x3f: {  	_ =	swait.ge [sflag:s24], $0x500  }
0x40: {  	[sflag:s24] =	ssyncset.done $0x0  }
0x41: {  	[sflag:s24] =	ssyncadd.s32 $0xFFFFFB00  }
0x42: {  	_ =	swait.ge [sflag:s25], $0x4E20  }
0x43: {  	[sflag:s25] =	ssyncset.done $0x0  }
0x44: {  	[sflag:s25] =	ssyncadd.s32 $0xFFFFB1E0  }
0x45: {  	_ =	swait.ge [sflag:s26], $0x4E20  }
0x46: {  	[sflag:s26] =	ssyncset.done $0x0  }
0x47: {  	[sflag:s26] =	ssyncadd.s32 $0xFFFFB1E0  }
0x48: {  	[bflag:$0x0] =	sbarrier.arrive $0xFFFF  }
0x49: {  	[tilespmem:s29], [sflag:$0x4] =	stream.indirect.gather [hbm4b:s4+s28], $0x10, s2, s28, $0xb8;
	[tilespmem:$0x19C40] =	vst v63  }
0x4a: {  	_ =	swait.ge [sflag:s30], $0x3E80  }
0x4b: {  	[sflag:s30] =	ssyncset.done $0x0  }
0x4c: {  	[sflag:s30] =	ssyncadd.s32 $0xFFFFC180  }
0x4d: {  	[spmem:s0] =	stream.indirect.scatter.add.f32 [tilespmem:s29], [sflag:$0x5], $0x10, s18, s28, $0xb8;
	[tilespmem:$0x19C40] =	vst v63  }
0x4e: {  	s19 =	simm.s32 $0x2C38  }
0x4f: {  	[tilespmem:s1], [sflag:$0x4] =	stream.indirect.gather [hbm4b:s4+s28], $0x10, s19, s28, $0xb8;
	[tilespmem:$0x19C40] =	vst v63  }
0x50: {  	_ =	swait.ge [sflag:s30], $0x3E80  }
0x51: {  	[sflag:s30] =	ssyncset.done $0x0  }
0x52: {  	s21 =	simm.s32 $0x7A58;
	[sflag:s30] =	ssyncadd.s32 $0xFFFFC180  }
0x53: {  	[spmem:s0] =	stream.indirect.scatter.add.f32 [tilespmem:s1], [sflag:$0x6], $0x10, s21, s28, $0xb8;
	[tilespmem:$0x19C40] =	vst v63  }
0x54: {  	_ =	swait.ge [sflag:s15], $0x3E80  }
0x55: {  	[sflag:s15] =	ssyncset.done $0x0  }
0x56: {  	s18 =	simm.s32 $0x3020;
	[sflag:s15] =	ssyncadd.s32 $0xFFFFC180  }
0x57: {  	[tilespmem:s29], [sflag:$0x4] =	stream.indirect.gather [hbm4b:s4+s28], $0x10, s18, s28, $0xb8;
	[tilespmem:$0x19C40] =	vst v63  }
0x58: {  	_ =	swait.ge [sflag:s30], $0x3E80  }
0x59: {  	[sflag:s30] =	ssyncset.done $0x0  }
0x5a: {  	s19 =	simm.s32 $0x7E40;
	[sflag:s30] =	ssyncadd.s32 $0xFFFFC180  }
0x5b: {  	[spmem:s0] =	stream.indirect.scatter.add.f32 [tilespmem:s29], [sflag:$0x5], $0x10, s19, s28, $0xb8;
	[tilespmem:$0x19C40] =	vst v63  }
0x5c: {  	_ =	swait.ge [sflag:s22], $0x3E80  }
0x5d: {  	[sflag:s22] =	ssyncset.done $0x0  }
0x5e: {  	s21 =	simm.s32 $0x3408;
	[sflag:s22] =	ssyncadd.s32 $0xFFFFC180  }
0x5f: {  	[tilespmem:s1], [sflag:$0x4] =	stream.indirect.gather [hbm4b:s4+s28], $0x10, s21, s28, $0xb8;
	[tilespmem:$0x19C40] =	vst v63  }
0x60: {  	_ =	swait.ge [sflag:s30], $0x3E80  }
0x61: {  	[sflag:s30] =	ssyncset.done $0x0  }
0x62: {  	s18 =	simm.s32 $0x8228;
	[sflag:s30] =	ssyncadd.s32 $0xFFFFC180  }
0x63: {  	[spmem:s0] =	stream.indirect.scatter.add.f32 [tilespmem:s1], [sflag:$0x6], $0x10, s18, s28, $0xb8;
	[tilespmem:$0x19C40] =	vst v63  }
0x64: {  	_ =	swait.ge [sflag:s15], $0x3E80  }
0x65: {  	[sflag:s15] =	ssyncset.done $0x0  }
0x66: {  	s19 =	simm.s32 $0x37F0;
	[sflag:s15] =	ssyncadd.s32 $0xFFFFC180  }
0x67: {  	[tilespmem:s29], [sflag:$0x4] =	stream.indirect.gather [hbm4b:s4+s28], $0x10, s19, s28, $0xb8;
	[tilespmem:$0x19C40] =	vst v63  }
0x68: {  	_ =	swait.ge [sflag:s30], $0x3E80  }
0x69: {  	[sflag:s30] =	ssyncset.done $0x0  }
0x6a: {  	s21 =	simm.s32 $0x8610;
	[sflag:s30] =	ssyncadd.s32 $0xFFFFC180  }
0x6b: {  	[spmem:s0] =	stream.indirect.scatter.add.f32 [tilespmem:s29], [sflag:$0x5], $0x10, s21, s28, $0xb8;
	[tilespmem:$0x19C40] =	vst v63  }
0x6c: {  	_ =	swait.ge [sflag:s22], $0x3E80  }
0x6d: {  	[sflag:s22] =	ssyncset.done $0x0  }
0x6e: {  	s18 =	simm.s32 $0x3BD8;
	[sflag:s22] =	ssyncadd.s32 $0xFFFFC180  }
0x6f: {  	[tilespmem:s1], [sflag:$0x4] =	stream.indirect.gather [hbm4b:s4+s28], $0x10, s18, s28, $0xb8;
	[tilespmem:$0x19C40] =	vst v63  }
0x70: {  	_ =	swait.ge [sflag:s30], $0x3E80  }
0x71: {  	[sflag:s30] =	ssyncset.done $0x0  }
0x72: {  	s19 =	simm.s32 $0x89F8;
	[sflag:s30] =	ssyncadd.s32 $0xFFFFC180  }
0x73: {  	[spmem:s0] =	stream.indirect.scatter.add.f32 [tilespmem:s1], [sflag:$0x6], $0x10, s19, s28, $0xb8;
	[tilespmem:$0x19C40] =	vst v63  }
0x74: {  	_ =	swait.ge [sflag:s15], $0x3E80  }
0x75: {  	[sflag:s15] =	ssyncset.done $0x0  }
0x76: {  	s21 =	simm.s32 $0x3FC0;
	[sflag:s15] =	ssyncadd.s32 $0xFFFFC180  }
0x77: {  	[tilespmem:s29], [sflag:$0x4] =	stream.indirect.gather [hbm4b:s4+s28], $0x10, s21, s28, $0xb8;
	[tilespmem:$0x19C40] =	vst v63  }
0x78: {  	_ =	swait.ge [sflag:s30], $0x3E80  }
0x79: {  	[sflag:s30] =	ssyncset.done $0x0  }
0x7a: {  	s18 =	simm.s32 $0x8DE0;
	[sflag:s30] =	ssyncadd.s32 $0xFFFFC180  }
0x7b: {  	[spmem:s0] =	stream.indirect.scatter.add.f32 [tilespmem:s29], [sflag:$0x5], $0x10, s18, s28, $0xb8;
	[tilespmem:$0x19C40] =	vst v63  }
0x7c: {  	_ =	swait.ge [sflag:s22], $0x3E80  }
0x7d: {  	[sflag:s22] =	ssyncset.done $0x0  }
0x7e: {  	s19 =	simm.s32 $0x43A8;
	[sflag:s22] =	ssyncadd.s32 $0xFFFFC180  }
0x7f: {  	[tilespmem:s1], [sflag:$0x4] =	stream.indirect.gather [hbm4b:s4+s28], $0x10, s19, s28, $0xb8;
	[tilespmem:$0x19C40] =	vst v63  }
0x80: {  	_ =	swait.ge [sflag:s30], $0x3E80  }
0x81: {  	[sflag:s30] =	ssyncset.done $0x0  }
0x82: {  	s21 =	simm.s32 $0x91C8;
	[sflag:s30] =	ssyncadd.s32 $0xFFFFC180  }
0x83: {  	[spmem:s0] =	stream.indirect.scatter.add.f32 [tilespmem:s1], [sflag:$0x6], $0x10, s21, s28, $0xb8;
	[tilespmem:$0x19C40] =	vst v63  }
0x84: {  	_ =	swait.ge [sflag:s15], $0x3E80  }
0x85: {  	[sflag:s15] =	ssyncset.done $0x0  }
0x86: {  	s18 =	simm.s32 $0x4790;
	[sflag:s15] =	ssyncadd.s32 $0xFFFFC180  }
0x87: {  	[tilespmem:s29], [sflag:$0x4] =	stream.indirect.gather [hbm4b:s4+s28], $0x10, s18, s28, $0xb8;
	[tilespmem:$0x19C40] =	vst v63  }
0x88: {  	_ =	swait.ge [sflag:s30], $0x3E80  }
0x89: {  	[sflag:s30] =	ssyncset.done $0x0  }
0x8a: {  	s19 =	simm.s32 $0x95B0;
	[sflag:s30] =	ssyncadd.s32 $0xFFFFC180  }
0x8b: {  	[spmem:s0] =	stream.indirect.scatter.add.f32 [tilespmem:s29], [sflag:$0x5], $0x10, s19, s28, $0xb8;
	[tilespmem:$0x19C40] =	vst v63  }
0x8c: {  	_ =	swait.ge [sflag:s22], $0x3E80  }
0x8d: {  	[sflag:s22] =	ssyncset.done $0x0  }
0x8e: {  	s21 =	simm.s32 $0x4B78;
	[sflag:s22] =	ssyncadd.s32 $0xFFFFC180  }
0x8f: {  	[tilespmem:s1], [sflag:$0x4] =	stream.indirect.gather [hbm4b:s4+s28], $0x10, s21, s28, $0xb8;
	[tilespmem:$0x19C40] =	vst v63  }
0x90: {  	_ =	swait.ge [sflag:s30], $0x3E80  }
0x91: {  	[sflag:s30] =	ssyncset.done $0x0  }
0x92: {  	s18 =	simm.s32 $0x9998;
	[sflag:s30] =	ssyncadd.s32 $0xFFFFC180  }
0x93: {  	[spmem:s0] =	stream.indirect.scatter.add.f32 [tilespmem:s1], [sflag:$0x6], $0x10, s18, s28, $0xb8;
	[tilespmem:$0x19C40] =	vst v63  }
0x94: {  	_ =	swait.ge [sflag:s15], $0x3E80  }
0x95: {  	[sflag:s15] =	ssyncset.done $0x0  }
0x96: {  	s19 =	simm.s32 $0x4F60;
	[sflag:s15] =	ssyncadd.s32 $0xFFFFC180  }
0x97: {  	[tilespmem:s29], [sflag:$0x4] =	stream.indirect.gather [hbm4b:s4+s28], $0x10, s19, s28, $0xb8;
	[tilespmem:$0x19C40] =	vst v63  }
0x98: {  	_ =	swait.ge [sflag:s30], $0x3E80  }
0x99: {  	[sflag:s30] =	ssyncset.done $0x0  }
0x9a: {  	s21 =	simm.s32 $0x9D80;
	[sflag:s30] =	ssyncadd.s32 $0xFFFFC180  }
0x9b: {  	[spmem:s0] =	stream.indirect.scatter.add.f32 [tilespmem:s29], [sflag:$0x5], $0x10, s21, s28, $0xb8;
	[tilespmem:$0x19C40] =	vst v63  }
0x9c: {  	_ =	swait.ge [sflag:s22], $0x3E80  }
0x9d: {  	[sflag:s22] =	ssyncset.done $0x0  }
0x9e: {  	s18 =	simm.s32 $0x5348;
	[sflag:s22] =	ssyncadd.s32 $0xFFFFC180  }
0x9f: {  	[tilespmem:s1], [sflag:$0x4] =	stream.indirect.gather [hbm4b:s4+s28], $0x10, s18, s28, $0xb8;
	[tilespmem:$0x19C40] =	vst v63  }
0xa0: {  	_ =	swait.ge [sflag:s30], $0x3E80  }
0xa1: {  	[sflag:s30] =	ssyncset.done $0x0  }
0xa2: {  	s19 =	simm.s32 $0xA168;
	[sflag:s30] =	ssyncadd.s32 $0xFFFFC180  }
0xa3: {  	[spmem:s0] =	stream.indirect.scatter.add.f32 [tilespmem:s1], [sflag:$0x6], $0x10, s19, s28, $0xb8;
	[tilespmem:$0x19C40] =	vst v63  }
0xa4: {  	_ =	swait.ge [sflag:s15], $0x3E80  }
0xa5: {  	[sflag:s15] =	ssyncset.done $0x0  }
0xa6: {  	s21 =	simm.s32 $0x5730;
	[sflag:s15] =	ssyncadd.s32 $0xFFFFC180  }
0xa7: {  	[tilespmem:s29], [sflag:$0x4] =	stream.indirect.gather [hbm4b:s4+s28], $0x10, s21, s28, $0xb8;
	[tilespmem:$0x19C40] =	vst v63  }
0xa8: {  	_ =	swait.ge [sflag:s30], $0x3E80  }
0xa9: {  	[sflag:s30] =	ssyncset.done $0x0  }
0xaa: {  	s18 =	simm.s32 $0xA550;
	[sflag:s30] =	ssyncadd.s32 $0xFFFFC180  }
0xab: {  	[spmem:s0] =	stream.indirect.scatter.add.f32 [tilespmem:s29], [sflag:$0x5], $0x10, s18, s28, $0xb8;
	[tilespmem:$0x19C40] =	vst v63  }
0xac: {  	_ =	swait.ge [sflag:s22], $0x3E80  }
0xad: {  	[sflag:s22] =	ssyncset.done $0x0  }
0xae: {  	s19 =	simm.s32 $0x5B18;
	[sflag:s22] =	ssyncadd.s32 $0xFFFFC180  }
0xaf: {  	[tilespmem:s1], [sflag:$0x4] =	stream.indirect.gather [hbm4b:s4+s28], $0x10, s19, s28, $0xb8;
	[tilespmem:$0x19C40] =	vst v63  }
0xb0: {  	_ =	swait.ge [sflag:s30], $0x3E80  }
0xb1: {  	[sflag:s30] =	ssyncset.done $0x0  }
0xb2: {  	s21 =	simm.s32 $0xA938;
	[sflag:s30] =	ssyncadd.s32 $0xFFFFC180  }
0xb3: {  	[spmem:s0] =	stream.indirect.scatter.add.f32 [tilespmem:s1], [sflag:$0x6], $0x10, s21, s28, $0xb8;
	[tilespmem:$0x19C40] =	vst v63  }
0xb4: {  	_ =	swait.ge [sflag:s15], $0x3E80  }
0xb5: {  	[sflag:s15] =	ssyncset.done $0x0  }
0xb6: {  	s18 =	simm.s32 $0x5F00;
	[sflag:s15] =	ssyncadd.s32 $0xFFFFC180  }
0xb7: {  	[tilespmem:s29], [sflag:$0x4] =	stream.indirect.gather [hbm4b:s4+s28], $0x10, s18, s28, $0xb8;
	[tilespmem:$0x19C40] =	vst v63  }
0xb8: {  	_ =	swait.ge [sflag:s30], $0x3E80  }
0xb9: {  	[sflag:s30] =	ssyncset.done $0x0  }
0xba: {  	s19 =	simm.s32 $0xAD20;
	[sflag:s30] =	ssyncadd.s32 $0xFFFFC180  }
0xbb: {  	[spmem:s0] =	stream.indirect.scatter.add.f32 [tilespmem:s29], [sflag:$0x5], $0x10, s19, s28, $0xb8;
	[tilespmem:$0x19C40] =	vst v63  }
0xbc: {  	_ =	swait.ge [sflag:s22], $0x3E80  }
0xbd: {  	[sflag:s22] =	ssyncset.done $0x0  }
0xbe: {  	s21 =	simm.s32 $0x62E8;
	[sflag:s22] =	ssyncadd.s32 $0xFFFFC180  }
0xbf: {  	[tilespmem:s1], [sflag:$0x4] =	stream.indirect.gather [hbm4b:s4+s28], $0x10, s21, s28, $0xb8;
	[tilespmem:$0x19C40] =	vst v63  }
0xc0: {  	_ =	swait.ge [sflag:s30], $0x3E80  }
0xc1: {  	[sflag:s30] =	ssyncset.done $0x0  }
0xc2: {  	s18 =	simm.s32 $0xB108;
	[sflag:s30] =	ssyncadd.s32 $0xFFFFC180  }
0xc3: {  	[spmem:s0] =	stream.indirect.scatter.add.f32 [tilespmem:s1], [sflag:$0x6], $0x10, s18, s28, $0xb8;
	[tilespmem:$0x19C40] =	vst v63  }
0xc4: {  	_ =	swait.ge [sflag:s15], $0x3E80  }
0xc5: {  	[sflag:s15] =	ssyncset.done $0x0  }
0xc6: {  	s19 =	simm.s32 $0x66D0;
	[sflag:s15] =	ssyncadd.s32 $0xFFFFC180  }
0xc7: {  	[tilespmem:s29], [sflag:$0x4] =	stream.indirect.gather [hbm4b:s4+s28], $0x10, s19, s28, $0xb8;
	[tilespmem:$0x19C40] =	vst v63  }
0xc8: {  	_ =	swait.ge [sflag:s30], $0x3E80  }
0xc9: {  	[sflag:s30] =	ssyncset.done $0x0  }
0xca: {  	s21 =	simm.s32 $0xB4F0;
	[sflag:s30] =	ssyncadd.s32 $0xFFFFC180  }
0xcb: {  	[spmem:s0] =	stream.indirect.scatter.add.f32 [tilespmem:s29], [sflag:$0x5], $0x10, s21, s28, $0xb8;
	[tilespmem:$0x19C40] =	vst v63  }
0xcc: {  	_ =	swait.ge [sflag:s22], $0x3E80  }
0xcd: {  	[sflag:s22] =	ssyncset.done $0x0  }
0xce: {  	s18 =	simm.s32 $0x6AB8;
	[sflag:s22] =	ssyncadd.s32 $0xFFFFC180  }
0xcf: {  	[tilespmem:s1], [sflag:$0x4] =	stream.indirect.gather [hbm4b:s4+s28], $0x10, s18, s28, $0xb8;
	[tilespmem:$0x19C40] =	vst v63  }
0xd0: {  	_ =	swait.ge [sflag:s30], $0x3E80  }
0xd1: {  	[sflag:s30] =	ssyncset.done $0x0  }
0xd2: {  	s19 =	simm.s32 $0xB8D8;
	[sflag:s30] =	ssyncadd.s32 $0xFFFFC180  }
0xd3: {  	[spmem:s0] =	stream.indirect.scatter.add.f32 [tilespmem:s1], [sflag:$0x6], $0x10, s19, s28, $0xb8;
	[tilespmem:$0x19C40] =	vst v63  }
0xd4: {  	_ =	swait.ge [sflag:s15], $0x3E80  }
0xd5: {  	[sflag:s15] =	ssyncset.done $0x0  }
0xd6: {  	s21 =	simm.s32 $0x6EA0;
	[sflag:s15] =	ssyncadd.s32 $0xFFFFC180  }
0xd7: {  	[tilespmem:s29], [sflag:$0x4] =	stream.indirect.gather [hbm4b:s4+s28], $0x10, s21, s28, $0xb8;
	[tilespmem:$0x19C40] =	vst v63  }
0xd8: {  	_ =	swait.ge [sflag:s30], $0x3E80  }
0xd9: {  	[sflag:s30] =	ssyncset.done $0x0  }
0xda: {  	s18 =	simm.s32 $0xBCC0;
	[sflag:s30] =	ssyncadd.s32 $0xFFFFC180  }
0xdb: {  	[spmem:s0] =	stream.indirect.scatter.add.f32 [tilespmem:s29], [sflag:$0x5], $0x10, s18, s28, $0xb8;
	[tilespmem:$0x19C40] =	vst v63  }
0xdc: {  	_ =	swait.ge [sflag:s22], $0x3E80  }
0xdd: {  	[sflag:s22] =	ssyncset.done $0x0  }
0xde: {  	s19 =	simm.s32 $0x7288;
	[sflag:s22] =	ssyncadd.s32 $0xFFFFC180  }
0xdf: {  	[tilespmem:s1], [sflag:$0x4] =	stream.indirect.gather [hbm4b:s4+s28], $0x10, s19, s28, $0xb8;
	[tilespmem:$0x19C40] =	vst v63  }
0xe0: {  	_ =	swait.ge [sflag:s30], $0x3E80  }
0xe1: {  	[sflag:s30] =	ssyncset.done $0x0  }
0xe2: {  	s21 =	simm.s32 $0xC0A8;
	[sflag:s30] =	ssyncadd.s32 $0xFFFFC180  }
0xe3: {  	[spmem:s0] =	stream.indirect.scatter.add.f32 [tilespmem:s1], [sflag:$0x6], $0x10, s21, s28, $0xb8;
	[tilespmem:$0x19C40] =	vst v63  }
0xe4: {  	_ =	swait.ge [sflag:s22], $0x3E80  }
0xe5: {  	[sflag:s22] =	ssyncset.done $0x0  }
0xe6: {  	[sflag:s22] =	ssyncadd.s32 $0xFFFFC180  }
0xe7: {  	_ =	swait.ge [sflag:s15], $0x3E80  }
0xe8: {  	[sflag:s15] =	ssyncset.done $0x0  }
0xe9: {  	[sflag:s15] =	ssyncadd.s32 $0xFFFFC180  }
0xea: {  	s18 =	simm.s32 $0x16990;
	[bflag:$0x0] =	sbarrier.arrive $0xFFFF  }
0xeb: {  	[tilespmem:s18], [sflag:$0x8] =	stream.linear.gather [spmem:s5], $0x2800, $0x38;
	[tilespmem:$0x19C40] =	vst v63  }
0xec: {  	_ =	swait.ge [sflag:s23], $0x2800  }
0xed: {  	[sflag:s23] =	ssyncset.done $0x0  }
0xee: {  	[sflag:s23] =	ssyncadd.s32 $0xFFFFD800  }
0xef: {  	_ =	swait.ge [sflag:s31], $0x2800  }
0xf0: {  	[sflag:s31] =	ssyncset.done $0x0  }
0xf1: {  	[sflag:s31] =	ssyncadd.s32 $0xFFFFD800  }
0xf2: {  	_ =	swait.ge [sflag:s31], $0x280  }
0xf3: {  	[sflag:s31] =	ssyncset.done $0x0  }
0xf4: {  	[sflag:s31] =	ssyncadd.s32 $0xFFFFFD80  }
0xf5: {  	_ =	swait.ge [sflag:s31], $0x280  }
0xf6: {  	[sflag:s31] =	ssyncset.done $0x0  }
0xf7: {  	[sflag:s31] =	ssyncadd.s32 $0xFFFFFD80  }
0xf8: {  	_ =	swait.ge [sflag:s31], $0x10  }
0xf9: {  	[sflag:s31] =	ssyncset.done $0x0  }
0xfa: {  	s21 =	simm.s32 $0x16A10;
	[sflag:s31] =	ssyncadd.s32 $0xFFFFFFF0  }
0xfb: {  	s2 =	simm.s32 $0x14210;
	v1 =	vld [tilespmem:s21+$0x70]  }
0xfc: {  	v2 =	vld [tilespmem:s2+$0x70]  }
0xfd: {  	v3 =	vld [tilespmem:s21+$0x60]  }
0xfe: {  	v4 =	vld [tilespmem:s2+$0x60]  }
0xff: {  	v5 =	vld [tilespmem:s21+$0x50]  }
0x100: {  	v11 =	vld [tilespmem:s21+$0x20]  }
0x101: {  	v12 =	vld [tilespmem:s2+$0x20]  }
0x102: {  	s19 =	simm.s32 $0x0;
	v6 =	vld [tilespmem:s2+$0x50]  }
0x103: {  	v21 =	vld [tilespmem:s19+$0x19410]  }
0x104: {  	v24 =	vld [tilespmem:s21+$0xFFFFFFC0]  }
0x105: {  	v25 =	vld [tilespmem:s2+$0xFFFFFFC0]  }
0x106: {  	v31 =	vadd.f32 v12, v11;
	v11 =	vld [tilespmem:s21+$0xFFFFFF90]  }
0x107: {  	v12 =	vld [tilespmem:s2+$0xFFFFFF90]  }
0x108: {  	v0 =	vld [tilespmem:s19+$0x19190];
	v28 =	vcvt.s32.f32 v21  }
0x109: {  	v7 =	vld [tilespmem:s21+$0x40]  }
0x10a: {  	v8 =	vld [tilespmem:s2+$0x40];
	v53 =	vbroadcast v28, $0xC  }
0x10b: {  	v9 =	vld [tilespmem:s21+$0x30];
	v59 =	vadd.f32 v25, v24  }
0x10c: {  	v10 =	vld [tilespmem:s2+$0x30];
	v55 =	vbroadcast v28, $0xB;
	v25 =	vadd.f32 v12, v11;
	v11 =	vsub.f32 v26, v53  }
0x10d: {  	v13 =	vld [tilespmem:s21+$0x10];
	v0 =	vadd.f32 $0.0e+00, v0  }
0x10e: {  	v14 =	vld [tilespmem:s2+$0x10];
	[tilespmem:$0x1F8D0] =	vst v11;
	v11 =	vsub.f32 v26, v55  }
0x10f: {  	v35 =	vadd.f32 v2, v1;
	v3 =	vadd.f32 v4, v3;
	v33 =	vbroadcast v0, $0xE  }
0x110: {  	v5 =	vadd.f32 v6, v5;
	[tilespmem:$0x1F900] =	vst v11;
	v11 =	vadd.f32 $-1.000000000e+00, v53  }
0x111: {  	v17 =	vld [tilespmem:s21+$0xFFFFFFF0];
	v41 =	vadd.f32 v10, v9;
	v34 =	vbroadcast v0, $0xD;
	v3 =	vmul.f32 v3, v33  }
0x112: {  	v27 =	vimm.f32 $0.0e+00;
	v18 =	vld [tilespmem:s2+$0xFFFFFFF0];
	v43 =	vadd.f32 v8, v7;
	[tilespmem:$0x1F910] =	vst v11;
	v11 =	vadd.f32 $-2.000000000e+00, v53  }
0x113: {  	v14 =	vadd.f32 v14, v13;
	v37 =	vbroadcast v0, $0xC;
	v5 =	vmul.f32 v5, v34;
	[tilespmem:$0x1F8C0] =	vst v3  }
0x114: {  	v58 =	vbroadcast v28, $0xA;
	v50 =	vbroadcast v28, $0x0;
	[tilespmem:$0x1F920] =	vst v11;
	v11 =	vadd.f32 $-3.000000000e+00, v53  }
0x115: {  	v2 =	vld [tilespmem:s21+$0xFFFFFFB0];
	v52 =	vbroadcast v28, $0xD;
	v38 =	vbroadcast v0, $0xB;
	[tilespmem:$0x1F8E0] =	vst v5;
	v5 =	vadd.f32 $-3.000000000e+00, v55  }
0x116: {  	v4 =	vld [tilespmem:s2+$0xFFFFFFB0];
	v45 =	vbroadcast v0, $0xA;
	v3 =	vsub.f32 v26, v50;
	[tilespmem:$0x1F950] =	vst v11;
	v11 =	vsub.f32 v26, v58  }
0x117: {  	v48 =	vadd.f32 v18, v17;
	v57 =	vbroadcast v0, $0x9;
	[tilespmem:$0x1F980] =	vst v5;
	v5 =	vmul.f32 v43, v37  }
0x118: {  	v49 =	vbroadcast v28, $0x1;
	v3 =	vand.u32 $0x7FFFFFFF, v3;
	[tilespmem:$0x1F930] =	vst v11;
	v11 =	vadd.f32 $-1.000000000e+00, v55  }
0x119: {  	v1 =	vbroadcast v28, $0x6;
	v7 =	vsub.f32 v26, v52;
	v3 =	vsub.f32 $1.000000000e+00, v3;
	[tilespmem:$0x1F8F0] =	vst v5  }
0x11a: {  	v47 =	vbroadcast v28, $0x2;
	v5 =	vsub.f32 v26, v49;
	[tilespmem:$0x1F960] =	vst v11;
	v11 =	vmul.f32 v41, v38  }
0x11b: {  	v62 =	vadd.f32 v4, v2;
	[tilespmem:$0x1F8B0] =	vst v7;
	v7 =	vbroadcast v28, $0x3;
	v3 =	vmax.f32 v3, $0.0e+00  }
0x11c: {  	v5 =	vand.u32 $0x7FFFFFFF, v5;
	[tilespmem:$0x1F940] =	vst v11;
	v11 =	vmul.f32 v31, v45;
	v31 =	vsub.f32 v26, v47  }
0x11d: {  	v15 =	vld [tilespmem:s21+$0x0];
	v40 =	vbroadcast v28, $0x4;
	v3 =	vadd.f32 v3, v27;
	v5 =	vsub.f32 $1.000000000e+00, v5  }
0x11e: {  	v16 =	vld [tilespmem:s2+$0x0];
	[tilespmem:$0x1F9A0] =	vst v11;
	v11 =	vmul.f32 v14, v57;
	v14 =	vsub.f32 v26, v7;
	v31 =	vand.u32 $0x7FFFFFFF, v31  }
0x11f: {  	v19 =	vld [tilespmem:s21+$0xFFFFFFE0];
	v2 =	vbroadcast v28, $0x5;
	v5 =	vmax.f32 v5, $0.0e+00;
	v31 =	vsub.f32 $1.000000000e+00, v31  }
0x120: {  	v20 =	vld [tilespmem:s2+$0xFFFFFFE0];
	v3 =	vadd.f32 v3, v5;
	v5 =	vsub.f32 v26, v40;
	v14 =	vand.u32 $0x7FFFFFFF, v14  }
0x121: {  	v22 =	vld [tilespmem:s21+$0xFFFFFFD0];
	v4 =	vbroadcast v0, $0x7;
	v14 =	vsub.f32 $1.000000000e+00, v14;
	v31 =	vmax.f32 v31, $0.0e+00  }
0x122: {  	v23 =	vld [tilespmem:s2+$0xFFFFFFD0];
	v46 =	vsub.f32 v26, v2;
	v5 =	vand.u32 $0x7FFFFFFF, v5;
	v3 =	vadd.f32 v3, v31  }
0x123: {  	v4 =	vmul.f32 v48, v4;
	v5 =	vsub.f32 $1.000000000e+00, v5;
	v14 =	vmax.f32 v14, $0.0e+00  }
0x124: {  	v9 =	vld [tilespmem:s21+$0xFFFFFFA0];
	v44 =	vadd.f32 v16, v15;
	v31 =	vand.u32 $0x7FFFFFFF, v46;
	v3 =	vadd.f32 v3, v14  }
0x125: {  	v10 =	vld [tilespmem:s2+$0xFFFFFFA0];
	[tilespmem:$0x1FA30] =	vst v4;
	v5 =	vmax.f32 v5, $0.0e+00;
	v4 =	vsub.f32 $1.000000000e+00, v31;
	v14 =	vsub.f32 v26, v1  }
0x126: {  	v3 =	vadd.f32 v3, v5;
	v5 =	vadd.f32 $-3.000000000e+00, v58  }
0x127: {  	v54 =	vadd.f32 v20, v19;
	v56 =	vadd.f32 v23, v22;
	v14 =	vand.u32 $0x7FFFFFFF, v14  }
0x128: {  	v8 =	vbroadcast v0, $0xF;
	v4 =	vmax.f32 v4, $0.0e+00;
	[tilespmem:$0x1F9E0] =	vst v5;
	v5 =	vsub.f32 $1.000000000e+00, v14  }
0x129: {  	v30 =	vbroadcast v28, $0xF;
	v61 =	vbroadcast v28, $0x9;
	v3 =	vadd.f32 v3, v4  }
0x12a: {  	v13 =	vld [tilespmem:s21+$0xFFFFFF80];
	v36 =	vbroadcast v28, $0xE;
	v39 =	vadd.f32 v10, v9;
	v5 =	vmax.f32 v5, $0.0e+00  }
0x12b: {  	v15 =	vld [tilespmem:s2+$0xFFFFFF80];
	v10 =	vbroadcast v0, $0x5;
	v5 =	vadd.f32 v3, v5;
	v3 =	vadd.f32 $-2.000000000e+00, v61  }
0x12c: {  	v42 =	vmul.f32 v35, v8;
	v8 =	vadd.f32 $-2.000000000e+00, v55;
	v9 =	vbroadcast v0, $0x6  }
0x12d: {  	v63 =	vbroadcast v28, $0x8;
	v18 =	vadd.f32 $-1.000000000e+00, v36;
	[tilespmem:$0x1FA00] =	vst v3;
	v3 =	vmul.f32 v56, v10  }
0x12e: {  	v20 =	vadd.f32 $-2.000000000e+00, v36;
	v21 =	vadd.f32 $-3.000000000e+00, v36;
	[tilespmem:$0x1F970] =	vst v8;
	v9 =	vmul.f32 v54, v9  }
0x12f: {  	v6 =	vbroadcast v28, $0x7;
	v32 =	vadd.f32 $-2.000000000e+00, v40;
	[tilespmem:$0x1FA50] =	vst v3;
	v3 =	vadd.f32 $-3.000000000e+00, v61  }
0x130: {  	v34 =	vadd.f32 $-3.000000000e+00, v40;
	v19 =	vadd.f32 v15, v13;
	v28 =	vand.u32 $0x7FFFFFFF, v30;
	[tilespmem:$0x1FA40] =	vst v9  }
0x131: {  	v15 =	vsub.f32 v26, v36;
	v8 =	vand.u32 $0x7FFFFFFF, v36;
	[tilespmem:$0x1FA20] =	vst v3;
	v3 =	vsub.f32 $1.000000000e+00, v28  }
0x132: {  	v36 =	vadd.f32 $-2.000000000e+00, v1;
	v35 =	vadd.f32 $-1.000000000e+00, v2;
	[tilespmem:$0x1F9C0] =	vst v11;
	v14 =	vand.u32 $0x7FFFFFFF, v52  }
0x133: {  	v43 =	vadd.f32 $-3.000000000e+00, v6;
	v11 =	vimm.f32 $0.0e+00;
	[tilespmem:$0x1FA90] =	vst v3;
	v3 =	vsub.f32 $1.000000000e+00, v14  }
0x134: {  	v60 =	vbroadcast v0, $0x8;
	v9 =	vadd.f32 $-1.000000000e+00, v61;
	[tilespmem:$0x1F8A0] =	vst v11;
	v11 =	vsub.f32 v26, v61  }
0x135: {  	v4 =	vsub.f32 v26, v6;
	[tilespmem:$0x1FAB0] =	vst v3;
	v3 =	vsub.f32 $1.000000000e+00, v8  }
0x136: {  	v38 =	vadd.f32 $-1.000000000e+00, v6;
	[tilespmem:$0x1F990] =	vst v11;
	v11 =	vmul.f32 v44, v60;
	v56 =	vand.u32 $0x7FFFFFFF, v55  }
0x137: {  	v41 =	vadd.f32 $-3.000000000e+00, v1;
	v4 =	vand.u32 $0x7FFFFFFF, v4;
	[tilespmem:$0x1FAA0] =	vst v3;
	v3 =	vsub.f32 $1.000000000e+00, v56  }
0x138: {  	v48 =	vand.u32 $0x7FFFFFFF, v53;
	[tilespmem:$0x1FA10] =	vst v11;
	v11 =	vadd.f32 $-1.000000000e+00, v58;
	v10 =	vsub.f32 $1.000000000e+00, v4  }
0x139: {  	v45 =	vadd.f32 $-1.000000000e+00, v1;
	[tilespmem:$0x1FAD0] =	vst v3;
	v3 =	vsub.f32 $1.000000000e+00, v48  }
0x13a: {  	[tilespmem:$0x1F9B0] =	vst v11;
	v11 =	vadd.f32 $-2.000000000e+00, v58;
	v8 =	vmax.f32 v10, $0.0e+00;
	v10 =	vand.u32 $0x7FFFFFFF, v61  }
0x13b: {  	v58 =	vand.u32 $0x7FFFFFFF, v58;
	v14 =	vbroadcast v0, $0x4;
	[tilespmem:$0x1FAC0] =	vst v3;
	v3 =	vsub.f32 $1.000000000e+00, v10  }
0x13c: {  	v44 =	vadd.f32 $-2.000000000e+00, v2;
	v4 =	vsub.f32 $1.000000000e+00, v58  }
0x13d: {  	v48 =	vadd.f32 $-3.000000000e+00, v2;
	v2 =	vand.u32 $0x7FFFFFFF, v2;
	[tilespmem:$0x1FB00] =	vst v3;
	v3 =	vmul.f32 v59, v14  }
0x13e: {  	v60 =	vadd.f32 $-2.000000000e+00, v6;
	[tilespmem:$0x1FAE0] =	vst v4;
	v2 =	vsub.f32 $1.000000000e+00, v2  }
0x13f: {  	v6 =	vand.u32 $0x7FFFFFFF, v6;
	[tilespmem:$0x1FA60] =	vst v3;
	v3 =	vand.u32 $0x7FFFFFFF, v1;
	v1 =	vadd.f32 $-3.000000000e+00, v7  }
0x140: {  	v27 =	vand.u32 $0x7FFFFFFF, v40;
	v57 =	vand.u32 $0x7FFFFFFF, v63;
	v4 =	vsub.f32 $1.000000000e+00, v6;
	[tilespmem:$0x1FBA0] =	vst v2  }
0x141: {  	v58 =	vadd.f32 $-2.000000000e+00, v50;
	v2 =	vbroadcast v0, $0x2;
	[tilespmem:$0x1FA80] =	vst v1;
	v1 =	vand.u32 $0x7FFFFFFF, v7  }
0x142: {  	[tilespmem:$0x1FB50] =	vst v4;
	v4 =	vsub.f32 $1.000000000e+00, v57;
	v10 =	vbroadcast v0, $0x3;
	v1 =	vsub.f32 $1.000000000e+00, v1  }
0x143: {  	v54 =	vld [tilespmem:$0x19690];
	v29 =	vmul.f32 v39, v2;
	v39 =	vadd.f32 $-1.000000000e+00, v40;
	v40 =	vand.u32 $0x7FFFFFFF, v47  }
0x144: {  	v57 =	vadd.f32 $-1.000000000e+00, v50;
	[tilespmem:$0x1FBC0] =	vst v1;
	v1 =	vsub.f32 $1.000000000e+00, v40  }
0x145: {  	v61 =	vmul.f32 v62, v10;
	v62 =	vadd.f32 $-3.000000000e+00, v50;
	v50 =	vand.u32 $0x7FFFFFFF, v50  }
0x146: {  	[tilespmem:$0x1FBD0] =	vst v1;
	v1 =	vsub.f32 $1.000000000e+00, v50  }
0x147: {  	v16 =	vadd.f32 $-1.000000000e+00, v30;
	[tilespmem:$0x1FB20] =	vst v4;
	v4 =	vld [tilespmem:$0x1F8B0];
	v3 =	vsub.f32 $1.000000000e+00, v3  }
0x148: {  	v17 =	vadd.f32 $-2.000000000e+00, v30;
	[tilespmem:$0x1FBF0] =	vst v1;
	v1 =	vadd.f32 v42, v54  }
0x149: {  	v22 =	vadd.f32 $-1.000000000e+00, v52;
	v23 =	vadd.f32 $-2.000000000e+00, v52;
	v10 =	vld [tilespmem:$0x1F8E0];
	[tilespmem:$0x1FB70] =	vst v3  }
0x14a: {  	v12 =	vsub.f32 v26, v30;
	v3 =	vbroadcast v0, $0x1;
	[tilespmem:$0x1FC00] =	vst v1;
	v1 =	vand.u32 $0x7FFFFFFF, v16  }
0x14b: {  	v13 =	vadd.f32 $-3.000000000e+00, v30;
	v1 =	vsub.f32 $1.000000000e+00, v1  }
0x14c: {  	v6 =	vand.u32 $0x7FFFFFFF, v4;
	v30 =	vmul.f32 v25, v3;
	v3 =	vand.u32 $0x7FFFFFFF, v17  }
0x14d: {  	[tilespmem:$0x1FD50] =	vst v1;
	v1 =	vsub.f32 $1.000000000e+00, v3;
	v3 =	vsub.f32 $1.000000000e+00, v6  }
0x14e: {  	v5 =	vadd.f32 v5, v8;
	v8 =	vand.u32 $0x7FFFFFFF, v20;
	v4 =	vld [tilespmem:$0x1F8C0];
	v10 =	vadd.f32 v10, v54  }
0x14f: {  	v24 =	vadd.f32 $-3.000000000e+00, v52;
	v33 =	vand.u32 $0x7FFFFFFF, v49;
	[tilespmem:$0x1FDA0] =	vst v3;
	v3 =	vsub.f32 $1.000000000e+00, v8  }
0x150: {  	v14 =	vand.u32 $0x7FFFFFFF, v21;
	v25 =	vbroadcast v0, $0x0;
	v0 =	vsub.f32 $1.000000000e+00, v33;
	[tilespmem:$0x1FC20] =	vst v10;
	v10 =	vld [tilespmem:$0x1F8F0]  }
0x151: {  	v51 =	vadd.f32 $-1.000000000e+00, v63;
	v21 =	vld [tilespmem:$0x1F980];
	[tilespmem:$0x1FDE0] =	vst v3;
	v3 =	vsub.f32 $1.000000000e+00, v14  }
0x152: {  	v37 =	vadd.f32 $-3.000000000e+00, v63;
	v53 =	vadd.f32 $-1.000000000e+00, v7;
	v40 =	vld [tilespmem:$0x1FA30];
	[tilespmem:$0x1FBE0] =	vst v0;
	v0 =	vmul.f32 v19, v25  }
0x153: {  	v31 =	vsub.f32 v26, v63;
	v4 =	vadd.f32 v4, v54;
	[tilespmem:$0x1FDF0] =	vst v3;
	v3 =	vld [tilespmem:$0x1FA80]  }
0x154: {  	v2 =	vadd.f32 $-2.000000000e+00, v47;
	v42 =	vand.u32 $0x7FFFFFFF, v15;
	v15 =	vld [tilespmem:$0x1F910];
	v0 =	vadd.f32 v0, v54  }
0x155: {  	[tilespmem:$0x1FC30] =	vst v4;
	v4 =	vand.u32 $0x7FFFFFFF, v13;
	v13 =	vand.u32 $0x7FFFFFFF, v24;
	v10 =	vadd.f32 v10, v54  }
0x156: {  	v24 =	vand.u32 $0x7FFFFFFF, v21;
	v50 =	vand.u32 $0x7FFFFFFF, v12;
	v16 =	vld [tilespmem:$0x1F920];
	[tilespmem:$0x1FCD0] =	vst v0;
	v0 =	vadd.f32 v30, v54  }
0x157: {  	v12 =	vand.u32 $0x7FFFFFFF, v22;
	v33 =	vadd.f32 v40, v54;
	v40 =	vld [tilespmem:$0x1FA40];
	v30 =	vand.u32 $0x7FFFFFFF, v32;
	[tilespmem:$0x1FC10] =	vst v10  }
0x158: {  	v17 =	vld [tilespmem:$0x1F930];
	[tilespmem:$0x1FCE0] =	vst v0;
	v0 =	vand.u32 $0x7FFFFFFF, v39;
	v8 =	vand.u32 $0x7FFFFFFF, v3;
	v3 =	vsub.f32 $1.000000000e+00, v12  }
0x159: {  	v20 =	vld [tilespmem:$0x1F970];
	v10 =	vand.u32 $0x7FFFFFFF, v23;
	[tilespmem:$0x1FC80] =	vst v33;
	v15 =	vand.u32 $0x7FFFFFFF, v15;
	v0 =	vsub.f32 $1.000000000e+00, v0  }
0x15a: {  	v21 =	vld [tilespmem:$0x1F990];
	[tilespmem:$0x1FE00] =	vst v3;
	v3 =	vsub.f32 $1.000000000e+00, v10;
	v10 =	vand.u32 $0x7FFFFFFF, v2;
	v2 =	vsub.f32 $1.000000000e+00, v15  }
0x15b: {  	v59 =	vadd.f32 $-2.000000000e+00, v63;
	v22 =	vld [tilespmem:$0x1F9A0];
	v16 =	vand.u32 $0x7FFFFFFF, v16;
	[tilespmem:$0x1FB30] =	vst v0;
	v0 =	vsub.f32 $1.000000000e+00, v30  }
0x15c: {  	v33 =	vadd.f32 v40, v54;
	v40 =	vand.u32 $0x7FFFFFFF, v60;
	v60 =	vld [tilespmem:$0x1FA50];
	[tilespmem:$0x1FE60] =	vst v2;
	v2 =	vsub.f32 $1.000000000e+00, v16  }
0x15d: {  	v63 =	vadd.f32 $-2.000000000e+00, v7;
	v7 =	vand.u32 $0x7FFFFFFF, v18;
	v18 =	vand.u32 $0x7FFFFFFF, v17;
	[tilespmem:$0x1FB40] =	vst v0;
	v0 =	vld [tilespmem:$0x1FB50]  }
0x15e: {  	[tilespmem:$0x1FE70] =	vst v2;
	v2 =	vsub.f32 $1.000000000e+00, v18  }
0x15f: {  	v20 =	vand.u32 $0x7FFFFFFF, v20;
	[tilespmem:$0x1FD70] =	vst v1  }
0x160: {  	v21 =	vand.u32 $0x7FFFFFFF, v21;
	[tilespmem:$0x1FEA0] =	vst v2;
	v2 =	vsub.f32 $1.000000000e+00, v20  }
0x161: {  	v22 =	vadd.f32 v22, v54;
	v1 =	vand.u32 $0x7FFFFFFF, v34;
	[tilespmem:$0x1FC70] =	vst v33;
	v33 =	vadd.f32 v60, v54;
	v60 =	vld [tilespmem:$0x1FA60]  }
0x162: {  	v25 =	vld [tilespmem:$0x1F9E0];
	[tilespmem:$0x1FEB0] =	vst v2;
	v2 =	vsub.f32 $1.000000000e+00, v21;
	v21 =	vmax.f32 v0, $0.0e+00;
	v0 =	vsub.f32 $1.000000000e+00, v1  }
0x163: {  	v29 =	vadd.f32 v29, v54;
	[tilespmem:$0x1FC50] =	vst v22;
	v22 =	vld [tilespmem:$0x1F9B0]  }
0x164: {  	[tilespmem:$0x1FB60] =	vst v0;
	v0 =	vld [tilespmem:$0x1FB70]  }
0x165: {  	[tilespmem:$0x1FCF0] =	vst v29;
	v29 =	vadd.f32 v61, v54  }
0x166: {  	[tilespmem:$0x1FCC0] =	vst v33;
	v33 =	vadd.f32 v60, v54  }
0x167: {  	[tilespmem:$0x1FCA0] =	vst v29;
	v29 =	vsub.f32 $1.000000000e+00, v42;
	v25 =	vand.u32 $0x7FFFFFFF, v25  }
0x168: {  	v23 =	vand.u32 $0x7FFFFFFF, v22;
	[tilespmem:$0x1FCB0] =	vst v33;
	v33 =	vsub.f32 $1.000000000e+00, v4;
	v4 =	vand.u32 $0x7FFFFFFF, v53  }
0x169: {  	v22 =	vld [tilespmem:$0x1F9C0];
	v53 =	vsub.f32 $1.000000000e+00, v25;
	v25 =	vmax.f32 v0, $0.0e+00;
	v0 =	vsub.f32 $1.000000000e+00, v4  }
0x16a: {  	[tilespmem:$0x1FD00] =	vst v29;
	v29 =	vsub.f32 $1.000000000e+00, v50;
	v50 =	vsub.f32 $1.000000000e+00, v7;
	v7 =	vand.u32 $0x7FFFFFFF, v63  }
0x16b: {  	[tilespmem:$0x1FB80] =	vst v0;
	v0 =	vsub.f32 $1.000000000e+00, v7;
	_ =	sdelay $0x1  }
0x16c: {  	[tilespmem:$0x1FB90] =	vst v0;
	v0 =	vld [tilespmem:$0x1FBA0]  }
0x16d: {  	v22 =	vadd.f32 v22, v54  }
0x16e: {  	[tilespmem:$0x1F9D0] =	vst v11  }
0x16f: {  	[tilespmem:$0x1FC40] =	vst v22;
	v22 =	vld [tilespmem:$0x1F9D0];
	_ =	sdelay $0x1  }
0x170: {  	[tilespmem:$0x1FE10] =	vst v3;
	v3 =	vsub.f32 $1.000000000e+00, v13;
	v32 =	vmax.f32 v0, $0.0e+00;
	v0 =	vsub.f32 $1.000000000e+00, v8;
	v8 =	vld [tilespmem:$0x1FC40]  }
0x171: {  	v11 =	vld [tilespmem:$0x1F900]  }
0x172: {  	v17 =	vld [tilespmem:$0x1F940];
	[tilespmem:$0x1FE40] =	vst v3;
	v3 =	vsub.f32 $1.000000000e+00, v23  }
0x173: {  	v19 =	vld [tilespmem:$0x1F960];
	v22 =	vand.u32 $0x7FFFFFFF, v22  }
0x174: {  	[tilespmem:$0x1FEF0] =	vst v3;
	v3 =	vsub.f32 $1.000000000e+00, v22;
	v22 =	vand.u32 $0x7FFFFFFF, v62  }
0x175: {  	v60 =	vsub.f32 $1.000000000e+00, v22;
	v22 =	vmax.f32 v8, $0.0e+00;
	v8 =	vld [tilespmem:$0x1FC50];
	_ =	sdelay $0x1  }
0x176: {  	v55 =	vadd.f32 $-3.000000000e+00, v47;
	v11 =	vand.u32 $0x7FFFFFFF, v11;
	v17 =	vadd.f32 v17, v54  }
0x177: {  	v19 =	vand.u32 $0x7FFFFFFF, v19;
	v6 =	vsub.f32 $1.000000000e+00, v11  }
0x178: {  	v11 =	vand.u32 $0x7FFFFFFF, v55;
	[tilespmem:$0x1FC60] =	vst v17;
	v18 =	vsub.f32 $1.000000000e+00, v19;
	v19 =	vand.u32 $0x7FFFFFFF, v58  }
0x179: {  	v62 =	vsub.f32 $1.000000000e+00, v11;
	v11 =	vsub.f32 $1.000000000e+00, v19;
	v19 =	vmax.f32 v8, $0.0e+00;
	v8 =	vld [tilespmem:$0x1FC60]  }
0x17a: {  	v28 =	vld [tilespmem:$0x1FA10]  }
0x17b: {  	v52 =	vadd.f32 $-1.000000000e+00, v47;
	v47 =	vadd.f32 $-3.000000000e+00, v49;
	_ =	sdelay $0x1  }
0x17c: {  	v16 =	vand.u32 $0x7FFFFFFF, v47  }
0x17d: {  	v4 =	vsub.f32 $1.000000000e+00, v16;
	v16 =	vmax.f32 v8, $0.0e+00;
	v8 =	vld [tilespmem:$0x1FC70]  }
0x17e: {  	v28 =	vadd.f32 v28, v54;
	_ =	sdelay $0x1  }
0x17f: {  	v46 =	vadd.f32 $-1.000000000e+00, v49;
	[tilespmem:$0x1FC90] =	vst v28;
	v28 =	vld [tilespmem:$0x1FA20]  }
0x180: {  	v56 =	vadd.f32 $-2.000000000e+00, v49;
	v49 =	vsub.f32 $1.000000000e+00, v27;
	v27 =	vld [tilespmem:$0x1FA00]  }
0x181: {  	v30 =	vmax.f32 v8, $0.0e+00;
	v8 =	vld [tilespmem:$0x1FC80];
	_ =	sdelay $0x1  }
0x182: {  	v31 =	vand.u32 $0x7FFFFFFF, v31  }
0x183: {  	[tilespmem:$0x1FF00] =	vst v3;
	v3 =	vsub.f32 $1.000000000e+00, v31  }
0x184: {  	v28 =	vand.u32 $0x7FFFFFFF, v28;
	v27 =	vand.u32 $0x7FFFFFFF, v27  }
0x185: {  	v34 =	vsub.f32 $1.000000000e+00, v28;
	[tilespmem:$0x1FF30] =	vst v3;
	v3 =	vsub.f32 $1.000000000e+00, v27;
	v28 =	vmax.f32 v8, $0.0e+00;
	v8 =	vld [tilespmem:$0x1FC90]  }
0x186: {  	v51 =	vand.u32 $0x7FFFFFFF, v51;
	[tilespmem:$0x1F9F0] =	vst v9  }
0x187: {  	[tilespmem:$0x1FF40] =	vst v3;
	v3 =	vsub.f32 $1.000000000e+00, v51  }
0x188: {  	v26 =	vld [tilespmem:$0x1F9F0]  }
0x189: {  	[tilespmem:$0x1FF80] =	vst v3;
	v3 =	vld [tilespmem:$0x1FA90]  }
0x18a: {  	[tilespmem:$0x1FED0] =	vst v2;
	v2 =	vsub.f32 $1.000000000e+00, v24;
	v24 =	vmax.f32 v8, $0.0e+00;
	v8 =	vld [tilespmem:$0x1FCA0]  }
0x18b: {  	v35 =	vand.u32 $0x7FFFFFFF, v35  }
0x18c: {  	v14 =	vsub.f32 $1.000000000e+00, v35  }
0x18d: {  	v44 =	vand.u32 $0x7FFFFFFF, v44;
	v26 =	vand.u32 $0x7FFFFFFF, v26  }
0x18e: {  	v37 =	vand.u32 $0x7FFFFFFF, v37;
	[tilespmem:$0x1FFB0] =	vst v14;
	v14 =	vsub.f32 $1.000000000e+00, v44;
	v31 =	vsub.f32 $1.000000000e+00, v26  }
0x18f: {  	v26 =	vmax.f32 v3, $0.0e+00;
	v3 =	vsub.f32 $1.000000000e+00, v37;
	v47 =	vmax.f32 v8, $0.0e+00;
	v8 =	vld [tilespmem:$0x1FCB0]  }
0x190: {  	[tilespmem:$0x1FAF0] =	vst v14;
	v14 =	vld [tilespmem:$0x1FB00]  }
0x191: {  	[tilespmem:$0x1FF90] =	vst v3;
	v3 =	vld [tilespmem:$0x1FAA0];
	_ =	sdelay $0x2  }
0x192: {  	v39 =	vmax.f32 v8, $0.0e+00;
	v8 =	vld [tilespmem:$0x1FCC0]  }
0x193: {  	v48 =	vand.u32 $0x7FFFFFFF, v48;
	v12 =	vand.u32 $0x7FFFFFFF, v46;
	v7 =	vld [tilespmem:$0x1FC00]  }
0x194: {  	v44 =	vmax.f32 v14, $0.0e+00;
	v14 =	vsub.f32 $1.000000000e+00, v48;
	v46 =	vmax.f32 v3, $0.0e+00;
	v3 =	vld [tilespmem:$0x1FAB0];
	_ =	sdelay $0x1  }
0x195: {  	[tilespmem:$0x1FB10] =	vst v14;
	v14 =	vld [tilespmem:$0x1FB20]  }
0x196: {  	v35 =	vmax.f32 v8, $0.0e+00;
	v8 =	vld [tilespmem:$0x1FCD0]  }
0x197: {  	v43 =	vand.u32 $0x7FFFFFFF, v43;
	v38 =	vand.u32 $0x7FFFFFFF, v38;
	v58 =	vmax.f32 v7, $0.0e+00;
	v7 =	vld [tilespmem:$0x1FC10]  }
0x198: {  	v37 =	vsub.f32 $1.000000000e+00, v38;
	v38 =	vmax.f32 v3, $0.0e+00;
	v3 =	vsub.f32 $1.000000000e+00, v43  }
0x199: {  	v9 =	vld [tilespmem:$0x1F8D0]  }
0x19a: {  	[tilespmem:$0x1FFA0] =	vst v3;
	v3 =	vld [tilespmem:$0x1FAC0]  }
0x19b: {  	v13 =	vand.u32 $0x7FFFFFFF, v56;
	v23 =	vmax.f32 v8, $0.0e+00;
	v8 =	vld [tilespmem:$0x1FCE0]  }
0x19c: {  	v20 =	vmax.f32 v14, $0.0e+00;
	v14 =	vsub.f32 $1.000000000e+00, v13;
	v13 =	vmax.f32 v7, $0.0e+00;
	v7 =	vld [tilespmem:$0x1FC20];
	_ =	sdelay $0x1  }
0x19d: {  	v45 =	vand.u32 $0x7FFFFFFF, v45  }
0x19e: {  	v9 =	vand.u32 $0x7FFFFFFF, v9;
	v27 =	vsub.f32 $1.000000000e+00, v45;
	v43 =	vmax.f32 v3, $0.0e+00;
	v3 =	vld [tilespmem:$0x1FAD0]  }
0x19f: {  	v45 =	vmax.f32 v49, $0.0e+00;
	v49 =	vsub.f32 $1.000000000e+00, v10;
	v10 =	vmax.f32 v8, $0.0e+00;
	v8 =	vld [tilespmem:$0x1FCF0]  }
0x1a0: {  	[tilespmem:$0x1FA70] =	vst v54;
	v63 =	vsub.f32 $1.000000000e+00, v9;
	v54 =	vmax.f32 v7, $0.0e+00;
	v7 =	vld [tilespmem:$0x1FC30]  }
0x1a1: {  	v36 =	vand.u32 $0x7FFFFFFF, v36  }
0x1a2: {  	[tilespmem:$0x1FD20] =	vst v29;
	v29 =	vsub.f32 $1.000000000e+00, v36;
	v36 =	vmax.f32 v63, $0.0e+00;
	v63 =	vmax.f32 v2, $0.0e+00;
	v2 =	vld [tilespmem:$0x1FED0]  }
0x1a3: {  	v51 =	vmax.f32 v3, $0.0e+00;
	v3 =	vld [tilespmem:$0x1FAE0]  }
0x1a4: {  	v56 =	vmax.f32 v8, $0.0e+00;
	v8 =	vld [tilespmem:$0x1FD00]  }
0x1a5: {  	v7 =	vmax.f32 v7, $0.0e+00  }
0x1a6: {  	[tilespmem:$0x1FDB0] =	vst v7;
	v48 =	vmul.f32 v7, v46;
	v7 =	vmax.f32 v50, $0.0e+00  }
0x1a7: {  	[tilespmem:$0x1FDC0] =	vst v7;
	v7 =	vmul.f32 v54, v38  }
0x1a8: {  	v38 =	vmax.f32 v6, $0.0e+00;
	v6 =	vmul.f32 v13, v43;
	v3 =	vmax.f32 v3, $0.0e+00  }
0x1a9: {  	v43 =	vmax.f32 v2, $0.0e+00;
	v2 =	vmul.f32 v19, v3;
	v8 =	vmax.f32 v8, $0.0e+00  }
0x1aa: {  	[tilespmem:$0x1FD10] =	vst v8;
	v8 =	vld [tilespmem:$0x1FD20]  }
0x1ab: {  	[tilespmem:$0x1FEE0] =	vst v2;
	v2 =	vld [tilespmem:$0x1FEF0];
	_ =	sdelay $0x1  }
0x1ac: {  	[tilespmem:$0x1FDD0] =	vst v7;
	v7 =	vld [tilespmem:$0x1FDE0];
	_ =	sdelay $0x1  }
0x1ad: {  	v8 =	vmax.f32 v8, $0.0e+00  }
0x1ae: {  	[tilespmem:$0x1FD30] =	vst v8;
	v8 =	vmul.f32 v58, v26;
	v26 =	vmax.f32 v2, $0.0e+00;
	v2 =	vld [tilespmem:$0x1FF00];
	_ =	sdelay $0x1  }
0x1af: {  	v9 =	vand.u32 $0x7FFFFFFF, v52;
	v52 =	vmax.f32 v7, $0.0e+00;
	v7 =	vld [tilespmem:$0x1FDF0];
	_ =	sdelay $0x2  }
0x1b0: {  	v2 =	vmax.f32 v2, $0.0e+00  }
0x1b1: {  	[tilespmem:$0x1FF10] =	vst v2;
	v2 =	vmul.f32 v22, v44  }
0x1b2: {  	v50 =	vmax.f32 v7, $0.0e+00;
	v7 =	vld [tilespmem:$0x1FE00]  }
0x1b3: {  	[tilespmem:$0x1FF20] =	vst v2;
	v2 =	vld [tilespmem:$0x1FF30];
	_ =	sdelay $0x3  }
0x1b4: {  	v46 =	vmax.f32 v7, $0.0e+00;
	v7 =	vld [tilespmem:$0x1FE10]  }
0x1b5: {  	v44 =	vmax.f32 v2, $0.0e+00;
	v2 =	vld [tilespmem:$0x1FF40]  }
0x1b6: {  	[tilespmem:$0x1FBB0] =	vst v0;
	v0 =	vld [tilespmem:$0x1FBC0];
	_ =	sdelay $0x2  }
0x1b7: {  	v7 =	vmax.f32 v7, $0.0e+00  }
0x1b8: {  	v17 =	vld [tilespmem:$0x1F950];
	[tilespmem:$0x1FE20] =	vst v7;
	v2 =	vmax.f32 v2, $0.0e+00  }
0x1b9: {  	v61 =	vmax.f32 v0, $0.0e+00;
	v0 =	vld [tilespmem:$0x1FBD0];
	[tilespmem:$0x1FF50] =	vst v2;
	v2 =	vmax.f32 v34, $0.0e+00  }
0x1ba: {  	v7 =	vld [tilespmem:$0x1FE70];
	[tilespmem:$0x1FF60] =	vst v2;
	v2 =	vmul.f32 v24, v20;
	_ =	sdelay $0x1  }
0x1bb: {  	[tilespmem:$0x1FF70] =	vst v2;
	v2 =	vld [tilespmem:$0x1FF80]  }
0x1bc: {  	v17 =	vand.u32 $0x7FFFFFFF, v17;
	[tilespmem:$0x1FD40] =	vst v8;
	v8 =	vld [tilespmem:$0x1FD50]  }
0x1bd: {  	v42 =	vsub.f32 $1.000000000e+00, v17  }
0x1be: {  	v1 =	vmax.f32 v0, $0.0e+00;
	v0 =	vld [tilespmem:$0x1FBE0];
	v55 =	vmax.f32 v7, $0.0e+00;
	v7 =	vmul.f32 v16, v51  }
0x1bf: {  	[tilespmem:$0x1FE30] =	vst v6;
	v6 =	vld [tilespmem:$0x1FE40]  }
0x1c0: {  	[tilespmem:$0x1FE80] =	vst v7;
	v7 =	vmax.f32 v42, $0.0e+00;
	v34 =	vmax.f32 v2, $0.0e+00;
	v2 =	vld [tilespmem:$0x1FF90]  }
0x1c1: {  	[tilespmem:$0x1FE90] =	vst v7;
	v7 =	vld [tilespmem:$0x1FEA0];
	v8 =	vmax.f32 v8, $0.0e+00  }
0x1c2: {  	[tilespmem:$0x1FD60] =	vst v8;
	v8 =	vld [tilespmem:$0x1FD70]  }
0x1c3: {  	v59 =	vand.u32 $0x7FFFFFFF, v59  }
0x1c4: {  	v41 =	vand.u32 $0x7FFFFFFF, v41;
	v59 =	vsub.f32 $1.000000000e+00, v59  }
0x1c5: {  	v41 =	vsub.f32 $1.000000000e+00, v41;
	v51 =	vmax.f32 v53, $0.0e+00;
	v53 =	vmax.f32 v2, $0.0e+00;
	v2 =	vld [tilespmem:$0x1FFA0]  }
0x1c6: {  	v59 =	vmax.f32 v59, $0.0e+00;
	v6 =	vmax.f32 v6, $0.0e+00;
	v42 =	vmax.f32 v7, $0.0e+00;
	v7 =	vld [tilespmem:$0x1FEB0]  }
0x1c7: {  	v40 =	vsub.f32 $1.000000000e+00, v40;
	v17 =	vmax.f32 v0, $0.0e+00;
	v0 =	vld [tilespmem:$0x1FBF0];
	[tilespmem:$0x1FE50] =	vst v6;
	v8 =	vmax.f32 v8, $0.0e+00  }
0x1c8: {  	v12 =	vsub.f32 $1.000000000e+00, v12;
	v15 =	vand.u32 $0x7FFFFFFF, v57;
	v6 =	vld [tilespmem:$0x1FE60];
	[tilespmem:$0x1FD80] =	vst v8;
	v8 =	vmax.f32 v33, $0.0e+00  }
0x1c9: {  	v29 =	vmax.f32 v29, $0.0e+00;
	v57 =	vsub.f32 $1.000000000e+00, v9;
	v15 =	vsub.f32 $1.000000000e+00, v15;
	[tilespmem:$0x1FD90] =	vst v8;
	v8 =	vld [tilespmem:$0x1FDA0]  }
0x1ca: {  	v18 =	vmax.f32 v18, $0.0e+00;
	v31 =	vmax.f32 v31, $0.0e+00;
	v20 =	vmax.f32 v2, $0.0e+00;
	v2 =	vld [tilespmem:$0x1FFB0]  }
0x1cb: {  	v37 =	vmax.f32 v37, $0.0e+00;
	v25 =	vmul.f32 v30, v25;
	v7 =	vmax.f32 v7, $0.0e+00  }
0x1cc: {  	v0 =	vmax.f32 v0, $0.0e+00;
	v3 =	vmul.f32 v28, v21;
	[tilespmem:$0x1FEC0] =	vst v7;
	v7 =	vimm.f32 $0.0e+00  }
0x1cd: {  	v21 =	vmax.f32 v40, $0.0e+00;
	v40 =	vmax.f32 v27, $0.0e+00;
	[tilespmem:$0x1FFC0] =	vst v7;
	v7 =	vimm.f32 $0.0e+00  }
0x1ce: {  	v27 =	vmax.f32 v41, $0.0e+00;
	v6 =	vmax.f32 v6, $0.0e+00;
	[tilespmem:$0x1FFD0] =	vst v7;
	v7 =	vimm.f32 $0.0e+00  }
0x1cf: {  	s18 =	simm.s32 $0x40;
	v32 =	vmul.f32 v35, v32;
	[tilespmem:$0x1FFE0] =	vst v7;
	v33 =	vmax.f32 v8, $0.0e+00;
	v41 =	vmax.f32 v2, $0.0e+00  }
.LBB2_2:
0x1d0: {  	v2 =	vld [tilespmem:$0x1FAF0];
	_ =	sdelay $0x4  }
0x1d1: {  	[tilespmem:$0x1F200] =	vst v55;
	v55 =	vmul.f32 v39, v45;
	v45 =	vmax.f32 v2, $0.0e+00;
	v2 =	vld [tilespmem:$0x1FB10];
	_ =	sdelay $0x4  }
0x1d2: {  	[tilespmem:$0x1F1F0] =	vst v63;
	v63 =	vmax.f32 v2, $0.0e+00;
	v2 =	vld [tilespmem:$0x1FB30];
	_ =	sdelay $0x4  }
0x1d3: {  	v7 =	vmax.f32 v2, $0.0e+00;
	v2 =	vld [tilespmem:$0x1FB40];
	_ =	sdelay $0x4  }
0x1d4: {  	[tilespmem:$0x1F230] =	vst v48;
	v48 =	vmax.f32 v2, $0.0e+00;
	v2 =	vld [tilespmem:$0x1FB80];
	_ =	sdelay $0x4  }
0x1d5: {  	[tilespmem:$0x1F210] =	vst v52;
	v52 =	vmax.f32 v2, $0.0e+00;
	v2 =	vld [tilespmem:$0x1FB60];
	_ =	sdelay $0x4  }
0x1d6: {  	v5 =	vadd.f32 v5, v44;
	v44 =	vmul.f32 v47, v61;
	v61 =	vmax.f32 v2, $0.0e+00;
	v2 =	vld [tilespmem:$0x1FB90];
	_ =	sdelay $0x3  }
0x1d7: {  	v5 =	vadd.f32 v5, v43  }
0x1d8: {  	[tilespmem:$0x1F220] =	vst v50;
	v50 =	vmax.f32 v2, $0.0e+00;
	v2 =	vld [tilespmem:$0x1FBB0]  }
0x1d9: {  	v43 =	vmul.f32 v56, v1;
	v1 =	vadd.f32 v5, v42;
	v5 =	vld [tilespmem:$0x1FD60];
	_ =	sdelay $0x3  }
0x1da: {  	v9 =	vmov v51;
	v51 =	vmax.f32 v2, $0.0e+00;
	v2 =	vmov v58  }
0x1db: {  	v38 =	vadd.f32 v1, v38;
	v5 =	vmul.f32 v2, v5  }
0x1dc: {  	v8 =	vld [tilespmem:$0x1FD10]  }
0x1dd: {  	[tilespmem:$0x1F240] =	vst v5;
	v5 =	vmul.f32 v13, v6;
	v6 =	vmul.f32 v16, v18;
	v18 =	vadd.f32 v38, v36;
	_ =	sdelay $0x1  }
0x1de: {  	v18 =	vadd.f32 v18, v33;
	_ =	sdelay $0x1  }
0x1df: {  	v18 =	vadd.f32 v18, v8;
	v8 =	vld [tilespmem:$0x1FD30];
	_ =	sdelay $0x4  }
0x1e0: {  	v8 =	vadd.f32 v18, v8;
	_ =	sdelay $0x1  }
0x1e1: {  	[tilespmem:$0x1F730] =	vst v8;
	v8 =	vld [tilespmem:$0x1F8A0];
	_ =	sdelay $0x2  }
0x1e2: {  	v42 =	vmul.f32 v23, v0;
	_ =	sdelay $0x1  }
0x1e3: {  	v18 =	vadd.f32 v42, v8;
	v8 =	vld [tilespmem:$0x1FFC0];
	_ =	sdelay $0x1  }
0x1e4: {  	v15 =	vmax.f32 v15, $0.0e+00  }
0x1e5: {  	v15 =	vmul.f32 v23, v15;
	_ =	sdelay $0x1  }
0x1e6: {  	v15 =	vadd.f32 v15, v8;
	v8 =	vld [tilespmem:$0x1FFD0];
	_ =	sdelay $0x1  }
0x1e7: {  	v17 =	vmul.f32 v10, v17;
	v11 =	vmax.f32 v11, $0.0e+00  }
0x1e8: {  	v11 =	vmul.f32 v23, v11  }
0x1e9: {  	v12 =	vmax.f32 v12, $0.0e+00;
	v14 =	vmax.f32 v14, $0.0e+00;
	v17 =	vadd.f32 v17, v18  }
0x1ea: {  	v12 =	vmul.f32 v10, v12;
	v14 =	vmul.f32 v10, v14;
	v11 =	vadd.f32 v11, v8;
	v8 =	vld [tilespmem:$0x1FFE0]  }
0x1eb: {  	v60 =	vmax.f32 v60, $0.0e+00;
	v58 =	vmax.f32 v49, $0.0e+00;
	v17 =	vadd.f32 v43, v17  }
0x1ec: {  	v12 =	vadd.f32 v12, v15;
	v15 =	vmul.f32 v56, v58;
	v11 =	vadd.f32 v14, v11  }
0x1ed: {  	v57 =	vmax.f32 v57, $0.0e+00;
	v23 =	vmul.f32 v23, v60  }
0x1ee: {  	v49 =	vmax.f32 v4, $0.0e+00;
	v11 =	vadd.f32 v15, v11;
	v15 =	vadd.f32 v44, v17  }
0x1ef: {  	v62 =	vmax.f32 v62, $0.0e+00;
	v10 =	vmul.f32 v10, v49;
	v23 =	vadd.f32 v23, v8  }
0x1f0: {  	v4 =	vmul.f32 v54, v46;
	v46 =	vmul.f32 v56, v57;
	v15 =	vadd.f32 v55, v15  }
0x1f1: {  	v7 =	vmul.f32 v39, v7;
	v14 =	vmul.f32 v56, v62;
	v10 =	vadd.f32 v10, v23  }
0x1f2: {  	v57 =	vmul.f32 v47, v52;
	v12 =	vadd.f32 v46, v12;
	v15 =	vadd.f32 v32, v15  }
0x1f3: {  	v18 =	vmul.f32 v47, v50;
	v8 =	vld [tilespmem:$0x1FF70];
	v10 =	vadd.f32 v14, v10;
	v14 =	vmul.f32 v47, v51  }
0x1f4: {  	v12 =	vadd.f32 v57, v12;
	v17 =	vmul.f32 v39, v48;
	v15 =	vadd.f32 v25, v15  }
0x1f5: {  	v11 =	vadd.f32 v18, v11;
	v10 =	vadd.f32 v14, v10;
	v14 =	vmul.f32 v39, v61  }
0x1f6: {  	v7 =	vadd.f32 v7, v12;
	v12 =	vmul.f32 v35, v45;
	v3 =	vadd.f32 v3, v15  }
0x1f7: {  	v11 =	vadd.f32 v17, v11;
	v10 =	vadd.f32 v14, v10;
	v14 =	vmul.f32 v35, v63  }
0x1f8: {  	v3 =	vadd.f32 v8, v3;
	v8 =	vld [tilespmem:$0x1FF50]  }
0x1f9: {  	v11 =	vadd.f32 v12, v11;
	v12 =	vmul.f32 v30, v27;
	v10 =	vadd.f32 v14, v10;
	_ =	sdelay $0x1  }
0x1fa: {  	v10 =	vadd.f32 v12, v10;
	v12 =	vmul.f32 v28, v20  }
0x1fb: {  	v34 =	vmul.f32 v24, v34;
	v15 =	vmul.f32 v24, v59  }
0x1fc: {  	v10 =	vadd.f32 v12, v10;
	v12 =	vmul.f32 v24, v53;
	v24 =	vmul.f32 v22, v8;
	v8 =	vld [tilespmem:$0x1FF60];
	_ =	sdelay $0x4  }
0x1fd: {  	v10 =	vadd.f32 v12, v10;
	v12 =	vmul.f32 v22, v8;
	v8 =	vld [tilespmem:$0x1FF20];
	_ =	sdelay $0x4  }
0x1fe: {  	v3 =	vadd.f32 v8, v3;
	v8 =	vld [tilespmem:$0x1FF10];
	_ =	sdelay $0x4  }
0x1ff: {  	v31 =	vmul.f32 v22, v31;
	v22 =	vmul.f32 v19, v8;
	v8 =	vld [tilespmem:$0x1FEE0];
	_ =	sdelay $0x1  }
0x200: {  	v29 =	vmul.f32 v30, v29;
	_ =	sdelay $0x1  }
0x201: {  	v21 =	vmul.f32 v28, v21;
	v11 =	vadd.f32 v29, v11  }
0x202: {  	v3 =	vadd.f32 v8, v3;
	v8 =	vld [tilespmem:$0x1FEC0]  }
0x203: {  	v11 =	vadd.f32 v21, v11;
	_ =	sdelay $0x1  }
0x204: {  	v11 =	vadd.f32 v15, v11;
	_ =	sdelay $0x1  }
0x205: {  	v11 =	vadd.f32 v24, v11;
	v24 =	vmul.f32 v16, v8;
	v8 =	vld [tilespmem:$0x1F1F0];
	_ =	sdelay $0x2  }
0x206: {  	v10 =	vadd.f32 v12, v10;
	v12 =	vmul.f32 v19, v9;
	_ =	sdelay $0x1  }
0x207: {  	v10 =	vadd.f32 v12, v10;
	v12 =	vmul.f32 v16, v8;
	v8 =	vld [tilespmem:$0x1FE80];
	_ =	sdelay $0x4  }
0x208: {  	v3 =	vadd.f32 v8, v3;
	v8 =	vld [tilespmem:$0x1FE90]  }
0x209: {  	v33 =	vmul.f32 v35, v41;
	_ =	sdelay $0x1  }
0x20a: {  	v36 =	vmul.f32 v30, v40;
	v7 =	vadd.f32 v33, v7  }
0x20b: {  	v37 =	vmul.f32 v28, v37  }
0x20c: {  	v7 =	vadd.f32 v36, v7;
	v10 =	vadd.f32 v12, v10;
	v12 =	vmul.f32 v13, v8;
	v8 =	vld [tilespmem:$0x1FE30];
	_ =	sdelay $0x1  }
0x20d: {  	v7 =	vadd.f32 v37, v7;
	_ =	sdelay $0x1  }
0x20e: {  	v7 =	vadd.f32 v34, v7  }
0x20f: {  	v3 =	vadd.f32 v8, v3;
	v8 =	vld [tilespmem:$0x1FE50]  }
0x210: {  	v26 =	vmul.f32 v19, v26;
	v7 =	vadd.f32 v31, v7;
	_ =	sdelay $0x1  }
0x211: {  	v7 =	vadd.f32 v26, v7;
	_ =	sdelay $0x1  }
0x212: {  	v6 =	vadd.f32 v6, v7;
	v9 =	vmul.f32 v54, v8;
	v8 =	vld [tilespmem:$0x1FDD0]  }
0x213: {  	v0 =	vld [tilespmem:$0x1FDB0]  }
0x214: {  	s2 =	sadd.s32 $0x100, s2;
	v1 =	vld [tilespmem:$0x1FDC0];
	v5 =	vadd.f32 v5, v6  }
0x215: {  	v18 =	vld [tilespmem:s2+$0x70]  }
0x216: {  	v4 =	vadd.f32 v4, v5;
	v5 =	vld [tilespmem:$0x1F210]  }
0x217: {  	s21 =	sadd.s32 $0x100, s21;
	v3 =	vadd.f32 v8, v3;
	v8 =	vld [tilespmem:$0x1F220]  }
0x218: {  	v23 =	vld [tilespmem:s21+$0x70]  }
0x219: {  	v47 =	vld [tilespmem:s21+$0x50]  }
0x21a: {  	v25 =	vld [tilespmem:s21+$0x40]  }
0x21b: {  	v1 =	vmul.f32 v0, v1;
	v27 =	vld [tilespmem:s21+$0x30]  }
0x21c: {  	v5 =	vmul.f32 v0, v5;
	v8 =	vmul.f32 v0, v8;
	v0 =	vld [tilespmem:$0x1F230]  }
0x21d: {  	v30 =	vld [tilespmem:s21+$0xFFFFFF90]  }
0x21e: {  	v29 =	vld [tilespmem:s21+$0x10]  }
0x21f: {  	v31 =	vld [tilespmem:s2+$0xFFFFFF80]  }
0x220: {  	v7 =	vld [tilespmem:$0x1F200]  }
0x221: {  	v3 =	vadd.f32 v0, v3;
	v0 =	vld [tilespmem:$0x1FD80]  }
0x222: {  	v6 =	vld [tilespmem:$0x1FE20]  }
0x223: {  	v21 =	vld [tilespmem:s2+$0x30];
	v11 =	vadd.f32 v22, v11  }
0x224: {  	v15 =	vld [tilespmem:s2+$0x20]  }
0x225: {  	v20 =	vld [tilespmem:s2+$0x40];
	v7 =	vmul.f32 v13, v7;
	v11 =	vadd.f32 v24, v11  }
0x226: {  	v1 =	vadd.f32 v1, v4;
	v4 =	vmul.f32 v2, v0;
	v0 =	vld [tilespmem:$0x1FD90]  }
0x227: {  	v28 =	vld [tilespmem:s21+$0x20];
	v6 =	vmul.f32 v54, v6;
	v7 =	vadd.f32 v7, v11;
	v10 =	vadd.f32 v12, v10  }
0x228: {  	v14 =	vld [tilespmem:s2+$0x50]  }
0x229: {  	v26 =	vld [tilespmem:s21+$0x0];
	v6 =	vadd.f32 v6, v7;
	v7 =	vadd.f32 v9, v10  }
0x22a: {  	v20 =	vadd.f32 v20, v25;
	v25 =	vld [tilespmem:s21+$0xFFFFFFA0]  }
0x22b: {  	v5 =	vadd.f32 v5, v6;
	v6 =	vadd.f32 v8, v7;
	v7 =	vmul.f32 v2, v0;
	v0 =	vld [tilespmem:$0x1FD40]  }
0x22c: {  	v34 =	vadd.f32 v15, v28;
	v28 =	vld [tilespmem:s2+$0xFFFFFFA0]  }
0x22d: {  	v22 =	vld [tilespmem:s21+$0xFFFFFFF0]  }
0x22e: {  	v16 =	vld [tilespmem:s2+$0x0]  }
0x22f: {  	v13 =	vld [tilespmem:s2+$0xFFFFFFF0]  }
0x230: {  	s19 =	sshra.s32 s18, $0x2;
	v2 =	vadd.f32 v0, v3;
	v0 =	vld [tilespmem:$0x1F240]  }
0x231: {  	v9 =	vld [tilespmem:s19+$0x19410]  }
0x232: {  	v11 =	vld [tilespmem:s19+$0x19190]  }
0x233: {  	v19 =	vld [tilespmem:s2+$0x10]  }
0x234: {  	v24 =	vld [tilespmem:s21+$0xFFFFFFE0];
	v36 =	vadd.f32 v16, v26  }
0x235: {  	v26 =	vld [tilespmem:s2+$0xFFFFFF90];
	v0 =	vadd.f32 v0, v1;
	v1 =	vadd.f32 v4, v5  }
0x236: {  	v12 =	vld [tilespmem:s2+$0xFFFFFFE0];
	v37 =	vadd.f32 v13, v22;
	v9 =	vcvt.s32.f32 v9  }
0x237: {  	v22 =	vld [tilespmem:s21+$0xFFFFFF80];
	[tilespmem:$0x1FFD0] =	vst v1;
	v1 =	vadd.f32 v7, v6;
	v6 =	vadd.f32 $0.0e+00, v11  }
0x238: {  	v16 =	vbroadcast v9, $0xD;
	v3 =	vld [tilespmem:s21+$0xFFFFFFB0]  }
0x239: {  	v45 =	vadd.f32 v21, v27;
	v4 =	vld [tilespmem:s2+$0xFFFFFFB0];
	v21 =	vbroadcast v6, $0xF;
	v15 =	vbroadcast v6, $0xE  }
0x23a: {  	v29 =	vadd.f32 v19, v29;
	[tilespmem:$0x1FFC0] =	vst v0;
	v0 =	vld [tilespmem:s21+$0xFFFFFFC0];
	v19 =	vbroadcast v6, $0xD;
	v50 =	vbroadcast v6, $0xC  }
0x23b: {  	v48 =	vadd.f32 v18, v23;
	[tilespmem:$0x1FFE0] =	vst v1;
	v1 =	vld [tilespmem:s2+$0xFFFFFFC0];
	v7 =	vbroadcast v6, $0xB;
	v32 =	vbroadcast v6, $0xA  }
0x23c: {  	v18 =	vadd.f32 v14, v47;
	v14 =	vbroadcast v6, $0x9;
	v62 =	vbroadcast v6, $0x8  }
0x23d: {  	v56 =	vld [tilespmem:$0x1FFF0];
	v42 =	vadd.f32 v12, v24;
	v23 =	vbroadcast v6, $0x7;
	v24 =	vbroadcast v6, $0x6  }
0x23e: {  	v10 =	vld [tilespmem:s21+$0xFFFFFFD0];
	[tilespmem:$0x1F8A0] =	vst v2;
	v2 =	vadd.f32 v26, v30;
	v26 =	vbroadcast v6, $0x4;
	v35 =	vbroadcast v6, $0x3  }
0x23f: {  	v8 =	vld [tilespmem:s2+$0xFFFFFFD0];
	v30 =	vbroadcast v6, $0x0;
	v47 =	vadd.f32 v4, v3;
	v3 =	vadd.f32 v31, v22  }
0x240: {  	v31 =	vbroadcast v6, $0x2;
	v41 =	vadd.f32 v1, v0;
	v1 =	vadd.f32 v28, v25  }
0x241: {  	v25 =	vbroadcast v6, $0x5;
	v28 =	vbroadcast v6, $0x1;
	v6 =	vadd.f32 $-2.000000000e+00, v16  }
0x242: {  	v49 =	vbroadcast v9, $0xE  }
0x243: {  	v59 =	vbroadcast v9, $0xB;
	[tilespmem:$0x1F330] =	vst v6;
	v6 =	vadd.f32 $-3.000000000e+00, v16  }
0x244: {  	v27 =	vbroadcast v9, $0xF;
	v40 =	vadd.f32 v8, v10;
	v8 =	vsub.f32 v56, v49  }
0x245: {  	v13 =	vbroadcast v9, $0xC;
	[tilespmem:$0x1F340] =	vst v6;
	v6 =	vsub.f32 v56, v59  }
0x246: {  	[tilespmem:$0x1F290] =	vst v8;
	v8 =	vadd.f32 $-1.000000000e+00, v27  }
0x247: {  	[tilespmem:$0x1F350] =	vst v6;
	v6 =	vadd.f32 $-1.000000000e+00, v13  }
0x248: {  	[tilespmem:$0x1F2A0] =	vst v8;
	v8 =	vadd.f32 $-2.000000000e+00, v27  }
0x249: {  	[tilespmem:$0x1F360] =	vst v6;
	v6 =	vadd.f32 $-2.000000000e+00, v13  }
0x24a: {  	[tilespmem:$0x1F2B0] =	vst v8;
	v8 =	vadd.f32 $-3.000000000e+00, v27  }
0x24b: {  	[tilespmem:$0x1F370] =	vst v6;
	v6 =	vadd.f32 $-3.000000000e+00, v13  }
0x24c: {  	[tilespmem:$0x1F2D0] =	vst v8;
	v8 =	vsub.f32 v56, v16  }
0x24d: {  	[tilespmem:$0x1F380] =	vst v6;
	v6 =	vadd.f32 $-1.000000000e+00, v59  }
0x24e: {  	[tilespmem:$0x1F2C0] =	vst v8;
	v8 =	vadd.f32 $-1.000000000e+00, v49  }
0x24f: {  	[tilespmem:$0x1F390] =	vst v6;
	v6 =	vadd.f32 $-2.000000000e+00, v59  }
0x250: {  	[tilespmem:$0x1F2E0] =	vst v8;
	v8 =	vadd.f32 $-2.000000000e+00, v49  }
0x251: {  	v0 =	vbroadcast v9, $0x9;
	[tilespmem:$0x1F3A0] =	vst v6;
	v6 =	vadd.f32 $-3.000000000e+00, v59  }
0x252: {  	[tilespmem:$0x1F2F0] =	vst v8;
	v8 =	vadd.f32 $-3.000000000e+00, v49  }
0x253: {  	v10 =	vbroadcast v9, $0xA;
	[tilespmem:$0x1F3B0] =	vst v6;
	v6 =	vsub.f32 v56, v0  }
0x254: {  	v46 =	vld [tilespmem:s21+$0x60];
	[tilespmem:$0x1F300] =	vst v8;
	v8 =	vsub.f32 v56, v13  }
0x255: {  	v17 =	vld [tilespmem:s2+$0x60];
	[tilespmem:$0x1F3C0] =	vst v6;
	v6 =	vadd.f32 $-1.000000000e+00, v10  }
0x256: {  	v5 =	vsub.f32 v56, v27;
	[tilespmem:$0x1F310] =	vst v8  }
0x257: {  	[tilespmem:$0x1F3D0] =	vst v6;
	v6 =	vadd.f32 $-2.000000000e+00, v10  }
0x258: {  	[tilespmem:$0x1F280] =	vst v5  }
0x259: {  	v33 =	vbroadcast v9, $0x8;
	[tilespmem:$0x1F3E0] =	vst v6;
	v6 =	vadd.f32 $-3.000000000e+00, v10  }
0x25a: {  	v17 =	vadd.f32 v17, v46;
	v54 =	vand.u32 $0x7FFFFFFF, v16;
	[tilespmem:$0x1F250] =	vst v1;
	v1 =	vbroadcast v9, $0x7  }
0x25b: {  	v8 =	vadd.f32 $-1.000000000e+00, v16;
	v5 =	vbroadcast v9, $0x3;
	[tilespmem:$0x1F3F0] =	vst v6;
	v6 =	vsub.f32 v56, v33  }
0x25c: {  	v22 =	vmul.f32 v17, v15;
	v61 =	vadd.f32 $-2.000000000e+00, v0;
	v16 =	vsub.f32 v56, v1  }
0x25d: {  	v17 =	vmul.f32 v45, v7;
	v57 =	vadd.f32 $-1.000000000e+00, v1;
	[tilespmem:$0x1F400] =	vst v6;
	v6 =	vadd.f32 $-1.000000000e+00, v0  }
0x25e: {  	v7 =	vand.u32 $0x7FFFFFFF, v0;
	v52 =	vadd.f32 $-2.000000000e+00, v1;
	v51 =	vadd.f32 $-3.000000000e+00, v1  }
0x25f: {  	[tilespmem:$0x1F410] =	vst v6;
	v6 =	vadd.f32 $-3.000000000e+00, v0;
	v0 =	vand.u32 $0x7FFFFFFF, v1;
	v1 =	vadd.f32 $-1.000000000e+00, v5;
	_ =	sdelay $0x1  }
0x260: {  	[tilespmem:$0x1F440] =	vst v1;
	v1 =	vadd.f32 $-2.000000000e+00, v5;
	_ =	sdelay $0x1  }
0x261: {  	v60 =	vbroadcast v9, $0x1;
	[tilespmem:$0x1F450] =	vst v1;
	v1 =	vadd.f32 $-3.000000000e+00, v5;
	_ =	sdelay $0x1  }
0x262: {  	v53 =	vbroadcast v9, $0x2;
	[tilespmem:$0x1F460] =	vst v1;
	v1 =	vsub.f32 v56, v60;
	_ =	sdelay $0x1  }
0x263: {  	[tilespmem:$0x1F470] =	vst v1;
	v1 =	vadd.f32 $-1.000000000e+00, v53;
	_ =	sdelay $0x1  }
0x264: {  	[tilespmem:$0x1F480] =	vst v1;
	v1 =	vadd.f32 $-2.000000000e+00, v53;
	_ =	sdelay $0x1  }
0x265: {  	v63 =	vbroadcast v9, $0x0;
	[tilespmem:$0x1F490] =	vst v1;
	v1 =	vadd.f32 $-3.000000000e+00, v53;
	_ =	sdelay $0x1  }
0x266: {  	[tilespmem:$0x1F4A0] =	vst v1;
	v1 =	vsub.f32 v56, v63  }
0x267: {  	[tilespmem:$0x1F260] =	vst v2  }
0x268: {  	[tilespmem:$0x1F4B0] =	vst v1;
	v1 =	vadd.f32 $-1.000000000e+00, v60  }
0x269: {  	[tilespmem:$0x1F320] =	vst v8  }
0x26a: {  	[tilespmem:$0x1F4C0] =	vst v1;
	v1 =	vadd.f32 $-2.000000000e+00, v60  }
0x26b: {  	[tilespmem:$0x1F420] =	vst v6;
	v6 =	vadd.f32 $-1.000000000e+00, v33  }
0x26c: {  	[tilespmem:$0x1F4D0] =	vst v1;
	v1 =	vadd.f32 $-3.000000000e+00, v60  }
0x26d: {  	v0 =	vsub.f32 $1.000000000e+00, v0;
	[tilespmem:$0x1F430] =	vst v6  }
0x26e: {  	v6 =	vand.u32 $0x7FFFFFFF, v33;
	[tilespmem:$0x1F4E0] =	vst v1;
	v1 =	vadd.f32 $-1.000000000e+00, v63  }
0x26f: {  	[tilespmem:$0x1F5A0] =	vst v0;
	v0 =	vsub.f32 $1.000000000e+00, v6  }
0x270: {  	v12 =	vand.u32 $0x7FFFFFFF, v27;
	v46 =	vand.u32 $0x7FFFFFFF, v49;
	[tilespmem:$0x1F4F0] =	vst v1;
	v1 =	vadd.f32 $-2.000000000e+00, v63  }
0x271: {  	v58 =	vsub.f32 v56, v10;
	v2 =	vbroadcast v9, $0x6;
	v11 =	vand.u32 $0x7FFFFFFF, v13;
	[tilespmem:$0x1F590] =	vst v0  }
0x272: {  	v8 =	vand.u32 $0x7FFFFFFF, v10;
	v4 =	vbroadcast v9, $0x4;
	v0 =	vld [tilespmem:$0x1F260];
	[tilespmem:$0x1F500] =	vst v1;
	v1 =	vadd.f32 $-3.000000000e+00, v63  }
0x273: {  	v39 =	vsub.f32 v56, v5;
	v21 =	vmul.f32 v48, v21;
	v18 =	vmul.f32 v18, v19;
	[tilespmem:$0x1F270] =	vst v3  }
0x274: {  	v15 =	vmul.f32 v20, v50;
	v3 =	vbroadcast v9, $0x5;
	[tilespmem:$0x1F510] =	vst v1;
	v1 =	vsub.f32 $1.000000000e+00, v12  }
0x275: {  	v50 =	vadd.f32 $-2.000000000e+00, v33;
	v48 =	vadd.f32 $-3.000000000e+00, v33;
	v19 =	vmul.f32 v34, v32  }
0x276: {  	v23 =	vmul.f32 v37, v23;
	v37 =	vand.u32 $0x7FFFFFFF, v3;
	[tilespmem:$0x1F520] =	vst v1;
	v1 =	vsub.f32 $1.000000000e+00, v54  }
0x277: {  	v13 =	vmul.f32 v29, v14;
	v10 =	vmul.f32 v0, v28;
	v0 =	vsub.f32 $1.000000000e+00, v37  }
0x278: {  	v14 =	vmul.f32 v36, v62;
	v36 =	vand.u32 $0x7FFFFFFF, v2;
	[tilespmem:$0x1F540] =	vst v1;
	v1 =	vsub.f32 $1.000000000e+00, v46  }
0x279: {  	v34 =	vadd.f32 $-2.000000000e+00, v4;
	v9 =	vand.u32 $0x7FFFFFFF, v59;
	[tilespmem:$0x1F5C0] =	vst v0;
	v0 =	vsub.f32 $1.000000000e+00, v36  }
0x27a: {  	v62 =	vadd.f32 $-3.000000000e+00, v4;
	v5 =	vand.u32 $0x7FFFFFFF, v5;
	[tilespmem:$0x1F530] =	vst v1;
	v1 =	vsub.f32 $1.000000000e+00, v9  }
0x27b: {  	v59 =	vsub.f32 v56, v4;
	[tilespmem:$0x1F5B0] =	vst v0;
	v0 =	vsub.f32 $1.000000000e+00, v5  }
0x27c: {  	v33 =	vadd.f32 $-1.000000000e+00, v4;
	v4 =	vand.u32 $0x7FFFFFFF, v4;
	[tilespmem:$0x1F560] =	vst v1;
	v1 =	vsub.f32 $1.000000000e+00, v11  }
0x27d: {  	[tilespmem:$0x1F5E0] =	vst v0;
	v0 =	vsub.f32 $1.000000000e+00, v4  }
0x27e: {  	[tilespmem:$0x1F550] =	vst v1;
	v1 =	vld [tilespmem:$0x1F250]  }
0x27f: {  	[tilespmem:$0x1F5D0] =	vst v0;
	v0 =	vld [tilespmem:$0x1F270];
	_ =	sdelay $0x1  }
0x280: {  	v49 =	vsub.f32 v56, v53  }
0x281: {  	v43 =	vsub.f32 v56, v2;
	v45 =	vsub.f32 v56, v3  }
0x282: {  	v56 =	vmul.f32 v1, v31;
	v1 =	vsub.f32 $1.000000000e+00, v7;
	v7 =	vand.u32 $0x7FFFFFFF, v60  }
0x283: {  	v4 =	vmul.f32 v0, v30;
	v0 =	vsub.f32 $1.000000000e+00, v7  }
0x284: {  	v53 =	vand.u32 $0x7FFFFFFF, v53;
	v37 =	vld [tilespmem:$0x1FA70]  }
0x285: {  	[tilespmem:$0x1F600] =	vst v0;
	v0 =	vsub.f32 $1.000000000e+00, v53  }
0x286: {  	v6 =	vand.u32 $0x7FFFFFFF, v63  }
0x287: {  	[tilespmem:$0x1F5F0] =	vst v0;
	v0 =	vsub.f32 $1.000000000e+00, v6;
	_ =	sdelay $0x1  }
0x288: {  	[tilespmem:$0x1F610] =	vst v0;
	v0 =	vadd.f32 v21, v37;
	_ =	sdelay $0x1  }
0x289: {  	[tilespmem:$0x1F620] =	vst v0;
	v0 =	vld [tilespmem:$0x1F280];
	_ =	sdelay $0x4  }
0x28a: {  	v5 =	vand.u32 $0x7FFFFFFF, v0;
	v0 =	vld [tilespmem:$0x1F290];
	_ =	sdelay $0x4  }
0x28b: {  	v6 =	vand.u32 $0x7FFFFFFF, v0;
	v0 =	vld [tilespmem:$0x1F2A0];
	_ =	sdelay $0x4  }
0x28c: {  	v7 =	vand.u32 $0x7FFFFFFF, v0;
	v0 =	vld [tilespmem:$0x1F2B0];
	_ =	sdelay $0x4  }
0x28d: {  	[tilespmem:$0x1F580] =	vst v1;
	v1 =	vsub.f32 $1.000000000e+00, v8;
	v8 =	vand.u32 $0x7FFFFFFF, v0;
	v0 =	vld [tilespmem:$0x1F2C0];
	_ =	sdelay $0x4  }
0x28e: {  	v11 =	vand.u32 $0x7FFFFFFF, v0;
	v0 =	vadd.f32 v22, v37;
	_ =	sdelay $0x1  }
0x28f: {  	[tilespmem:$0x1F650] =	vst v0;
	v0 =	vld [tilespmem:$0x1F2D0];
	_ =	sdelay $0x4  }
0x290: {  	v21 =	vand.u32 $0x7FFFFFFF, v0;
	v0 =	vld [tilespmem:$0x1F2E0];
	_ =	sdelay $0x4  }
0x291: {  	v30 =	vand.u32 $0x7FFFFFFF, v0;
	v0 =	vld [tilespmem:$0x1F2F0];
	_ =	sdelay $0x4  }
0x292: {  	v31 =	vand.u32 $0x7FFFFFFF, v0;
	v0 =	vld [tilespmem:$0x1F300];
	_ =	sdelay $0x4  }
0x293: {  	v20 =	vmul.f32 v41, v26;
	v41 =	vmul.f32 v47, v35;
	v35 =	vand.u32 $0x7FFFFFFF, v0;
	v0 =	vld [tilespmem:$0x1F310];
	_ =	sdelay $0x3  }
0x294: {  	v24 =	vmul.f32 v42, v24  }
0x295: {  	v42 =	vmul.f32 v40, v25;
	v40 =	vand.u32 $0x7FFFFFFF, v0;
	v0 =	vadd.f32 v18, v37;
	_ =	sdelay $0x1  }
0x296: {  	[tilespmem:$0x1F640] =	vst v0;
	v0 =	vld [tilespmem:$0x1F320];
	_ =	sdelay $0x4  }
0x297: {  	v18 =	vand.u32 $0x7FFFFFFF, v0;
	v0 =	vadd.f32 v15, v37;
	_ =	sdelay $0x1  }
0x298: {  	[tilespmem:$0x1F630] =	vst v0;
	v0 =	vld [tilespmem:$0x1F330];
	_ =	sdelay $0x4  }
0x299: {  	v15 =	vand.u32 $0x7FFFFFFF, v0;
	v0 =	vld [tilespmem:$0x1F340];
	_ =	sdelay $0x4  }
0x29a: {  	v46 =	vand.u32 $0x7FFFFFFF, v0;
	v0 =	vld [tilespmem:$0x1F350];
	_ =	sdelay $0x4  }
0x29b: {  	v53 =	vand.u32 $0x7FFFFFFF, v0;
	v0 =	vld [tilespmem:$0x1F360];
	_ =	sdelay $0x4  }
0x29c: {  	v54 =	vand.u32 $0x7FFFFFFF, v0;
	v0 =	vld [tilespmem:$0x1F370];
	_ =	sdelay $0x4  }
0x29d: {  	v60 =	vand.u32 $0x7FFFFFFF, v0;
	v0 =	vadd.f32 v17, v37;
	_ =	sdelay $0x1  }
0x29e: {  	[tilespmem:$0x1F680] =	vst v0;
	v0 =	vld [tilespmem:$0x1F380];
	_ =	sdelay $0x4  }
0x29f: {  	v17 =	vand.u32 $0x7FFFFFFF, v0;
	v0 =	vld [tilespmem:$0x1F390];
	_ =	sdelay $0x4  }
0x2a0: {  	v63 =	vand.u32 $0x7FFFFFFF, v0;
	v0 =	vld [tilespmem:$0x1F3A0];
	_ =	sdelay $0x4  }
0x2a1: {  	v22 =	vand.u32 $0x7FFFFFFF, v0;
	v0 =	vld [tilespmem:$0x1F3B0];
	_ =	sdelay $0x4  }
0x2a2: {  	v36 =	vand.u32 $0x7FFFFFFF, v0;
	v0 =	vld [tilespmem:$0x1F3C0];
	_ =	sdelay $0x4  }
0x2a3: {  	v47 =	vand.u32 $0x7FFFFFFF, v0;
	v0 =	vadd.f32 v19, v37;
	_ =	sdelay $0x1  }
0x2a4: {  	[tilespmem:$0x1F670] =	vst v0;
	v0 =	vld [tilespmem:$0x1F3D0];
	_ =	sdelay $0x4  }
0x2a5: {  	v25 =	vand.u32 $0x7FFFFFFF, v0;
	v0 =	vadd.f32 v13, v37;
	_ =	sdelay $0x1  }
0x2a6: {  	[tilespmem:$0x1F660] =	vst v0;
	v0 =	vld [tilespmem:$0x1F3E0];
	_ =	sdelay $0x4  }
0x2a7: {  	v12 =	vand.u32 $0x7FFFFFFF, v0;
	v0 =	vld [tilespmem:$0x1F3F0];
	_ =	sdelay $0x4  }
0x2a8: {  	[tilespmem:$0x1F570] =	vst v1;
	v1 =	vand.u32 $0x7FFFFFFF, v0;
	v0 =	vld [tilespmem:$0x1F400];
	_ =	sdelay $0x4  }
0x2a9: {  	v0 =	vand.u32 $0x7FFFFFFF, v0  }
0x2aa: {  	v0 =	vsub.f32 $1.000000000e+00, v0  }
0x2ab: {  	v27 =	vadd.f32 $-1.000000000e+00, v2;
	v55 =	vadd.f32 $-3.000000000e+00, v2  }
0x2ac: {  	v32 =	vadd.f32 $-2.000000000e+00, v2;
	v2 =	vld [tilespmem:$0x1F410];
	[tilespmem:$0x1F7A0] =	vst v0;
	v0 =	vsub.f32 $1.000000000e+00, v1;
	_ =	sdelay $0x1  }
0x2ad: {  	[tilespmem:$0x1F790] =	vst v0;
	v0 =	vld [tilespmem:$0x1F500]  }
0x2ae: {  	v44 =	vadd.f32 $-1.000000000e+00, v3;
	v38 =	vadd.f32 $-2.000000000e+00, v3  }
0x2af: {  	v9 =	vand.u32 $0x7FFFFFFF, v16;
	v16 =	vadd.f32 v23, v37;
	v23 =	vadd.f32 v42, v37  }
0x2b0: {  	v29 =	vadd.f32 $-3.000000000e+00, v3;
	v2 =	vand.u32 $0x7FFFFFFF, v2;
	v3 =	vadd.f32 v14, v37  }
0x2b1: {  	[tilespmem:$0x1F6D0] =	vst v23;
	v23 =	vand.u32 $0x7FFFFFFF, v44;
	v6 =	vsub.f32 $1.000000000e+00, v6;
	v44 =	vsub.f32 $1.000000000e+00, v31  }
0x2b2: {  	[tilespmem:$0x1F6B0] =	vst v3;
	v31 =	vsub.f32 $1.000000000e+00, v54;
	v54 =	vand.u32 $0x7FFFFFFF, v0;
	v0 =	vsub.f32 $1.000000000e+00, v2  }
0x2b3: {  	v61 =	vand.u32 $0x7FFFFFFF, v61;
	[tilespmem:$0x1F6F0] =	vst v6;
	v6 =	vsub.f32 $1.000000000e+00, v8  }
0x2b4: {  	v3 =	vld [tilespmem:$0x1F420];
	[tilespmem:$0x1F7B0] =	vst v0;
	v0 =	vsub.f32 $1.000000000e+00, v61  }
0x2b5: {  	[tilespmem:$0x1F700] =	vst v6;
	v6 =	vld [tilespmem:$0x1F450]  }
0x2b6: {  	[tilespmem:$0x1F7C0] =	vst v0;
	v0 =	vld [tilespmem:$0x1F510];
	_ =	sdelay $0x2  }
0x2b7: {  	v13 =	vand.u32 $0x7FFFFFFF, v3;
	v3 =	vld [tilespmem:$0x1F430]  }
0x2b8: {  	v8 =	vand.u32 $0x7FFFFFFF, v6;
	v6 =	vsub.f32 $1.000000000e+00, v11  }
0x2b9: {  	v2 =	vand.u32 $0x7FFFFFFF, v0;
	v0 =	vsub.f32 $1.000000000e+00, v9  }
0x2ba: {  	[tilespmem:$0x1F710] =	vst v6;
	v6 =	vld [tilespmem:$0x1F460]  }
0x2bb: {  	[tilespmem:$0x1F7E0] =	vst v0;
	v0 =	vsub.f32 $1.000000000e+00, v13  }
0x2bc: {  	v14 =	vand.u32 $0x7FFFFFFF, v3  }
0x2bd: {  	[tilespmem:$0x1F7D0] =	vst v0;
	v0 =	vsub.f32 $1.000000000e+00, v14  }
0x2be: {  	v50 =	vand.u32 $0x7FFFFFFF, v50  }
0x2bf: {  	v11 =	vand.u32 $0x7FFFFFFF, v6;
	v6 =	vld [tilespmem:$0x1F470];
	[tilespmem:$0x1F7F0] =	vst v0;
	v0 =	vsub.f32 $1.000000000e+00, v50  }
0x2c0: {  	v42 =	vsub.f32 $1.000000000e+00, v7;
	v7 =	vld [tilespmem:$0x1F490]  }
0x2c1: {  	[tilespmem:$0x1F800] =	vst v0;
	v0 =	vld [tilespmem:$0x1F520];
	_ =	sdelay $0x1  }
0x2c2: {  	v19 =	vand.u32 $0x7FFFFFFF, v57;
	v57 =	vand.u32 $0x7FFFFFFF, v39  }
0x2c3: {  	v39 =	vadd.f32 v41, v37;
	v41 =	vsub.f32 $1.000000000e+00, v30;
	v30 =	vand.u32 $0x7FFFFFFF, v6  }
0x2c4: {  	v6 =	vsub.f32 $1.000000000e+00, v40;
	v40 =	vsub.f32 $1.000000000e+00, v15;
	v3 =	vand.u32 $0x7FFFFFFF, v43  }
0x2c5: {  	v15 =	vand.u32 $0x7FFFFFFF, v7;
	v7 =	vld [tilespmem:$0x1F4A0];
	v50 =	vmax.f32 v0, $0.0e+00;
	v0 =	vsub.f32 $1.000000000e+00, v3  }
0x2c6: {  	v48 =	vand.u32 $0x7FFFFFFF, v48;
	[tilespmem:$0x1F6A0] =	vst v16  }
0x2c7: {  	[tilespmem:$0x1F820] =	vst v0;
	v0 =	vsub.f32 $1.000000000e+00, v48  }
0x2c8: {  	[tilespmem:$0x1F720] =	vst v6;
	v6 =	vld [tilespmem:$0x1F480]  }
0x2c9: {  	v20 =	vadd.f32 v20, v37;
	v16 =	vadd.f32 v24, v37;
	v24 =	vand.u32 $0x7FFFFFFF, v38;
	[tilespmem:$0x1F810] =	vst v0;
	v0 =	vld [tilespmem:$0x1F530]  }
0x2ca: {  	v38 =	vsub.f32 $1.000000000e+00, v53;
	v53 =	vsub.f32 $1.000000000e+00, v46;
	v46 =	vand.u32 $0x7FFFFFFF, v7;
	v7 =	vld [tilespmem:$0x1F4B0]  }
0x2cb: {  	[tilespmem:$0x1F6C0] =	vst v20;
	v20 =	vadd.f32 v56, v37  }
0x2cc: {  	v58 =	vand.u32 $0x7FFFFFFF, v58;
	v52 =	vand.u32 $0x7FFFFFFF, v52  }
0x2cd: {  	[tilespmem:$0x1F6E0] =	vst v20;
	v20 =	vand.u32 $0x7FFFFFFF, v34;
	v34 =	vsub.f32 $1.000000000e+00, v35;
	v35 =	vand.u32 $0x7FFFFFFF, v6  }
0x2ce: {  	v6 =	vsub.f32 $1.000000000e+00, v18;
	v48 =	vmax.f32 v0, $0.0e+00;
	v0 =	vsub.f32 $1.000000000e+00, v19  }
0x2cf: {  	v18 =	vsub.f32 $1.000000000e+00, v60;
	v60 =	vand.u32 $0x7FFFFFFF, v7;
	v7 =	vsub.f32 $1.000000000e+00, v58  }
0x2d0: {  	[tilespmem:$0x1F830] =	vst v0;
	v0 =	vsub.f32 $1.000000000e+00, v52  }
0x2d1: {  	[tilespmem:$0x1F740] =	vst v7;
	v7 =	vld [tilespmem:$0x1F4C0]  }
0x2d2: {  	[tilespmem:$0x1F840] =	vst v0;
	v0 =	vld [tilespmem:$0x1F540];
	_ =	sdelay $0x3  }
0x2d3: {  	v51 =	vand.u32 $0x7FFFFFFF, v51;
	v58 =	vand.u32 $0x7FFFFFFF, v7;
	v7 =	vsub.f32 $1.000000000e+00, v22  }
0x2d4: {  	v52 =	vmax.f32 v0, $0.0e+00;
	v0 =	vsub.f32 $1.000000000e+00, v51  }
0x2d5: {  	[tilespmem:$0x1F750] =	vst v7;
	v7 =	vld [tilespmem:$0x1F4D0]  }
0x2d6: {  	[tilespmem:$0x1F850] =	vst v0;
	v0 =	vld [tilespmem:$0x1F550];
	_ =	sdelay $0x2  }
0x2d7: {  	[tilespmem:$0x1F690] =	vst v16;
	v16 =	vand.u32 $0x7FFFFFFF, v27;
	v27 =	vand.u32 $0x7FFFFFFF, v33;
	v33 =	vsub.f32 $1.000000000e+00, v21  }
0x2d8: {  	v43 =	vand.u32 $0x7FFFFFFF, v45;
	v22 =	vand.u32 $0x7FFFFFFF, v7;
	v7 =	vsub.f32 $1.000000000e+00, v47  }
0x2d9: {  	v21 =	vsub.f32 $1.000000000e+00, v43;
	v43 =	vmax.f32 v0, $0.0e+00;
	v0 =	vsub.f32 $1.000000000e+00, v16  }
0x2da: {  	v32 =	vand.u32 $0x7FFFFFFF, v32;
	[tilespmem:$0x1F760] =	vst v7;
	v7 =	vld [tilespmem:$0x1F4E0]  }
0x2db: {  	[tilespmem:$0x1F860] =	vst v0;
	v0 =	vsub.f32 $1.000000000e+00, v32;
	_ =	sdelay $0x1  }
0x2dc: {  	[tilespmem:$0x1F870] =	vst v0;
	v0 =	vld [tilespmem:$0x1F560]  }
0x2dd: {  	v28 =	vand.u32 $0x7FFFFFFF, v29  }
0x2de: {  	v29 =	vsub.f32 $1.000000000e+00, v36;
	v36 =	vand.u32 $0x7FFFFFFF, v7;
	v7 =	vsub.f32 $1.000000000e+00, v25;
	_ =	sdelay $0x1  }
0x2df: {  	v55 =	vand.u32 $0x7FFFFFFF, v55;
	[tilespmem:$0x1F770] =	vst v7;
	v7 =	vsub.f32 $1.000000000e+00, v12  }
0x2e0: {  	v32 =	vmax.f32 v0, $0.0e+00;
	v0 =	vsub.f32 $1.000000000e+00, v55  }
0x2e1: {  	[tilespmem:$0x1F780] =	vst v7;
	v7 =	vld [tilespmem:$0x1F4F0]  }
0x2e2: {  	[tilespmem:$0x1F880] =	vst v0;
	v0 =	vld [tilespmem:$0x1F570];
	_ =	sdelay $0x3  }
0x2e3: {  	v26 =	vand.u32 $0x7FFFFFFF, v59;
	v47 =	vand.u32 $0x7FFFFFFF, v7  }
0x2e4: {  	v7 =	vsub.f32 $1.000000000e+00, v26;
	v26 =	vmax.f32 v0, $0.0e+00;
	v0 =	vsub.f32 $1.000000000e+00, v23;
	_ =	sdelay $0x1  }
0x2e5: {  	[tilespmem:$0x1F890] =	vst v0;
	v0 =	vsub.f32 $1.000000000e+00, v24;
	_ =	sdelay $0x1  }
0x2e6: {  	[tilespmem:$0x1FAF0] =	vst v0;
	v0 =	vld [tilespmem:$0x1F580];
	_ =	sdelay $0x4  }
0x2e7: {  	v51 =	vmax.f32 v0, $0.0e+00;
	v0 =	vsub.f32 $1.000000000e+00, v28;
	_ =	sdelay $0x1  }
0x2e8: {  	[tilespmem:$0x1FB10] =	vst v0;
	v0 =	vld [tilespmem:$0x1F590];
	_ =	sdelay $0x4  }
0x2e9: {  	v3 =	vmax.f32 v0, $0.0e+00;
	v0 =	vsub.f32 $1.000000000e+00, v27;
	_ =	sdelay $0x1  }
0x2ea: {  	[tilespmem:$0x1FB30] =	vst v0;
	v0 =	vsub.f32 $1.000000000e+00, v20;
	_ =	sdelay $0x1  }
0x2eb: {  	[tilespmem:$0x1FB40] =	vst v0;
	v0 =	vld [tilespmem:$0x1F5A0];
	_ =	sdelay $0x3  }
0x2ec: {  	v56 =	vadd.f32 v4, v37;
	v4 =	vand.u32 $0x7FFFFFFF, v62  }
0x2ed: {  	v59 =	vsub.f32 $1.000000000e+00, v5;
	v5 =	vld [tilespmem:$0x1F440];
	v20 =	vmax.f32 v0, $0.0e+00;
	v0 =	vsub.f32 $1.000000000e+00, v4  }
0x2ee: {  	v55 =	vsub.f32 $1.000000000e+00, v60;
	v60 =	vsub.f32 $1.000000000e+00, v2;
	v2 =	vld [tilespmem:$0x1F620]  }
0x2ef: {  	[tilespmem:$0x1FB60] =	vst v0;
	v0 =	vld [tilespmem:$0x1F5B0];
	_ =	sdelay $0x3  }
0x2f0: {  	v5 =	vand.u32 $0x7FFFFFFF, v5;
	v12 =	vsub.f32 $1.000000000e+00, v58  }
0x2f1: {  	v58 =	vmax.f32 v2, $0.0e+00;
	v2 =	vld [tilespmem:$0x1F630];
	v25 =	vmax.f32 v0, $0.0e+00;
	v0 =	vsub.f32 $1.000000000e+00, v5;
	_ =	sdelay $0x1  }
0x2f2: {  	[tilespmem:$0x1FB80] =	vst v0;
	v0 =	vsub.f32 $1.000000000e+00, v8;
	_ =	sdelay $0x1  }
0x2f3: {  	[tilespmem:$0x1FB90] =	vst v0;
	v0 =	vld [tilespmem:$0x1F5C0]  }
0x2f4: {  	v13 =	vmax.f32 v2, $0.0e+00;
	v2 =	vld [tilespmem:$0x1F640];
	_ =	sdelay $0x3  }
0x2f5: {  	v5 =	vmax.f32 v0, $0.0e+00  }
0x2f6: {  	v0 =	vsub.f32 $1.000000000e+00, v11;
	v11 =	vsub.f32 $1.000000000e+00, v54;
	v54 =	vmax.f32 v2, $0.0e+00;
	v2 =	vld [tilespmem:$0x1F650];
	_ =	sdelay $0x1  }
0x2f7: {  	v62 =	vand.u32 $0x7FFFFFFF, v49  }
0x2f8: {  	v27 =	vsub.f32 $1.000000000e+00, v62;
	v62 =	vsub.f32 $1.000000000e+00, v46;
	v46 =	vld [tilespmem:$0x1F6F0];
	_ =	sdelay $0x1  }
0x2f9: {  	v2 =	vmax.f32 v2, $0.0e+00  }
0x2fa: {  	[tilespmem:$0x1FDB0] =	vst v2;
	v48 =	vmul.f32 v2, v48;
	v2 =	vmax.f32 v41, $0.0e+00  }
0x2fb: {  	v4 =	vsub.f32 $1.000000000e+00, v36;
	[tilespmem:$0x1FDC0] =	vst v2;
	v2 =	vmul.f32 v54, v52  }
0x2fc: {  	v36 =	vmax.f32 v46, $0.0e+00;
	v46 =	vmax.f32 v59, $0.0e+00;
	v59 =	vmul.f32 v58, v50;
	v50 =	vld [tilespmem:$0x1F700]  }
0x2fd: {  	[tilespmem:$0x1FDD0] =	vst v2;
	v2 =	vld [tilespmem:$0x1F720];
	_ =	sdelay $0x3  }
0x2fe: {  	[tilespmem:$0x1FD10] =	vst v36;
	v36 =	vmax.f32 v50, $0.0e+00  }
0x2ff: {  	[tilespmem:$0x1FD80] =	vst v36;
	v36 =	vmax.f32 v2, $0.0e+00;
	v2 =	vmax.f32 v40, $0.0e+00  }
0x300: {  	[tilespmem:$0x1FE20] =	vst v2;
	v2 =	vmul.f32 v13, v43;
	_ =	sdelay $0x1  }
0x301: {  	[tilespmem:$0x1FE30] =	vst v2;
	v2 =	vmax.f32 v53, $0.0e+00  }
0x302: {  	[tilespmem:$0x1FE50] =	vst v2;
	v2 =	vmax.f32 v55, $0.0e+00;
	v55 =	vmax.f32 v18, $0.0e+00;
	v18 =	vld [tilespmem:$0x1F730];
	_ =	sdelay $0x3  }
0x303: {  	v8 =	vsub.f32 $1.000000000e+00, v30  }
0x304: {  	v2 =	vadd.f32 v2, v18  }
0x305: {  	v16 =	vld [tilespmem:$0x1F660];
	v8 =	vmax.f32 v8, $0.0e+00  }
0x306: {  	v2 =	vadd.f32 v2, v8;
	v8 =	vld [tilespmem:$0x1F750];
	_ =	sdelay $0x3  }
0x307: {  	v14 =	vsub.f32 $1.000000000e+00, v22;
	v22 =	vmax.f32 v16, $0.0e+00;
	v16 =	vld [tilespmem:$0x1F670]  }
0x308: {  	v8 =	vmax.f32 v8, $0.0e+00  }
0x309: {  	[tilespmem:$0x1FEC0] =	vst v8;
	v8 =	vmax.f32 v27, $0.0e+00  }
0x30a: {  	v2 =	vadd.f32 v2, v8;
	v8 =	vld [tilespmem:$0x1F770];
	_ =	sdelay $0x1  }
0x30b: {  	v19 =	vmax.f32 v16, $0.0e+00  }
0x30c: {  	v26 =	vmul.f32 v19, v26;
	_ =	sdelay $0x1  }
0x30d: {  	[tilespmem:$0x1FEE0] =	vst v26;
	v26 =	vmax.f32 v8, $0.0e+00;
	v8 =	vld [tilespmem:$0x1F780];
	_ =	sdelay $0x3  }
0x30e: {  	v9 =	vsub.f32 $1.000000000e+00, v57  }
0x30f: {  	v8 =	vmax.f32 v8, $0.0e+00  }
0x310: {  	[tilespmem:$0x1FF10] =	vst v8;
	v8 =	vmax.f32 v9, $0.0e+00  }
0x311: {  	v2 =	vadd.f32 v2, v8;
	v8 =	vld [tilespmem:$0x1F7A0];
	_ =	sdelay $0x3  }
0x312: {  	v23 =	vld [tilespmem:$0x1F690]  }
0x313: {  	v52 =	vmax.f32 v44, $0.0e+00;
	v44 =	vmax.f32 v8, $0.0e+00;
	v8 =	vld [tilespmem:$0x1F7B0];
	_ =	sdelay $0x3  }
0x314: {  	[tilespmem:$0x1FD30] =	vst v46;
	v46 =	vmax.f32 v42, $0.0e+00;
	v30 =	vmax.f32 v23, $0.0e+00;
	v23 =	vld [tilespmem:$0x1F6A0]  }
0x315: {  	[tilespmem:$0x1FD60] =	vst v46;
	v46 =	vmax.f32 v6, $0.0e+00;
	v6 =	vmax.f32 v31, $0.0e+00;
	v31 =	vmax.f32 v8, $0.0e+00;
	v8 =	vld [tilespmem:$0x1F7C0];
	_ =	sdelay $0x4  }
0x316: {  	v28 =	vmax.f32 v23, $0.0e+00;
	v23 =	vld [tilespmem:$0x1F6B0];
	v8 =	vmax.f32 v8, $0.0e+00  }
0x317: {  	v7 =	vmax.f32 v7, $0.0e+00;
	[tilespmem:$0x1FF50] =	vst v8;
	v8 =	vld [tilespmem:$0x1F7D0]  }
0x318: {  	v7 =	vadd.f32 v2, v7;
	v2 =	vld [tilespmem:$0x1F7E0];
	_ =	sdelay $0x3  }
0x319: {  	v24 =	vmax.f32 v23, $0.0e+00;
	v8 =	vmax.f32 v8, $0.0e+00  }
0x31a: {  	[tilespmem:$0x1FF60] =	vst v8;
	v8 =	vmax.f32 v2, $0.0e+00;
	v2 =	vmul.f32 v24, v3;
	_ =	sdelay $0x1  }
0x31b: {  	[tilespmem:$0x1FF70] =	vst v2;
	v2 =	vld [tilespmem:$0x1F7F0];
	_ =	sdelay $0x3  }
0x31c: {  	[tilespmem:$0x1FD40] =	vst v59;
	v59 =	vld [tilespmem:$0x1F710]  }
0x31d: {  	v50 =	vmax.f32 v34, $0.0e+00;
	v34 =	vmax.f32 v2, $0.0e+00;
	v2 =	vld [tilespmem:$0x1F800];
	_ =	sdelay $0x3  }
0x31e: {  	v33 =	vmax.f32 v33, $0.0e+00  }
0x31f: {  	[tilespmem:$0x1FD90] =	vst v33;
	v33 =	vmax.f32 v59, $0.0e+00;
	v59 =	vmax.f32 v2, $0.0e+00;
	v2 =	vld [tilespmem:$0x1F810];
	_ =	sdelay $0x1  }
0x320: {  	v9 =	vmul.f32 v22, v51;
	_ =	sdelay $0x1  }
0x321: {  	[tilespmem:$0x1FF20] =	vst v9;
	v9 =	vld [tilespmem:$0x1F790]  }
0x322: {  	v53 =	vmax.f32 v2, $0.0e+00;
	v2 =	vld [tilespmem:$0x1F820];
	_ =	sdelay $0x1  }
0x323: {  	v16 =	vld [tilespmem:$0x1F680];
	_ =	sdelay $0x2  }
0x324: {  	v51 =	vmax.f32 v9, $0.0e+00;
	v9 =	vmax.f32 v2, $0.0e+00;
	v2 =	vld [tilespmem:$0x1F830];
	_ =	sdelay $0x1  }
0x325: {  	v16 =	vmax.f32 v16, $0.0e+00  }
0x326: {  	v10 =	vadd.f32 v10, v37;
	v37 =	vsub.f32 $1.000000000e+00, v17;
	v18 =	vmul.f32 v16, v32;
	_ =	sdelay $0x1  }
0x327: {  	[tilespmem:$0x1FE80] =	vst v18;
	v18 =	vmax.f32 v37, $0.0e+00;
	v37 =	vmax.f32 v2, $0.0e+00;
	v2 =	vld [tilespmem:$0x1F840];
	_ =	sdelay $0x2  }
0x328: {  	[tilespmem:$0x1FBB0] =	vst v0;
	v0 =	vld [tilespmem:$0x1F5D0];
	_ =	sdelay $0x1  }
0x329: {  	v3 =	vmax.f32 v21, $0.0e+00;
	v21 =	vmax.f32 v2, $0.0e+00;
	v2 =	vld [tilespmem:$0x1F850];
	_ =	sdelay $0x2  }
0x32a: {  	v45 =	vmax.f32 v0, $0.0e+00;
	v0 =	vld [tilespmem:$0x1F5E0];
	_ =	sdelay $0x1  }
0x32b: {  	v7 =	vadd.f32 v7, v3;
	v3 =	vmul.f32 v28, v20;
	v20 =	vmax.f32 v2, $0.0e+00;
	v2 =	vld [tilespmem:$0x1F860];
	_ =	sdelay $0x1  }
0x32c: {  	v23 =	vld [tilespmem:$0x1F6C0]  }
0x32d: {  	v61 =	vmax.f32 v0, $0.0e+00;
	v0 =	vld [tilespmem:$0x1F5F0]  }
0x32e: {  	[tilespmem:$0x1FE90] =	vst v18;
	v18 =	vld [tilespmem:$0x1F740]  }
0x32f: {  	v40 =	vmax.f32 v2, $0.0e+00;
	v2 =	vld [tilespmem:$0x1F870]  }
0x330: {  	v49 =	vsub.f32 $1.000000000e+00, v15  }
0x331: {  	v15 =	vsub.f32 $1.000000000e+00, v47;
	v47 =	vmax.f32 v39, $0.0e+00;
	v39 =	vmax.f32 v23, $0.0e+00;
	v23 =	vld [tilespmem:$0x1F6D0]  }
0x332: {  	v63 =	vsub.f32 $1.000000000e+00, v63;
	v1 =	vmax.f32 v0, $0.0e+00;
	v0 =	vld [tilespmem:$0x1F600]  }
0x333: {  	v42 =	vmax.f32 v18, $0.0e+00;
	v27 =	vld [tilespmem:$0x1F760]  }
0x334: {  	v18 =	vmax.f32 v63, $0.0e+00;
	v63 =	vmax.f32 v29, $0.0e+00;
	v29 =	vmax.f32 v2, $0.0e+00;
	v2 =	vld [tilespmem:$0x1F880];
	_ =	sdelay $0x2  }
0x335: {  	v57 =	vsub.f32 $1.000000000e+00, v35;
	v35 =	vmax.f32 v23, $0.0e+00;
	v23 =	vmax.f32 v56, $0.0e+00;
	v56 =	vld [tilespmem:$0x1F6E0]  }
0x336: {  	v17 =	vmax.f32 v0, $0.0e+00;
	v0 =	vld [tilespmem:$0x1F610]  }
0x337: {  	p1 =	sne.s32 s18, $0x9C0;
	v43 =	vmax.f32 v27, $0.0e+00;
	v27 =	vmax.f32 v2, $0.0e+00;
	v2 =	vld [tilespmem:$0x1F890]  }
.Ltmp2:
0x338: {  	_ = 	snop;
	(pc) =	sbr.rel @p1 .LBB2_2-.Ltmp2, $4  }
0x339: {  	_ = 	snop  }
0x33a: {  	v10 =	vmax.f32 v10, $0.0e+00;
	v38 =	vmax.f32 v38, $0.0e+00;
	v7 =	vadd.f32 v7, v9  }
0x33b: {  	v25 =	vmul.f32 v30, v25;
	v56 =	vmax.f32 v56, $0.0e+00;
	v32 =	vmul.f32 v35, v5  }
0x33c: {  	s18 =	sadd.s32 $0x40, s18;
	v0 =	vmax.f32 v0, $0.0e+00;
	v5 =	vadd.f32 v7, v8;
	v41 =	vmax.f32 v2, $0.0e+00  }
0x33d: {  	_ = 	snop  }
0x33e: {  	v5 =	vadd.f32 v5, v44;
	_ =	sdelay $0x1  }
0x33f: {  	v5 =	vadd.f32 v5, v43  }
0x340: {  	v7 =	vmax.f32 v15, $0.0e+00  }
0x341: {  	v8 =	vmul.f32 v23, v0;
	v9 =	vmax.f32 v11, $0.0e+00;
	v5 =	vadd.f32 v5, v42  }
0x342: {  	v12 =	vmax.f32 v12, $0.0e+00;
	v14 =	vmax.f32 v14, $0.0e+00;
	v1 =	vmul.f32 v56, v1;
	v43 =	vld [tilespmem:$0x1FFC0]  }
0x343: {  	v15 =	vmul.f32 v24, v34;
	v7 =	vmul.f32 v23, v7;
	v42 =	vld [tilespmem:$0x1F8A0];
	v5 =	vadd.f32 v5, v38  }
0x344: {  	v2 =	vld [tilespmem:$0x1FFE0];
	v4 =	vmax.f32 v4, $0.0e+00;
	v9 =	vmul.f32 v23, v9;
	v44 =	vmul.f32 v10, v17  }
0x345: {  	v12 =	vmul.f32 v10, v12;
	v14 =	vmul.f32 v10, v14;
	v5 =	vadd.f32 v5, v36  }
0x346: {  	v4 =	vmul.f32 v10, v4;
	v17 =	vmax.f32 v57, $0.0e+00;
	v38 =	vmax.f32 v60, $0.0e+00  }
0x347: {  	v60 =	vld [tilespmem:$0x1FFD0];
	v7 =	vadd.f32 v7, v43;
	v0 =	vadd.f32 v5, v33;
	v5 =	vmul.f32 v23, v38  }
0x348: {  	v10 =	vmul.f32 v56, v17;
	v17 =	vld [tilespmem:$0x1FB40];
	v43 =	vmul.f32 v47, v61;
	v8 =	vadd.f32 v8, v42  }
0x349: {  	v61 =	vld [tilespmem:$0x1FB30];
	v7 =	vadd.f32 v12, v7;
	v12 =	vmul.f32 v28, v20;
	v5 =	vadd.f32 v5, v2  }
0x34a: {  	v23 =	vmax.f32 v49, $0.0e+00;
	v33 =	vmax.f32 v62, $0.0e+00;
	v8 =	vadd.f32 v44, v8;
	v44 =	vld [tilespmem:$0x1FB90]  }
0x34b: {  	v11 =	vmul.f32 v56, v23;
	v36 =	vmul.f32 v56, v33;
	v56 =	vld [tilespmem:$0x1FBB0];
	v4 =	vadd.f32 v4, v5  }
0x34c: {  	v20 =	vmul.f32 v24, v53;
	v9 =	vadd.f32 v9, v60;
	v7 =	vadd.f32 v10, v7;
	v2 =	vld [tilespmem:$0x1FB80]  }
0x34d: {  	v60 =	vmul.f32 v39, v45;
	v23 =	vmax.f32 v17, $0.0e+00;
	v4 =	vadd.f32 v36, v4;
	v36 =	vld [tilespmem:$0x1FB60]  }
0x34e: {  	v45 =	vmul.f32 v35, v41;
	v62 =	vmax.f32 v61, $0.0e+00;
	v9 =	vadd.f32 v14, v9  }
0x34f: {  	v33 =	vmul.f32 v39, v23;
	v1 =	vadd.f32 v1, v8;
	v49 =	vmax.f32 v44, $0.0e+00  }
0x350: {  	v38 =	vadd.f32 v11, v9;
	v57 =	vmax.f32 v56, $0.0e+00;
	v11 =	vmul.f32 v47, v49  }
0x351: {  	v10 =	vmul.f32 v39, v62;
	v1 =	vadd.f32 v43, v1;
	v5 =	vmul.f32 v47, v57  }
0x352: {  	v43 =	vld [tilespmem:$0x1FB10];
	v42 =	vmax.f32 v2, $0.0e+00;
	v8 =	vadd.f32 v11, v38;
	v38 =	vmax.f32 v36, $0.0e+00  }
0x353: {  	v1 =	vadd.f32 v60, v1;
	v4 =	vadd.f32 v5, v4;
	v5 =	vmul.f32 v39, v38;
	v39 =	vld [tilespmem:$0x1FAF0]  }
0x354: {  	v17 =	vmul.f32 v24, v59;
	v9 =	vmul.f32 v47, v42  }
0x355: {  	v34 =	vld [tilespmem:$0x1FF10];
	v41 =	vmul.f32 v13, v6;
	v61 =	vmul.f32 v28, v37;
	v1 =	vadd.f32 v32, v1  }
0x356: {  	v37 =	vmul.f32 v16, v18;
	v62 =	vmul.f32 v28, v21;
	v21 =	vld [tilespmem:$0x1FF70];
	v7 =	vadd.f32 v9, v7  }
0x357: {  	v53 =	vld [tilespmem:$0x1FDC0];
	v28 =	vmul.f32 v22, v31;
	v56 =	vmul.f32 v30, v40;
	v1 =	vadd.f32 v25, v1  }
0x358: {  	v31 =	vld [tilespmem:$0x1FF20];
	v44 =	vmax.f32 v43, $0.0e+00;
	v7 =	vadd.f32 v10, v7;
	v42 =	vmax.f32 v39, $0.0e+00  }
0x359: {  	v40 =	vld [tilespmem:$0x1FE80];
	v8 =	vadd.f32 v33, v8;
	v1 =	vadd.f32 v3, v1;
	v47 =	vmul.f32 v35, v42  }
0x35a: {  	v49 =	vmul.f32 v35, v44;
	v36 =	vld [tilespmem:$0x1FEE0];
	v4 =	vadd.f32 v5, v4;
	v7 =	vadd.f32 v45, v7  }
0x35b: {  	v57 =	vmul.f32 v30, v29;
	v29 =	vld [tilespmem:$0x1FF50];
	v1 =	vadd.f32 v21, v1;
	v5 =	vadd.f32 v47, v8  }
0x35c: {  	v60 =	vmul.f32 v30, v27;
	v30 =	vld [tilespmem:$0x1FF60];
	v4 =	vadd.f32 v49, v4;
	v7 =	vadd.f32 v56, v7  }
0x35d: {  	v33 =	vmul.f32 v19, v26;
	v44 =	vld [tilespmem:$0x1FE30];
	v1 =	vadd.f32 v31, v1;
	v5 =	vadd.f32 v57, v5  }
0x35e: {  	v38 =	vld [tilespmem:$0x1FEC0];
	v45 =	vmul.f32 v54, v46;
	v4 =	vadd.f32 v60, v4;
	v14 =	vadd.f32 v61, v7  }
0x35f: {  	v46 =	vld [tilespmem:$0x1FE20];
	v39 =	vmul.f32 v16, v63;
	v1 =	vadd.f32 v36, v1;
	v5 =	vadd.f32 v62, v5  }
0x360: {  	v7 =	vmul.f32 v22, v29;
	v61 =	vld [tilespmem:$0x1FD10];
	v4 =	vadd.f32 v12, v4;
	v23 =	vadd.f32 v15, v14  }
0x361: {  	v49 =	vld [tilespmem:$0x1FDD0];
	v35 =	vmul.f32 v19, v51;
	v1 =	vadd.f32 v40, v1;
	v5 =	vadd.f32 v17, v5  }
0x362: {  	v51 =	vld [tilespmem:$0x1FDB0];
	v8 =	vmul.f32 v22, v30;
	v4 =	vadd.f32 v20, v4;
	v2 =	vadd.f32 v28, v23  }
0x363: {  	v43 =	vld [tilespmem:$0x1FE90];
	v1 =	vadd.f32 v44, v1;
	v32 =	vadd.f32 v7, v5;
	v7 =	vmul.f32 v19, v34  }
0x364: {  	v63 =	vld [tilespmem:$0x1FD30];
	v42 =	vmul.f32 v13, v55;
	v4 =	vadd.f32 v8, v4;
	v2 =	vadd.f32 v33, v2  }
0x365: {  	v47 =	vld [tilespmem:$0x1FE50];
	v0 =	vadd.f32 v0, v61;
	v3 =	vadd.f32 v7, v32;
	v7 =	vmul.f32 v16, v38  }
0x366: {  	v59 =	vld [tilespmem:$0x1FD80];
	v6 =	vmul.f32 v54, v46;
	v4 =	vadd.f32 v35, v4;
	v2 =	vadd.f32 v37, v2  }
0x367: {  	v56 =	vld [tilespmem:$0x1FD60];
	v55 =	vmul.f32 v51, v50;
	v1 =	vadd.f32 v49, v1;
	v3 =	vadd.f32 v7, v3  }
0x368: {  	v57 =	vld [tilespmem:$0x1FD40];
	v4 =	vadd.f32 v39, v4;
	v2 =	vadd.f32 v41, v2;
	v7 =	vmul.f32 v13, v43  }
0x369: {  	v60 =	vld [tilespmem:$0x1FD90];
	v0 =	vadd.f32 v0, v63;
	v5 =	vmul.f32 v51, v53;
	v3 =	vadd.f32 v42, v3  }
0x36a: {  	v2 =	vadd.f32 v45, v2;
	v4 =	vadd.f32 v7, v4;
	v7 =	vmul.f32 v54, v47  }
0x36b: {  	v1 =	vadd.f32 v48, v1;
	v54 =	vmul.f32 v51, v52;
	v3 =	vadd.f32 v6, v3  }
0x36c: {  	v2 =	vadd.f32 v5, v2;
	v5 =	vmul.f32 v58, v56;
	v4 =	vadd.f32 v7, v4  }
0x36d: {  	v1 =	vadd.f32 v57, v1;
	v6 =	vmul.f32 v58, v59;
	v3 =	vadd.f32 v54, v3  }
0x36e: {  	[tilespmem:$0x196E0] =	vst v0;
	v2 =	vadd.f32 v5, v2;
	v7 =	vmul.f32 v58, v60;
	v4 =	vadd.f32 v55, v4  }
0x36f: {  	[tilespmem:$0x196A0] =	vst v1;
	v3 =	vadd.f32 v6, v3  }
0x370: {  	[tilespmem:$0x196B0] =	vst v2;
	v62 =	vadd.f32 v7, v4  }
0x371: {  	[tilespmem:$0x196C0] =	vst v3  }
0x372: {  	s2 =	simm.s32 $0x196A0;
	[tilespmem:$0x196D0] =	vst v62  }
0x373: {  	[spmem:s14] =	stream.linear.scatter [tilespmem:s2], [sflag:$0x8], $0x50, $0x38;
	[tilespmem:$0x19C40] =	vst v63  }
.Ltmp3:
0x374: {  	_ =	swait.ge [sflag:s23], $0x50;
	(pc) =	sbr.rel @p0 .LBB2_7-.Ltmp3, $4  }
0x375: {  	[sflag:s23] =	ssyncset.done $0x0  }
0x376: {  	[sflag:s23] =	ssyncadd.s32 $0xFFFFFFB0  }
0x377: {  	[bflag:$0x0] =	sbarrier.arrive $0xFFFF  }
0x378: {  	v26 =	vld [tilespmem:$0x1FFF0]  }
0x379: {  	s2 =	rddreg [dreg:$0x4];
	s18 =	simm.s32 $0x196F0  }
0x37a: {  	[tilespmem:s18], [sflag:$0x8] =	stream.linear.gather [spmem:s2], $0x500, $0x38;
	[tilespmem:$0x19C40] =	vst v63  }
0x37b: {  	_ =	swait.ge [sflag:s23], $0x500  }
0x37c: {  	[sflag:s23] =	ssyncset.done $0x0  }
0x37d: {  	s21 =	simm.s32 $0x0;
	[sflag:s23] =	ssyncadd.s32 $0xFFFFFB00  }
0x37e: {  	v8 =	vld [tilespmem:s21+$0x19730]  }
0x37f: {  	v3 =	vld [tilespmem:s21+$0x196F0]  }
0x380: {  	v0 =	vld [tilespmem:s21+$0x19700]  }
0x381: {  	v9 =	vimm.f32 $0.0e+00;
	v5 =	vimm.f32 $0.0e+00;
	v1 =	vld [tilespmem:s21+$0x19710]  }
0x382: {  	v7 =	vimm.f32 $0.0e+00;
	v6 =	vimm.f32 $0.0e+00;
	v4 =	vimm.f32 $0.0e+00;
	s2 =	simm.s32 $0x140;
	v2 =	vld [tilespmem:s21+$0x19720]  }
.LBB2_5:
0x383: {  	s18 =	sshra.s32 s2, $0x2;
	p1 =	sne.s32 s2, $0x12C0;
	s2 =	sadd.s32 $0x140, s2;
	v9 =	vadd.f32 v8, v9  }
.Ltmp4:
0x384: {  	v5 =	vadd.f32 v3, v5;
	v8 =	vld [tilespmem:s18+$0x19730];
	(pc) =	sbr.rel @p1 .LBB2_5-.Ltmp4, $4  }
0x385: {  	v7 =	vadd.f32 v0, v7;
	v3 =	vld [tilespmem:s18+$0x196F0]  }
0x386: {  	v6 =	vadd.f32 v1, v6;
	v0 =	vld [tilespmem:s18+$0x19700]  }
0x387: {  	v4 =	vadd.f32 v2, v4;
	v1 =	vld [tilespmem:s18+$0x19710]  }
0x388: {  	v2 =	vld [tilespmem:s18+$0x19720]  }
.Ltmp5:
0x389: {  	_ = 	snop;
	(pc) =	sbr.rel .LBB2_6-.Ltmp5, $1  }
0x38a: {  	_ =	sdelay $0x3  }
.LBB2_8:
0x38b: {  	_ =	sfence.sel $0x180000  }
0x38c: {  	[bflag:$0x0] =	sbarrier.arrive $0xFFFF  }
0x38d: {  	_ =	strace $0x9000004D  }
0x38e: {  	[bflag:$0x2] =	sbarrier.arrive $0xFFFF  }
0x38f: {  	s0 =	rddreg [dreg:$0x5]  }
0x390: {  	s0 =	sadd.s32 @!p0 $0x100000, s0  }
0x391: {  	[sflag:s0] =	ssyncadd.tile.s32 @!p0 $0x1;
	_ =	shalt  }
.Lfunc_end2:
_tile_overlayer_lowered:
.L_overlay_start_2:
0x392: {  	(tag) =	ssettag $0x2  }
0x393: {  	s0 =	rddreg [dreg:$0x0];
	s2 =	stileid.u32  }
0x394: {  	s1 =	rddreg [dreg:$0x1];
	p0 =	sne.s32 s2, $0x0  }
0x395: {  	s3 =	rddreg [dreg:$0x2];
	[bflag:$0x3] =	sbarrier.arrive $0xFFFF;
	s2 =	simm.s32 @!p0 $0x1C08  }
0x396: {  	[timem:s3], [sflag:s2] =	dma.local @!p0 [hbm:s0], s1  }
0x397: {  	s0 =	simm.s32 @!p0 $0x8  }
0x398: {  	_ =	swait.ge @!p0 [sflag:s0], s1  }
0x399: {  	s1 =	ssub.s32 @!p0 $0x0, s1;
	[sflag:s0] =	ssyncset.done @!p0 $0x0  }
0x39a: {  	[sflag:s0] =	ssyncadd.s32 @!p0 s1  }
0x39b: {  	[bflag:$0x3] =	sbarrier.arrive $0xFFFF  }
0x39c: {  	_ =	shalt  }

// kernel: kernel.7.cloned.1.call-start
scs
__scs_entry_jumppad:
0x0: {  	(pc) =	sbr.rel $0x88, $3  }
0x1: {  	(tag) =	ssettag $0x0;
	lr =	simm.s32 $0x1  }
0x2: {  	[smem:$0x3F9A] =	sst lr;
	_ =	strace $0xD0000000  }
0x3: {  	_ = 	snop  }
0x4: {  	_ = 	snop  }
0x5: {  	_ = 	snop  }
0x6: {  	_ = 	snop  }
0x7: {  	_ = 	snop  }
__scs_overlays_trampoline_lowered:
0x8: {  	[smem:$0x3FA9] =	sst s0  }
0x9: {  	[smem:$0x3FAA] =	sst s1  }
0xa: {  	[smem:$0x3FAB] =	sst s2  }
0xb: {  	[smem:$0x3FAC] =	sst s3  }
0xc: {  	[smem:$0x3FAD] =	sst s4  }
0xd: {  	[smem:$0x3FAE] =	sst s5  }
0xe: {  	[smem:$0x3FAF] =	sst s6  }
0xf: {  	[smem:$0x3FB0] =	sst s7  }
0x10: {  	[smem:$0x3FB1] =	sst s8  }
0x11: {  	[smem:$0x3FB2] =	sst s9;
	s0 =	simm.s32 @!p0 $0x0  }
0x12: {  	s1 =	sld [smem:$0x3F98];
	s0 =	simm.s32 @p0 $0x1  }
0x13: {  	[smem:$0x3FB3] =	sst s0;
	s0 =	simm.s32 @!p1 $0x0  }
0x14: {  	s2 =	sld [smem:$0x3F97];
	s0 =	simm.s32 @p1 $0x1  }
0x15: {  	[smem:$0x3FB4] =	sst s0;
	s0 =	simm.s32 @!p2 $0x0  }
0x16: {  	s3 =	sld [smem:$0x3FDB];
	s0 =	simm.s32 @p2 $0x1  }
0x17: {  	s4 =	simm.s32 $0x1BF5;
	[smem:$0x3FB6] =	sst s0  }
0x18: {  	s0 =	sld [smem:$0x3F99];
	_ =	swait.ge [sflag:s4], $0x0  }
0x19: {  	s7 =	sld [smem:$0x3F9A]  }
0x1a: {  	s8 =	sadd.s32 $0xFFFFE003, lr  }
0x1b: {  	s9 =	sadd.s32 $0xFFFFFEF7, lr;
	s5 =	simm.s32 $0xFFFFFFFF;
	p2 =	slt.u32 s8, $0xFFFFF086  }
0x1c: {  	p1 =	slt.u32 s9, $0xF7A;
	s5 =	simm.s32 @!p2 $0x0  }
0x1d: {  	s5 =	simm.s32 @p1 $0x1;
	p0 =	seq.s32 s7, s2  }
0x1e: {  	s7 =	smul.u32 @!p0 $0xF7A, s2;
	p2 =	seq.s32 @!p0 s5, $0x0  }
0x1f: {  	s9 =	smul.u32 $0xF7A, s1;
	s8 =	simm.s32 @!p0 $0x1BF5;
	p2 =	por !p2, p0  }
0x20: {  	[sflag:s8] =	ssyncset.s32 @!p0 $0xFFFFF086;
	s6 =	sadd.s32 @!p0 s3, s7;
	s7 =	simm.s32 @!p0 $0x108  }
0x21: {  	s3 =	sadd.s32 s3, s9;
	s6 =	sadd.s32 @!p0 $0x88, s6;
	s7 =	simm.s32 @p2 $0x1082  }
0x22: {  	[simem:s7], [sflag:s8] =	dma.local @!p0 [hbm:s6], $0xF7A  }
0x23: {  	s9 =	sor.u32 $0xD0000000, s2;
	s6 =	simm.s32 $0x108;
	_ =	swait.ge @!p0 [sflag:s8], $0x0  }
0x24: {  	s3 =	sadd.s32 $0x88, s3;
	s6 =	simm.s32 @!p1 $0x1082;
	[sflag:s4] =	ssyncset.s32 $0xFFFFF086  }
0x25: {  	[simem:s6], [sflag:s4] =	dma.local [hbm:s3], $0xF7A  }
0x26: {  	[smem:$0x3F9A] =	sst s1;
	(tag) =	ssettag s2;
	_ =	strace s9  }
0x27: {  	s1 =	sld [smem:$0x3FAA]  }
0x28: {  	s2 =	sld [smem:$0x3FAB]  }
0x29: {  	s4 =	sld [smem:$0x3FAD]  }
0x2a: {  	p0 =	seq.s32 s5, $0x0;
	s5 =	sld [smem:$0x3FAE]  }
0x2b: {  	s6 =	sld [smem:$0x3FAF]  }
0x2c: {  	s7 =	sld [smem:$0x3FB0]  }
0x2d: {  	s3 =	simm.s32 $0x108;
	s8 =	sld [smem:$0x3FB1]  }
0x2e: {  	s3 =	simm.s32 @!p0 $0x1082;
	s9 =	sld [smem:$0x3FB2]  }
0x2f: {  	lr =	sadd.s32 s0, s3;
	s0 =	sld [smem:$0x3FA9]  }
0x30: {  	s3 =	sld [smem:$0x3FAC]  }
0x31: {  	[smem:$0x3FB5] =	sst s10  }
0x32: {  	s10 =	sld [smem:$0x3FB3];
	_ =	sdelay $0x3  }
0x33: {  	p0 =	seq.s32 s10, $0x1;
	s10 =	sld [smem:$0x3FB5];
	_ =	sdelay $0x3  }
0x34: {  	[smem:$0x3FB5] =	sst s10  }
0x35: {  	s10 =	sld [smem:$0x3FB4];
	_ =	sdelay $0x3  }
0x36: {  	p1 =	seq.s32 s10, $0x1;
	s10 =	sld [smem:$0x3FB5];
	_ =	sdelay $0x3  }
0x37: {  	[smem:$0x3FB5] =	sst s10  }
0x38: {  	s10 =	sld [smem:$0x3FB6]  }
0x39: {  	_ = 	snop;
	(pc) =	sbr.ind lr, $3  }
0x3a: {  	_ = 	snop  }
0x3b: {  	_ = 	snop  }
0x3c: {  	p2 =	seq.s32 s10, $0x1;
	s10 =	sld [smem:$0x3FB5]  }
0x3d: {  	_ =	shalt  }
0x3e: {  	_ =	shalt  }
0x3f: {  	_ =	shalt  }
0x40: {  	_ =	shalt  }
0x41: {  	_ =	shalt  }
0x42: {  	_ =	shalt  }
0x43: {  	_ =	shalt  }
0x44: {  	_ =	shalt  }
0x45: {  	_ =	shalt  }
0x46: {  	_ =	shalt  }
0x47: {  	_ =	shalt  }
0x48: {  	_ =	shalt  }
0x49: {  	_ =	shalt  }
0x4a: {  	_ =	shalt  }
0x4b: {  	_ =	shalt  }
0x4c: {  	_ =	shalt  }
0x4d: {  	_ =	shalt  }
0x4e: {  	_ =	shalt  }
0x4f: {  	_ =	shalt  }
0x50: {  	_ =	shalt  }
0x51: {  	_ =	shalt  }
0x52: {  	_ =	shalt  }
0x53: {  	_ =	shalt  }
0x54: {  	_ =	shalt  }
0x55: {  	_ =	shalt  }
0x56: {  	_ =	shalt  }
0x57: {  	_ =	shalt  }
0x58: {  	_ =	shalt  }
0x59: {  	_ =	shalt  }
0x5a: {  	_ =	shalt  }
0x5b: {  	_ =	shalt  }
0x5c: {  	_ =	shalt  }
0x5d: {  	_ =	shalt  }
0x5e: {  	_ =	shalt  }
0x5f: {  	_ =	shalt  }
0x60: {  	_ =	shalt  }
0x61: {  	_ =	shalt  }
0x62: {  	_ =	shalt  }
0x63: {  	_ =	shalt  }
0x64: {  	_ =	shalt  }
0x65: {  	_ =	shalt  }
0x66: {  	_ =	shalt  }
0x67: {  	_ =	shalt  }
0x68: {  	_ =	shalt  }
0x69: {  	_ =	shalt  }
0x6a: {  	_ =	shalt  }
0x6b: {  	_ =	shalt  }
0x6c: {  	_ =	shalt  }
0x6d: {  	_ =	shalt  }
0x6e: {  	_ =	shalt  }
0x6f: {  	_ =	shalt  }
0x70: {  	_ =	shalt  }
0x71: {  	_ =	shalt  }
0x72: {  	_ =	shalt  }
0x73: {  	_ =	shalt  }
0x74: {  	_ =	shalt  }
0x75: {  	_ =	shalt  }
0x76: {  	_ =	shalt  }
0x77: {  	_ =	shalt  }
0x78: {  	_ =	shalt  }
0x79: {  	_ =	shalt  }
0x7a: {  	_ =	shalt  }
0x7b: {  	_ =	shalt  }
0x7c: {  	_ =	shalt  }
0x7d: {  	_ =	shalt  }
0x7e: {  	_ =	shalt  }
0x7f: {  	_ =	shalt  }
0x80: {  	_ =	shalt  }
0x81: {  	_ =	shalt  }
0x82: {  	_ =	shalt  }
0x83: {  	_ =	shalt  }
0x84: {  	_ =	shalt  }
0x85: {  	_ =	shalt  }
0x86: {  	_ =	shalt  }
0x87: {  	_ =	shalt  }
.Lfunc_end0:
.L_simem_size_0:
called_computation_lowered:
.L_overlay_start_0:
0x88: {  	s2 =	sld [smem:$0x3FD9]  }
0x89: {  	s3 =	sld [smem:$0x3FFE];
	_ =	sdelay $0x1  }
0x8a: {  	s1 =	srdreg.scid  }
0x8b: {  	s0 =	sand.u32 $0x1, s1  }
0x8c: {  	s16 =	sshll.u32 s0, $0xA;
	s2 =	sadd.s32 s3, s2  }
0x8d: {  	s2 =	sadd.s32 s2, s16  }
0x8e: {  	[smem:$0x3FC1] =	sst s2  }
0x8f: {  	_ = 	snop  }
0x90: {  	(tm) =	ssettm $0x1  }
0x91: {  	s17 =	sld [smem:$0x3FFB];
	_ =	sdelay $0x3  }
0x92: {  	_ =	strace s17  }
0x93: {  	s2 =	sld [smem:$0x3FFC];
	_ =	sdelay $0x3  }
0x94: {  	_ =	strace s2  }
0x95: {  	s2 =	sld [smem:$0x3FFD];
	_ =	sdelay $0x3  }
0x96: {  	_ =	strace s2  }
0x97: {  	_ =	strace $0x8FFFFFFF  }
0x98: {  	s18 =	sld [smem:$0x3FDB];
	_ =	sdelay $0x1  }
0x99: {  	s19 =	simm.s32 $_scs_section_size  }
0x9a: {  	s4 =	simm.s32 $_size__tile_overlayer_lowered;
	s5 =	simm.s32 $_tile_overlayer_lowered  }
0x9b: {  	s22 =	simm.s32 $0x1BFF;
	s21 =	sshll.u32 s5, $0x1;
	s2 =	sadd.s32 s19, s18  }
0x9c: {  	s6 =	simm.s32 $0x0;
	s20 =	sshll.u32 s4, $0x1;
	s4 =	sadd.s32 s21, s2  }
0x9d: {  	[timem:s6], [sflag:s22] =	dma.local [hbm:s4], s20  }
0x9e: {  	_ =	swait.ge [sflag:s22], s20  }
0x9f: {  	s3 =	ssub.s32 $0x0, s20;
	[sflag:s22] =	ssyncset.done $0x0  }
0xa0: {  	[sflag:s22] =	ssyncadd.s32 s3;
	_ =	sdelay $0x1  }
0xa1: {  	s23 =	simm.s32 $0x1B8B  }
0xa2: {  	_ =	swait.ge [sflag:s23], $0x1  }
0xa3: {  	[sflag:s23] =	ssyncset.done $0x0  }
0xa4: {  	s25 =	simm.s32 $0x1B8E;
	s24 =	sld [smem:$0x3FFE];
	[sflag:s23] =	ssyncadd.s32 $0xFFFFFFFF  }
0xa5: {  	s26 =	simm.s32 $execute0_lowered;
	[smem:$0x3FD2] =	sst s25  }
0xa6: {  	s4 =	sshll.u32 s26, $0x1;
	_ =	strace $0x80000046;
	[dreg:$0x1] =	wrdreg $0xFFFFFFFF  }
0xa7: {  	s28 =	simm.s32 $_size_execute0_lowered;
	s2 =	sadd.s32 s2, s4;
	[dreg:$0x0] =	wrdreg $0x0  }
0xa8: {  	s4 =	sshll.u32 s28, $0x1;
	[dreg:$0x2] =	wrdreg s2  }
0xa9: {  	[dreg:$0x3] =	wrdreg s4  }
0xaa: {  	[dreg:$0x4] =	wrdreg $0xC0  }
0xab: {  	_ =	task [dreg:s6], $0x5FFFF  }
0xac: {  	[dreg:$0x1] =	wrdreg $0xFFFFFFFF  }
0xad: {  	[dreg:$0x0] =	wrdreg $0x60  }
0xae: {  	[dreg:$0x2] =	wrdreg s24  }
0xaf: {  	[dreg:$0x3] =	wrdreg $0x0  }
0xb0: {  	[dreg:$0x4] =	wrdreg $0x9  }
0xb1: {  	_ =	task.clear_ibuf [dreg:s6], $0x5FFFF;
	_ =	strace $0x90000046  }
0xb2: {  	s29 =	simm.s32 $0x9;
	_ =	strace $0x80000048  }
0xb3: {  	_ =	swait.ge [sflag:s29], $0x1  }
0xb4: {  	[sflag:s29] =	ssyncadd.s32 $0xFFFFFFFF  }
0xb5: {  	_ =	strace $0x90000048  }
0xb6: {  	_ =	sfence  }
0xb7: {  	s30 =	sld [smem:$0x0];
	_ =	sdelay $0x2  }
0xb8: {  	s31 =	sshll.u32 s1, $0xD;
	s1 =	sshrl.u32 s1, $0x2  }
0xb9: {  	s3 =	sand.u32 $0x4000, s31;
	s1 =	sadd.s32 s1, s30  }
0xba: {  	s0 =	sor.u32 s3, s0;
	s1 =	sshll.u32 s1, $0x11  }
0xbb: {  	s0 =	sor.u32 s1, s0  }
0xbc: {  	s0 =	sadd.s32 $0x8F2B, s0  }
0xbd: {  	[sflag:s0] =	ssyncadd.remote.s32 $0x1  }
0xbe: {  	_ =	sfence.sel $0xFFFF  }
0xbf: {  	[dreg:$0x0] =	wrdreg $0xFFFFFFFF;
	(pc) =	sbr.abs _section_cstart, $3  }
0xc0: {  	[dreg:$0x1] =	wrdreg $0xFFFFFFFF  }
0xc1: {  	_ =	task.clear_ibuf [dreg:s6], $0x2FFFF;
	_ =	strace $0x9FFFFFFF  }
0xc2: {  	(tm) =	ssettm $0x7FFFFFFF  }
0xc3: {  	_ =	shalt  }
tec
execute0_lowered:
.L_overlay_start_1:
0x0: {  	(tag) =	ssettag $0x1  }
0x1: {  	s20 =	rddreg [dreg:$0x0]  }
0x2: {  	s2 =	rddreg [dreg:$0x1];
	s3 =	srdreg.scid  }
0x3: {  	s1 =	stileid.u32;
	s0 =	rddreg [dreg:$0x2]  }
0x4: {  	s8 =	simm.s32 $0x2800;
	s21 =	sand.u32 $0x1, s3;
	s4 =	sshll.u32 s1, $0x1  }
0x5: {  	s3 =	simm.s32 $0x0;
	s22 =	smul.u32 $0x2800, s1;
	s4 =	sor.u32 s21, s4  }
0x6: {  	s23 =	sshll.u32 s1, $0x6;
	[smem:$0x7FF] =	sst s3;
	s4 =	smul.u32 $0x4E2, s4  }
0x7: {  	_ =	strace $0x80000047;
	s5 =	sshrl.u32 s22, $0x3;
	s7 =	sadd.s32 s22, s2  }
0x8: {  	s30 =	sadd.s32 s5, s20;
	s5 =	sor.u32 $0x1C01, s23;
	s6 =	sadd.s32 s4, s20  }
0x9: {  	s7 =	sshrl.u32 s7, $0x3;
	s4 =	sadd.s32 $0x14A00, s30;
	s6 =	sadd.s32 $0xAC00, s6  }
0xa: {  	[spmem:s7], [sflag:s5] =	dma.local [hbm:s4], $0x500  }
0xb: {  	[tilespmem:s8], [sflag:$0x2] =	stream.linear.gather [hbm4b:s6+s3], $0x2710, $0x38;
	[tilespmem:$0xCC10] =	vst v63  }
0xc: {  	s10 =	simm.s32 $0x4F10;
	s11 =	simm.s32 $0x1;
	s9 =	sadd.s32 $0x19A00, s20  }
0xd: {  	[tilespmem:s10], [sflag:$0x3] =	stream.linear.gather [hbm4b:s9+s3], $0x7D00, $0x38;
	[tilespmem:$0xCC10] =	vst v63  }
0xe: {  	_ =	swait.ge [sflag:s11], $0x500  }
0xf: {  	[sflag:s11] =	ssyncset.done $0x0  }
0x10: {  	s12 =	simm.s32 $0x2;
	[sflag:s11] =	ssyncadd.s32 $0xFFFFFB00  }
0x11: {  	_ =	swait.ge [sflag:s12], $0x2710  }
0x12: {  	[sflag:s12] =	ssyncset.done $0x0  }
0x13: {  	s13 =	simm.s32 $0x3;
	[sflag:s12] =	ssyncadd.s32 $0xFFFFD8F0  }
0x14: {  	_ =	swait.ge [sflag:s13], $0x7D00  }
0x15: {  	[sflag:s13] =	ssyncset.done $0x0  }
0x16: {  	[sflag:s13] =	ssyncadd.s32 $0xFFFF8300  }
0x17: {  	s14 =	simm.s32 $0x7D0;
	[bflag:$0x0] =	sbarrier.arrive $0xFFFF  }
0x18: {  	[spmem:s2] =	stream.indirect.scatter.add.f32 [tilespmem:s10], [sflag:$0x4], $0x10, s8, s14, $0xb8;
	[tilespmem:$0xCC10] =	vst v63  }
0x19: {  	s15 =	simm.s32 $0x2FD0  }
0x1a: {  	[spmem:s2] =	stream.indirect.scatter.add.f32 [tilespmem:s10], [sflag:$0x4], $0x10, s15, s14, $0xb8;
	[tilespmem:$0xCC10] =	vst v63  }
0x1b: {  	s16 =	simm.s32 $0x37A0  }
0x1c: {  	[spmem:s2] =	stream.indirect.scatter.add.f32 [tilespmem:s10], [sflag:$0x4], $0x10, s16, s14, $0xb8;
	[tilespmem:$0xCC10] =	vst v63  }
0x1d: {  	s17 =	simm.s32 $0x3F70  }
0x1e: {  	[spmem:s2] =	stream.indirect.scatter.add.f32 [tilespmem:s10], [sflag:$0x4], $0x10, s17, s14, $0xb8;
	[tilespmem:$0xCC10] =	vst v63  }
0x1f: {  	s18 =	simm.s32 $0x4740;
	s19 =	simm.s32 $0x4  }
0x20: {  	[spmem:s2] =	stream.indirect.scatter.add.f32 [tilespmem:s10], [sflag:$0x4], $0x10, s18, s14, $0xb8;
	[tilespmem:$0xCC10] =	vst v63  }
0x21: {  	_ =	swait.ge [sflag:s19], $0x7D00  }
0x22: {  	[sflag:s19] =	ssyncset.done $0x0  }
0x23: {  	[sflag:s19] =	ssyncadd.s32 $0xFFFF8300  }
0x24: {  	_ =	swait.ge [sflag:s19], $0x7D00  }
0x25: {  	[sflag:s19] =	ssyncset.done $0x0  }
0x26: {  	[sflag:s19] =	ssyncadd.s32 $0xFFFF8300  }
0x27: {  	_ =	swait.ge [sflag:s19], $0x7D00  }
0x28: {  	[sflag:s19] =	ssyncset.done $0x0  }
0x29: {  	[sflag:s19] =	ssyncadd.s32 $0xFFFF8300  }
0x2a: {  	s24 =	smul.u32 $0x28000, s21;
	s21 =	ssub.s32 $0x2, s21;
	_ =	swait.ge [sflag:s19], $0x7D00  }
0x2b: {  	s31 =	sshrl.u32 s21, $0x1;
	[sflag:s19] =	ssyncset.done $0x0  }
0x2c: {  	s22 =	sadd.s32 s22, s24;
	s21 =	ssub.s32 s21, s31;
	[sflag:s19] =	ssyncadd.s32 $0xFFFF8300  }
0x2d: {  	s22 =	sshrl.u32 s22, $0x3;
	s24 =	smax.u32 s21, $0x1;
	_ =	swait.ge [sflag:s19], $0x7D00  }
0x2e: {  	s21 =	simm.s32 $0x5;
	p0 =	sne.s32 s24, $0x1;
	[sflag:s19] =	ssyncset.done $0x0  }
.Ltmp0:
0x2f: {  	s20 =	sadd.s32 s22, s20;
	[sflag:s19] =	ssyncadd.s32 $0xFFFF8300;
	(pc) =	sbr.rel @!p0 .LBB2_2-.Ltmp0, $4  }
0x30: {  	s22 =	sor.u32 $0x1C05, s23;
	s20 =	sadd.s32 $0x1AA00, s20;
	[bflag:$0x0] =	sbarrier.arrive $0xFFFF  }
0x31: {  	[hbm:s20], [sflag:s22] =	dma.local [spmem:s7], $0x500  }
0x32: {  	_ =	swait.ge [sflag:s21], $0x500  }
0x33: {  	s23 =	sadd.s32 $0xFFFFFFFF, s24;
	[sflag:s21] =	ssyncset.done $0x0  }
.LBB2_1:
0x34: {  	p0 =	sne.s32 s23, $0x1;
	s23 =	sadd.s32 $0xFFFFFFFF, s23;
	[sflag:s21] =	ssyncadd.s32 $0xFFFFFB00  }
0x35: {  	[spmem:s7], [sflag:s5] =	dma.local [hbm:s4], $0x500  }
0x36: {  	[tilespmem:s8], [sflag:$0x2] =	stream.linear.gather [hbm4b:s6+s3], $0x2710, $0x38;
	[tilespmem:$0xCC10] =	vst v63  }
0x37: {  	_ = 	snop  }
0x38: {  	[tilespmem:s10], [sflag:$0x3] =	stream.linear.gather [hbm4b:s9+s3], $0x7D00, $0x38;
	[tilespmem:$0xCC10] =	vst v63  }
0x39: {  	_ =	swait.ge [sflag:s11], $0x500  }
0x3a: {  	[sflag:s11] =	ssyncset.done $0x0  }
0x3b: {  	[sflag:s11] =	ssyncadd.s32 $0xFFFFFB00  }
0x3c: {  	_ =	swait.ge [sflag:s12], $0x2710  }
0x3d: {  	[sflag:s12] =	ssyncset.done $0x0  }
0x3e: {  	[sflag:s12] =	ssyncadd.s32 $0xFFFFD8F0  }
0x3f: {  	_ =	swait.ge [sflag:s13], $0x7D00  }
0x40: {  	[sflag:s13] =	ssyncset.done $0x0  }
0x41: {  	[sflag:s13] =	ssyncadd.s32 $0xFFFF8300  }
0x42: {  	[bflag:$0x0] =	sbarrier.arrive $0xFFFF  }
0x43: {  	[spmem:s2] =	stream.indirect.scatter.add.f32 [tilespmem:s10], [sflag:$0x4], $0x10, s8, s14, $0xb8;
	[tilespmem:$0xCC10] =	vst v63  }
0x44: {  	_ = 	snop  }
0x45: {  	[spmem:s2] =	stream.indirect.scatter.add.f32 [tilespmem:s10], [sflag:$0x4], $0x10, s15, s14, $0xb8;
	[tilespmem:$0xCC10] =	vst v63  }
0x46: {  	_ = 	snop  }
0x47: {  	[spmem:s2] =	stream.indirect.scatter.add.f32 [tilespmem:s10], [sflag:$0x4], $0x10, s16, s14, $0xb8;
	[tilespmem:$0xCC10] =	vst v63  }
0x48: {  	_ = 	snop  }
0x49: {  	[spmem:s2] =	stream.indirect.scatter.add.f32 [tilespmem:s10], [sflag:$0x4], $0x10, s17, s14, $0xb8;
	[tilespmem:$0xCC10] =	vst v63  }
0x4a: {  	_ = 	snop  }
0x4b: {  	[spmem:s2] =	stream.indirect.scatter.add.f32 [tilespmem:s10], [sflag:$0x4], $0x10, s18, s14, $0xb8;
	[tilespmem:$0xCC10] =	vst v63  }
0x4c: {  	_ =	swait.ge [sflag:s19], $0x7D00  }
0x4d: {  	[sflag:s19] =	ssyncset.done $0x0  }
0x4e: {  	[sflag:s19] =	ssyncadd.s32 $0xFFFF8300  }
0x4f: {  	_ =	swait.ge [sflag:s19], $0x7D00  }
0x50: {  	[sflag:s19] =	ssyncset.done $0x0  }
0x51: {  	[sflag:s19] =	ssyncadd.s32 $0xFFFF8300  }
0x52: {  	_ =	swait.ge [sflag:s19], $0x7D00  }
0x53: {  	[sflag:s19] =	ssyncset.done $0x0  }
0x54: {  	[sflag:s19] =	ssyncadd.s32 $0xFFFF8300  }
0x55: {  	_ =	swait.ge [sflag:s19], $0x7D00  }
0x56: {  	[sflag:s19] =	ssyncset.done $0x0  }
0x57: {  	[sflag:s19] =	ssyncadd.s32 $0xFFFF8300  }
0x58: {  	_ =	swait.ge [sflag:s19], $0x7D00  }
0x59: {  	[sflag:s19] =	ssyncset.done $0x0  }
.Ltmp1:
0x5a: {  	[sflag:s19] =	ssyncadd.s32 $0xFFFF8300;
	(pc) =	sbr.rel @p0 .LBB2_1-.Ltmp1, $4  }
0x5b: {  	[bflag:$0x0] =	sbarrier.arrive $0xFFFF  }
0x5c: {  	[hbm:s20], [sflag:s22] =	dma.local [spmem:s7], $0x500  }
0x5d: {  	_ =	swait.ge [sflag:s21], $0x500  }
0x5e: {  	[sflag:s21] =	ssyncset.done $0x0  }
.LBB2_2:
0x5f: {  	[sflag:s21] =	ssyncadd.s32 $0xFFFFFB00  }
0x60: {  	_ =	sfence.sel $0x180000  }
0x61: {  	[bflag:$0x0] =	sbarrier.arrive $0xFFFF  }
0x62: {  	p0 =	sne.s32 s1, $0x0;
	_ =	strace $0x90000047  }
0x63: {  	s0 =	sadd.s32 @!p0 $0x100000, s0;
	[bflag:$0x2] =	sbarrier.arrive $0xFFFF  }
0x64: {  	[sflag:s0] =	ssyncadd.tile.s32 @!p0 $0x1;
	_ =	shalt  }
.Lfunc_end2:
_tile_overlayer_lowered:
.L_overlay_start_2:
0x65: {  	(tag) =	ssettag $0x2  }
0x66: {  	s0 =	rddreg [dreg:$0x0];
	s2 =	stileid.u32  }
0x67: {  	s1 =	rddreg [dreg:$0x1];
	p0 =	sne.s32 s2, $0x0  }
0x68: {  	s3 =	rddreg [dreg:$0x2];
	[bflag:$0x3] =	sbarrier.arrive $0xFFFF;
	s2 =	simm.s32 @!p0 $0x1C05  }
0x69: {  	[timem:s3], [sflag:s2] =	dma.local @!p0 [hbm:s0], s1  }
0x6a: {  	s0 =	simm.s32 @!p0 $0x5  }
0x6b: {  	_ =	swait.ge @!p0 [sflag:s0], s1  }
0x6c: {  	s1 =	ssub.s32 @!p0 $0x0, s1;
	[sflag:s0] =	ssyncset.done @!p0 $0x0  }
0x6d: {  	[sflag:s0] =	ssyncadd.s32 @!p0 s1  }
0x6e: {  	[bflag:$0x3] =	sbarrier.arrive $0xFFFF  }
0x6f: {  	_ =	shalt  }

</sc_bundles>
